<compile_context>
chip_gen: v7x
topology: tpu7x:2x2x1
jax: 0.10.2.dev20260603
libtpu: 0.0.44.dev20260713+nightly
codegen_flags: <defaults>
</compile_context>

<pallas_src>
import functools

import jax
import jax.numpy as jnp
from jax import lax
from jax.experimental import pallas as pl
from jax.experimental.pallas import tpu as pltpu
from jax.experimental.pallas import tpu_sc as plsc

N = 10000
E = 320000
D_IN = 128
D_HID = 75
D_OUT = 128

NC = 2
NS = 16
NW = NC * NS
K = 128
C = -(-E // (NW * K))
E_PAD = NW * C * K
N_PAD = 10240
RPT = N_PAD // NS
DH_PAD = 80
BLK = 512

_mesh = plsc.VectorSubcoreMesh(
    core_axis_name="c", subcore_axis_name="s", num_cores=NC, num_subcores=NS
)



@functools.partial(
    pl.kernel,
    out_type=jax.ShapeDtypeStruct((NC * N_PAD,), jnp.float32),
    mesh=_mesh,
    scratch_types=[
        pltpu.VMEM((C, K), jnp.int32),
        pltpu.VMEM((K,), jnp.float32),
        pltpu.VMEM((RPT,), jnp.float32),
        pltpu.VMEM_SHARED((N_PAD,), jnp.float32),
    ],
)
def _sc_deg(dst_hbm, deg_hbm, dstv, onesv, zv, degs):
    ci = lax.axis_index("c")
    si = lax.axis_index("s")
    wid = si * NC + ci
    for i in range(K // 16):
        onesv[pl.ds(i * 16, 16)] = jnp.full((16,), 1.0, jnp.float32)
    for i in range(RPT // 16):
        zv[pl.ds(i * 16, 16)] = jnp.zeros((16,), jnp.float32)
    pltpu.sync_copy(zv, degs.at[pl.ds(si * RPT, RPT)])
    pltpu.sync_copy(dst_hbm.at[wid], dstv)
    plsc.subcore_barrier()

    def body(j, carry):
        pltpu.sync_copy(onesv, degs.at[dstv.at[j]], add=True)
        return carry

    lax.fori_loop(0, C, body, 0)
    plsc.subcore_barrier()
    pltpu.sync_copy(
        degs.at[pl.ds(si * RPT, RPT)],
        deg_hbm.at[pl.ds(ci * N_PAD + si * RPT, RPT)],
    )


def _make_sc_agg(D):
    @functools.partial(
        pl.kernel,
        out_type=jax.ShapeDtypeStruct((NC * N_PAD, D), jnp.float32),
        mesh=_mesh,
        scratch_types=[
            pltpu.VMEM((C, K), jnp.int32),
            pltpu.VMEM((1, K), jnp.int32),
            pltpu.VMEM((1, K), jnp.int32),
            pltpu.VMEM((K, D), jnp.float32),
            pltpu.VMEM((K, D), jnp.float32),
            pltpu.VMEM((16, D), jnp.float32),
            pltpu.VMEM_SHARED((N_PAD, D), jnp.float32),
            pltpu.SemaphoreType.DMA,
            pltpu.SemaphoreType.DMA,
        ],
        compiler_params=pltpu.CompilerParams(use_tc_tiling_on_sc=False),
    )
    def agg(g_hbm, src_hbm, dst_hbm, out_hbm, srcv, dstb0, dstb1, rows0,
            rows1, zv, accs, gsem, dsem):
        ci = lax.axis_index("c")
        si = lax.axis_index("s")
        wid = si * NC + ci
        for r in range(16):
            for c5 in range(D // 16):
                zv[r, pl.ds(c5 * 16, 16)] = jnp.zeros((16,), jnp.float32)
        for t in range(RPT // 16):
            pltpu.sync_copy(zv, accs.at[pl.ds(si * RPT + t * 16, 16)])
        pltpu.sync_copy(src_hbm.at[wid], srcv)
        plsc.subcore_barrier()

        pltpu.async_copy(g_hbm.at[srcv.at[0]], rows0, gsem)
        pltpu.async_copy(dst_hbm.at[wid, 0], dstb0.at[0], dsem)

        def body(i, carry):
            j = i * 2
            pltpu.make_async_copy(g_hbm.at[srcv.at[j]], rows0, gsem).wait()
            pltpu.async_copy(g_hbm.at[srcv.at[j + 1]], rows1, gsem)
            pltpu.make_async_copy(dst_hbm.at[wid, j], dstb0.at[0], dsem).wait()
            pltpu.async_copy(dst_hbm.at[wid, j + 1], dstb1.at[0], dsem)
            pltpu.sync_copy(rows0, accs.at[dstb0.at[0]], add=True)
            pltpu.make_async_copy(g_hbm.at[srcv.at[j + 1]], rows1, gsem).wait()
            pltpu.async_copy(g_hbm.at[srcv.at[j + 2]], rows0, gsem)
            pltpu.make_async_copy(dst_hbm.at[wid, j + 1], dstb1.at[0], dsem).wait()
            pltpu.async_copy(dst_hbm.at[wid, j + 2], dstb0.at[0], dsem)
            pltpu.sync_copy(rows1, accs.at[dstb1.at[0]], add=True)
            return carry

        lax.fori_loop(0, (C - 1) // 2, body, 0)
        pltpu.make_async_copy(g_hbm.at[srcv.at[C - 1]], rows0, gsem).wait()
        pltpu.make_async_copy(dst_hbm.at[wid, C - 1], dstb0.at[0], dsem).wait()
        pltpu.sync_copy(rows0, accs.at[dstb0.at[0]], add=True)
        plsc.subcore_barrier()
        base = si * RPT
        pltpu.sync_copy(
            accs.at[pl.ds(base, RPT)],
            out_hbm.at[pl.ds(ci * N_PAD + base, RPT)],
        )

    return agg


_sc_agg_hid = _make_sc_agg(DH_PAD)
_sc_agg_out = _make_sc_agg(D_OUT)



def _tc_lin1_body(x_ref, w_ref, deg_ref, g_ref):
    dg = deg_ref[:, 0] + deg_ref[:, 1] + 1.0
    dinv = lax.rsqrt(dg)[:, None]
    h = jnp.dot(x_ref[:], w_ref[:], preferred_element_type=jnp.float32)
    g_ref[:] = h * dinv


def _tc_mid_body(a0_ref, a1_ref, g1_ref, deg_ref, b1_ref, w2_ref, g2_ref):
    dg = deg_ref[:, 0] + deg_ref[:, 1] + 1.0
    dinv = lax.rsqrt(dg)[:, None]
    z = dinv * (a0_ref[:] + a1_ref[:] + g1_ref[:]) + b1_ref[:]
    r = jnp.maximum(z, 0.0)
    h2 = jnp.dot(r, w2_ref[:], preferred_element_type=jnp.float32)
    g2_ref[:] = h2 * dinv


def _tc_out_body(a0_ref, a1_ref, g2_ref, deg_ref, b2_ref, out_ref):
    dg = deg_ref[:, 0] + deg_ref[:, 1] + 1.0
    dinv = lax.rsqrt(dg)[:, None]
    z = dinv * (a0_ref[:] + a1_ref[:] + g2_ref[:]) + b2_ref[:]
    m = jnp.max(z, axis=1, keepdims=True)
    lse = m + jnp.log(jnp.sum(jnp.exp(z - m), axis=1, keepdims=True))
    out_ref[:] = z - lse


def _tc_lin1(x_pad, w1p, deg2t):
    return pl.pallas_call(
        _tc_lin1_body,
        grid=(N_PAD // BLK,),
        in_specs=[
            pl.BlockSpec((BLK, D_IN), lambda i: (i, 0)),
            pl.BlockSpec((D_IN, DH_PAD), lambda i: (0, 0)),
            pl.BlockSpec((BLK, NC), lambda i: (i, 0)),
        ],
        out_specs=pl.BlockSpec((BLK, DH_PAD), lambda i: (i, 0)),
        out_shape=jax.ShapeDtypeStruct((N_PAD, DH_PAD), jnp.float32),
    )(x_pad, w1p, deg2t)


def _tc_mid(a0, a1, g1, deg2t, b1p, w2p):
    return pl.pallas_call(
        _tc_mid_body,
        grid=(N_PAD // BLK,),
        in_specs=[
            pl.BlockSpec((BLK, DH_PAD), lambda i: (i, 0)),
            pl.BlockSpec((BLK, DH_PAD), lambda i: (i, 0)),
            pl.BlockSpec((BLK, DH_PAD), lambda i: (i, 0)),
            pl.BlockSpec((BLK, NC), lambda i: (i, 0)),
            pl.BlockSpec((1, DH_PAD), lambda i: (0, 0)),
            pl.BlockSpec((DH_PAD, D_OUT), lambda i: (0, 0)),
        ],
        out_specs=pl.BlockSpec((BLK, D_OUT), lambda i: (i, 0)),
        out_shape=jax.ShapeDtypeStruct((N_PAD, D_OUT), jnp.float32),
    )(a0, a1, g1, deg2t, b1p, w2p)


def _tc_out(a0, a1, g2, deg2t, b2r):
    return pl.pallas_call(
        _tc_out_body,
        grid=(N_PAD // BLK,),
        in_specs=[
            pl.BlockSpec((BLK, D_OUT), lambda i: (i, 0)),
            pl.BlockSpec((BLK, D_OUT), lambda i: (i, 0)),
            pl.BlockSpec((BLK, D_OUT), lambda i: (i, 0)),
            pl.BlockSpec((BLK, NC), lambda i: (i, 0)),
            pl.BlockSpec((1, D_OUT), lambda i: (0, 0)),
        ],
        out_specs=pl.BlockSpec((BLK, D_OUT), lambda i: (i, 0)),
        out_shape=jax.ShapeDtypeStruct((N_PAD, D_OUT), jnp.float32),
    )(a0, a1, g2, deg2t, b2r)



@jax.jit
def _run(x, edge_index, W1, b1, W2, b2):
    x_pad = jnp.zeros((N_PAD, D_IN), jnp.float32).at[:N].set(x)
    pad = jnp.full((E_PAD - E,), N, jnp.int32)
    src = jnp.concatenate([edge_index[0], pad]).reshape(NW, C, K)
    dst = jnp.concatenate([edge_index[1], pad]).reshape(NW, C, K)
    w1p = jnp.zeros((D_IN, DH_PAD), jnp.float32).at[:, :D_HID].set(W1)
    b1p = jnp.zeros((1, DH_PAD), jnp.float32).at[0, :D_HID].set(b1)
    w2p = jnp.zeros((DH_PAD, D_OUT), jnp.float32).at[:D_HID].set(W2)
    b2r = b2.reshape(1, D_OUT)

    degf = _sc_deg(dst)
    deg2t = degf.reshape(NC, N_PAD).T

    g1 = _tc_lin1(x_pad, w1p, deg2t)
    acc1 = _sc_agg_hid(g1, src, dst)
    g2 = _tc_mid(acc1[:N_PAD], acc1[N_PAD:], g1, deg2t, b1p, w2p)
    acc2 = _sc_agg_out(g2, src, dst)
    out = _tc_out(acc2[:N_PAD], acc2[N_PAD:], g2, deg2t, b2r)
    return out[:N]


def kernel(x, edge_index, W1, b1, W2, b2):
    return _run(x, edge_index, W1, b1, W2, b2)

# --- scband reference (transcript-rebuilt; emitter-appended) ---
"""Pipeline reference for scband-gcn-25340307046434 (READ-ONLY COPY).

The authoritative reference and input builder live on the scoring server;
editing this copy changes nothing except your own understanding.
"""

import jax, jax.numpy as jnp
import numpy as np

N = 10000
E = 320000
D_IN = 128
D_HID = 75
D_OUT = 128


def setup_inputs(seed: int = 0) -> dict:
    key = jax.random.key(seed)
    k1, k2, k3, k4, k5, k6 = jax.random.split(key, 6)
    x = jax.random.normal(k1, (N, D_IN), dtype=jnp.float32)
    edge_index = jax.random.randint(k2, (2, E), 0, N, dtype=jnp.int32)
    W1 = jax.random.normal(k3, (D_IN, D_HID), dtype=jnp.float32) * (1.0 / np.sqrt(D_IN))
    b1 = jnp.zeros((D_HID,), dtype=jnp.float32)
    W2 = jax.random.normal(k4, (D_HID, D_OUT), dtype=jnp.float32) * (1.0 / np.sqrt(D_HID))
    b2 = jnp.zeros((D_OUT,), dtype=jnp.float32)
    return {"x": x, "edge_index": edge_index, "W1": W1, "b1": b1, "W2": W2, "b2": b2}


def _gcn_conv(x, edge_index, W, b):
    # linear transform first (standard GCNConv)
    h = x @ W
    # add self loops
    loop = jnp.arange(N, dtype=edge_index.dtype)
    src = jnp.concatenate([edge_index[0], loop])
    dst = jnp.concatenate([edge_index[1], loop])
    # symmetric normalization D^{-1/2} (A+I) D^{-1/2}
    deg = jax.ops.segment_sum(jnp.ones_like(dst, dtype=h.dtype), dst, num_segments=N)
    dinv = jnp.where(deg > 0, jax.lax.rsqrt(deg), 0.0)
    norm = dinv[src] * dinv[dst]
    msgs = h[src] * norm[:, None]
    out = jax.ops.segment_sum(msgs, dst, num_segments=N)
    return out + b


def reference(x, edge_index, W1, b1, W2, b2):
    h = _gcn_conv(x, edge_index, W1, b1)
    h = jax.nn.relu(h)
    h = _gcn_conv(h, edge_index, W2, b2)
    return jax.nn.log_softmax(h, axis=1)

if __name__ == "__main__":
    import jax
    _d = setup_inputs()
    print(jax.jit(kernel)(*tuple(_d.values())))

</pallas_src>

<mosaic_0001>
#map = affine_map<(d0, d1) -> (0, 0, 0)>
#map1 = affine_map<(d0, d1) -> (0)>
module attributes {stable_mosaic.version = 14 : i64} {
  func.func @_sc_deg(%arg0: i32, %arg1: i32, %arg2: memref<32x79x128xi32, #tpu.memory_space<hbm>>, %arg3: memref<20480xf32, #tpu.memory_space<hbm>>, %arg4: memref<79x128xi32, #tpu.memory_space<vmem>>, %arg5: memref<128xf32, #tpu.memory_space<vmem>>, %arg6: memref<640xf32, #tpu.memory_space<vmem>>, %arg7: memref<10240xf32, #tpu.memory_space<vmem_shared>>) attributes {dimension_semantics = [#tpu.dimension_semantics<core_parallel>, #tpu.dimension_semantics<subcore_parallel>], iteration_bounds = array<i64: 2, 16>, scalar_prefetch = 0 : i64, scratch_operands = 4 : i64, tpu.core_type = #tpu.core_type<sc_vector_subcore>, window_params = [{transform_indices = #map}, {transform_indices = #map1}]} {
    %mul3A = arith.constant 2 : i32
    %mul3A_0 = arith.muli %arg1, %mul3A : i32
    %add3A = arith.addi %mul3A_0, %arg0 : i32
    %broadcast_in_dim3A = arith.constant 1.000000e+00 : f32
    %broadcast_in_dim3A_1 = vector.broadcast %broadcast_in_dim3A : f32 to vector<16xf32>
    %swap3A = arith.constant 0 : index
    %swap3A_2 = tpu.vector_load %arg5[%swap3A] {strides = array<i32>} : memref<128xf32, #tpu.memory_space<vmem>>, vector<16xf32>,
    %swap3A_3 = vector.shape_cast %swap3A_2 : vector<16xf32> to vector<16xf32>
    %swap3A_4 = vector.shape_cast %broadcast_in_dim3A_1 : vector<16xf32> to vector<16xf32>
    tpu.vector_store %arg5[%swap3A], %swap3A_4 {strides = array<i32>} : memref<128xf32, #tpu.memory_space<vmem>>, vector<16xf32>,
    %broadcast_in_dim3A_5 = arith.constant 1.000000e+00 : f32
    %broadcast_in_dim3A_6 = vector.broadcast %broadcast_in_dim3A_5 : f32 to vector<16xf32>
    %swap3A_7 = arith.constant 16 : index
    %swap3A_8 = tpu.vector_load %arg5[%swap3A_7] {strides = array<i32>} : memref<128xf32, #tpu.memory_space<vmem>>, vector<16xf32>,
    %swap3A_9 = vector.shape_cast %swap3A_8 : vector<16xf32> to vector<16xf32>
    %swap3A_10 = vector.shape_cast %broadcast_in_dim3A_6 : vector<16xf32> to vector<16xf32>
    tpu.vector_store %arg5[%swap3A_7], %swap3A_10 {strides = array<i32>} : memref<128xf32, #tpu.memory_space<vmem>>, vector<16xf32>,
    %broadcast_in_dim3A_11 = arith.constant 1.000000e+00 : f32
    %broadcast_in_dim3A_12 = vector.broadcast %broadcast_in_dim3A_11 : f32 to vector<16xf32>
    %swap3A_13 = arith.constant 32 : index
    %swap3A_14 = tpu.vector_load %arg5[%swap3A_13] {strides = array<i32>} : memref<128xf32, #tpu.memory_space<vmem>>, vector<16xf32>,
    %swap3A_15 = vector.shape_cast %swap3A_14 : vector<16xf32> to vector<16xf32>
    %swap3A_16 = vector.shape_cast %broadcast_in_dim3A_12 : vector<16xf32> to vector<16xf32>
    tpu.vector_store %arg5[%swap3A_13], %swap3A_16 {strides = array<i32>} : memref<128xf32, #tpu.memory_space<vmem>>, vector<16xf32>,
    %broadcast_in_dim3A_17 = arith.constant 1.000000e+00 : f32
    %broadcast_in_dim3A_18 = vector.broadcast %broadcast_in_dim3A_17 : f32 to vector<16xf32>
    %swap3A_19 = arith.constant 48 : index
    %swap3A_20 = tpu.vector_load %arg5[%swap3A_19] {strides = array<i32>} : memref<128xf32, #tpu.memory_space<vmem>>, vector<16xf32>,
    %swap3A_21 = vector.shape_cast %swap3A_20 : vector<16xf32> to vector<16xf32>
    %swap3A_22 = vector.shape_cast %broadcast_in_dim3A_18 : vector<16xf32> to vector<16xf32>
    tpu.vector_store %arg5[%swap3A_19], %swap3A_22 {strides = array<i32>} : memref<128xf32, #tpu.memory_space<vmem>>, vector<16xf32>,
    %broadcast_in_dim3A_23 = arith.constant 1.000000e+00 : f32
    %broadcast_in_dim3A_24 = vector.broadcast %broadcast_in_dim3A_23 : f32 to vector<16xf32>
    %swap3A_25 = arith.constant 64 : index
    %swap3A_26 = tpu.vector_load %arg5[%swap3A_25] {strides = array<i32>} : memref<128xf32, #tpu.memory_space<vmem>>, vector<16xf32>,
    %swap3A_27 = vector.shape_cast %swap3A_26 : vector<16xf32> to vector<16xf32>
    %swap3A_28 = vector.shape_cast %broadcast_in_dim3A_24 : vector<16xf32> to vector<16xf32>
    tpu.vector_store %arg5[%swap3A_25], %swap3A_28 {strides = array<i32>} : memref<128xf32, #tpu.memory_space<vmem>>, vector<16xf32>,
    %broadcast_in_dim3A_29 = arith.constant 1.000000e+00 : f32
    %broadcast_in_dim3A_30 = vector.broadcast %broadcast_in_dim3A_29 : f32 to vector<16xf32>
    %swap3A_31 = arith.constant 80 : index
    %swap3A_32 = tpu.vector_load %arg5[%swap3A_31] {strides = array<i32>} : memref<128xf32, #tpu.memory_space<vmem>>, vector<16xf32>,
    %swap3A_33 = vector.shape_cast %swap3A_32 : vector<16xf32> to vector<16xf32>
    %swap3A_34 = vector.shape_cast %broadcast_in_dim3A_30 : vector<16xf32> to vector<16xf32>
    tpu.vector_store %arg5[%swap3A_31], %swap3A_34 {strides = array<i32>} : memref<128xf32, #tpu.memory_space<vmem>>, vector<16xf32>,
    %broadcast_in_dim3A_35 = arith.constant 1.000000e+00 : f32
    %broadcast_in_dim3A_36 = vector.broadcast %broadcast_in_dim3A_35 : f32 to vector<16xf32>
    %swap3A_37 = arith.constant 96 : index
    %swap3A_38 = tpu.vector_load %arg5[%swap3A_37] {strides = array<i32>} : memref<128xf32, #tpu.memory_space<vmem>>, vector<16xf32>,
    %swap3A_39 = vector.shape_cast %swap3A_38 : vector<16xf32> to vector<16xf32>
    %swap3A_40 = vector.shape_cast %broadcast_in_dim3A_36 : vector<16xf32> to vector<16xf32>
    tpu.vector_store %arg5[%swap3A_37], %swap3A_40 {strides = array<i32>} : memref<128xf32, #tpu.memory_space<vmem>>, vector<16xf32>,
    %broadcast_in_dim3A_41 = arith.constant 1.000000e+00 : f32
    %broadcast_in_dim3A_42 = vector.broadcast %broadcast_in_dim3A_41 : f32 to vector<16xf32>
    %swap3A_43 = arith.constant 112 : index
    %swap3A_44 = tpu.vector_load %arg5[%swap3A_43] {strides = array<i32>} : memref<128xf32, #tpu.memory_space<vmem>>, vector<16xf32>,
    %swap3A_45 = vector.shape_cast %swap3A_44 : vector<16xf32> to vector<16xf32>
    %swap3A_46 = vector.shape_cast %broadcast_in_dim3A_42 : vector<16xf32> to vector<16xf32>
    tpu.vector_store %arg5[%swap3A_43], %swap3A_46 {strides = array<i32>} : memref<128xf32, #tpu.memory_space<vmem>>, vector<16xf32>,
    %broadcast_in_dim3A_47 = arith.constant 0.000000e+00 : f32
    %broadcast_in_dim3A_48 = vector.broadcast %broadcast_in_dim3A_47 : f32 to vector<16xf32>
    %swap3A_49 = arith.constant 0 : index
    %swap3A_50 = tpu.vector_load %arg6[%swap3A_49] {strides = array<i32>} : memref<640xf32, #tpu.memory_space<vmem>>, vector<16xf32>,
    %swap3A_51 = vector.shape_cast %swap3A_50 : vector<16xf32> to vector<16xf32>
    %swap3A_52 = vector.shape_cast %broadcast_in_dim3A_48 : vector<16xf32> to vector<16xf32>
    tpu.vector_store %arg6[%swap3A_49], %swap3A_52 {strides = array<i32>} : memref<640xf32, #tpu.memory_space<vmem>>, vector<16xf32>,
    %broadcast_in_dim3A_53 = arith.constant 0.000000e+00 : f32
    %broadcast_in_dim3A_54 = vector.broadcast %broadcast_in_dim3A_53 : f32 to vector<16xf32>
    %swap3A_55 = arith.constant 16 : index
    %swap3A_56 = tpu.vector_load %arg6[%swap3A_55] {strides = array<i32>} : memref<640xf32, #tpu.memory_space<vmem>>, vector<16xf32>,
    %swap3A_57 = vector.shape_cast %swap3A_56 : vector<16xf32> to vector<16xf32>
    %swap3A_58 = vector.shape_cast %broadcast_in_dim3A_54 : vector<16xf32> to vector<16xf32>
    tpu.vector_store %arg6[%swap3A_55], %swap3A_58 {strides = array<i32>} : memref<640xf32, #tpu.memory_space<vmem>>, vector<16xf32>,
    %broadcast_in_dim3A_59 = arith.constant 0.000000e+00 : f32
    %broadcast_in_dim3A_60 = vector.broadcast %broadcast_in_dim3A_59 : f32 to vector<16xf32>
    %swap3A_61 = arith.constant 32 : index
    %swap3A_62 = tpu.vector_load %arg6[%swap3A_61] {strides = array<i32>} : memref<640xf32, #tpu.memory_space<vmem>>, vector<16xf32>,
    %swap3A_63 = vector.shape_cast %swap3A_62 : vector<16xf32> to vector<16xf32>
    %swap3A_64 = vector.shape_cast %broadcast_in_dim3A_60 : vector<16xf32> to vector<16xf32>
    tpu.vector_store %arg6[%swap3A_61], %swap3A_64 {strides = array<i32>} : memref<640xf32, #tpu.memory_space<vmem>>, vector<16xf32>,
    %broadcast_in_dim3A_65 = arith.constant 0.000000e+00 : f32
    %broadcast_in_dim3A_66 = vector.broadcast %broadcast_in_dim3A_65 : f32 to vector<16xf32>
    %swap3A_67 = arith.constant 48 : index
    %swap3A_68 = tpu.vector_load %arg6[%swap3A_67] {strides = array<i32>} : memref<640xf32, #tpu.memory_space<vmem>>, vector<16xf32>,
    %swap3A_69 = vector.shape_cast %swap3A_68 : vector<16xf32> to vector<16xf32>
    %swap3A_70 = vector.shape_cast %broadcast_in_dim3A_66 : vector<16xf32> to vector<16xf32>
    tpu.vector_store %arg6[%swap3A_67], %swap3A_70 {strides = array<i32>} : memref<640xf32, #tpu.memory_space<vmem>>, vector<16xf32>,
    %broadcast_in_dim3A_71 = arith.constant 0.000000e+00 : f32
    %broadcast_in_dim3A_72 = vector.broadcast %broadcast_in_dim3A_71 : f32 to vector<16xf32>
    %swap3A_73 = arith.constant 64 : index
    %swap3A_74 = tpu.vector_load %arg6[%swap3A_73] {strides = array<i32>} : memref<640xf32, #tpu.memory_space<vmem>>, vector<16xf32>,
    %swap3A_75 = vector.shape_cast %swap3A_74 : vector<16xf32> to vector<16xf32>
    %swap3A_76 = vector.shape_cast %broadcast_in_dim3A_72 : vector<16xf32> to vector<16xf32>
    tpu.vector_store %arg6[%swap3A_73], %swap3A_76 {strides = array<i32>} : memref<640xf32, #tpu.memory_space<vmem>>, vector<16xf32>,
    %broadcast_in_dim3A_77 = arith.constant 0.000000e+00 : f32
    %broadcast_in_dim3A_78 = vector.broadcast %broadcast_in_dim3A_77 : f32 to vector<16xf32>
    %swap3A_79 = arith.constant 80 : index
    %swap3A_80 = tpu.vector_load %arg6[%swap3A_79] {strides = array<i32>} : memref<640xf32, #tpu.memory_space<vmem>>, vector<16xf32>,
    %swap3A_81 = vector.shape_cast %swap3A_80 : vector<16xf32> to vector<16xf32>
    %swap3A_82 = vector.shape_cast %broadcast_in_dim3A_78 : vector<16xf32> to vector<16xf32>
    tpu.vector_store %arg6[%swap3A_79], %swap3A_82 {strides = array<i32>} : memref<640xf32, #tpu.memory_space<vmem>>, vector<16xf32>,
    %broadcast_in_dim3A_83 = arith.constant 0.000000e+00 : f32
    %broadcast_in_dim3A_84 = vector.broadcast %broadcast_in_dim3A_83 : f32 to vector<16xf32>
    %swap3A_85 = arith.constant 96 : index
    %swap3A_86 = tpu.vector_load %arg6[%swap3A_85] {strides = array<i32>} : memref<640xf32, #tpu.memory_space<vmem>>, vector<16xf32>,
    %swap3A_87 = vector.shape_cast %swap3A_86 : vector<16xf32> to vector<16xf32>
    %swap3A_88 = vector.shape_cast %broadcast_in_dim3A_84 : vector<16xf32> to vector<16xf32>
    tpu.vector_store %arg6[%swap3A_85], %swap3A_88 {strides = array<i32>} : memref<640xf32, #tpu.memory_space<vmem>>, vector<16xf32>,
    %broadcast_in_dim3A_89 = arith.constant 0.000000e+00 : f32
    %broadcast_in_dim3A_90 = vector.broadcast %broadcast_in_dim3A_89 : f32 to vector<16xf32>
    %swap3A_91 = arith.constant 112 : index
    %swap3A_92 = tpu.vector_load %arg6[%swap3A_91] {strides = array<i32>} : memref<640xf32, #tpu.memory_space<vmem>>, vector<16xf32>,
    %swap3A_93 = vector.shape_cast %swap3A_92 : vector<16xf32> to vector<16xf32>
    %swap3A_94 = vector.shape_cast %broadcast_in_dim3A_90 : vector<16xf32> to vector<16xf32>
    tpu.vector_store %arg6[%swap3A_91], %swap3A_94 {strides = array<i32>} : memref<640xf32, #tpu.memory_space<vmem>>, vector<16xf32>,
    %broadcast_in_dim3A_95 = arith.constant 0.000000e+00 : f32
    %broadcast_in_dim3A_96 = vector.broadcast %broadcast_in_dim3A_95 : f32 to vector<16xf32>
    %swap3A_97 = arith.constant 128 : index
    %swap3A_98 = tpu.vector_load %arg6[%swap3A_97] {strides = array<i32>} : memref<640xf32, #tpu.memory_space<vmem>>, vector<16xf32>,
    %swap3A_99 = vector.shape_cast %swap3A_98 : vector<16xf32> to vector<16xf32>
    %swap3A_100 = vector.shape_cast %broadcast_in_dim3A_96 : vector<16xf32> to vector<16xf32>
    tpu.vector_store %arg6[%swap3A_97], %swap3A_100 {strides = array<i32>} : memref<640xf32, #tpu.memory_space<vmem>>, vector<16xf32>,
    %broadcast_in_dim3A_101 = arith.constant 0.000000e+00 : f32
    %broadcast_in_dim3A_102 = vector.broadcast %broadcast_in_dim3A_101 : f32 to vector<16xf32>
    %swap3A_103 = arith.constant 144 : index
    %swap3A_104 = tpu.vector_load %arg6[%swap3A_103] {strides = array<i32>} : memref<640xf32, #tpu.memory_space<vmem>>, vector<16xf32>,
    %swap3A_105 = vector.shape_cast %swap3A_104 : vector<16xf32> to vector<16xf32>
    %swap3A_106 = vector.shape_cast %broadcast_in_dim3A_102 : vector<16xf32> to vector<16xf32>
    tpu.vector_store %arg6[%swap3A_103], %swap3A_106 {strides = array<i32>} : memref<640xf32, #tpu.memory_space<vmem>>, vector<16xf32>,
    %broadcast_in_dim3A_107 = arith.constant 0.000000e+00 : f32
    %broadcast_in_dim3A_108 = vector.broadcast %broadcast_in_dim3A_107 : f32 to vector<16xf32>
    %swap3A_109 = arith.constant 160 : index
    %swap3A_110 = tpu.vector_load %arg6[%swap3A_109] {strides = array<i32>} : memref<640xf32, #tpu.memory_space<vmem>>, vector<16xf32>,
    %swap3A_111 = vector.shape_cast %swap3A_110 : vector<16xf32> to vector<16xf32>
    %swap3A_112 = vector.shape_cast %broadcast_in_dim3A_108 : vector<16xf32> to vector<16xf32>
    tpu.vector_store %arg6[%swap3A_109], %swap3A_112 {strides = array<i32>} : memref<640xf32, #tpu.memory_space<vmem>>, vector<16xf32>,
    %broadcast_in_dim3A_113 = arith.constant 0.000000e+00 : f32
    %broadcast_in_dim3A_114 = vector.broadcast %broadcast_in_dim3A_113 : f32 to vector<16xf32>
    %swap3A_115 = arith.constant 176 : index
    %swap3A_116 = tpu.vector_load %arg6[%swap3A_115] {strides = array<i32>} : memref<640xf32, #tpu.memory_space<vmem>>, vector<16xf32>,
    %swap3A_117 = vector.shape_cast %swap3A_116 : vector<16xf32> to vector<16xf32>
    %swap3A_118 = vector.shape_cast %broadcast_in_dim3A_114 : vector<16xf32> to vector<16xf32>
    tpu.vector_store %arg6[%swap3A_115], %swap3A_118 {strides = array<i32>} : memref<640xf32, #tpu.memory_space<vmem>>, vector<16xf32>,
    %broadcast_in_dim3A_119 = arith.constant 0.000000e+00 : f32
    %broadcast_in_dim3A_120 = vector.broadcast %broadcast_in_dim3A_119 : f32 to vector<16xf32>
    %swap3A_121 = arith.constant 192 : index
    %swap3A_122 = tpu.vector_load %arg6[%swap3A_121] {strides = array<i32>} : memref<640xf32, #tpu.memory_space<vmem>>, vector<16xf32>,
    %swap3A_123 = vector.shape_cast %swap3A_122 : vector<16xf32> to vector<16xf32>
    %swap3A_124 = vector.shape_cast %broadcast_in_dim3A_120 : vector<16xf32> to vector<16xf32>
    tpu.vector_store %arg6[%swap3A_121], %swap3A_124 {strides = array<i32>} : memref<640xf32, #tpu.memory_space<vmem>>, vector<16xf32>,
    %broadcast_in_dim3A_125 = arith.constant 0.000000e+00 : f32
    %broadcast_in_dim3A_126 = vector.broadcast %broadcast_in_dim3A_125 : f32 to vector<16xf32>
    %swap3A_127 = arith.constant 208 : index
    %swap3A_128 = tpu.vector_load %arg6[%swap3A_127] {strides = array<i32>} : memref<640xf32, #tpu.memory_space<vmem>>, vector<16xf32>,
    %swap3A_129 = vector.shape_cast %swap3A_128 : vector<16xf32> to vector<16xf32>
    %swap3A_130 = vector.shape_cast %broadcast_in_dim3A_126 : vector<16xf32> to vector<16xf32>
    tpu.vector_store %arg6[%swap3A_127], %swap3A_130 {strides = array<i32>} : memref<640xf32, #tpu.memory_space<vmem>>, vector<16xf32>,
    %broadcast_in_dim3A_131 = arith.constant 0.000000e+00 : f32
    %broadcast_in_dim3A_132 = vector.broadcast %broadcast_in_dim3A_131 : f32 to vector<16xf32>
    %swap3A_133 = arith.constant 224 : index
    %swap3A_134 = tpu.vector_load %arg6[%swap3A_133] {strides = array<i32>} : memref<640xf32, #tpu.memory_space<vmem>>, vector<16xf32>,
    %swap3A_135 = vector.shape_cast %swap3A_134 : vector<16xf32> to vector<16xf32>
    %swap3A_136 = vector.shape_cast %broadcast_in_dim3A_132 : vector<16xf32> to vector<16xf32>
    tpu.vector_store %arg6[%swap3A_133], %swap3A_136 {strides = array<i32>} : memref<640xf32, #tpu.memory_space<vmem>>, vector<16xf32>,
    %broadcast_in_dim3A_137 = arith.constant 0.000000e+00 : f32
    %broadcast_in_dim3A_138 = vector.broadcast %broadcast_in_dim3A_137 : f32 to vector<16xf32>
    %swap3A_139 = arith.constant 240 : index
    %swap3A_140 = tpu.vector_load %arg6[%swap3A_139] {strides = array<i32>} : memref<640xf32, #tpu.memory_space<vmem>>, vector<16xf32>,
    %swap3A_141 = vector.shape_cast %swap3A_140 : vector<16xf32> to vector<16xf32>
    %swap3A_142 = vector.shape_cast %broadcast_in_dim3A_138 : vector<16xf32> to vector<16xf32>
    tpu.vector_store %arg6[%swap3A_139], %swap3A_142 {strides = array<i32>} : memref<640xf32, #tpu.memory_space<vmem>>, vector<16xf32>,
    %broadcast_in_dim3A_143 = arith.constant 0.000000e+00 : f32
    %broadcast_in_dim3A_144 = vector.broadcast %broadcast_in_dim3A_143 : f32 to vector<16xf32>
    %swap3A_145 = arith.constant 256 : index
    %swap3A_146 = tpu.vector_load %arg6[%swap3A_145] {strides = array<i32>} : memref<640xf32, #tpu.memory_space<vmem>>, vector<16xf32>,
    %swap3A_147 = vector.shape_cast %swap3A_146 : vector<16xf32> to vector<16xf32>
    %swap3A_148 = vector.shape_cast %broadcast_in_dim3A_144 : vector<16xf32> to vector<16xf32>
    tpu.vector_store %arg6[%swap3A_145], %swap3A_148 {strides = array<i32>} : memref<640xf32, #tpu.memory_space<vmem>>, vector<16xf32>,
    %broadcast_in_dim3A_149 = arith.constant 0.000000e+00 : f32
    %broadcast_in_dim3A_150 = vector.broadcast %broadcast_in_dim3A_149 : f32 to vector<16xf32>
    %swap3A_151 = arith.constant 272 : index
    %swap3A_152 = tpu.vector_load %arg6[%swap3A_151] {strides = array<i32>} : memref<640xf32, #tpu.memory_space<vmem>>, vector<16xf32>,
    %swap3A_153 = vector.shape_cast %swap3A_152 : vector<16xf32> to vector<16xf32>
    %swap3A_154 = vector.shape_cast %broadcast_in_dim3A_150 : vector<16xf32> to vector<16xf32>
    tpu.vector_store %arg6[%swap3A_151], %swap3A_154 {strides = array<i32>} : memref<640xf32, #tpu.memory_space<vmem>>, vector<16xf32>,
    %broadcast_in_dim3A_155 = arith.constant 0.000000e+00 : f32
    %broadcast_in_dim3A_156 = vector.broadcast %broadcast_in_dim3A_155 : f32 to vector<16xf32>
    %swap3A_157 = arith.constant 288 : index
    %swap3A_158 = tpu.vector_load %arg6[%swap3A_157] {strides = array<i32>} : memref<640xf32, #tpu.memory_space<vmem>>, vector<16xf32>,
    %swap3A_159 = vector.shape_cast %swap3A_158 : vector<16xf32> to vector<16xf32>
    %swap3A_160 = vector.shape_cast %broadcast_in_dim3A_156 : vector<16xf32> to vector<16xf32>
    tpu.vector_store %arg6[%swap3A_157], %swap3A_160 {strides = array<i32>} : memref<640xf32, #tpu.memory_space<vmem>>, vector<16xf32>,
    %broadcast_in_dim3A_161 = arith.constant 0.000000e+00 : f32
    %broadcast_in_dim3A_162 = vector.broadcast %broadcast_in_dim3A_161 : f32 to vector<16xf32>
    %swap3A_163 = arith.constant 304 : index
    %swap3A_164 = tpu.vector_load %arg6[%swap3A_163] {strides = array<i32>} : memref<640xf32, #tpu.memory_space<vmem>>, vector<16xf32>,
    %swap3A_165 = vector.shape_cast %swap3A_164 : vector<16xf32> to vector<16xf32>
    %swap3A_166 = vector.shape_cast %broadcast_in_dim3A_162 : vector<16xf32> to vector<16xf32>
    tpu.vector_store %arg6[%swap3A_163], %swap3A_166 {strides = array<i32>} : memref<640xf32, #tpu.memory_space<vmem>>, vector<16xf32>,
    %broadcast_in_dim3A_167 = arith.constant 0.000000e+00 : f32
    %broadcast_in_dim3A_168 = vector.broadcast %broadcast_in_dim3A_167 : f32 to vector<16xf32>
    %swap3A_169 = arith.constant 320 : index
    %swap3A_170 = tpu.vector_load %arg6[%swap3A_169] {strides = array<i32>} : memref<640xf32, #tpu.memory_space<vmem>>, vector<16xf32>,
    %swap3A_171 = vector.shape_cast %swap3A_170 : vector<16xf32> to vector<16xf32>
    %swap3A_172 = vector.shape_cast %broadcast_in_dim3A_168 : vector<16xf32> to vector<16xf32>
    tpu.vector_store %arg6[%swap3A_169], %swap3A_172 {strides = array<i32>} : memref<640xf32, #tpu.memory_space<vmem>>, vector<16xf32>,
    %broadcast_in_dim3A_173 = arith.constant 0.000000e+00 : f32
    %broadcast_in_dim3A_174 = vector.broadcast %broadcast_in_dim3A_173 : f32 to vector<16xf32>
    %swap3A_175 = arith.constant 336 : index
    %swap3A_176 = tpu.vector_load %arg6[%swap3A_175] {strides = array<i32>} : memref<640xf32, #tpu.memory_space<vmem>>, vector<16xf32>,
    %swap3A_177 = vector.shape_cast %swap3A_176 : vector<16xf32> to vector<16xf32>
    %swap3A_178 = vector.shape_cast %broadcast_in_dim3A_174 : vector<16xf32> to vector<16xf32>
    tpu.vector_store %arg6[%swap3A_175], %swap3A_178 {strides = array<i32>} : memref<640xf32, #tpu.memory_space<vmem>>, vector<16xf32>,
    %broadcast_in_dim3A_179 = arith.constant 0.000000e+00 : f32
    %broadcast_in_dim3A_180 = vector.broadcast %broadcast_in_dim3A_179 : f32 to vector<16xf32>
    %swap3A_181 = arith.constant 352 : index
    %swap3A_182 = tpu.vector_load %arg6[%swap3A_181] {strides = array<i32>} : memref<640xf32, #tpu.memory_space<vmem>>, vector<16xf32>,
    %swap3A_183 = vector.shape_cast %swap3A_182 : vector<16xf32> to vector<16xf32>
    %swap3A_184 = vector.shape_cast %broadcast_in_dim3A_180 : vector<16xf32> to vector<16xf32>
    tpu.vector_store %arg6[%swap3A_181], %swap3A_184 {strides = array<i32>} : memref<640xf32, #tpu.memory_space<vmem>>, vector<16xf32>,
    %broadcast_in_dim3A_185 = arith.constant 0.000000e+00 : f32
    %broadcast_in_dim3A_186 = vector.broadcast %broadcast_in_dim3A_185 : f32 to vector<16xf32>
    %swap3A_187 = arith.constant 368 : index
    %swap3A_188 = tpu.vector_load %arg6[%swap3A_187] {strides = array<i32>} : memref<640xf32, #tpu.memory_space<vmem>>, vector<16xf32>,
    %swap3A_189 = vector.shape_cast %swap3A_188 : vector<16xf32> to vector<16xf32>
    %swap3A_190 = vector.shape_cast %broadcast_in_dim3A_186 : vector<16xf32> to vector<16xf32>
    tpu.vector_store %arg6[%swap3A_187], %swap3A_190 {strides = array<i32>} : memref<640xf32, #tpu.memory_space<vmem>>, vector<16xf32>,
    %broadcast_in_dim3A_191 = arith.constant 0.000000e+00 : f32
    %broadcast_in_dim3A_192 = vector.broadcast %broadcast_in_dim3A_191 : f32 to vector<16xf32>
    %swap3A_193 = arith.constant 384 : index
    %swap3A_194 = tpu.vector_load %arg6[%swap3A_193] {strides = array<i32>} : memref<640xf32, #tpu.memory_space<vmem>>, vector<16xf32>,
    %swap3A_195 = vector.shape_cast %swap3A_194 : vector<16xf32> to vector<16xf32>
    %swap3A_196 = vector.shape_cast %broadcast_in_dim3A_192 : vector<16xf32> to vector<16xf32>
    tpu.vector_store %arg6[%swap3A_193], %swap3A_196 {strides = array<i32>} : memref<640xf32, #tpu.memory_space<vmem>>, vector<16xf32>,
    %broadcast_in_dim3A_197 = arith.constant 0.000000e+00 : f32
    %broadcast_in_dim3A_198 = vector.broadcast %broadcast_in_dim3A_197 : f32 to vector<16xf32>
    %swap3A_199 = arith.constant 400 : index
    %swap3A_200 = tpu.vector_load %arg6[%swap3A_199] {strides = array<i32>} : memref<640xf32, #tpu.memory_space<vmem>>, vector<16xf32>,
    %swap3A_201 = vector.shape_cast %swap3A_200 : vector<16xf32> to vector<16xf32>
    %swap3A_202 = vector.shape_cast %broadcast_in_dim3A_198 : vector<16xf32> to vector<16xf32>
    tpu.vector_store %arg6[%swap3A_199], %swap3A_202 {strides = array<i32>} : memref<640xf32, #tpu.memory_space<vmem>>, vector<16xf32>,
    %broadcast_in_dim3A_203 = arith.constant 0.000000e+00 : f32
    %broadcast_in_dim3A_204 = vector.broadcast %broadcast_in_dim3A_203 : f32 to vector<16xf32>
    %swap3A_205 = arith.constant 416 : index
    %swap3A_206 = tpu.vector_load %arg6[%swap3A_205] {strides = array<i32>} : memref<640xf32, #tpu.memory_space<vmem>>, vector<16xf32>,
    %swap3A_207 = vector.shape_cast %swap3A_206 : vector<16xf32> to vector<16xf32>
    %swap3A_208 = vector.shape_cast %broadcast_in_dim3A_204 : vector<16xf32> to vector<16xf32>
    tpu.vector_store %arg6[%swap3A_205], %swap3A_208 {strides = array<i32>} : memref<640xf32, #tpu.memory_space<vmem>>, vector<16xf32>,
    %broadcast_in_dim3A_209 = arith.constant 0.000000e+00 : f32
    %broadcast_in_dim3A_210 = vector.broadcast %broadcast_in_dim3A_209 : f32 to vector<16xf32>
    %swap3A_211 = arith.constant 432 : index
    %swap3A_212 = tpu.vector_load %arg6[%swap3A_211] {strides = array<i32>} : memref<640xf32, #tpu.memory_space<vmem>>, vector<16xf32>,
    %swap3A_213 = vector.shape_cast %swap3A_212 : vector<16xf32> to vector<16xf32>
    %swap3A_214 = vector.shape_cast %broadcast_in_dim3A_210 : vector<16xf32> to vector<16xf32>
    tpu.vector_store %arg6[%swap3A_211], %swap3A_214 {strides = array<i32>} : memref<640xf32, #tpu.memory_space<vmem>>, vector<16xf32>,
    %broadcast_in_dim3A_215 = arith.constant 0.000000e+00 : f32
    %broadcast_in_dim3A_216 = vector.broadcast %broadcast_in_dim3A_215 : f32 to vector<16xf32>
    %swap3A_217 = arith.constant 448 : index
    %swap3A_218 = tpu.vector_load %arg6[%swap3A_217] {strides = array<i32>} : memref<640xf32, #tpu.memory_space<vmem>>, vector<16xf32>,
    %swap3A_219 = vector.shape_cast %swap3A_218 : vector<16xf32> to vector<16xf32>
    %swap3A_220 = vector.shape_cast %broadcast_in_dim3A_216 : vector<16xf32> to vector<16xf32>
    tpu.vector_store %arg6[%swap3A_217], %swap3A_220 {strides = array<i32>} : memref<640xf32, #tpu.memory_space<vmem>>, vector<16xf32>,
    %broadcast_in_dim3A_221 = arith.constant 0.000000e+00 : f32
    %broadcast_in_dim3A_222 = vector.broadcast %broadcast_in_dim3A_221 : f32 to vector<16xf32>
    %swap3A_223 = arith.constant 464 : index
    %swap3A_224 = tpu.vector_load %arg6[%swap3A_223] {strides = array<i32>} : memref<640xf32, #tpu.memory_space<vmem>>, vector<16xf32>,
    %swap3A_225 = vector.shape_cast %swap3A_224 : vector<16xf32> to vector<16xf32>
    %swap3A_226 = vector.shape_cast %broadcast_in_dim3A_222 : vector<16xf32> to vector<16xf32>
    tpu.vector_store %arg6[%swap3A_223], %swap3A_226 {strides = array<i32>} : memref<640xf32, #tpu.memory_space<vmem>>, vector<16xf32>,
    %broadcast_in_dim3A_227 = arith.constant 0.000000e+00 : f32
    %broadcast_in_dim3A_228 = vector.broadcast %broadcast_in_dim3A_227 : f32 to vector<16xf32>
    %swap3A_229 = arith.constant 480 : index
    %swap3A_230 = tpu.vector_load %arg6[%swap3A_229] {strides = array<i32>} : memref<640xf32, #tpu.memory_space<vmem>>, vector<16xf32>,
    %swap3A_231 = vector.shape_cast %swap3A_230 : vector<16xf32> to vector<16xf32>
    %swap3A_232 = vector.shape_cast %broadcast_in_dim3A_228 : vector<16xf32> to vector<16xf32>
    tpu.vector_store %arg6[%swap3A_229], %swap3A_232 {strides = array<i32>} : memref<640xf32, #tpu.memory_space<vmem>>, vector<16xf32>,
    %broadcast_in_dim3A_233 = arith.constant 0.000000e+00 : f32
    %broadcast_in_dim3A_234 = vector.broadcast %broadcast_in_dim3A_233 : f32 to vector<16xf32>
    %swap3A_235 = arith.constant 496 : index
    %swap3A_236 = tpu.vector_load %arg6[%swap3A_235] {strides = array<i32>} : memref<640xf32, #tpu.memory_space<vmem>>, vector<16xf32>,
    %swap3A_237 = vector.shape_cast %swap3A_236 : vector<16xf32> to vector<16xf32>
    %swap3A_238 = vector.shape_cast %broadcast_in_dim3A_234 : vector<16xf32> to vector<16xf32>
    tpu.vector_store %arg6[%swap3A_235], %swap3A_238 {strides = array<i32>} : memref<640xf32, #tpu.memory_space<vmem>>, vector<16xf32>,
    %broadcast_in_dim3A_239 = arith.constant 0.000000e+00 : f32
    %broadcast_in_dim3A_240 = vector.broadcast %broadcast_in_dim3A_239 : f32 to vector<16xf32>
    %swap3A_241 = arith.constant 512 : index
    %swap3A_242 = tpu.vector_load %arg6[%swap3A_241] {strides = array<i32>} : memref<640xf32, #tpu.memory_space<vmem>>, vector<16xf32>,
    %swap3A_243 = vector.shape_cast %swap3A_242 : vector<16xf32> to vector<16xf32>
    %swap3A_244 = vector.shape_cast %broadcast_in_dim3A_240 : vector<16xf32> to vector<16xf32>
    tpu.vector_store %arg6[%swap3A_241], %swap3A_244 {strides = array<i32>} : memref<640xf32, #tpu.memory_space<vmem>>, vector<16xf32>,
    %broadcast_in_dim3A_245 = arith.constant 0.000000e+00 : f32
    %broadcast_in_dim3A_246 = vector.broadcast %broadcast_in_dim3A_245 : f32 to vector<16xf32>
    %swap3A_247 = arith.constant 528 : index
    %swap3A_248 = tpu.vector_load %arg6[%swap3A_247] {strides = array<i32>} : memref<640xf32, #tpu.memory_space<vmem>>, vector<16xf32>,
    %swap3A_249 = vector.shape_cast %swap3A_248 : vector<16xf32> to vector<16xf32>
    %swap3A_250 = vector.shape_cast %broadcast_in_dim3A_246 : vector<16xf32> to vector<16xf32>
    tpu.vector_store %arg6[%swap3A_247], %swap3A_250 {strides = array<i32>} : memref<640xf32, #tpu.memory_space<vmem>>, vector<16xf32>,
    %broadcast_in_dim3A_251 = arith.constant 0.000000e+00 : f32
    %broadcast_in_dim3A_252 = vector.broadcast %broadcast_in_dim3A_251 : f32 to vector<16xf32>
    %swap3A_253 = arith.constant 544 : index
    %swap3A_254 = tpu.vector_load %arg6[%swap3A_253] {strides = array<i32>} : memref<640xf32, #tpu.memory_space<vmem>>, vector<16xf32>,
    %swap3A_255 = vector.shape_cast %swap3A_254 : vector<16xf32> to vector<16xf32>
    %swap3A_256 = vector.shape_cast %broadcast_in_dim3A_252 : vector<16xf32> to vector<16xf32>
    tpu.vector_store %arg6[%swap3A_253], %swap3A_256 {strides = array<i32>} : memref<640xf32, #tpu.memory_space<vmem>>, vector<16xf32>,
    %broadcast_in_dim3A_257 = arith.constant 0.000000e+00 : f32
    %broadcast_in_dim3A_258 = vector.broadcast %broadcast_in_dim3A_257 : f32 to vector<16xf32>
    %swap3A_259 = arith.constant 560 : index
    %swap3A_260 = tpu.vector_load %arg6[%swap3A_259] {strides = array<i32>} : memref<640xf32, #tpu.memory_space<vmem>>, vector<16xf32>,
    %swap3A_261 = vector.shape_cast %swap3A_260 : vector<16xf32> to vector<16xf32>
    %swap3A_262 = vector.shape_cast %broadcast_in_dim3A_258 : vector<16xf32> to vector<16xf32>
    tpu.vector_store %arg6[%swap3A_259], %swap3A_262 {strides = array<i32>} : memref<640xf32, #tpu.memory_space<vmem>>, vector<16xf32>,
    %broadcast_in_dim3A_263 = arith.constant 0.000000e+00 : f32
    %broadcast_in_dim3A_264 = vector.broadcast %broadcast_in_dim3A_263 : f32 to vector<16xf32>
    %swap3A_265 = arith.constant 576 : index
    %swap3A_266 = tpu.vector_load %arg6[%swap3A_265] {strides = array<i32>} : memref<640xf32, #tpu.memory_space<vmem>>, vector<16xf32>,
    %swap3A_267 = vector.shape_cast %swap3A_266 : vector<16xf32> to vector<16xf32>
    %swap3A_268 = vector.shape_cast %broadcast_in_dim3A_264 : vector<16xf32> to vector<16xf32>
    tpu.vector_store %arg6[%swap3A_265], %swap3A_268 {strides = array<i32>} : memref<640xf32, #tpu.memory_space<vmem>>, vector<16xf32>,
    %broadcast_in_dim3A_269 = arith.constant 0.000000e+00 : f32
    %broadcast_in_dim3A_270 = vector.broadcast %broadcast_in_dim3A_269 : f32 to vector<16xf32>
    %swap3A_271 = arith.constant 592 : index
    %swap3A_272 = tpu.vector_load %arg6[%swap3A_271] {strides = array<i32>} : memref<640xf32, #tpu.memory_space<vmem>>, vector<16xf32>,
    %swap3A_273 = vector.shape_cast %swap3A_272 : vector<16xf32> to vector<16xf32>
    %swap3A_274 = vector.shape_cast %broadcast_in_dim3A_270 : vector<16xf32> to vector<16xf32>
    tpu.vector_store %arg6[%swap3A_271], %swap3A_274 {strides = array<i32>} : memref<640xf32, #tpu.memory_space<vmem>>, vector<16xf32>,
    %broadcast_in_dim3A_275 = arith.constant 0.000000e+00 : f32
    %broadcast_in_dim3A_276 = vector.broadcast %broadcast_in_dim3A_275 : f32 to vector<16xf32>
    %swap3A_277 = arith.constant 608 : index
    %swap3A_278 = tpu.vector_load %arg6[%swap3A_277] {strides = array<i32>} : memref<640xf32, #tpu.memory_space<vmem>>, vector<16xf32>,
    %swap3A_279 = vector.shape_cast %swap3A_278 : vector<16xf32> to vector<16xf32>
    %swap3A_280 = vector.shape_cast %broadcast_in_dim3A_276 : vector<16xf32> to vector<16xf32>
    tpu.vector_store %arg6[%swap3A_277], %swap3A_280 {strides = array<i32>} : memref<640xf32, #tpu.memory_space<vmem>>, vector<16xf32>,
    %broadcast_in_dim3A_281 = arith.constant 0.000000e+00 : f32
    %broadcast_in_dim3A_282 = vector.broadcast %broadcast_in_dim3A_281 : f32 to vector<16xf32>
    %swap3A_283 = arith.constant 624 : index
    %swap3A_284 = tpu.vector_load %arg6[%swap3A_283] {strides = array<i32>} : memref<640xf32, #tpu.memory_space<vmem>>, vector<16xf32>,
    %swap3A_285 = vector.shape_cast %swap3A_284 : vector<16xf32> to vector<16xf32>
    %swap3A_286 = vector.shape_cast %broadcast_in_dim3A_282 : vector<16xf32> to vector<16xf32>
    tpu.vector_store %arg6[%swap3A_283], %swap3A_286 {strides = array<i32>} : memref<640xf32, #tpu.memory_space<vmem>>, vector<16xf32>,
    %mul3A_287 = arith.constant 640 : i32
    %mul3A_288 = arith.muli %arg1, %mul3A_287 : i32
    "tpu.region"() ({
      %run_scoped3A = tpu.sem_alloc : memref<!tpu.dma_semaphore, #tpu.memory_space<semaphore_mem>>
      %dma_start3A = tpu.memref_slice %arg7[%mul3A_288] : memref<10240xf32, #tpu.memory_space<vmem_shared>> -> memref<640xf32, #tpu.memory_space<vmem_shared>>
      %dma_start3A_302 = tpu.memref_slice %arg7[%mul3A_288] : memref<10240xf32, #tpu.memory_space<vmem_shared>> -> memref<640xf32, #tpu.memory_space<vmem_shared>>
      tpu.enqueue_dma source(%arg6 : memref<640xf32, #tpu.memory_space<vmem>>) target(%dma_start3A_302 : memref<640xf32, #tpu.memory_space<vmem_shared>>) target_semaphore(%run_scoped3A : memref<!tpu.dma_semaphore, #tpu.memory_space<semaphore_mem>>)
      %dma_wait3A = tpu.memref_slice %arg7[%mul3A_288] : memref<10240xf32, #tpu.memory_space<vmem_shared>> -> memref<640xf32, #tpu.memory_space<vmem_shared>>
      %dma_wait3A_303 = tpu.memref_slice %arg7[%mul3A_288] : memref<10240xf32, #tpu.memory_space<vmem_shared>> -> memref<640xf32, #tpu.memory_space<vmem_shared>>
      tpu.wait_dma2 semaphore(%run_scoped3A : memref<!tpu.dma_semaphore, #tpu.memory_space<semaphore_mem>>) src(%arg6 : memref<640xf32, #tpu.memory_space<vmem>>) dst(%dma_wait3A_303 : memref<640xf32, #tpu.memory_space<vmem_shared>>)
      tpu.yield
    }) : () -> ()
    "tpu.region"() ({
      %run_scoped3A = tpu.sem_alloc : memref<!tpu.dma_semaphore, #tpu.memory_space<semaphore_mem>>
      %dma_start3A = arith.constant 0 : i32
      %dma_start3A_302 = arith.constant 0 : i32
      %dma_start3A_303 = tpu.memref_slice %arg2[%add3A, %dma_start3A, %dma_start3A_302] : memref<32x79x128xi32, #tpu.memory_space<hbm>> -> memref<1x79x128xi32, #tpu.memory_space<hbm>>
      %dma_start3A_304 = tpu.memref_squeeze %dma_start3A_303 : memref<1x79x128xi32, #tpu.memory_space<hbm>> -> memref<79x128xi32, #tpu.memory_space<hbm>>
      %dma_start3A_305 = arith.constant 0 : i32
      %dma_start3A_306 = arith.constant 0 : i32
      %dma_start3A_307 = tpu.memref_slice %arg2[%add3A, %dma_start3A_305, %dma_start3A_306] : memref<32x79x128xi32, #tpu.memory_space<hbm>> -> memref<1x79x128xi32, #tpu.memory_space<hbm>>
      %dma_start3A_308 = tpu.memref_squeeze %dma_start3A_307 : memref<1x79x128xi32, #tpu.memory_space<hbm>> -> memref<79x128xi32, #tpu.memory_space<hbm>>
      tpu.enqueue_dma source(%dma_start3A_308 : memref<79x128xi32, #tpu.memory_space<hbm>>) target(%arg4 : memref<79x128xi32, #tpu.memory_space<vmem>>) target_semaphore(%run_scoped3A : memref<!tpu.dma_semaphore, #tpu.memory_space<semaphore_mem>>)
      %dma_wait3A = arith.constant 0 : i32
      %dma_wait3A_309 = arith.constant 0 : i32
      %dma_wait3A_310 = tpu.memref_slice %arg2[%add3A, %dma_wait3A, %dma_wait3A_309] : memref<32x79x128xi32, #tpu.memory_space<hbm>> -> memref<1x79x128xi32, #tpu.memory_space<hbm>>
      %dma_wait3A_311 = tpu.memref_squeeze %dma_wait3A_310 : memref<1x79x128xi32, #tpu.memory_space<hbm>> -> memref<79x128xi32, #tpu.memory_space<hbm>>
      %dma_wait3A_312 = arith.constant 0 : i32
      %dma_wait3A_313 = arith.constant 0 : i32
      %dma_wait3A_314 = tpu.memref_slice %arg2[%add3A, %dma_wait3A_312, %dma_wait3A_313] : memref<32x79x128xi32, #tpu.memory_space<hbm>> -> memref<1x79x128xi32, #tpu.memory_space<hbm>>
      %dma_wait3A_315 = tpu.memref_squeeze %dma_wait3A_314 : memref<1x79x128xi32, #tpu.memory_space<hbm>> -> memref<79x128xi32, #tpu.memory_space<hbm>>
      tpu.wait_dma2 semaphore(%run_scoped3A : memref<!tpu.dma_semaphore, #tpu.memory_space<semaphore_mem>>) src(%dma_wait3A_315 : memref<79x128xi32, #tpu.memory_space<hbm>>) dst(%arg4 : memref<79x128xi32, #tpu.memory_space<vmem>>)
      tpu.yield
    }) : () -> ()
    %barrier3A = arith.constant 0 : index
    tpu.barrier barrier_id(%barrier3A)
    %scan3A = arith.constant 0 : i32
    %scan3A_289 = arith.constant 0 : i32
    %scan3A_290 = arith.constant 79 : i32
    %scan3A_291 = arith.addi %scan3A_289, %scan3A_290 : i32
    %scan3A_292 = arith.constant 1 : i32
    scf.for %scan3A_302 = %scan3A_289 to %scan3A_291 step %scan3A_292  : i32 {
      "tpu.region"() ({
        %run_scoped3A = tpu.sem_alloc : memref<!tpu.dma_semaphore, #tpu.memory_space<semaphore_mem>>
        %dma_start3A = arith.constant 0 : i32
        %dma_start3A_303 = tpu.memref_slice %arg4[%scan3A_302, %dma_start3A] : memref<79x128xi32, #tpu.memory_space<vmem>> -> memref<1x128xi32, #tpu.memory_space<vmem>>
        %dma_start3A_304 = tpu.memref_squeeze %dma_start3A_303 : memref<1x128xi32, #tpu.memory_space<vmem>> -> memref<128xi32, #tpu.memory_space<vmem>>
        %dma_start3A_305 = arith.constant 0 : i32
        %dma_start3A_306 = tpu.memref_slice %arg7[%dma_start3A_305] : memref<10240xf32, #tpu.memory_space<vmem_shared>> -> memref<10240xf32, #tpu.memory_space<vmem_shared>>
        tpu.enqueue_indirect_dma source(%arg5 : memref<128xf32, #tpu.memory_space<vmem>>) target(%dma_start3A_306 : memref<10240xf32, #tpu.memory_space<vmem_shared>>) offsets(%dma_start3A_304 : memref<128xi32, #tpu.memory_space<vmem>>) semaphore(%run_scoped3A : memref<!tpu.dma_semaphore, #tpu.memory_space<semaphore_mem>>) {add = true}
        %dma_wait3A = arith.constant 0 : i32
        %dma_wait3A_307 = tpu.memref_slice %arg4[%scan3A_302, %dma_wait3A] : memref<79x128xi32, #tpu.memory_space<vmem>> -> memref<1x128xi32, #tpu.memory_space<vmem>>
        %dma_wait3A_308 = tpu.memref_squeeze %dma_wait3A_307 : memref<1x128xi32, #tpu.memory_space<vmem>> -> memref<128xi32, #tpu.memory_space<vmem>>
        %dma_wait3A_309 = arith.constant 0 : i32
        %dma_wait3A_310 = tpu.memref_slice %arg7[%dma_wait3A_309] : memref<10240xf32, #tpu.memory_space<vmem_shared>> -> memref<10240xf32, #tpu.memory_space<vmem_shared>>
        tpu.wait_indirect_dma semaphore(%run_scoped3A : memref<!tpu.dma_semaphore, #tpu.memory_space<semaphore_mem>>) src(%arg5 : memref<128xf32, #tpu.memory_space<vmem>>) dst(%dma_wait3A_310 : memref<10240xf32, #tpu.memory_space<vmem_shared>>)
        tpu.yield
      }) : () -> ()
    }
    %scan3A_293 = arith.constant 79 : i32
    %barrier3A_294 = arith.constant 0 : index
    tpu.barrier barrier_id(%barrier3A_294)
    %mul3A_295 = arith.constant 640 : i32
    %mul3A_296 = arith.muli %arg1, %mul3A_295 : i32
    %mul3A_297 = arith.constant 10240 : i32
    %mul3A_298 = arith.muli %arg0, %mul3A_297 : i32
    %mul3A_299 = arith.constant 640 : i32
    %mul3A_300 = arith.muli %arg1, %mul3A_299 : i32
    %add3A_301 = arith.addi %mul3A_298, %mul3A_300 : i32
    "tpu.region"() ({
      %run_scoped3A = tpu.sem_alloc : memref<!tpu.dma_semaphore, #tpu.memory_space<semaphore_mem>>
      %dma_start3A = tpu.memref_slice %arg3[%add3A_301] : memref<20480xf32, #tpu.memory_space<hbm>> -> memref<640xf32, #tpu.memory_space<hbm>>
      %dma_start3A_302 = tpu.memref_slice %arg7[%mul3A_296] : memref<10240xf32, #tpu.memory_space<vmem_shared>> -> memref<640xf32, #tpu.memory_space<vmem_shared>>
      tpu.enqueue_dma source(%dma_start3A_302 : memref<640xf32, #tpu.memory_space<vmem_shared>>) target(%dma_start3A : memref<640xf32, #tpu.memory_space<hbm>>) target_semaphore(%run_scoped3A : memref<!tpu.dma_semaphore, #tpu.memory_space<semaphore_mem>>)
      %dma_wait3A = tpu.memref_slice %arg3[%add3A_301] : memref<20480xf32, #tpu.memory_space<hbm>> -> memref<640xf32, #tpu.memory_space<hbm>>
      %dma_wait3A_303 = tpu.memref_slice %arg7[%mul3A_296] : memref<10240xf32, #tpu.memory_space<vmem_shared>> -> memref<640xf32, #tpu.memory_space<vmem_shared>>
      tpu.wait_dma2 semaphore(%run_scoped3A : memref<!tpu.dma_semaphore, #tpu.memory_space<semaphore_mem>>) src(%dma_wait3A_303 : memref<640xf32, #tpu.memory_space<vmem_shared>>) dst(%dma_wait3A : memref<640xf32, #tpu.memory_space<hbm>>)
      tpu.yield
    }) : () -> ()
    return
  }
}

#map = affine_map<(d0, d1) -> (0, 0)>
#map1 = affine_map<(d0, d1) -> (0, 0, 0)>
module attributes {stable_mosaic.version = 14 : i64} {
  func.func @agg(%arg0: i32, %arg1: i32, %arg2: memref<10240x128xf32, #tpu.memory_space<hbm>>, %arg3: memref<32x79x128xi32, #tpu.memory_space<hbm>>, %arg4: memref<32x79x128xi32, #tpu.memory_space<hbm>>, %arg5: memref<20480x128xf32, #tpu.memory_space<hbm>>, %arg6: memref<79x128xi32, #tpu.memory_space<vmem>>, %arg7: memref<1x128xi32, #tpu.memory_space<vmem>>, %arg8: memref<1x128xi32, #tpu.memory_space<vmem>>, %arg9: memref<128x128xf32, #tpu.memory_space<vmem>>, %arg10: memref<128x128xf32, #tpu.memory_space<vmem>>, %arg11: memref<16x128xf32, #tpu.memory_space<vmem>>, %arg12: memref<10240x128xf32, #tpu.memory_space<vmem_shared>>, %arg13: memref<!tpu.dma_semaphore, #tpu.memory_space<semaphore_mem>>, %arg14: memref<!tpu.dma_semaphore, #tpu.memory_space<semaphore_mem>>) attributes {dimension_semantics = [#tpu.dimension_semantics<core_parallel>, #tpu.dimension_semantics<subcore_parallel>], iteration_bounds = array<i64: 2, 16>, scalar_prefetch = 0 : i64, scratch_operands = 9 : i64, tpu.core_type = #tpu.core_type<sc_vector_subcore>, window_params = [{transform_indices = #map}, {transform_indices = #map1}, {transform_indices = #map1}, {transform_indices = #map}]} {
    %mul3A = arith.constant 2 : i32
    %mul3A_0 = arith.muli %arg1, %mul3A : i32
    %add3A = arith.addi %mul3A_0, %arg0 : i32
    %broadcast_in_dim3A = arith.constant 0.000000e+00 : f32
    %broadcast_in_dim3A_1 = vector.broadcast %broadcast_in_dim3A : f32 to vector<16xf32>
    %swap3A = arith.constant 0 : i32
    %swap3A_2 = arith.index_cast %swap3A : i32 to index
    %swap3A_3 = arith.constant 0 : index
    %swap3A_4 = tpu.vector_load %arg11[%swap3A_2, %swap3A_3] {strides = array<i32>} : memref<16x128xf32, #tpu.memory_space<vmem>>, vector<1x16xf32>,
    %swap3A_5 = vector.shape_cast %swap3A_4 : vector<1x16xf32> to vector<16xf32>
    %swap3A_6 = vector.shape_cast %broadcast_in_dim3A_1 : vector<16xf32> to vector<1x16xf32>
    tpu.vector_store %arg11[%swap3A_2, %swap3A_3], %swap3A_6 {strides = array<i32>} : memref<16x128xf32, #tpu.memory_space<vmem>>, vector<1x16xf32>,
    %broadcast_in_dim3A_7 = arith.constant 0.000000e+00 : f32
    %broadcast_in_dim3A_8 = vector.broadcast %broadcast_in_dim3A_7 : f32 to vector<16xf32>
    %swap3A_9 = arith.constant 0 : i32
    %swap3A_10 = arith.index_cast %swap3A_9 : i32 to index
    %swap3A_11 = arith.constant 16 : index
    %swap3A_12 = tpu.vector_load %arg11[%swap3A_10, %swap3A_11] {strides = array<i32>} : memref<16x128xf32, #tpu.memory_space<vmem>>, vector<1x16xf32>,
    %swap3A_13 = vector.shape_cast %swap3A_12 : vector<1x16xf32> to vector<16xf32>
    %swap3A_14 = vector.shape_cast %broadcast_in_dim3A_8 : vector<16xf32> to vector<1x16xf32>
    tpu.vector_store %arg11[%swap3A_10, %swap3A_11], %swap3A_14 {strides = array<i32>} : memref<16x128xf32, #tpu.memory_space<vmem>>, vector<1x16xf32>,
    %broadcast_in_dim3A_15 = arith.constant 0.000000e+00 : f32
    %broadcast_in_dim3A_16 = vector.broadcast %broadcast_in_dim3A_15 : f32 to vector<16xf32>
    %swap3A_17 = arith.constant 0 : i32
    %swap3A_18 = arith.index_cast %swap3A_17 : i32 to index
    %swap3A_19 = arith.constant 32 : index
    %swap3A_20 = tpu.vector_load %arg11[%swap3A_18, %swap3A_19] {strides = array<i32>} : memref<16x128xf32, #tpu.memory_space<vmem>>, vector<1x16xf32>,
    %swap3A_21 = vector.shape_cast %swap3A_20 : vector<1x16xf32> to vector<16xf32>
    %swap3A_22 = vector.shape_cast %broadcast_in_dim3A_16 : vector<16xf32> to vector<1x16xf32>
    tpu.vector_store %arg11[%swap3A_18, %swap3A_19], %swap3A_22 {strides = array<i32>} : memref<16x128xf32, #tpu.memory_space<vmem>>, vector<1x16xf32>,
    %broadcast_in_dim3A_23 = arith.constant 0.000000e+00 : f32
    %broadcast_in_dim3A_24 = vector.broadcast %broadcast_in_dim3A_23 : f32 to vector<16xf32>
    %swap3A_25 = arith.constant 0 : i32
    %swap3A_26 = arith.index_cast %swap3A_25 : i32 to index
    %swap3A_27 = arith.constant 48 : index
    %swap3A_28 = tpu.vector_load %arg11[%swap3A_26, %swap3A_27] {strides = array<i32>} : memref<16x128xf32, #tpu.memory_space<vmem>>, vector<1x16xf32>,
    %swap3A_29 = vector.shape_cast %swap3A_28 : vector<1x16xf32> to vector<16xf32>
    %swap3A_30 = vector.shape_cast %broadcast_in_dim3A_24 : vector<16xf32> to vector<1x16xf32>
    tpu.vector_store %arg11[%swap3A_26, %swap3A_27], %swap3A_30 {strides = array<i32>} : memref<16x128xf32, #tpu.memory_space<vmem>>, vector<1x16xf32>,
    %broadcast_in_dim3A_31 = arith.constant 0.000000e+00 : f32
    %broadcast_in_dim3A_32 = vector.broadcast %broadcast_in_dim3A_31 : f32 to vector<16xf32>
    %swap3A_33 = arith.constant 0 : i32
    %swap3A_34 = arith.index_cast %swap3A_33 : i32 to index
    %swap3A_35 = arith.constant 64 : index
    %swap3A_36 = tpu.vector_load %arg11[%swap3A_34, %swap3A_35] {strides = array<i32>} : memref<16x128xf32, #tpu.memory_space<vmem>>, vector<1x16xf32>,
    %swap3A_37 = vector.shape_cast %swap3A_36 : vector<1x16xf32> to vector<16xf32>
    %swap3A_38 = vector.shape_cast %broadcast_in_dim3A_32 : vector<16xf32> to vector<1x16xf32>
    tpu.vector_store %arg11[%swap3A_34, %swap3A_35], %swap3A_38 {strides = array<i32>} : memref<16x128xf32, #tpu.memory_space<vmem>>, vector<1x16xf32>,
    %broadcast_in_dim3A_39 = arith.constant 0.000000e+00 : f32
    %broadcast_in_dim3A_40 = vector.broadcast %broadcast_in_dim3A_39 : f32 to vector<16xf32>
    %swap3A_41 = arith.constant 0 : i32
    %swap3A_42 = arith.index_cast %swap3A_41 : i32 to index
    %swap3A_43 = arith.constant 80 : index
    %swap3A_44 = tpu.vector_load %arg11[%swap3A_42, %swap3A_43] {strides = array<i32>} : memref<16x128xf32, #tpu.memory_space<vmem>>, vector<1x16xf32>,
    %swap3A_45 = vector.shape_cast %swap3A_44 : vector<1x16xf32> to vector<16xf32>
    %swap3A_46 = vector.shape_cast %broadcast_in_dim3A_40 : vector<16xf32> to vector<1x16xf32>
    tpu.vector_store %arg11[%swap3A_42, %swap3A_43], %swap3A_46 {strides = array<i32>} : memref<16x128xf32, #tpu.memory_space<vmem>>, vector<1x16xf32>,
    %broadcast_in_dim3A_47 = arith.constant 0.000000e+00 : f32
    %broadcast_in_dim3A_48 = vector.broadcast %broadcast_in_dim3A_47 : f32 to vector<16xf32>
    %swap3A_49 = arith.constant 0 : i32
    %swap3A_50 = arith.index_cast %swap3A_49 : i32 to index
    %swap3A_51 = arith.constant 96 : index
    %swap3A_52 = tpu.vector_load %arg11[%swap3A_50, %swap3A_51] {strides = array<i32>} : memref<16x128xf32, #tpu.memory_space<vmem>>, vector<1x16xf32>,
    %swap3A_53 = vector.shape_cast %swap3A_52 : vector<1x16xf32> to vector<16xf32>
    %swap3A_54 = vector.shape_cast %broadcast_in_dim3A_48 : vector<16xf32> to vector<1x16xf32>
    tpu.vector_store %arg11[%swap3A_50, %swap3A_51], %swap3A_54 {strides = array<i32>} : memref<16x128xf32, #tpu.memory_space<vmem>>, vector<1x16xf32>,
    %broadcast_in_dim3A_55 = arith.constant 0.000000e+00 : f32
    %broadcast_in_dim3A_56 = vector.broadcast %broadcast_in_dim3A_55 : f32 to vector<16xf32>
    %swap3A_57 = arith.constant 0 : i32
    %swap3A_58 = arith.index_cast %swap3A_57 : i32 to index
    %swap3A_59 = arith.constant 112 : index
    %swap3A_60 = tpu.vector_load %arg11[%swap3A_58, %swap3A_59] {strides = array<i32>} : memref<16x128xf32, #tpu.memory_space<vmem>>, vector<1x16xf32>,
    %swap3A_61 = vector.shape_cast %swap3A_60 : vector<1x16xf32> to vector<16xf32>
    %swap3A_62 = vector.shape_cast %broadcast_in_dim3A_56 : vector<16xf32> to vector<1x16xf32>
    tpu.vector_store %arg11[%swap3A_58, %swap3A_59], %swap3A_62 {strides = array<i32>} : memref<16x128xf32, #tpu.memory_space<vmem>>, vector<1x16xf32>,
    %broadcast_in_dim3A_63 = arith.constant 0.000000e+00 : f32
    %broadcast_in_dim3A_64 = vector.broadcast %broadcast_in_dim3A_63 : f32 to vector<16xf32>
    %swap3A_65 = arith.constant 1 : i32
    %swap3A_66 = arith.index_cast %swap3A_65 : i32 to index
    %swap3A_67 = arith.constant 0 : index
    %swap3A_68 = tpu.vector_load %arg11[%swap3A_66, %swap3A_67] {strides = array<i32>} : memref<16x128xf32, #tpu.memory_space<vmem>>, vector<1x16xf32>,
    %swap3A_69 = vector.shape_cast %swap3A_68 : vector<1x16xf32> to vector<16xf32>
    %swap3A_70 = vector.shape_cast %broadcast_in_dim3A_64 : vector<16xf32> to vector<1x16xf32>
    tpu.vector_store %arg11[%swap3A_66, %swap3A_67], %swap3A_70 {strides = array<i32>} : memref<16x128xf32, #tpu.memory_space<vmem>>, vector<1x16xf32>,
    %broadcast_in_dim3A_71 = arith.constant 0.000000e+00 : f32
    %broadcast_in_dim3A_72 = vector.broadcast %broadcast_in_dim3A_71 : f32 to vector<16xf32>
    %swap3A_73 = arith.constant 1 : i32
    %swap3A_74 = arith.index_cast %swap3A_73 : i32 to index
    %swap3A_75 = arith.constant 16 : index
    %swap3A_76 = tpu.vector_load %arg11[%swap3A_74, %swap3A_75] {strides = array<i32>} : memref<16x128xf32, #tpu.memory_space<vmem>>, vector<1x16xf32>,
    %swap3A_77 = vector.shape_cast %swap3A_76 : vector<1x16xf32> to vector<16xf32>
    %swap3A_78 = vector.shape_cast %broadcast_in_dim3A_72 : vector<16xf32> to vector<1x16xf32>
    tpu.vector_store %arg11[%swap3A_74, %swap3A_75], %swap3A_78 {strides = array<i32>} : memref<16x128xf32, #tpu.memory_space<vmem>>, vector<1x16xf32>,
    %broadcast_in_dim3A_79 = arith.constant 0.000000e+00 : f32
    %broadcast_in_dim3A_80 = vector.broadcast %broadcast_in_dim3A_79 : f32 to vector<16xf32>
    %swap3A_81 = arith.constant 1 : i32
    %swap3A_82 = arith.index_cast %swap3A_81 : i32 to index
    %swap3A_83 = arith.constant 32 : index
    %swap3A_84 = tpu.vector_load %arg11[%swap3A_82, %swap3A_83] {strides = array<i32>} : memref<16x128xf32, #tpu.memory_space<vmem>>, vector<1x16xf32>,
    %swap3A_85 = vector.shape_cast %swap3A_84 : vector<1x16xf32> to vector<16xf32>
    %swap3A_86 = vector.shape_cast %broadcast_in_dim3A_80 : vector<16xf32> to vector<1x16xf32>
    tpu.vector_store %arg11[%swap3A_82, %swap3A_83], %swap3A_86 {strides = array<i32>} : memref<16x128xf32, #tpu.memory_space<vmem>>, vector<1x16xf32>,
    %broadcast_in_dim3A_87 = arith.constant 0.000000e+00 : f32
    %broadcast_in_dim3A_88 = vector.broadcast %broadcast_in_dim3A_87 : f32 to vector<16xf32>
    %swap3A_89 = arith.constant 1 : i32
    %swap3A_90 = arith.index_cast %swap3A_89 : i32 to index
    %swap3A_91 = arith.constant 48 : index
    %swap3A_92 = tpu.vector_load %arg11[%swap3A_90, %swap3A_91] {strides = array<i32>} : memref<16x128xf32, #tpu.memory_space<vmem>>, vector<1x16xf32>,
    %swap3A_93 = vector.shape_cast %swap3A_92 : vector<1x16xf32> to vector<16xf32>
    %swap3A_94 = vector.shape_cast %broadcast_in_dim3A_88 : vector<16xf32> to vector<1x16xf32>
    tpu.vector_store %arg11[%swap3A_90, %swap3A_91], %swap3A_94 {strides = array<i32>} : memref<16x128xf32, #tpu.memory_space<vmem>>, vector<1x16xf32>,
    %broadcast_in_dim3A_95 = arith.constant 0.000000e+00 : f32
    %broadcast_in_dim3A_96 = vector.broadcast %broadcast_in_dim3A_95 : f32 to vector<16xf32>
    %swap3A_97 = arith.constant 1 : i32
    %swap3A_98 = arith.index_cast %swap3A_97 : i32 to index
    %swap3A_99 = arith.constant 64 : index
    %swap3A_100 = tpu.vector_load %arg11[%swap3A_98, %swap3A_99] {strides = array<i32>} : memref<16x128xf32, #tpu.memory_space<vmem>>, vector<1x16xf32>,
    %swap3A_101 = vector.shape_cast %swap3A_100 : vector<1x16xf32> to vector<16xf32>
    %swap3A_102 = vector.shape_cast %broadcast_in_dim3A_96 : vector<16xf32> to vector<1x16xf32>
    tpu.vector_store %arg11[%swap3A_98, %swap3A_99], %swap3A_102 {strides = array<i32>} : memref<16x128xf32, #tpu.memory_space<vmem>>, vector<1x16xf32>,
    %broadcast_in_dim3A_103 = arith.constant 0.000000e+00 : f32
    %broadcast_in_dim3A_104 = vector.broadcast %broadcast_in_dim3A_103 : f32 to vector<16xf32>
    %swap3A_105 = arith.constant 1 : i32
    %swap3A_106 = arith.index_cast %swap3A_105 : i32 to index
    %swap3A_107 = arith.constant 80 : index
    %swap3A_108 = tpu.vector_load %arg11[%swap3A_106, %swap3A_107] {strides = array<i32>} : memref<16x128xf32, #tpu.memory_space<vmem>>, vector<1x16xf32>,
    %swap3A_109 = vector.shape_cast %swap3A_108 : vector<1x16xf32> to vector<16xf32>
    %swap3A_110 = vector.shape_cast %broadcast_in_dim3A_104 : vector<16xf32> to vector<1x16xf32>
    tpu.vector_store %arg11[%swap3A_106, %swap3A_107], %swap3A_110 {strides = array<i32>} : memref<16x128xf32, #tpu.memory_space<vmem>>, vector<1x16xf32>,
    %broadcast_in_dim3A_111 = arith.constant 0.000000e+00 : f32
    %broadcast_in_dim3A_112 = vector.broadcast %broadcast_in_dim3A_111 : f32 to vector<16xf32>
    %swap3A_113 = arith.constant 1 : i32
    %swap3A_114 = arith.index_cast %swap3A_113 : i32 to index
    %swap3A_115 = arith.constant 96 : index
    %swap3A_116 = tpu.vector_load %arg11[%swap3A_114, %swap3A_115] {strides = array<i32>} : memref<16x128xf32, #tpu.memory_space<vmem>>, vector<1x16xf32>,
    %swap3A_117 = vector.shape_cast %swap3A_116 : vector<1x16xf32> to vector<16xf32>
    %swap3A_118 = vector.shape_cast %broadcast_in_dim3A_112 : vector<16xf32> to vector<1x16xf32>
    tpu.vector_store %arg11[%swap3A_114, %swap3A_115], %swap3A_118 {strides = array<i32>} : memref<16x128xf32, #tpu.memory_space<vmem>>, vector<1x16xf32>,
    %broadcast_in_dim3A_119 = arith.constant 0.000000e+00 : f32
    %broadcast_in_dim3A_120 = vector.broadcast %broadcast_in_dim3A_119 : f32 to vector<16xf32>
    %swap3A_121 = arith.constant 1 : i32
    %swap3A_122 = arith.index_cast %swap3A_121 : i32 to index
    %swap3A_123 = arith.constant 112 : index
    %swap3A_124 = tpu.vector_load %arg11[%swap3A_122, %swap3A_123] {strides = array<i32>} : memref<16x128xf32, #tpu.memory_space<vmem>>, vector<1x16xf32>,
    %swap3A_125 = vector.shape_cast %swap3A_124 : vector<1x16xf32> to vector<16xf32>
    %swap3A_126 = vector.shape_cast %broadcast_in_dim3A_120 : vector<16xf32> to vector<1x16xf32>
    tpu.vector_store %arg11[%swap3A_122, %swap3A_123], %swap3A_126 {strides = array<i32>} : memref<16x128xf32, #tpu.memory_space<vmem>>, vector<1x16xf32>,
    %broadcast_in_dim3A_127 = arith.constant 0.000000e+00 : f32
    %broadcast_in_dim3A_128 = vector.broadcast %broadcast_in_dim3A_127 : f32 to vector<16xf32>
    %swap3A_129 = arith.constant 2 : i32
    %swap3A_130 = arith.index_cast %swap3A_129 : i32 to index
    %swap3A_131 = arith.constant 0 : index
    %swap3A_132 = tpu.vector_load %arg11[%swap3A_130, %swap3A_131] {strides = array<i32>} : memref<16x128xf32, #tpu.memory_space<vmem>>, vector<1x16xf32>,
    %swap3A_133 = vector.shape_cast %swap3A_132 : vector<1x16xf32> to vector<16xf32>
    %swap3A_134 = vector.shape_cast %broadcast_in_dim3A_128 : vector<16xf32> to vector<1x16xf32>
    tpu.vector_store %arg11[%swap3A_130, %swap3A_131], %swap3A_134 {strides = array<i32>} : memref<16x128xf32, #tpu.memory_space<vmem>>, vector<1x16xf32>,
    %broadcast_in_dim3A_135 = arith.constant 0.000000e+00 : f32
    %broadcast_in_dim3A_136 = vector.broadcast %broadcast_in_dim3A_135 : f32 to vector<16xf32>
    %swap3A_137 = arith.constant 2 : i32
    %swap3A_138 = arith.index_cast %swap3A_137 : i32 to index
    %swap3A_139 = arith.constant 16 : index
    %swap3A_140 = tpu.vector_load %arg11[%swap3A_138, %swap3A_139] {strides = array<i32>} : memref<16x128xf32, #tpu.memory_space<vmem>>, vector<1x16xf32>,
    %swap3A_141 = vector.shape_cast %swap3A_140 : vector<1x16xf32> to vector<16xf32>
    %swap3A_142 = vector.shape_cast %broadcast_in_dim3A_136 : vector<16xf32> to vector<1x16xf32>
    tpu.vector_store %arg11[%swap3A_138, %swap3A_139], %swap3A_142 {strides = array<i32>} : memref<16x128xf32, #tpu.memory_space<vmem>>, vector<1x16xf32>,
    %broadcast_in_dim3A_143 = arith.constant 0.000000e+00 : f32
    %broadcast_in_dim3A_144 = vector.broadcast %broadcast_in_dim3A_143 : f32 to vector<16xf32>
    %swap3A_145 = arith.constant 2 : i32
    %swap3A_146 = arith.index_cast %swap3A_145 : i32 to index
    %swap3A_147 = arith.constant 32 : index
    %swap3A_148 = tpu.vector_load %arg11[%swap3A_146, %swap3A_147] {strides = array<i32>} : memref<16x128xf32, #tpu.memory_space<vmem>>, vector<1x16xf32>,
    %swap3A_149 = vector.shape_cast %swap3A_148 : vector<1x16xf32> to vector<16xf32>
    %swap3A_150 = vector.shape_cast %broadcast_in_dim3A_144 : vector<16xf32> to vector<1x16xf32>
    tpu.vector_store %arg11[%swap3A_146, %swap3A_147], %swap3A_150 {strides = array<i32>} : memref<16x128xf32, #tpu.memory_space<vmem>>, vector<1x16xf32>,
    %broadcast_in_dim3A_151 = arith.constant 0.000000e+00 : f32
    %broadcast_in_dim3A_152 = vector.broadcast %broadcast_in_dim3A_151 : f32 to vector<16xf32>
    %swap3A_153 = arith.constant 2 : i32
    %swap3A_154 = arith.index_cast %swap3A_153 : i32 to index
    %swap3A_155 = arith.constant 48 : index
    %swap3A_156 = tpu.vector_load %arg11[%swap3A_154, %swap3A_155] {strides = array<i32>} : memref<16x128xf32, #tpu.memory_space<vmem>>, vector<1x16xf32>,
    %swap3A_157 = vector.shape_cast %swap3A_156 : vector<1x16xf32> to vector<16xf32>
    %swap3A_158 = vector.shape_cast %broadcast_in_dim3A_152 : vector<16xf32> to vector<1x16xf32>
    tpu.vector_store %arg11[%swap3A_154, %swap3A_155], %swap3A_158 {strides = array<i32>} : memref<16x128xf32, #tpu.memory_space<vmem>>, vector<1x16xf32>,
    %broadcast_in_dim3A_159 = arith.constant 0.000000e+00 : f32
    %broadcast_in_dim3A_160 = vector.broadcast %broadcast_in_dim3A_159 : f32 to vector<16xf32>
    %swap3A_161 = arith.constant 2 : i32
    %swap3A_162 = arith.index_cast %swap3A_161 : i32 to index
    %swap3A_163 = arith.constant 64 : index
    %swap3A_164 = tpu.vector_load %arg11[%swap3A_162, %swap3A_163] {strides = array<i32>} : memref<16x128xf32, #tpu.memory_space<vmem>>, vector<1x16xf32>,
    %swap3A_165 = vector.shape_cast %swap3A_164 : vector<1x16xf32> to vector<16xf32>
    %swap3A_166 = vector.shape_cast %broadcast_in_dim3A_160 : vector<16xf32> to vector<1x16xf32>
    tpu.vector_store %arg11[%swap3A_162, %swap3A_163], %swap3A_166 {strides = array<i32>} : memref<16x128xf32, #tpu.memory_space<vmem>>, vector<1x16xf32>,
    %broadcast_in_dim3A_167 = arith.constant 0.000000e+00 : f32
    %broadcast_in_dim3A_168 = vector.broadcast %broadcast_in_dim3A_167 : f32 to vector<16xf32>
    %swap3A_169 = arith.constant 2 : i32
    %swap3A_170 = arith.index_cast %swap3A_169 : i32 to index
    %swap3A_171 = arith.constant 80 : index
    %swap3A_172 = tpu.vector_load %arg11[%swap3A_170, %swap3A_171] {strides = array<i32>} : memref<16x128xf32, #tpu.memory_space<vmem>>, vector<1x16xf32>,
    %swap3A_173 = vector.shape_cast %swap3A_172 : vector<1x16xf32> to vector<16xf32>
    %swap3A_174 = vector.shape_cast %broadcast_in_dim3A_168 : vector<16xf32> to vector<1x16xf32>
    tpu.vector_store %arg11[%swap3A_170, %swap3A_171], %swap3A_174 {strides = array<i32>} : memref<16x128xf32, #tpu.memory_space<vmem>>, vector<1x16xf32>,
    %broadcast_in_dim3A_175 = arith.constant 0.000000e+00 : f32
    %broadcast_in_dim3A_176 = vector.broadcast %broadcast_in_dim3A_175 : f32 to vector<16xf32>
    %swap3A_177 = arith.constant 2 : i32
    %swap3A_178 = arith.index_cast %swap3A_177 : i32 to index
    %swap3A_179 = arith.constant 96 : index
    %swap3A_180 = tpu.vector_load %arg11[%swap3A_178, %swap3A_179] {strides = array<i32>} : memref<16x128xf32, #tpu.memory_space<vmem>>, vector<1x16xf32>,
    %swap3A_181 = vector.shape_cast %swap3A_180 : vector<1x16xf32> to vector<16xf32>
    %swap3A_182 = vector.shape_cast %broadcast_in_dim3A_176 : vector<16xf32> to vector<1x16xf32>
    tpu.vector_store %arg11[%swap3A_178, %swap3A_179], %swap3A_182 {strides = array<i32>} : memref<16x128xf32, #tpu.memory_space<vmem>>, vector<1x16xf32>,
    %broadcast_in_dim3A_183 = arith.constant 0.000000e+00 : f32
    %broadcast_in_dim3A_184 = vector.broadcast %broadcast_in_dim3A_183 : f32 to vector<16xf32>
    %swap3A_185 = arith.constant 2 : i32
    %swap3A_186 = arith.index_cast %swap3A_185 : i32 to index
    %swap3A_187 = arith.constant 112 : index
    %swap3A_188 = tpu.vector_load %arg11[%swap3A_186, %swap3A_187] {strides = array<i32>} : memref<16x128xf32, #tpu.memory_space<vmem>>, vector<1x16xf32>,
    %swap3A_189 = vector.shape_cast %swap3A_188 : vector<1x16xf32> to vector<16xf32>
    %swap3A_190 = vector.shape_cast %broadcast_in_dim3A_184 : vector<16xf32> to vector<1x16xf32>
    tpu.vector_store %arg11[%swap3A_186, %swap3A_187], %swap3A_190 {strides = array<i32>} : memref<16x128xf32, #tpu.memory_space<vmem>>, vector<1x16xf32>,
    %broadcast_in_dim3A_191 = arith.constant 0.000000e+00 : f32
    %broadcast_in_dim3A_192 = vector.broadcast %broadcast_in_dim3A_191 : f32 to vector<16xf32>
    %swap3A_193 = arith.constant 3 : i32
    %swap3A_194 = arith.index_cast %swap3A_193 : i32 to index
    %swap3A_195 = arith.constant 0 : index
    %swap3A_196 = tpu.vector_load %arg11[%swap3A_194, %swap3A_195] {strides = array<i32>} : memref<16x128xf32, #tpu.memory_space<vmem>>, vector<1x16xf32>,
    %swap3A_197 = vector.shape_cast %swap3A_196 : vector<1x16xf32> to vector<16xf32>
    %swap3A_198 = vector.shape_cast %broadcast_in_dim3A_192 : vector<16xf32> to vector<1x16xf32>
    tpu.vector_store %arg11[%swap3A_194, %swap3A_195], %swap3A_198 {strides = array<i32>} : memref<16x128xf32, #tpu.memory_space<vmem>>, vector<1x16xf32>,
    %broadcast_in_dim3A_199 = arith.constant 0.000000e+00 : f32
    %broadcast_in_dim3A_200 = vector.broadcast %broadcast_in_dim3A_199 : f32 to vector<16xf32>
    %swap3A_201 = arith.constant 3 : i32
    %swap3A_202 = arith.index_cast %swap3A_201 : i32 to index
    %swap3A_203 = arith.constant 16 : index
    %swap3A_204 = tpu.vector_load %arg11[%swap3A_202, %swap3A_203] {strides = array<i32>} : memref<16x128xf32, #tpu.memory_space<vmem>>, vector<1x16xf32>,
    %swap3A_205 = vector.shape_cast %swap3A_204 : vector<1x16xf32> to vector<16xf32>
    %swap3A_206 = vector.shape_cast %broadcast_in_dim3A_200 : vector<16xf32> to vector<1x16xf32>
    tpu.vector_store %arg11[%swap3A_202, %swap3A_203], %swap3A_206 {strides = array<i32>} : memref<16x128xf32, #tpu.memory_space<vmem>>, vector<1x16xf32>,
    %broadcast_in_dim3A_207 = arith.constant 0.000000e+00 : f32
    %broadcast_in_dim3A_208 = vector.broadcast %broadcast_in_dim3A_207 : f32 to vector<16xf32>
    %swap3A_209 = arith.constant 3 : i32
    %swap3A_210 = arith.index_cast %swap3A_209 : i32 to index
    %swap3A_211 = arith.constant 32 : index
    %swap3A_212 = tpu.vector_load %arg11[%swap3A_210, %swap3A_211] {strides = array<i32>} : memref<16x128xf32, #tpu.memory_space<vmem>>, vector<1x16xf32>,
    %swap3A_213 = vector.shape_cast %swap3A_212 : vector<1x16xf32> to vector<16xf32>
    %swap3A_214 = vector.shape_cast %broadcast_in_dim3A_208 : vector<16xf32> to vector<1x16xf32>
    tpu.vector_store %arg11[%swap3A_210, %swap3A_211], %swap3A_214 {strides = array<i32>} : memref<16x128xf32, #tpu.memory_space<vmem>>, vector<1x16xf32>,
    %broadcast_in_dim3A_215 = arith.constant 0.000000e+00 : f32
    %broadcast_in_dim3A_216 = vector.broadcast %broadcast_in_dim3A_215 : f32 to vector<16xf32>
    %swap3A_217 = arith.constant 3 : i32
    %swap3A_218 = arith.index_cast %swap3A_217 : i32 to index
    %swap3A_219 = arith.constant 48 : index
    %swap3A_220 = tpu.vector_load %arg11[%swap3A_218, %swap3A_219] {strides = array<i32>} : memref<16x128xf32, #tpu.memory_space<vmem>>, vector<1x16xf32>,
    %swap3A_221 = vector.shape_cast %swap3A_220 : vector<1x16xf32> to vector<16xf32>
    %swap3A_222 = vector.shape_cast %broadcast_in_dim3A_216 : vector<16xf32> to vector<1x16xf32>
    tpu.vector_store %arg11[%swap3A_218, %swap3A_219], %swap3A_222 {strides = array<i32>} : memref<16x128xf32, #tpu.memory_space<vmem>>, vector<1x16xf32>,
    %broadcast_in_dim3A_223 = arith.constant 0.000000e+00 : f32
    %broadcast_in_dim3A_224 = vector.broadcast %broadcast_in_dim3A_223 : f32 to vector<16xf32>
    %swap3A_225 = arith.constant 3 : i32
    %swap3A_226 = arith.index_cast %swap3A_225 : i32 to index
    %swap3A_227 = arith.constant 64 : index
    %swap3A_228 = tpu.vector_load %arg11[%swap3A_226, %swap3A_227] {strides = array<i32>} : memref<16x128xf32, #tpu.memory_space<vmem>>, vector<1x16xf32>,
    %swap3A_229 = vector.shape_cast %swap3A_228 : vector<1x16xf32> to vector<16xf32>
    %swap3A_230 = vector.shape_cast %broadcast_in_dim3A_224 : vector<16xf32> to vector<1x16xf32>
    tpu.vector_store %arg11[%swap3A_226, %swap3A_227], %swap3A_230 {strides = array<i32>} : memref<16x128xf32, #tpu.memory_space<vmem>>, vector<1x16xf32>,
    %broadcast_in_dim3A_231 = arith.constant 0.000000e+00 : f32
    %broadcast_in_dim3A_232 = vector.broadcast %broadcast_in_dim3A_231 : f32 to vector<16xf32>
    %swap3A_233 = arith.constant 3 : i32
    %swap3A_234 = arith.index_cast %swap3A_233 : i32 to index
    %swap3A_235 = arith.constant 80 : index
    %swap3A_236 = tpu.vector_load %arg11[%swap3A_234, %swap3A_235] {strides = array<i32>} : memref<16x128xf32, #tpu.memory_space<vmem>>, vector<1x16xf32>,
    %swap3A_237 = vector.shape_cast %swap3A_236 : vector<1x16xf32> to vector<16xf32>
    %swap3A_238 = vector.shape_cast %broadcast_in_dim3A_232 : vector<16xf32> to vector<1x16xf32>
    tpu.vector_store %arg11[%swap3A_234, %swap3A_235], %swap3A_238 {strides = array<i32>} : memref<16x128xf32, #tpu.memory_space<vmem>>, vector<1x16xf32>,
    %broadcast_in_dim3A_239 = arith.constant 0.000000e+00 : f32
    %broadcast_in_dim3A_240 = vector.broadcast %broadcast_in_dim3A_239 : f32 to vector<16xf32>
    %swap3A_241 = arith.constant 3 : i32
    %swap3A_242 = arith.index_cast %swap3A_241 : i32 to index
    %swap3A_243 = arith.constant 96 : index
    %swap3A_244 = tpu.vector_load %arg11[%swap3A_242, %swap3A_243] {strides = array<i32>} : memref<16x128xf32, #tpu.memory_space<vmem>>, vector<1x16xf32>,
    %swap3A_245 = vector.shape_cast %swap3A_244 : vector<1x16xf32> to vector<16xf32>
    %swap3A_246 = vector.shape_cast %broadcast_in_dim3A_240 : vector<16xf32> to vector<1x16xf32>
    tpu.vector_store %arg11[%swap3A_242, %swap3A_243], %swap3A_246 {strides = array<i32>} : memref<16x128xf32, #tpu.memory_space<vmem>>, vector<1x16xf32>,
    %broadcast_in_dim3A_247 = arith.constant 0.000000e+00 : f32
    %broadcast_in_dim3A_248 = vector.broadcast %broadcast_in_dim3A_247 : f32 to vector<16xf32>
    %swap3A_249 = arith.constant 3 : i32
    %swap3A_250 = arith.index_cast %swap3A_249 : i32 to index
    %swap3A_251 = arith.constant 112 : index
    %swap3A_252 = tpu.vector_load %arg11[%swap3A_250, %swap3A_251] {strides = array<i32>} : memref<16x128xf32, #tpu.memory_space<vmem>>, vector<1x16xf32>,
    %swap3A_253 = vector.shape_cast %swap3A_252 : vector<1x16xf32> to vector<16xf32>
    %swap3A_254 = vector.shape_cast %broadcast_in_dim3A_248 : vector<16xf32> to vector<1x16xf32>
    tpu.vector_store %arg11[%swap3A_250, %swap3A_251], %swap3A_254 {strides = array<i32>} : memref<16x128xf32, #tpu.memory_space<vmem>>, vector<1x16xf32>,
    %broadcast_in_dim3A_255 = arith.constant 0.000000e+00 : f32
    %broadcast_in_dim3A_256 = vector.broadcast %broadcast_in_dim3A_255 : f32 to vector<16xf32>
    %swap3A_257 = arith.constant 4 : i32
    %swap3A_258 = arith.index_cast %swap3A_257 : i32 to index
    %swap3A_259 = arith.constant 0 : index
    %swap3A_260 = tpu.vector_load %arg11[%swap3A_258, %swap3A_259] {strides = array<i32>} : memref<16x128xf32, #tpu.memory_space<vmem>>, vector<1x16xf32>,
    %swap3A_261 = vector.shape_cast %swap3A_260 : vector<1x16xf32> to vector<16xf32>
    %swap3A_262 = vector.shape_cast %broadcast_in_dim3A_256 : vector<16xf32> to vector<1x16xf32>
    tpu.vector_store %arg11[%swap3A_258, %swap3A_259], %swap3A_262 {strides = array<i32>} : memref<16x128xf32, #tpu.memory_space<vmem>>, vector<1x16xf32>,
    %broadcast_in_dim3A_263 = arith.constant 0.000000e+00 : f32
    %broadcast_in_dim3A_264 = vector.broadcast %broadcast_in_dim3A_263 : f32 to vector<16xf32>
    %swap3A_265 = arith.constant 4 : i32
    %swap3A_266 = arith.index_cast %swap3A_265 : i32 to index
    %swap3A_267 = arith.constant 16 : index
    %swap3A_268 = tpu.vector_load %arg11[%swap3A_266, %swap3A_267] {strides = array<i32>} : memref<16x128xf32, #tpu.memory_space<vmem>>, vector<1x16xf32>,
    %swap3A_269 = vector.shape_cast %swap3A_268 : vector<1x16xf32> to vector<16xf32>
    %swap3A_270 = vector.shape_cast %broadcast_in_dim3A_264 : vector<16xf32> to vector<1x16xf32>
    tpu.vector_store %arg11[%swap3A_266, %swap3A_267], %swap3A_270 {strides = array<i32>} : memref<16x128xf32, #tpu.memory_space<vmem>>, vector<1x16xf32>,
    %broadcast_in_dim3A_271 = arith.constant 0.000000e+00 : f32
    %broadcast_in_dim3A_272 = vector.broadcast %broadcast_in_dim3A_271 : f32 to vector<16xf32>
    %swap3A_273 = arith.constant 4 : i32
    %swap3A_274 = arith.index_cast %swap3A_273 : i32 to index
    %swap3A_275 = arith.constant 32 : index
    %swap3A_276 = tpu.vector_load %arg11[%swap3A_274, %swap3A_275] {strides = array<i32>} : memref<16x128xf32, #tpu.memory_space<vmem>>, vector<1x16xf32>,
    %swap3A_277 = vector.shape_cast %swap3A_276 : vector<1x16xf32> to vector<16xf32>
    %swap3A_278 = vector.shape_cast %broadcast_in_dim3A_272 : vector<16xf32> to vector<1x16xf32>
    tpu.vector_store %arg11[%swap3A_274, %swap3A_275], %swap3A_278 {strides = array<i32>} : memref<16x128xf32, #tpu.memory_space<vmem>>, vector<1x16xf32>,
    %broadcast_in_dim3A_279 = arith.constant 0.000000e+00 : f32
    %broadcast_in_dim3A_280 = vector.broadcast %broadcast_in_dim3A_279 : f32 to vector<16xf32>
    %swap3A_281 = arith.constant 4 : i32
    %swap3A_282 = arith.index_cast %swap3A_281 : i32 to index
    %swap3A_283 = arith.constant 48 : index
    %swap3A_284 = tpu.vector_load %arg11[%swap3A_282, %swap3A_283] {strides = array<i32>} : memref<16x128xf32, #tpu.memory_space<vmem>>, vector<1x16xf32>,
    %swap3A_285 = vector.shape_cast %swap3A_284 : vector<1x16xf32> to vector<16xf32>
    %swap3A_286 = vector.shape_cast %broadcast_in_dim3A_280 : vector<16xf32> to vector<1x16xf32>
    tpu.vector_store %arg11[%swap3A_282, %swap3A_283], %swap3A_286 {strides = array<i32>} : memref<16x128xf32, #tpu.memory_space<vmem>>, vector<1x16xf32>,
    %broadcast_in_dim3A_287 = arith.constant 0.000000e+00 : f32
    %broadcast_in_dim3A_288 = vector.broadcast %broadcast_in_dim3A_287 : f32 to vector<16xf32>
    %swap3A_289 = arith.constant 4 : i32
    %swap3A_290 = arith.index_cast %swap3A_289 : i32 to index
    %swap3A_291 = arith.constant 64 : index
    %swap3A_292 = tpu.vector_load %arg11[%swap3A_290, %swap3A_291] {strides = array<i32>} : memref<16x128xf32, #tpu.memory_space<vmem>>, vector<1x16xf32>,
    %swap3A_293 = vector.shape_cast %swap3A_292 : vector<1x16xf32> to vector<16xf32>
    %swap3A_294 = vector.shape_cast %broadcast_in_dim3A_288 : vector<16xf32> to vector<1x16xf32>
    tpu.vector_store %arg11[%swap3A_290, %swap3A_291], %swap3A_294 {strides = array<i32>} : memref<16x128xf32, #tpu.memory_space<vmem>>, vector<1x16xf32>,
    %broadcast_in_dim3A_295 = arith.constant 0.000000e+00 : f32
    %broadcast_in_dim3A_296 = vector.broadcast %broadcast_in_dim3A_295 : f32 to vector<16xf32>
    %swap3A_297 = arith.constant 4 : i32
    %swap3A_298 = arith.index_cast %swap3A_297 : i32 to index
    %swap3A_299 = arith.constant 80 : index
    %swap3A_300 = tpu.vector_load %arg11[%swap3A_298, %swap3A_299] {strides = array<i32>} : memref<16x128xf32, #tpu.memory_space<vmem>>, vector<1x16xf32>,
    %swap3A_301 = vector.shape_cast %swap3A_300 : vector<1x16xf32> to vector<16xf32>
    %swap3A_302 = vector.shape_cast %broadcast_in_dim3A_296 : vector<16xf32> to vector<1x16xf32>
    tpu.vector_store %arg11[%swap3A_298, %swap3A_299], %swap3A_302 {strides = array<i32>} : memref<16x128xf32, #tpu.memory_space<vmem>>, vector<1x16xf32>,
    %broadcast_in_dim3A_303 = arith.constant 0.000000e+00 : f32
    %broadcast_in_dim3A_304 = vector.broadcast %broadcast_in_dim3A_303 : f32 to vector<16xf32>
    %swap3A_305 = arith.constant 4 : i32
    %swap3A_306 = arith.index_cast %swap3A_305 : i32 to index
    %swap3A_307 = arith.constant 96 : index
    %swap3A_308 = tpu.vector_load %arg11[%swap3A_306, %swap3A_307] {strides = array<i32>} : memref<16x128xf32, #tpu.memory_space<vmem>>, vector<1x16xf32>,
    %swap3A_309 = vector.shape_cast %swap3A_308 : vector<1x16xf32> to vector<16xf32>
    %swap3A_310 = vector.shape_cast %broadcast_in_dim3A_304 : vector<16xf32> to vector<1x16xf32>
    tpu.vector_store %arg11[%swap3A_306, %swap3A_307], %swap3A_310 {strides = array<i32>} : memref<16x128xf32, #tpu.memory_space<vmem>>, vector<1x16xf32>,
    %broadcast_in_dim3A_311 = arith.constant 0.000000e+00 : f32
    %broadcast_in_dim3A_312 = vector.broadcast %broadcast_in_dim3A_311 : f32 to vector<16xf32>
    %swap3A_313 = arith.constant 4 : i32
    %swap3A_314 = arith.index_cast %swap3A_313 : i32 to index
    %swap3A_315 = arith.constant 112 : index
    %swap3A_316 = tpu.vector_load %arg11[%swap3A_314, %swap3A_315] {strides = array<i32>} : memref<16x128xf32, #tpu.memory_space<vmem>>, vector<1x16xf32>,
    %swap3A_317 = vector.shape_cast %swap3A_316 : vector<1x16xf32> to vector<16xf32>
    %swap3A_318 = vector.shape_cast %broadcast_in_dim3A_312 : vector<16xf32> to vector<1x16xf32>
    tpu.vector_store %arg11[%swap3A_314, %swap3A_315], %swap3A_318 {strides = array<i32>} : memref<16x128xf32, #tpu.memory_space<vmem>>, vector<1x16xf32>,
    %broadcast_in_dim3A_319 = arith.constant 0.000000e+00 : f32
    %broadcast_in_dim3A_320 = vector.broadcast %broadcast_in_dim3A_319 : f32 to vector<16xf32>
    %swap3A_321 = arith.constant 5 : i32
    %swap3A_322 = arith.index_cast %swap3A_321 : i32 to index
    %swap3A_323 = arith.constant 0 : index
    %swap3A_324 = tpu.vector_load %arg11[%swap3A_322, %swap3A_323] {strides = array<i32>} : memref<16x128xf32, #tpu.memory_space<vmem>>, vector<1x16xf32>,
    %swap3A_325 = vector.shape_cast %swap3A_324 : vector<1x16xf32> to vector<16xf32>
    %swap3A_326 = vector.shape_cast %broadcast_in_dim3A_320 : vector<16xf32> to vector<1x16xf32>
    tpu.vector_store %arg11[%swap3A_322, %swap3A_323], %swap3A_326 {strides = array<i32>} : memref<16x128xf32, #tpu.memory_space<vmem>>, vector<1x16xf32>,
    %broadcast_in_dim3A_327 = arith.constant 0.000000e+00 : f32
    %broadcast_in_dim3A_328 = vector.broadcast %broadcast_in_dim3A_327 : f32 to vector<16xf32>
    %swap3A_329 = arith.constant 5 : i32
    %swap3A_330 = arith.index_cast %swap3A_329 : i32 to index
    %swap3A_331 = arith.constant 16 : index
    %swap3A_332 = tpu.vector_load %arg11[%swap3A_330, %swap3A_331] {strides = array<i32>} : memref<16x128xf32, #tpu.memory_space<vmem>>, vector<1x16xf32>,
    %swap3A_333 = vector.shape_cast %swap3A_332 : vector<1x16xf32> to vector<16xf32>
    %swap3A_334 = vector.shape_cast %broadcast_in_dim3A_328 : vector<16xf32> to vector<1x16xf32>
    tpu.vector_store %arg11[%swap3A_330, %swap3A_331], %swap3A_334 {strides = array<i32>} : memref<16x128xf32, #tpu.memory_space<vmem>>, vector<1x16xf32>,
    %broadcast_in_dim3A_335 = arith.constant 0.000000e+00 : f32
    %broadcast_in_dim3A_336 = vector.broadcast %broadcast_in_dim3A_335 : f32 to vector<16xf32>
    %swap3A_337 = arith.constant 5 : i32
    %swap3A_338 = arith.index_cast %swap3A_337 : i32 to index
    %swap3A_339 = arith.constant 32 : index
    %swap3A_340 = tpu.vector_load %arg11[%swap3A_338, %swap3A_339] {strides = array<i32>} : memref<16x128xf32, #tpu.memory_space<vmem>>, vector<1x16xf32>,
    %swap3A_341 = vector.shape_cast %swap3A_340 : vector<1x16xf32> to vector<16xf32>
    %swap3A_342 = vector.shape_cast %broadcast_in_dim3A_336 : vector<16xf32> to vector<1x16xf32>
    tpu.vector_store %arg11[%swap3A_338, %swap3A_339], %swap3A_342 {strides = array<i32>} : memref<16x128xf32, #tpu.memory_space<vmem>>, vector<1x16xf32>,
    %broadcast_in_dim3A_343 = arith.constant 0.000000e+00 : f32
    %broadcast_in_dim3A_344 = vector.broadcast %broadcast_in_dim3A_343 : f32 to vector<16xf32>
    %swap3A_345 = arith.constant 5 : i32
    %swap3A_346 = arith.index_cast %swap3A_345 : i32 to index
    %swap3A_347 = arith.constant 48 : index
    %swap3A_348 = tpu.vector_load %arg11[%swap3A_346, %swap3A_347] {strides = array<i32>} : memref<16x128xf32, #tpu.memory_space<vmem>>, vector<1x16xf32>,
    %swap3A_349 = vector.shape_cast %swap3A_348 : vector<1x16xf32> to vector<16xf32>
    %swap3A_350 = vector.shape_cast %broadcast_in_dim3A_344 : vector<16xf32> to vector<1x16xf32>
    tpu.vector_store %arg11[%swap3A_346, %swap3A_347], %swap3A_350 {strides = array<i32>} : memref<16x128xf32, #tpu.memory_space<vmem>>, vector<1x16xf32>,
    %broadcast_in_dim3A_351 = arith.constant 0.000000e+00 : f32
    %broadcast_in_dim3A_352 = vector.broadcast %broadcast_in_dim3A_351 : f32 to vector<16xf32>
    %swap3A_353 = arith.constant 5 : i32
    %swap3A_354 = arith.index_cast %swap3A_353 : i32 to index
    %swap3A_355 = arith.constant 64 : index
    %swap3A_356 = tpu.vector_load %arg11[%swap3A_354, %swap3A_355] {strides = array<i32>} : memref<16x128xf32, #tpu.memory_space<vmem>>, vector<1x16xf32>,
    %swap3A_357 = vector.shape_cast %swap3A_356 : vector<1x16xf32> to vector<16xf32>
    %swap3A_358 = vector.shape_cast %broadcast_in_dim3A_352 : vector<16xf32> to vector<1x16xf32>
    tpu.vector_store %arg11[%swap3A_354, %swap3A_355], %swap3A_358 {strides = array<i32>} : memref<16x128xf32, #tpu.memory_space<vmem>>, vector<1x16xf32>,
    %broadcast_in_dim3A_359 = arith.constant 0.000000e+00 : f32
    %broadcast_in_dim3A_360 = vector.broadcast %broadcast_in_dim3A_359 : f32 to vector<16xf32>
    %swap3A_361 = arith.constant 5 : i32
    %swap3A_362 = arith.index_cast %swap3A_361 : i32 to index
    %swap3A_363 = arith.constant 80 : index
    %swap3A_364 = tpu.vector_load %arg11[%swap3A_362, %swap3A_363] {strides = array<i32>} : memref<16x128xf32, #tpu.memory_space<vmem>>, vector<1x16xf32>,
    %swap3A_365 = vector.shape_cast %swap3A_364 : vector<1x16xf32> to vector<16xf32>
    %swap3A_366 = vector.shape_cast %broadcast_in_dim3A_360 : vector<16xf32> to vector<1x16xf32>
    tpu.vector_store %arg11[%swap3A_362, %swap3A_363], %swap3A_366 {strides = array<i32>} : memref<16x128xf32, #tpu.memory_space<vmem>>, vector<1x16xf32>,
    %broadcast_in_dim3A_367 = arith.constant 0.000000e+00 : f32
    %broadcast_in_dim3A_368 = vector.broadcast %broadcast_in_dim3A_367 : f32 to vector<16xf32>
    %swap3A_369 = arith.constant 5 : i32
    %swap3A_370 = arith.index_cast %swap3A_369 : i32 to index
    %swap3A_371 = arith.constant 96 : index
    %swap3A_372 = tpu.vector_load %arg11[%swap3A_370, %swap3A_371] {strides = array<i32>} : memref<16x128xf32, #tpu.memory_space<vmem>>, vector<1x16xf32>,
    %swap3A_373 = vector.shape_cast %swap3A_372 : vector<1x16xf32> to vector<16xf32>
    %swap3A_374 = vector.shape_cast %broadcast_in_dim3A_368 : vector<16xf32> to vector<1x16xf32>
    tpu.vector_store %arg11[%swap3A_370, %swap3A_371], %swap3A_374 {strides = array<i32>} : memref<16x128xf32, #tpu.memory_space<vmem>>, vector<1x16xf32>,
    %broadcast_in_dim3A_375 = arith.constant 0.000000e+00 : f32
    %broadcast_in_dim3A_376 = vector.broadcast %broadcast_in_dim3A_375 : f32 to vector<16xf32>
    %swap3A_377 = arith.constant 5 : i32
    %swap3A_378 = arith.index_cast %swap3A_377 : i32 to index
    %swap3A_379 = arith.constant 112 : index
    %swap3A_380 = tpu.vector_load %arg11[%swap3A_378, %swap3A_379] {strides = array<i32>} : memref<16x128xf32, #tpu.memory_space<vmem>>, vector<1x16xf32>,
    %swap3A_381 = vector.shape_cast %swap3A_380 : vector<1x16xf32> to vector<16xf32>
    %swap3A_382 = vector.shape_cast %broadcast_in_dim3A_376 : vector<16xf32> to vector<1x16xf32>
    tpu.vector_store %arg11[%swap3A_378, %swap3A_379], %swap3A_382 {strides = array<i32>} : memref<16x128xf32, #tpu.memory_space<vmem>>, vector<1x16xf32>,
    %broadcast_in_dim3A_383 = arith.constant 0.000000e+00 : f32
    %broadcast_in_dim3A_384 = vector.broadcast %broadcast_in_dim3A_383 : f32 to vector<16xf32>
    %swap3A_385 = arith.constant 6 : i32
    %swap3A_386 = arith.index_cast %swap3A_385 : i32 to index
    %swap3A_387 = arith.constant 0 : index
    %swap3A_388 = tpu.vector_load %arg11[%swap3A_386, %swap3A_387] {strides = array<i32>} : memref<16x128xf32, #tpu.memory_space<vmem>>, vector<1x16xf32>,
    %swap3A_389 = vector.shape_cast %swap3A_388 : vector<1x16xf32> to vector<16xf32>
    %swap3A_390 = vector.shape_cast %broadcast_in_dim3A_384 : vector<16xf32> to vector<1x16xf32>
    tpu.vector_store %arg11[%swap3A_386, %swap3A_387], %swap3A_390 {strides = array<i32>} : memref<16x128xf32, #tpu.memory_space<vmem>>, vector<1x16xf32>,
    %broadcast_in_dim3A_391 = arith.constant 0.000000e+00 : f32
    %broadcast_in_dim3A_392 = vector.broadcast %broadcast_in_dim3A_391 : f32 to vector<16xf32>
    %swap3A_393 = arith.constant 6 : i32
    %swap3A_394 = arith.index_cast %swap3A_393 : i32 to index
    %swap3A_395 = arith.constant 16 : index
    %swap3A_396 = tpu.vector_load %arg11[%swap3A_394, %swap3A_395] {strides = array<i32>} : memref<16x128xf32, #tpu.memory_space<vmem>>, vector<1x16xf32>,
    %swap3A_397 = vector.shape_cast %swap3A_396 : vector<1x16xf32> to vector<16xf32>
    %swap3A_398 = vector.shape_cast %broadcast_in_dim3A_392 : vector<16xf32> to vector<1x16xf32>
    tpu.vector_store %arg11[%swap3A_394, %swap3A_395], %swap3A_398 {strides = array<i32>} : memref<16x128xf32, #tpu.memory_space<vmem>>, vector<1x16xf32>,
    %broadcast_in_dim3A_399 = arith.constant 0.000000e+00 : f32
    %broadcast_in_dim3A_400 = vector.broadcast %broadcast_in_dim3A_399 : f32 to vector<16xf32>
    %swap3A_401 = arith.constant 6 : i32
    %swap3A_402 = arith.index_cast %swap3A_401 : i32 to index
    %swap3A_403 = arith.constant 32 : index
    %swap3A_404 = tpu.vector_load %arg11[%swap3A_402, %swap3A_403] {strides = array<i32>} : memref<16x128xf32, #tpu.memory_space<vmem>>, vector<1x16xf32>,
    %swap3A_405 = vector.shape_cast %swap3A_404 : vector<1x16xf32> to vector<16xf32>
    %swap3A_406 = vector.shape_cast %broadcast_in_dim3A_400 : vector<16xf32> to vector<1x16xf32>
    tpu.vector_store %arg11[%swap3A_402, %swap3A_403], %swap3A_406 {strides = array<i32>} : memref<16x128xf32, #tpu.memory_space<vmem>>, vector<1x16xf32>,
    %broadcast_in_dim3A_407 = arith.constant 0.000000e+00 : f32
    %broadcast_in_dim3A_408 = vector.broadcast %broadcast_in_dim3A_407 : f32 to vector<16xf32>
    %swap3A_409 = arith.constant 6 : i32
    %swap3A_410 = arith.index_cast %swap3A_409 : i32 to index
    %swap3A_411 = arith.constant 48 : index
    %swap3A_412 = tpu.vector_load %arg11[%swap3A_410, %swap3A_411] {strides = array<i32>} : memref<16x128xf32, #tpu.memory_space<vmem>>, vector<1x16xf32>,
    %swap3A_413 = vector.shape_cast %swap3A_412 : vector<1x16xf32> to vector<16xf32>
    %swap3A_414 = vector.shape_cast %broadcast_in_dim3A_408 : vector<16xf32> to vector<1x16xf32>
    tpu.vector_store %arg11[%swap3A_410, %swap3A_411], %swap3A_414 {strides = array<i32>} : memref<16x128xf32, #tpu.memory_space<vmem>>, vector<1x16xf32>,
    %broadcast_in_dim3A_415 = arith.constant 0.000000e+00 : f32
    %broadcast_in_dim3A_416 = vector.broadcast %broadcast_in_dim3A_415 : f32 to vector<16xf32>
    %swap3A_417 = arith.constant 6 : i32
    %swap3A_418 = arith.index_cast %swap3A_417 : i32 to index
    %swap3A_419 = arith.constant 64 : index
    %swap3A_420 = tpu.vector_load %arg11[%swap3A_418, %swap3A_419] {strides = array<i32>} : memref<16x128xf32, #tpu.memory_space<vmem>>, vector<1x16xf32>,
    %swap3A_421 = vector.shape_cast %swap3A_420 : vector<1x16xf32> to vector<16xf32>
    %swap3A_422 = vector.shape_cast %broadcast_in_dim3A_416 : vector<16xf32> to vector<1x16xf32>
    tpu.vector_store %arg11[%swap3A_418, %swap3A_419], %swap3A_422 {strides = array<i32>} : memref<16x128xf32, #tpu.memory_space<vmem>>, vector<1x16xf32>,
    %broadcast_in_dim3A_423 = arith.constant 0.000000e+00 : f32
    %broadcast_in_dim3A_424 = vector.broadcast %broadcast_in_dim3A_423 : f32 to vector<16xf32>
    %swap3A_425 = arith.constant 6 : i32
    %swap3A_426 = arith.index_cast %swap3A_425 : i32 to index
    %swap3A_427 = arith.constant 80 : index
    %swap3A_428 = tpu.vector_load %arg11[%swap3A_426, %swap3A_427] {strides = array<i32>} : memref<16x128xf32, #tpu.memory_space<vmem>>, vector<1x16xf32>,
    %swap3A_429 = vector.shape_cast %swap3A_428 : vector<1x16xf32> to vector<16xf32>
    %swap3A_430 = vector.shape_cast %broadcast_in_dim3A_424 : vector<16xf32> to vector<1x16xf32>
    tpu.vector_store %arg11[%swap3A_426, %swap3A_427], %swap3A_430 {strides = array<i32>} : memref<16x128xf32, #tpu.memory_space<vmem>>, vector<1x16xf32>,
    %broadcast_in_dim3A_431 = arith.constant 0.000000e+00 : f32
    %broadcast_in_dim3A_432 = vector.broadcast %broadcast_in_dim3A_431 : f32 to vector<16xf32>
    %swap3A_433 = arith.constant 6 : i32
    %swap3A_434 = arith.index_cast %swap3A_433 : i32 to index
    %swap3A_435 = arith.constant 96 : index
    %swap3A_436 = tpu.vector_load %arg11[%swap3A_434, %swap3A_435] {strides = array<i32>} : memref<16x128xf32, #tpu.memory_space<vmem>>, vector<1x16xf32>,
    %swap3A_437 = vector.shape_cast %swap3A_436 : vector<1x16xf32> to vector<16xf32>
    %swap3A_438 = vector.shape_cast %broadcast_in_dim3A_432 : vector<16xf32> to vector<1x16xf32>
    tpu.vector_store %arg11[%swap3A_434, %swap3A_435], %swap3A_438 {strides = array<i32>} : memref<16x128xf32, #tpu.memory_space<vmem>>, vector<1x16xf32>,
    %broadcast_in_dim3A_439 = arith.constant 0.000000e+00 : f32
    %broadcast_in_dim3A_440 = vector.broadcast %broadcast_in_dim3A_439 : f32 to vector<16xf32>
    %swap3A_441 = arith.constant 6 : i32
    %swap3A_442 = arith.index_cast %swap3A_441 : i32 to index
    %swap3A_443 = arith.constant 112 : index
    %swap3A_444 = tpu.vector_load %arg11[%swap3A_442, %swap3A_443] {strides = array<i32>} : memref<16x128xf32, #tpu.memory_space<vmem>>, vector<1x16xf32>,
    %swap3A_445 = vector.shape_cast %swap3A_444 : vector<1x16xf32> to vector<16xf32>
    %swap3A_446 = vector.shape_cast %broadcast_in_dim3A_440 : vector<16xf32> to vector<1x16xf32>
    tpu.vector_store %arg11[%swap3A_442, %swap3A_443], %swap3A_446 {strides = array<i32>} : memref<16x128xf32, #tpu.memory_space<vmem>>, vector<1x16xf32>,
    %broadcast_in_dim3A_447 = arith.constant 0.000000e+00 : f32
    %broadcast_in_dim3A_448 = vector.broadcast %broadcast_in_dim3A_447 : f32 to vector<16xf32>
    %swap3A_449 = arith.constant 7 : i32
    %swap3A_450 = arith.index_cast %swap3A_449 : i32 to index
    %swap3A_451 = arith.constant 0 : index
    %swap3A_452 = tpu.vector_load %arg11[%swap3A_450, %swap3A_451] {strides = array<i32>} : memref<16x128xf32, #tpu.memory_space<vmem>>, vector<1x16xf32>,
    %swap3A_453 = vector.shape_cast %swap3A_452 : vector<1x16xf32> to vector<16xf32>
    %swap3A_454 = vector.shape_cast %broadcast_in_dim3A_448 : vector<16xf32> to vector<1x16xf32>
    tpu.vector_store %arg11[%swap3A_450, %swap3A_451], %swap3A_454 {strides = array<i32>} : memref<16x128xf32, #tpu.memory_space<vmem>>, vector<1x16xf32>,
    %broadcast_in_dim3A_455 = arith.constant 0.000000e+00 : f32
    %broadcast_in_dim3A_456 = vector.broadcast %broadcast_in_dim3A_455 : f32 to vector<16xf32>
    %swap3A_457 = arith.constant 7 : i32
    %swap3A_458 = arith.index_cast %swap3A_457 : i32 to index
    %swap3A_459 = arith.constant 16 : index
    %swap3A_460 = tpu.vector_load %arg11[%swap3A_458, %swap3A_459] {strides = array<i32>} : memref<16x128xf32, #tpu.memory_space<vmem>>, vector<1x16xf32>,
    %swap3A_461 = vector.shape_cast %swap3A_460 : vector<1x16xf32> to vector<16xf32>
    %swap3A_462 = vector.shape_cast %broadcast_in_dim3A_456 : vector<16xf32> to vector<1x16xf32>
    tpu.vector_store %arg11[%swap3A_458, %swap3A_459], %swap3A_462 {strides = array<i32>} : memref<16x128xf32, #tpu.memory_space<vmem>>, vector<1x16xf32>,
    %broadcast_in_dim3A_463 = arith.constant 0.000000e+00 : f32
    %broadcast_in_dim3A_464 = vector.broadcast %broadcast_in_dim3A_463 : f32 to vector<16xf32>
    %swap3A_465 = arith.constant 7 : i32
    %swap3A_466 = arith.index_cast %swap3A_465 : i32 to index
    %swap3A_467 = arith.constant 32 : index
    %swap3A_468 = tpu.vector_load %arg11[%swap3A_466, %swap3A_467] {strides = array<i32>} : memref<16x128xf32, #tpu.memory_space<vmem>>, vector<1x16xf32>,
    %swap3A_469 = vector.shape_cast %swap3A_468 : vector<1x16xf32> to vector<16xf32>
    %swap3A_470 = vector.shape_cast %broadcast_in_dim3A_464 : vector<16xf32> to vector<1x16xf32>
    tpu.vector_store %arg11[%swap3A_466, %swap3A_467], %swap3A_470 {strides = array<i32>} : memref<16x128xf32, #tpu.memory_space<vmem>>, vector<1x16xf32>,
    %broadcast_in_dim3A_471 = arith.constant 0.000000e+00 : f32
    %broadcast_in_dim3A_472 = vector.broadcast %broadcast_in_dim3A_471 : f32 to vector<16xf32>
    %swap3A_473 = arith.constant 7 : i32
    %swap3A_474 = arith.index_cast %swap3A_473 : i32 to index
    %swap3A_475 = arith.constant 48 : index
    %swap3A_476 = tpu.vector_load %arg11[%swap3A_474, %swap3A_475] {strides = array<i32>} : memref<16x128xf32, #tpu.memory_space<vmem>>, vector<1x16xf32>,
    %swap3A_477 = vector.shape_cast %swap3A_476 : vector<1x16xf32> to vector<16xf32>
    %swap3A_478 = vector.shape_cast %broadcast_in_dim3A_472 : vector<16xf32> to vector<1x16xf32>
    tpu.vector_store %arg11[%swap3A_474, %swap3A_475], %swap3A_478 {strides = array<i32>} : memref<16x128xf32, #tpu.memory_space<vmem>>, vector<1x16xf32>,
    %broadcast_in_dim3A_479 = arith.constant 0.000000e+00 : f32
    %broadcast_in_dim3A_480 = vector.broadcast %broadcast_in_dim3A_479 : f32 to vector<16xf32>
    %swap3A_481 = arith.constant 7 : i32
    %swap3A_482 = arith.index_cast %swap3A_481 : i32 to index
    %swap3A_483 = arith.constant 64 : index
    %swap3A_484 = tpu.vector_load %arg11[%swap3A_482, %swap3A_483] {strides = array<i32>} : memref<16x128xf32, #tpu.memory_space<vmem>>, vector<1x16xf32>,
    %swap3A_485 = vector.shape_cast %swap3A_484 : vector<1x16xf32> to vector<16xf32>
    %swap3A_486 = vector.shape_cast %broadcast_in_dim3A_480 : vector<16xf32> to vector<1x16xf32>
    tpu.vector_store %arg11[%swap3A_482, %swap3A_483], %swap3A_486 {strides = array<i32>} : memref<16x128xf32, #tpu.memory_space<vmem>>, vector<1x16xf32>,
    %broadcast_in_dim3A_487 = arith.constant 0.000000e+00 : f32
    %broadcast_in_dim3A_488 = vector.broadcast %broadcast_in_dim3A_487 : f32 to vector<16xf32>
    %swap3A_489 = arith.constant 7 : i32
    %swap3A_490 = arith.index_cast %swap3A_489 : i32 to index
    %swap3A_491 = arith.constant 80 : index
    %swap3A_492 = tpu.vector_load %arg11[%swap3A_490, %swap3A_491] {strides = array<i32>} : memref<16x128xf32, #tpu.memory_space<vmem>>, vector<1x16xf32>,
    %swap3A_493 = vector.shape_cast %swap3A_492 : vector<1x16xf32> to vector<16xf32>
    %swap3A_494 = vector.shape_cast %broadcast_in_dim3A_488 : vector<16xf32> to vector<1x16xf32>
    tpu.vector_store %arg11[%swap3A_490, %swap3A_491], %swap3A_494 {strides = array<i32>} : memref<16x128xf32, #tpu.memory_space<vmem>>, vector<1x16xf32>,
    %broadcast_in_dim3A_495 = arith.constant 0.000000e+00 : f32
    %broadcast_in_dim3A_496 = vector.broadcast %broadcast_in_dim3A_495 : f32 to vector<16xf32>
    %swap3A_497 = arith.constant 7 : i32
    %swap3A_498 = arith.index_cast %swap3A_497 : i32 to index
    %swap3A_499 = arith.constant 96 : index
    %swap3A_500 = tpu.vector_load %arg11[%swap3A_498, %swap3A_499] {strides = array<i32>} : memref<16x128xf32, #tpu.memory_space<vmem>>, vector<1x16xf32>,
    %swap3A_501 = vector.shape_cast %swap3A_500 : vector<1x16xf32> to vector<16xf32>
    %swap3A_502 = vector.shape_cast %broadcast_in_dim3A_496 : vector<16xf32> to vector<1x16xf32>
    tpu.vector_store %arg11[%swap3A_498, %swap3A_499], %swap3A_502 {strides = array<i32>} : memref<16x128xf32, #tpu.memory_space<vmem>>, vector<1x16xf32>,
    %broadcast_in_dim3A_503 = arith.constant 0.000000e+00 : f32
    %broadcast_in_dim3A_504 = vector.broadcast %broadcast_in_dim3A_503 : f32 to vector<16xf32>
    %swap3A_505 = arith.constant 7 : i32
    %swap3A_506 = arith.index_cast %swap3A_505 : i32 to index
    %swap3A_507 = arith.constant 112 : index
    %swap3A_508 = tpu.vector_load %arg11[%swap3A_506, %swap3A_507] {strides = array<i32>} : memref<16x128xf32, #tpu.memory_space<vmem>>, vector<1x16xf32>,
    %swap3A_509 = vector.shape_cast %swap3A_508 : vector<1x16xf32> to vector<16xf32>
    %swap3A_510 = vector.shape_cast %broadcast_in_dim3A_504 : vector<16xf32> to vector<1x16xf32>
    tpu.vector_store %arg11[%swap3A_506, %swap3A_507], %swap3A_510 {strides = array<i32>} : memref<16x128xf32, #tpu.memory_space<vmem>>, vector<1x16xf32>,
    %broadcast_in_dim3A_511 = arith.constant 0.000000e+00 : f32
    %broadcast_in_dim3A_512 = vector.broadcast %broadcast_in_dim3A_511 : f32 to vector<16xf32>
    %swap3A_513 = arith.constant 8 : i32
    %swap3A_514 = arith.index_cast %swap3A_513 : i32 to index
    %swap3A_515 = arith.constant 0 : index
    %swap3A_516 = tpu.vector_load %arg11[%swap3A_514, %swap3A_515] {strides = array<i32>} : memref<16x128xf32, #tpu.memory_space<vmem>>, vector<1x16xf32>,
    %swap3A_517 = vector.shape_cast %swap3A_516 : vector<1x16xf32> to vector<16xf32>
    %swap3A_518 = vector.shape_cast %broadcast_in_dim3A_512 : vector<16xf32> to vector<1x16xf32>
    tpu.vector_store %arg11[%swap3A_514, %swap3A_515], %swap3A_518 {strides = array<i32>} : memref<16x128xf32, #tpu.memory_space<vmem>>, vector<1x16xf32>,
    %broadcast_in_dim3A_519 = arith.constant 0.000000e+00 : f32
    %broadcast_in_dim3A_520 = vector.broadcast %broadcast_in_dim3A_519 : f32 to vector<16xf32>
    %swap3A_521 = arith.constant 8 : i32
    %swap3A_522 = arith.index_cast %swap3A_521 : i32 to index
    %swap3A_523 = arith.constant 16 : index
    %swap3A_524 = tpu.vector_load %arg11[%swap3A_522, %swap3A_523] {strides = array<i32>} : memref<16x128xf32, #tpu.memory_space<vmem>>, vector<1x16xf32>,
    %swap3A_525 = vector.shape_cast %swap3A_524 : vector<1x16xf32> to vector<16xf32>
    %swap3A_526 = vector.shape_cast %broadcast_in_dim3A_520 : vector<16xf32> to vector<1x16xf32>
    tpu.vector_store %arg11[%swap3A_522, %swap3A_523], %swap3A_526 {strides = array<i32>} : memref<16x128xf32, #tpu.memory_space<vmem>>, vector<1x16xf32>,
    %broadcast_in_dim3A_527 = arith.constant 0.000000e+00 : f32
    %broadcast_in_dim3A_528 = vector.broadcast %broadcast_in_dim3A_527 : f32 to vector<16xf32>
    %swap3A_529 = arith.constant 8 : i32
    %swap3A_530 = arith.index_cast %swap3A_529 : i32 to index
    %swap3A_531 = arith.constant 32 : index
    %swap3A_532 = tpu.vector_load %arg11[%swap3A_530, %swap3A_531] {strides = array<i32>} : memref<16x128xf32, #tpu.memory_space<vmem>>, vector<1x16xf32>,
    %swap3A_533 = vector.shape_cast %swap3A_532 : vector<1x16xf32> to vector<16xf32>
    %swap3A_534 = vector.shape_cast %broadcast_in_dim3A_528 : vector<16xf32> to vector<1x16xf32>
    tpu.vector_store %arg11[%swap3A_530, %swap3A_531], %swap3A_534 {strides = array<i32>} : memref<16x128xf32, #tpu.memory_space<vmem>>, vector<1x16xf32>,
    %broadcast_in_dim3A_535 = arith.constant 0.000000e+00 : f32
    %broadcast_in_dim3A_536 = vector.broadcast %broadcast_in_dim3A_535 : f32 to vector<16xf32>
    %swap3A_537 = arith.constant 8 : i32
    %swap3A_538 = arith.index_cast %swap3A_537 : i32 to index
    %swap3A_539 = arith.constant 48 : index
    %swap3A_540 = tpu.vector_load %arg11[%swap3A_538, %swap3A_539] {strides = array<i32>} : memref<16x128xf32, #tpu.memory_space<vmem>>, vector<1x16xf32>,
    %swap3A_541 = vector.shape_cast %swap3A_540 : vector<1x16xf32> to vector<16xf32>
    %swap3A_542 = vector.shape_cast %broadcast_in_dim3A_536 : vector<16xf32> to vector<1x16xf32>
    tpu.vector_store %arg11[%swap3A_538, %swap3A_539], %swap3A_542 {strides = array<i32>} : memref<16x128xf32, #tpu.memory_space<vmem>>, vector<1x16xf32>,
    %broadcast_in_dim3A_543 = arith.constant 0.000000e+00 : f32
    %broadcast_in_dim3A_544 = vector.broadcast %broadcast_in_dim3A_543 : f32 to vector<16xf32>
    %swap3A_545 = arith.constant 8 : i32
    %swap3A_546 = arith.index_cast %swap3A_545 : i32 to index
    %swap3A_547 = arith.constant 64 : index
    %swap3A_548 = tpu.vector_load %arg11[%swap3A_546, %swap3A_547] {strides = array<i32>} : memref<16x128xf32, #tpu.memory_space<vmem>>, vector<1x16xf32>,
    %swap3A_549 = vector.shape_cast %swap3A_548 : vector<1x16xf32> to vector<16xf32>
    %swap3A_550 = vector.shape_cast %broadcast_in_dim3A_544 : vector<16xf32> to vector<1x16xf32>
    tpu.vector_store %arg11[%swap3A_546, %swap3A_547], %swap3A_550 {strides = array<i32>} : memref<16x128xf32, #tpu.memory_space<vmem>>, vector<1x16xf32>,
    %broadcast_in_dim3A_551 = arith.constant 0.000000e+00 : f32
    %broadcast_in_dim3A_552 = vector.broadcast %broadcast_in_dim3A_551 : f32 to vector<16xf32>
    %swap3A_553 = arith.constant 8 : i32
    %swap3A_554 = arith.index_cast %swap3A_553 : i32 to index
    %swap3A_555 = arith.constant 80 : index
    %swap3A_556 = tpu.vector_load %arg11[%swap3A_554, %swap3A_555] {strides = array<i32>} : memref<16x128xf32, #tpu.memory_space<vmem>>, vector<1x16xf32>,
    %swap3A_557 = vector.shape_cast %swap3A_556 : vector<1x16xf32> to vector<16xf32>
    %swap3A_558 = vector.shape_cast %broadcast_in_dim3A_552 : vector<16xf32> to vector<1x16xf32>
    tpu.vector_store %arg11[%swap3A_554, %swap3A_555], %swap3A_558 {strides = array<i32>} : memref<16x128xf32, #tpu.memory_space<vmem>>, vector<1x16xf32>,
    %broadcast_in_dim3A_559 = arith.constant 0.000000e+00 : f32
    %broadcast_in_dim3A_560 = vector.broadcast %broadcast_in_dim3A_559 : f32 to vector<16xf32>
    %swap3A_561 = arith.constant 8 : i32
    %swap3A_562 = arith.index_cast %swap3A_561 : i32 to index
    %swap3A_563 = arith.constant 96 : index
    %swap3A_564 = tpu.vector_load %arg11[%swap3A_562, %swap3A_563] {strides = array<i32>} : memref<16x128xf32, #tpu.memory_space<vmem>>, vector<1x16xf32>,
    %swap3A_565 = vector.shape_cast %swap3A_564 : vector<1x16xf32> to vector<16xf32>
    %swap3A_566 = vector.shape_cast %broadcast_in_dim3A_560 : vector<16xf32> to vector<1x16xf32>
    tpu.vector_store %arg11[%swap3A_562, %swap3A_563], %swap3A_566 {strides = array<i32>} : memref<16x128xf32, #tpu.memory_space<vmem>>, vector<1x16xf32>,
    %broadcast_in_dim3A_567 = arith.constant 0.000000e+00 : f32
    %broadcast_in_dim3A_568 = vector.broadcast %broadcast_in_dim3A_567 : f32 to vector<16xf32>
    %swap3A_569 = arith.constant 8 : i32
    %swap3A_570 = arith.index_cast %swap3A_569 : i32 to index
    %swap3A_571 = arith.constant 112 : index
    %swap3A_572 = tpu.vector_load %arg11[%swap3A_570, %swap3A_571] {strides = array<i32>} : memref<16x128xf32, #tpu.memory_space<vmem>>, vector<1x16xf32>,
    %swap3A_573 = vector.shape_cast %swap3A_572 : vector<1x16xf32> to vector<16xf32>
    %swap3A_574 = vector.shape_cast %broadcast_in_dim3A_568 : vector<16xf32> to vector<1x16xf32>
    tpu.vector_store %arg11[%swap3A_570, %swap3A_571], %swap3A_574 {strides = array<i32>} : memref<16x128xf32, #tpu.memory_space<vmem>>, vector<1x16xf32>,
    %broadcast_in_dim3A_575 = arith.constant 0.000000e+00 : f32
    %broadcast_in_dim3A_576 = vector.broadcast %broadcast_in_dim3A_575 : f32 to vector<16xf32>
    %swap3A_577 = arith.constant 9 : i32
    %swap3A_578 = arith.index_cast %swap3A_577 : i32 to index
    %swap3A_579 = arith.constant 0 : index
    %swap3A_580 = tpu.vector_load %arg11[%swap3A_578, %swap3A_579] {strides = array<i32>} : memref<16x128xf32, #tpu.memory_space<vmem>>, vector<1x16xf32>,
    %swap3A_581 = vector.shape_cast %swap3A_580 : vector<1x16xf32> to vector<16xf32>
    %swap3A_582 = vector.shape_cast %broadcast_in_dim3A_576 : vector<16xf32> to vector<1x16xf32>
    tpu.vector_store %arg11[%swap3A_578, %swap3A_579], %swap3A_582 {strides = array<i32>} : memref<16x128xf32, #tpu.memory_space<vmem>>, vector<1x16xf32>,
    %broadcast_in_dim3A_583 = arith.constant 0.000000e+00 : f32
    %broadcast_in_dim3A_584 = vector.broadcast %broadcast_in_dim3A_583 : f32 to vector<16xf32>
    %swap3A_585 = arith.constant 9 : i32
    %swap3A_586 = arith.index_cast %swap3A_585 : i32 to index
    %swap3A_587 = arith.constant 16 : index
    %swap3A_588 = tpu.vector_load %arg11[%swap3A_586, %swap3A_587] {strides = array<i32>} : memref<16x128xf32, #tpu.memory_space<vmem>>, vector<1x16xf32>,
    %swap3A_589 = vector.shape_cast %swap3A_588 : vector<1x16xf32> to vector<16xf32>
    %swap3A_590 = vector.shape_cast %broadcast_in_dim3A_584 : vector<16xf32> to vector<1x16xf32>
    tpu.vector_store %arg11[%swap3A_586, %swap3A_587], %swap3A_590 {strides = array<i32>} : memref<16x128xf32, #tpu.memory_space<vmem>>, vector<1x16xf32>,
    %broadcast_in_dim3A_591 = arith.constant 0.000000e+00 : f32
    %broadcast_in_dim3A_592 = vector.broadcast %broadcast_in_dim3A_591 : f32 to vector<16xf32>
    %swap3A_593 = arith.constant 9 : i32
    %swap3A_594 = arith.index_cast %swap3A_593 : i32 to index
    %swap3A_595 = arith.constant 32 : index
    %swap3A_596 = tpu.vector_load %arg11[%swap3A_594, %swap3A_595] {strides = array<i32>} : memref<16x128xf32, #tpu.memory_space<vmem>>, vector<1x16xf32>,
    %swap3A_597 = vector.shape_cast %swap3A_596 : vector<1x16xf32> to vector<16xf32>
    %swap3A_598 = vector.shape_cast %broadcast_in_dim3A_592 : vector<16xf32> to vector<1x16xf32>
    tpu.vector_store %arg11[%swap3A_594, %swap3A_595], %swap3A_598 {strides = array<i32>} : memref<16x128xf32, #tpu.memory_space<vmem>>, vector<1x16xf32>,
    %broadcast_in_dim3A_599 = arith.constant 0.000000e+00 : f32
    %broadcast_in_dim3A_600 = vector.broadcast %broadcast_in_dim3A_599 : f32 to vector<16xf32>
    %swap3A_601 = arith.constant 9 : i32
    %swap3A_602 = arith.index_cast %swap3A_601 : i32 to index
    %swap3A_603 = arith.constant 48 : index
    %swap3A_604 = tpu.vector_load %arg11[%swap3A_602, %swap3A_603] {strides = array<i32>} : memref<16x128xf32, #tpu.memory_space<vmem>>, vector<1x16xf32>,
    %swap3A_605 = vector.shape_cast %swap3A_604 : vector<1x16xf32> to vector<16xf32>
    %swap3A_606 = vector.shape_cast %broadcast_in_dim3A_600 : vector<16xf32> to vector<1x16xf32>
    tpu.vector_store %arg11[%swap3A_602, %swap3A_603], %swap3A_606 {strides = array<i32>} : memref<16x128xf32, #tpu.memory_space<vmem>>, vector<1x16xf32>,
    %broadcast_in_dim3A_607 = arith.constant 0.000000e+00 : f32
    %broadcast_in_dim3A_608 = vector.broadcast %broadcast_in_dim3A_607 : f32 to vector<16xf32>
    %swap3A_609 = arith.constant 9 : i32
    %swap3A_610 = arith.index_cast %swap3A_609 : i32 to index
    %swap3A_611 = arith.constant 64 : index
    %swap3A_612 = tpu.vector_load %arg11[%swap3A_610, %swap3A_611] {strides = array<i32>} : memref<16x128xf32, #tpu.memory_space<vmem>>, vector<1x16xf32>,
    %swap3A_613 = vector.shape_cast %swap3A_612 : vector<1x16xf32> to vector<16xf32>
    %swap3A_614 = vector.shape_cast %broadcast_in_dim3A_608 : vector<16xf32> to vector<1x16xf32>
    tpu.vector_store %arg11[%swap3A_610, %swap3A_611], %swap3A_614 {strides = array<i32>} : memref<16x128xf32, #tpu.memory_space<vmem>>, vector<1x16xf32>,
    %broadcast_in_dim3A_615 = arith.constant 0.000000e+00 : f32
    %broadcast_in_dim3A_616 = vector.broadcast %broadcast_in_dim3A_615 : f32 to vector<16xf32>
    %swap3A_617 = arith.constant 9 : i32
    %swap3A_618 = arith.index_cast %swap3A_617 : i32 to index
    %swap3A_619 = arith.constant 80 : index
    %swap3A_620 = tpu.vector_load %arg11[%swap3A_618, %swap3A_619] {strides = array<i32>} : memref<16x128xf32, #tpu.memory_space<vmem>>, vector<1x16xf32>,
    %swap3A_621 = vector.shape_cast %swap3A_620 : vector<1x16xf32> to vector<16xf32>
    %swap3A_622 = vector.shape_cast %broadcast_in_dim3A_616 : vector<16xf32> to vector<1x16xf32>
    tpu.vector_store %arg11[%swap3A_618, %swap3A_619], %swap3A_622 {strides = array<i32>} : memref<16x128xf32, #tpu.memory_space<vmem>>, vector<1x16xf32>,
    %broadcast_in_dim3A_623 = arith.constant 0.000000e+00 : f32
    %broadcast_in_dim3A_624 = vector.broadcast %broadcast_in_dim3A_623 : f32 to vector<16xf32>
    %swap3A_625 = arith.constant 9 : i32
    %swap3A_626 = arith.index_cast %swap3A_625 : i32 to index
    %swap3A_627 = arith.constant 96 : index
    %swap3A_628 = tpu.vector_load %arg11[%swap3A_626, %swap3A_627] {strides = array<i32>} : memref<16x128xf32, #tpu.memory_space<vmem>>, vector<1x16xf32>,
    %swap3A_629 = vector.shape_cast %swap3A_628 : vector<1x16xf32> to vector<16xf32>
    %swap3A_630 = vector.shape_cast %broadcast_in_dim3A_624 : vector<16xf32> to vector<1x16xf32>
    tpu.vector_store %arg11[%swap3A_626, %swap3A_627], %swap3A_630 {strides = array<i32>} : memref<16x128xf32, #tpu.memory_space<vmem>>, vector<1x16xf32>,
    %broadcast_in_dim3A_631 = arith.constant 0.000000e+00 : f32
    %broadcast_in_dim3A_632 = vector.broadcast %broadcast_in_dim3A_631 : f32 to vector<16xf32>
    %swap3A_633 = arith.constant 9 : i32
    %swap3A_634 = arith.index_cast %swap3A_633 : i32 to index
    %swap3A_635 = arith.constant 112 : index
    %swap3A_636 = tpu.vector_load %arg11[%swap3A_634, %swap3A_635] {strides = array<i32>} : memref<16x128xf32, #tpu.memory_space<vmem>>, vector<1x16xf32>,
    %swap3A_637 = vector.shape_cast %swap3A_636 : vector<1x16xf32> to vector<16xf32>
    %swap3A_638 = vector.shape_cast %broadcast_in_dim3A_632 : vector<16xf32> to vector<1x16xf32>
    tpu.vector_store %arg11[%swap3A_634, %swap3A_635], %swap3A_638 {strides = array<i32>} : memref<16x128xf32, #tpu.memory_space<vmem>>, vector<1x16xf32>,
    %broadcast_in_dim3A_639 = arith.constant 0.000000e+00 : f32
    %broadcast_in_dim3A_640 = vector.broadcast %broadcast_in_dim3A_639 : f32 to vector<16xf32>
    %swap3A_641 = arith.constant 10 : i32
    %swap3A_642 = arith.index_cast %swap3A_641 : i32 to index
    %swap3A_643 = arith.constant 0 : index
    %swap3A_644 = tpu.vector_load %arg11[%swap3A_642, %swap3A_643] {strides = array<i32>} : memref<16x128xf32, #tpu.memory_space<vmem>>, vector<1x16xf32>,
    %swap3A_645 = vector.shape_cast %swap3A_644 : vector<1x16xf32> to vector<16xf32>
    %swap3A_646 = vector.shape_cast %broadcast_in_dim3A_640 : vector<16xf32> to vector<1x16xf32>
    tpu.vector_store %arg11[%swap3A_642, %swap3A_643], %swap3A_646 {strides = array<i32>} : memref<16x128xf32, #tpu.memory_space<vmem>>, vector<1x16xf32>,
    %broadcast_in_dim3A_647 = arith.constant 0.000000e+00 : f32
    %broadcast_in_dim3A_648 = vector.broadcast %broadcast_in_dim3A_647 : f32 to vector<16xf32>
    %swap3A_649 = arith.constant 10 : i32
    %swap3A_650 = arith.index_cast %swap3A_649 : i32 to index
    %swap3A_651 = arith.constant 16 : index
    %swap3A_652 = tpu.vector_load %arg11[%swap3A_650, %swap3A_651] {strides = array<i32>} : memref<16x128xf32, #tpu.memory_space<vmem>>, vector<1x16xf32>,
    %swap3A_653 = vector.shape_cast %swap3A_652 : vector<1x16xf32> to vector<16xf32>
    %swap3A_654 = vector.shape_cast %broadcast_in_dim3A_648 : vector<16xf32> to vector<1x16xf32>
    tpu.vector_store %arg11[%swap3A_650, %swap3A_651], %swap3A_654 {strides = array<i32>} : memref<16x128xf32, #tpu.memory_space<vmem>>, vector<1x16xf32>,
    %broadcast_in_dim3A_655 = arith.constant 0.000000e+00 : f32
    %broadcast_in_dim3A_656 = vector.broadcast %broadcast_in_dim3A_655 : f32 to vector<16xf32>
    %swap3A_657 = arith.constant 10 : i32
    %swap3A_658 = arith.index_cast %swap3A_657 : i32 to index
    %swap3A_659 = arith.constant 32 : index
    %swap3A_660 = tpu.vector_load %arg11[%swap3A_658, %swap3A_659] {strides = array<i32>} : memref<16x128xf32, #tpu.memory_space<vmem>>, vector<1x16xf32>,
    %swap3A_661 = vector.shape_cast %swap3A_660 : vector<1x16xf32> to vector<16xf32>
    %swap3A_662 = vector.shape_cast %broadcast_in_dim3A_656 : vector<16xf32> to vector<1x16xf32>
    tpu.vector_store %arg11[%swap3A_658, %swap3A_659], %swap3A_662 {strides = array<i32>} : memref<16x128xf32, #tpu.memory_space<vmem>>, vector<1x16xf32>,
    %broadcast_in_dim3A_663 = arith.constant 0.000000e+00 : f32
    %broadcast_in_dim3A_664 = vector.broadcast %broadcast_in_dim3A_663 : f32 to vector<16xf32>
    %swap3A_665 = arith.constant 10 : i32
    %swap3A_666 = arith.index_cast %swap3A_665 : i32 to index
    %swap3A_667 = arith.constant 48 : index
    %swap3A_668 = tpu.vector_load %arg11[%swap3A_666, %swap3A_667] {strides = array<i32>} : memref<16x128xf32, #tpu.memory_space<vmem>>, vector<1x16xf32>,
    %swap3A_669 = vector.shape_cast %swap3A_668 : vector<1x16xf32> to vector<16xf32>
    %swap3A_670 = vector.shape_cast %broadcast_in_dim3A_664 : vector<16xf32> to vector<1x16xf32>
    tpu.vector_store %arg11[%swap3A_666, %swap3A_667], %swap3A_670 {strides = array<i32>} : memref<16x128xf32, #tpu.memory_space<vmem>>, vector<1x16xf32>,
    %broadcast_in_dim3A_671 = arith.constant 0.000000e+00 : f32
    %broadcast_in_dim3A_672 = vector.broadcast %broadcast_in_dim3A_671 : f32 to vector<16xf32>
    %swap3A_673 = arith.constant 10 : i32
    %swap3A_674 = arith.index_cast %swap3A_673 : i32 to index
    %swap3A_675 = arith.constant 64 : index
    %swap3A_676 = tpu.vector_load %arg11[%swap3A_674, %swap3A_675] {strides = array<i32>} : memref<16x128xf32, #tpu.memory_space<vmem>>, vector<1x16xf32>,
    %swap3A_677 = vector.shape_cast %swap3A_676 : vector<1x16xf32> to vector<16xf32>
    %swap3A_678 = vector.shape_cast %broadcast_in_dim3A_672 : vector<16xf32> to vector<1x16xf32>
    tpu.vector_store %arg11[%swap3A_674, %swap3A_675], %swap3A_678 {strides = array<i32>} : memref<16x128xf32, #tpu.memory_space<vmem>>, vector<1x16xf32>,
    %broadcast_in_dim3A_679 = arith.constant 0.000000e+00 : f32
    %broadcast_in_dim3A_680 = vector.broadcast %broadcast_in_dim3A_679 : f32 to vector<16xf32>
    %swap3A_681 = arith.constant 10 : i32
    %swap3A_682 = arith.index_cast %swap3A_681 : i32 to index
    %swap3A_683 = arith.constant 80 : index
    %swap3A_684 = tpu.vector_load %arg11[%swap3A_682, %swap3A_683] {strides = array<i32>} : memref<16x128xf32, #tpu.memory_space<vmem>>, vector<1x16xf32>,
    %swap3A_685 = vector.shape_cast %swap3A_684 : vector<1x16xf32> to vector<16xf32>
    %swap3A_686 = vector.shape_cast %broadcast_in_dim3A_680 : vector<16xf32> to vector<1x16xf32>
    tpu.vector_store %arg11[%swap3A_682, %swap3A_683], %swap3A_686 {strides = array<i32>} : memref<16x128xf32, #tpu.memory_space<vmem>>, vector<1x16xf32>,
    %broadcast_in_dim3A_687 = arith.constant 0.000000e+00 : f32
    %broadcast_in_dim3A_688 = vector.broadcast %broadcast_in_dim3A_687 : f32 to vector<16xf32>
    %swap3A_689 = arith.constant 10 : i32
    %swap3A_690 = arith.index_cast %swap3A_689 : i32 to index
    %swap3A_691 = arith.constant 96 : index
    %swap3A_692 = tpu.vector_load %arg11[%swap3A_690, %swap3A_691] {strides = array<i32>} : memref<16x128xf32, #tpu.memory_space<vmem>>, vector<1x16xf32>,
    %swap3A_693 = vector.shape_cast %swap3A_692 : vector<1x16xf32> to vector<16xf32>
    %swap3A_694 = vector.shape_cast %broadcast_in_dim3A_688 : vector<16xf32> to vector<1x16xf32>
    tpu.vector_store %arg11[%swap3A_690, %swap3A_691], %swap3A_694 {strides = array<i32>} : memref<16x128xf32, #tpu.memory_space<vmem>>, vector<1x16xf32>,
    %broadcast_in_dim3A_695 = arith.constant 0.000000e+00 : f32
    %broadcast_in_dim3A_696 = vector.broadcast %broadcast_in_dim3A_695 : f32 to vector<16xf32>
    %swap3A_697 = arith.constant 10 : i32
    %swap3A_698 = arith.index_cast %swap3A_697 : i32 to index
    %swap3A_699 = arith.constant 112 : index
    %swap3A_700 = tpu.vector_load %arg11[%swap3A_698, %swap3A_699] {strides = array<i32>} : memref<16x128xf32, #tpu.memory_space<vmem>>, vector<1x16xf32>,
    %swap3A_701 = vector.shape_cast %swap3A_700 : vector<1x16xf32> to vector<16xf32>
    %swap3A_702 = vector.shape_cast %broadcast_in_dim3A_696 : vector<16xf32> to vector<1x16xf32>
    tpu.vector_store %arg11[%swap3A_698, %swap3A_699], %swap3A_702 {strides = array<i32>} : memref<16x128xf32, #tpu.memory_space<vmem>>, vector<1x16xf32>,
    %broadcast_in_dim3A_703 = arith.constant 0.000000e+00 : f32
    %broadcast_in_dim3A_704 = vector.broadcast %broadcast_in_dim3A_703 : f32 to vector<16xf32>
    %swap3A_705 = arith.constant 11 : i32
    %swap3A_706 = arith.index_cast %swap3A_705 : i32 to index
    %swap3A_707 = arith.constant 0 : index
    %swap3A_708 = tpu.vector_load %arg11[%swap3A_706, %swap3A_707] {strides = array<i32>} : memref<16x128xf32, #tpu.memory_space<vmem>>, vector<1x16xf32>,
    %swap3A_709 = vector.shape_cast %swap3A_708 : vector<1x16xf32> to vector<16xf32>
    %swap3A_710 = vector.shape_cast %broadcast_in_dim3A_704 : vector<16xf32> to vector<1x16xf32>
    tpu.vector_store %arg11[%swap3A_706, %swap3A_707], %swap3A_710 {strides = array<i32>} : memref<16x128xf32, #tpu.memory_space<vmem>>, vector<1x16xf32>,
    %broadcast_in_dim3A_711 = arith.constant 0.000000e+00 : f32
    %broadcast_in_dim3A_712 = vector.broadcast %broadcast_in_dim3A_711 : f32 to vector<16xf32>
    %swap3A_713 = arith.constant 11 : i32
    %swap3A_714 = arith.index_cast %swap3A_713 : i32 to index
    %swap3A_715 = arith.constant 16 : index
    %swap3A_716 = tpu.vector_load %arg11[%swap3A_714, %swap3A_715] {strides = array<i32>} : memref<16x128xf32, #tpu.memory_space<vmem>>, vector<1x16xf32>,
    %swap3A_717 = vector.shape_cast %swap3A_716 : vector<1x16xf32> to vector<16xf32>
    %swap3A_718 = vector.shape_cast %broadcast_in_dim3A_712 : vector<16xf32> to vector<1x16xf32>
    tpu.vector_store %arg11[%swap3A_714, %swap3A_715], %swap3A_718 {strides = array<i32>} : memref<16x128xf32, #tpu.memory_space<vmem>>, vector<1x16xf32>,
    %broadcast_in_dim3A_719 = arith.constant 0.000000e+00 : f32
    %broadcast_in_dim3A_720 = vector.broadcast %broadcast_in_dim3A_719 : f32 to vector<16xf32>
    %swap3A_721 = arith.constant 11 : i32
    %swap3A_722 = arith.index_cast %swap3A_721 : i32 to index
    %swap3A_723 = arith.constant 32 : index
    %swap3A_724 = tpu.vector_load %arg11[%swap3A_722, %swap3A_723] {strides = array<i32>} : memref<16x128xf32, #tpu.memory_space<vmem>>, vector<1x16xf32>,
    %swap3A_725 = vector.shape_cast %swap3A_724 : vector<1x16xf32> to vector<16xf32>
    %swap3A_726 = vector.shape_cast %broadcast_in_dim3A_720 : vector<16xf32> to vector<1x16xf32>
    tpu.vector_store %arg11[%swap3A_722, %swap3A_723], %swap3A_726 {strides = array<i32>} : memref<16x128xf32, #tpu.memory_space<vmem>>, vector<1x16xf32>,
    %broadcast_in_dim3A_727 = arith.constant 0.000000e+00 : f32
    %broadcast_in_dim3A_728 = vector.broadcast %broadcast_in_dim3A_727 : f32 to vector<16xf32>
    %swap3A_729 = arith.constant 11 : i32
    %swap3A_730 = arith.index_cast %swap3A_729 : i32 to index
    %swap3A_731 = arith.constant 48 : index
    %swap3A_732 = tpu.vector_load %arg11[%swap3A_730, %swap3A_731] {strides = array<i32>} : memref<16x128xf32, #tpu.memory_space<vmem>>, vector<1x16xf32>,
    %swap3A_733 = vector.shape_cast %swap3A_732 : vector<1x16xf32> to vector<16xf32>
    %swap3A_734 = vector.shape_cast %broadcast_in_dim3A_728 : vector<16xf32> to vector<1x16xf32>
    tpu.vector_store %arg11[%swap3A_730, %swap3A_731], %swap3A_734 {strides = array<i32>} : memref<16x128xf32, #tpu.memory_space<vmem>>, vector<1x16xf32>,
    %broadcast_in_dim3A_735 = arith.constant 0.000000e+00 : f32
    %broadcast_in_dim3A_736 = vector.broadcast %broadcast_in_dim3A_735 : f32 to vector<16xf32>
    %swap3A_737 = arith.constant 11 : i32
    %swap3A_738 = arith.index_cast %swap3A_737 : i32 to index
    %swap3A_739 = arith.constant 64 : index
    %swap3A_740 = tpu.vector_load %arg11[%swap3A_738, %swap3A_739] {strides = array<i32>} : memref<16x128xf32, #tpu.memory_space<vmem>>, vector<1x16xf32>,
    %swap3A_741 = vector.shape_cast %swap3A_740 : vector<1x16xf32> to vector<16xf32>
    %swap3A_742 = vector.shape_cast %broadcast_in_dim3A_736 : vector<16xf32> to vector<1x16xf32>
    tpu.vector_store %arg11[%swap3A_738, %swap3A_739], %swap3A_742 {strides = array<i32>} : memref<16x128xf32, #tpu.memory_space<vmem>>, vector<1x16xf32>,
    %broadcast_in_dim3A_743 = arith.constant 0.000000e+00 : f32
    %broadcast_in_dim3A_744 = vector.broadcast %broadcast_in_dim3A_743 : f32 to vector<16xf32>
    %swap3A_745 = arith.constant 11 : i32
    %swap3A_746 = arith.index_cast %swap3A_745 : i32 to index
    %swap3A_747 = arith.constant 80 : index
    %swap3A_748 = tpu.vector_load %arg11[%swap3A_746, %swap3A_747] {strides = array<i32>} : memref<16x128xf32, #tpu.memory_space<vmem>>, vector<1x16xf32>,
    %swap3A_749 = vector.shape_cast %swap3A_748 : vector<1x16xf32> to vector<16xf32>
    %swap3A_750 = vector.shape_cast %broadcast_in_dim3A_744 : vector<16xf32> to vector<1x16xf32>
    tpu.vector_store %arg11[%swap3A_746, %swap3A_747], %swap3A_750 {strides = array<i32>} : memref<16x128xf32, #tpu.memory_space<vmem>>, vector<1x16xf32>,
    %broadcast_in_dim3A_751 = arith.constant 0.000000e+00 : f32
    %broadcast_in_dim3A_752 = vector.broadcast %broadcast_in_dim3A_751 : f32 to vector<16xf32>
    %swap3A_753 = arith.constant 11 : i32
    %swap3A_754 = arith.index_cast %swap3A_753 : i32 to index
    %swap3A_755 = arith.constant 96 : index
    %swap3A_756 = tpu.vector_load %arg11[%swap3A_754, %swap3A_755] {strides = array<i32>} : memref<16x128xf32, #tpu.memory_space<vmem>>, vector<1x16xf32>,
    %swap3A_757 = vector.shape_cast %swap3A_756 : vector<1x16xf32> to vector<16xf32>
    %swap3A_758 = vector.shape_cast %broadcast_in_dim3A_752 : vector<16xf32> to vector<1x16xf32>
    tpu.vector_store %arg11[%swap3A_754, %swap3A_755], %swap3A_758 {strides = array<i32>} : memref<16x128xf32, #tpu.memory_space<vmem>>, vector<1x16xf32>,
    %broadcast_in_dim3A_759 = arith.constant 0.000000e+00 : f32
    %broadcast_in_dim3A_760 = vector.broadcast %broadcast_in_dim3A_759 : f32 to vector<16xf32>
    %swap3A_761 = arith.constant 11 : i32
    %swap3A_762 = arith.index_cast %swap3A_761 : i32 to index
    %swap3A_763 = arith.constant 112 : index
    %swap3A_764 = tpu.vector_load %arg11[%swap3A_762, %swap3A_763] {strides = array<i32>} : memref<16x128xf32, #tpu.memory_space<vmem>>, vector<1x16xf32>,
    %swap3A_765 = vector.shape_cast %swap3A_764 : vector<1x16xf32> to vector<16xf32>
    %swap3A_766 = vector.shape_cast %broadcast_in_dim3A_760 : vector<16xf32> to vector<1x16xf32>
    tpu.vector_store %arg11[%swap3A_762, %swap3A_763], %swap3A_766 {strides = array<i32>} : memref<16x128xf32, #tpu.memory_space<vmem>>, vector<1x16xf32>,
    %broadcast_in_dim3A_767 = arith.constant 0.000000e+00 : f32
    %broadcast_in_dim3A_768 = vector.broadcast %broadcast_in_dim3A_767 : f32 to vector<16xf32>
    %swap3A_769 = arith.constant 12 : i32
    %swap3A_770 = arith.index_cast %swap3A_769 : i32 to index
    %swap3A_771 = arith.constant 0 : index
    %swap3A_772 = tpu.vector_load %arg11[%swap3A_770, %swap3A_771] {strides = array<i32>} : memref<16x128xf32, #tpu.memory_space<vmem>>, vector<1x16xf32>,
    %swap3A_773 = vector.shape_cast %swap3A_772 : vector<1x16xf32> to vector<16xf32>
    %swap3A_774 = vector.shape_cast %broadcast_in_dim3A_768 : vector<16xf32> to vector<1x16xf32>
    tpu.vector_store %arg11[%swap3A_770, %swap3A_771], %swap3A_774 {strides = array<i32>} : memref<16x128xf32, #tpu.memory_space<vmem>>, vector<1x16xf32>,
    %broadcast_in_dim3A_775 = arith.constant 0.000000e+00 : f32
    %broadcast_in_dim3A_776 = vector.broadcast %broadcast_in_dim3A_775 : f32 to vector<16xf32>
    %swap3A_777 = arith.constant 12 : i32
    %swap3A_778 = arith.index_cast %swap3A_777 : i32 to index
    %swap3A_779 = arith.constant 16 : index
    %swap3A_780 = tpu.vector_load %arg11[%swap3A_778, %swap3A_779] {strides = array<i32>} : memref<16x128xf32, #tpu.memory_space<vmem>>, vector<1x16xf32>,
    %swap3A_781 = vector.shape_cast %swap3A_780 : vector<1x16xf32> to vector<16xf32>
    %swap3A_782 = vector.shape_cast %broadcast_in_dim3A_776 : vector<16xf32> to vector<1x16xf32>
    tpu.vector_store %arg11[%swap3A_778, %swap3A_779], %swap3A_782 {strides = array<i32>} : memref<16x128xf32, #tpu.memory_space<vmem>>, vector<1x16xf32>,
    %broadcast_in_dim3A_783 = arith.constant 0.000000e+00 : f32
    %broadcast_in_dim3A_784 = vector.broadcast %broadcast_in_dim3A_783 : f32 to vector<16xf32>
    %swap3A_785 = arith.constant 12 : i32
    %swap3A_786 = arith.index_cast %swap3A_785 : i32 to index
    %swap3A_787 = arith.constant 32 : index
    %swap3A_788 = tpu.vector_load %arg11[%swap3A_786, %swap3A_787] {strides = array<i32>} : memref<16x128xf32, #tpu.memory_space<vmem>>, vector<1x16xf32>,
    %swap3A_789 = vector.shape_cast %swap3A_788 : vector<1x16xf32> to vector<16xf32>
    %swap3A_790 = vector.shape_cast %broadcast_in_dim3A_784 : vector<16xf32> to vector<1x16xf32>
    tpu.vector_store %arg11[%swap3A_786, %swap3A_787], %swap3A_790 {strides = array<i32>} : memref<16x128xf32, #tpu.memory_space<vmem>>, vector<1x16xf32>,
    %broadcast_in_dim3A_791 = arith.constant 0.000000e+00 : f32
    %broadcast_in_dim3A_792 = vector.broadcast %broadcast_in_dim3A_791 : f32 to vector<16xf32>
    %swap3A_793 = arith.constant 12 : i32
    %swap3A_794 = arith.index_cast %swap3A_793 : i32 to index
    %swap3A_795 = arith.constant 48 : index
    %swap3A_796 = tpu.vector_load %arg11[%swap3A_794, %swap3A_795] {strides = array<i32>} : memref<16x128xf32, #tpu.memory_space<vmem>>, vector<1x16xf32>,
    %swap3A_797 = vector.shape_cast %swap3A_796 : vector<1x16xf32> to vector<16xf32>
    %swap3A_798 = vector.shape_cast %broadcast_in_dim3A_792 : vector<16xf32> to vector<1x16xf32>
    tpu.vector_store %arg11[%swap3A_794, %swap3A_795], %swap3A_798 {strides = array<i32>} : memref<16x128xf32, #tpu.memory_space<vmem>>, vector<1x16xf32>,
    %broadcast_in_dim3A_799 = arith.constant 0.000000e+00 : f32
    %broadcast_in_dim3A_800 = vector.broadcast %broadcast_in_dim3A_799 : f32 to vector<16xf32>
    %swap3A_801 = arith.constant 12 : i32
    %swap3A_802 = arith.index_cast %swap3A_801 : i32 to index
    %swap3A_803 = arith.constant 64 : index
    %swap3A_804 = tpu.vector_load %arg11[%swap3A_802, %swap3A_803] {strides = array<i32>} : memref<16x128xf32, #tpu.memory_space<vmem>>, vector<1x16xf32>,
    %swap3A_805 = vector.shape_cast %swap3A_804 : vector<1x16xf32> to vector<16xf32>
    %swap3A_806 = vector.shape_cast %broadcast_in_dim3A_800 : vector<16xf32> to vector<1x16xf32>
    tpu.vector_store %arg11[%swap3A_802, %swap3A_803], %swap3A_806 {strides = array<i32>} : memref<16x128xf32, #tpu.memory_space<vmem>>, vector<1x16xf32>,
    %broadcast_in_dim3A_807 = arith.constant 0.000000e+00 : f32
    %broadcast_in_dim3A_808 = vector.broadcast %broadcast_in_dim3A_807 : f32 to vector<16xf32>
    %swap3A_809 = arith.constant 12 : i32
    %swap3A_810 = arith.index_cast %swap3A_809 : i32 to index
    %swap3A_811 = arith.constant 80 : index
    %swap3A_812 = tpu.vector_load %arg11[%swap3A_810, %swap3A_811] {strides = array<i32>} : memref<16x128xf32, #tpu.memory_space<vmem>>, vector<1x16xf32>,
    %swap3A_813 = vector.shape_cast %swap3A_812 : vector<1x16xf32> to vector<16xf32>
    %swap3A_814 = vector.shape_cast %broadcast_in_dim3A_808 : vector<16xf32> to vector<1x16xf32>
    tpu.vector_store %arg11[%swap3A_810, %swap3A_811], %swap3A_814 {strides = array<i32>} : memref<16x128xf32, #tpu.memory_space<vmem>>, vector<1x16xf32>,
    %broadcast_in_dim3A_815 = arith.constant 0.000000e+00 : f32
    %broadcast_in_dim3A_816 = vector.broadcast %broadcast_in_dim3A_815 : f32 to vector<16xf32>
    %swap3A_817 = arith.constant 12 : i32
    %swap3A_818 = arith.index_cast %swap3A_817 : i32 to index
    %swap3A_819 = arith.constant 96 : index
    %swap3A_820 = tpu.vector_load %arg11[%swap3A_818, %swap3A_819] {strides = array<i32>} : memref<16x128xf32, #tpu.memory_space<vmem>>, vector<1x16xf32>,
    %swap3A_821 = vector.shape_cast %swap3A_820 : vector<1x16xf32> to vector<16xf32>
    %swap3A_822 = vector.shape_cast %broadcast_in_dim3A_816 : vector<16xf32> to vector<1x16xf32>
    tpu.vector_store %arg11[%swap3A_818, %swap3A_819], %swap3A_822 {strides = array<i32>} : memref<16x128xf32, #tpu.memory_space<vmem>>, vector<1x16xf32>,
    %broadcast_in_dim3A_823 = arith.constant 0.000000e+00 : f32
    %broadcast_in_dim3A_824 = vector.broadcast %broadcast_in_dim3A_823 : f32 to vector<16xf32>
    %swap3A_825 = arith.constant 12 : i32
    %swap3A_826 = arith.index_cast %swap3A_825 : i32 to index
    %swap3A_827 = arith.constant 112 : index
    %swap3A_828 = tpu.vector_load %arg11[%swap3A_826, %swap3A_827] {strides = array<i32>} : memref<16x128xf32, #tpu.memory_space<vmem>>, vector<1x16xf32>,
    %swap3A_829 = vector.shape_cast %swap3A_828 : vector<1x16xf32> to vector<16xf32>
    %swap3A_830 = vector.shape_cast %broadcast_in_dim3A_824 : vector<16xf32> to vector<1x16xf32>
    tpu.vector_store %arg11[%swap3A_826, %swap3A_827], %swap3A_830 {strides = array<i32>} : memref<16x128xf32, #tpu.memory_space<vmem>>, vector<1x16xf32>,
    %broadcast_in_dim3A_831 = arith.constant 0.000000e+00 : f32
    %broadcast_in_dim3A_832 = vector.broadcast %broadcast_in_dim3A_831 : f32 to vector<16xf32>
    %swap3A_833 = arith.constant 13 : i32
    %swap3A_834 = arith.index_cast %swap3A_833 : i32 to index
    %swap3A_835 = arith.constant 0 : index
    %swap3A_836 = tpu.vector_load %arg11[%swap3A_834, %swap3A_835] {strides = array<i32>} : memref<16x128xf32, #tpu.memory_space<vmem>>, vector<1x16xf32>,
    %swap3A_837 = vector.shape_cast %swap3A_836 : vector<1x16xf32> to vector<16xf32>
    %swap3A_838 = vector.shape_cast %broadcast_in_dim3A_832 : vector<16xf32> to vector<1x16xf32>
    tpu.vector_store %arg11[%swap3A_834, %swap3A_835], %swap3A_838 {strides = array<i32>} : memref<16x128xf32, #tpu.memory_space<vmem>>, vector<1x16xf32>,
    %broadcast_in_dim3A_839 = arith.constant 0.000000e+00 : f32
    %broadcast_in_dim3A_840 = vector.broadcast %broadcast_in_dim3A_839 : f32 to vector<16xf32>
    %swap3A_841 = arith.constant 13 : i32
    %swap3A_842 = arith.index_cast %swap3A_841 : i32 to index
    %swap3A_843 = arith.constant 16 : index
    %swap3A_844 = tpu.vector_load %arg11[%swap3A_842, %swap3A_843] {strides = array<i32>} : memref<16x128xf32, #tpu.memory_space<vmem>>, vector<1x16xf32>,
    %swap3A_845 = vector.shape_cast %swap3A_844 : vector<1x16xf32> to vector<16xf32>
    %swap3A_846 = vector.shape_cast %broadcast_in_dim3A_840 : vector<16xf32> to vector<1x16xf32>
    tpu.vector_store %arg11[%swap3A_842, %swap3A_843], %swap3A_846 {strides = array<i32>} : memref<16x128xf32, #tpu.memory_space<vmem>>, vector<1x16xf32>,
    %broadcast_in_dim3A_847 = arith.constant 0.000000e+00 : f32
    %broadcast_in_dim3A_848 = vector.broadcast %broadcast_in_dim3A_847 : f32 to vector<16xf32>
    %swap3A_849 = arith.constant 13 : i32
    %swap3A_850 = arith.index_cast %swap3A_849 : i32 to index
    %swap3A_851 = arith.constant 32 : index
    %swap3A_852 = tpu.vector_load %arg11[%swap3A_850, %swap3A_851] {strides = array<i32>} : memref<16x128xf32, #tpu.memory_space<vmem>>, vector<1x16xf32>,
    %swap3A_853 = vector.shape_cast %swap3A_852 : vector<1x16xf32> to vector<16xf32>
    %swap3A_854 = vector.shape_cast %broadcast_in_dim3A_848 : vector<16xf32> to vector<1x16xf32>
    tpu.vector_store %arg11[%swap3A_850, %swap3A_851], %swap3A_854 {strides = array<i32>} : memref<16x128xf32, #tpu.memory_space<vmem>>, vector<1x16xf32>,
    %broadcast_in_dim3A_855 = arith.constant 0.000000e+00 : f32
    %broadcast_in_dim3A_856 = vector.broadcast %broadcast_in_dim3A_855 : f32 to vector<16xf32>
    %swap3A_857 = arith.constant 13 : i32
    %swap3A_858 = arith.index_cast %swap3A_857 : i32 to index
    %swap3A_859 = arith.constant 48 : index
    %swap3A_860 = tpu.vector_load %arg11[%swap3A_858, %swap3A_859] {strides = array<i32>} : memref<16x128xf32, #tpu.memory_space<vmem>>, vector<1x16xf32>,
    %swap3A_861 = vector.shape_cast %swap3A_860 : vector<1x16xf32> to vector<16xf32>
    %swap3A_862 = vector.shape_cast %broadcast_in_dim3A_856 : vector<16xf32> to vector<1x16xf32>
    tpu.vector_store %arg11[%swap3A_858, %swap3A_859], %swap3A_862 {strides = array<i32>} : memref<16x128xf32, #tpu.memory_space<vmem>>, vector<1x16xf32>,
    %broadcast_in_dim3A_863 = arith.constant 0.000000e+00 : f32
    %broadcast_in_dim3A_864 = vector.broadcast %broadcast_in_dim3A_863 : f32 to vector<16xf32>
    %swap3A_865 = arith.constant 13 : i32
    %swap3A_866 = arith.index_cast %swap3A_865 : i32 to index
    %swap3A_867 = arith.constant 64 : index
    %swap3A_868 = tpu.vector_load %arg11[%swap3A_866, %swap3A_867] {strides = array<i32>} : memref<16x128xf32, #tpu.memory_space<vmem>>, vector<1x16xf32>,
    %swap3A_869 = vector.shape_cast %swap3A_868 : vector<1x16xf32> to vector<16xf32>
    %swap3A_870 = vector.shape_cast %broadcast_in_dim3A_864 : vector<16xf32> to vector<1x16xf32>
    tpu.vector_store %arg11[%swap3A_866, %swap3A_867], %swap3A_870 {strides = array<i32>} : memref<16x128xf32, #tpu.memory_space<vmem>>, vector<1x16xf32>,
    %broadcast_in_dim3A_871 = arith.constant 0.000000e+00 : f32
    %broadcast_in_dim3A_872 = vector.broadcast %broadcast_in_dim3A_871 : f32 to vector<16xf32>
    %swap3A_873 = arith.constant 13 : i32
    %swap3A_874 = arith.index_cast %swap3A_873 : i32 to index
    %swap3A_875 = arith.constant 80 : index
    %swap3A_876 = tpu.vector_load %arg11[%swap3A_874, %swap3A_875] {strides = array<i32>} : memref<16x128xf32, #tpu.memory_space<vmem>>, vector<1x16xf32>,
    %swap3A_877 = vector.shape_cast %swap3A_876 : vector<1x16xf32> to vector<16xf32>
    %swap3A_878 = vector.shape_cast %broadcast_in_dim3A_872 : vector<16xf32> to vector<1x16xf32>
    tpu.vector_store %arg11[%swap3A_874, %swap3A_875], %swap3A_878 {strides = array<i32>} : memref<16x128xf32, #tpu.memory_space<vmem>>, vector<1x16xf32>,
    %broadcast_in_dim3A_879 = arith.constant 0.000000e+00 : f32
    %broadcast_in_dim3A_880 = vector.broadcast %broadcast_in_dim3A_879 : f32 to vector<16xf32>
    %swap3A_881 = arith.constant 13 : i32
    %swap3A_882 = arith.index_cast %swap3A_881 : i32 to index
    %swap3A_883 = arith.constant 96 : index
    %swap3A_884 = tpu.vector_load %arg11[%swap3A_882, %swap3A_883] {strides = array<i32>} : memref<16x128xf32, #tpu.memory_space<vmem>>, vector<1x16xf32>,
    %swap3A_885 = vector.shape_cast %swap3A_884 : vector<1x16xf32> to vector<16xf32>
    %swap3A_886 = vector.shape_cast %broadcast_in_dim3A_880 : vector<16xf32> to vector<1x16xf32>
    tpu.vector_store %arg11[%swap3A_882, %swap3A_883], %swap3A_886 {strides = array<i32>} : memref<16x128xf32, #tpu.memory_space<vmem>>, vector<1x16xf32>,
    %broadcast_in_dim3A_887 = arith.constant 0.000000e+00 : f32
    %broadcast_in_dim3A_888 = vector.broadcast %broadcast_in_dim3A_887 : f32 to vector<16xf32>
    %swap3A_889 = arith.constant 13 : i32
    %swap3A_890 = arith.index_cast %swap3A_889 : i32 to index
    %swap3A_891 = arith.constant 112 : index
    %swap3A_892 = tpu.vector_load %arg11[%swap3A_890, %swap3A_891] {strides = array<i32>} : memref<16x128xf32, #tpu.memory_space<vmem>>, vector<1x16xf32>,
    %swap3A_893 = vector.shape_cast %swap3A_892 : vector<1x16xf32> to vector<16xf32>
    %swap3A_894 = vector.shape_cast %broadcast_in_dim3A_888 : vector<16xf32> to vector<1x16xf32>
    tpu.vector_store %arg11[%swap3A_890, %swap3A_891], %swap3A_894 {strides = array<i32>} : memref<16x128xf32, #tpu.memory_space<vmem>>, vector<1x16xf32>,
    %broadcast_in_dim3A_895 = arith.constant 0.000000e+00 : f32
    %broadcast_in_dim3A_896 = vector.broadcast %broadcast_in_dim3A_895 : f32 to vector<16xf32>
    %swap3A_897 = arith.constant 14 : i32
    %swap3A_898 = arith.index_cast %swap3A_897 : i32 to index
    %swap3A_899 = arith.constant 0 : index
    %swap3A_900 = tpu.vector_load %arg11[%swap3A_898, %swap3A_899] {strides = array<i32>} : memref<16x128xf32, #tpu.memory_space<vmem>>, vector<1x16xf32>,
    %swap3A_901 = vector.shape_cast %swap3A_900 : vector<1x16xf32> to vector<16xf32>
    %swap3A_902 = vector.shape_cast %broadcast_in_dim3A_896 : vector<16xf32> to vector<1x16xf32>
    tpu.vector_store %arg11[%swap3A_898, %swap3A_899], %swap3A_902 {strides = array<i32>} : memref<16x128xf32, #tpu.memory_space<vmem>>, vector<1x16xf32>,
    %broadcast_in_dim3A_903 = arith.constant 0.000000e+00 : f32
    %broadcast_in_dim3A_904 = vector.broadcast %broadcast_in_dim3A_903 : f32 to vector<16xf32>
    %swap3A_905 = arith.constant 14 : i32
    %swap3A_906 = arith.index_cast %swap3A_905 : i32 to index
    %swap3A_907 = arith.constant 16 : index
    %swap3A_908 = tpu.vector_load %arg11[%swap3A_906, %swap3A_907] {strides = array<i32>} : memref<16x128xf32, #tpu.memory_space<vmem>>, vector<1x16xf32>,
    %swap3A_909 = vector.shape_cast %swap3A_908 : vector<1x16xf32> to vector<16xf32>
    %swap3A_910 = vector.shape_cast %broadcast_in_dim3A_904 : vector<16xf32> to vector<1x16xf32>
    tpu.vector_store %arg11[%swap3A_906, %swap3A_907], %swap3A_910 {strides = array<i32>} : memref<16x128xf32, #tpu.memory_space<vmem>>, vector<1x16xf32>,
    %broadcast_in_dim3A_911 = arith.constant 0.000000e+00 : f32
    %broadcast_in_dim3A_912 = vector.broadcast %broadcast_in_dim3A_911 : f32 to vector<16xf32>
    %swap3A_913 = arith.constant 14 : i32
    %swap3A_914 = arith.index_cast %swap3A_913 : i32 to index
    %swap3A_915 = arith.constant 32 : index
    %swap3A_916 = tpu.vector_load %arg11[%swap3A_914, %swap3A_915] {strides = array<i32>} : memref<16x128xf32, #tpu.memory_space<vmem>>, vector<1x16xf32>,
    %swap3A_917 = vector.shape_cast %swap3A_916 : vector<1x16xf32> to vector<16xf32>
    %swap3A_918 = vector.shape_cast %broadcast_in_dim3A_912 : vector<16xf32> to vector<1x16xf32>
    tpu.vector_store %arg11[%swap3A_914, %swap3A_915], %swap3A_918 {strides = array<i32>} : memref<16x128xf32, #tpu.memory_space<vmem>>, vector<1x16xf32>,
    %broadcast_in_dim3A_919 = arith.constant 0.000000e+00 : f32
    %broadcast_in_dim3A_920 = vector.broadcast %broadcast_in_dim3A_919 : f32 to vector<16xf32>
    %swap3A_921 = arith.constant 14 : i32
    %swap3A_922 = arith.index_cast %swap3A_921 : i32 to index
    %swap3A_923 = arith.constant 48 : index
    %swap3A_924 = tpu.vector_load %arg11[%swap3A_922, %swap3A_923] {strides = array<i32>} : memref<16x128xf32, #tpu.memory_space<vmem>>, vector<1x16xf32>,
    %swap3A_925 = vector.shape_cast %swap3A_924 : vector<1x16xf32> to vector<16xf32>
    %swap3A_926 = vector.shape_cast %broadcast_in_dim3A_920 : vector<16xf32> to vector<1x16xf32>
    tpu.vector_store %arg11[%swap3A_922, %swap3A_923], %swap3A_926 {strides = array<i32>} : memref<16x128xf32, #tpu.memory_space<vmem>>, vector<1x16xf32>,
    %broadcast_in_dim3A_927 = arith.constant 0.000000e+00 : f32
    %broadcast_in_dim3A_928 = vector.broadcast %broadcast_in_dim3A_927 : f32 to vector<16xf32>
    %swap3A_929 = arith.constant 14 : i32
    %swap3A_930 = arith.index_cast %swap3A_929 : i32 to index
    %swap3A_931 = arith.constant 64 : index
    %swap3A_932 = tpu.vector_load %arg11[%swap3A_930, %swap3A_931] {strides = array<i32>} : memref<16x128xf32, #tpu.memory_space<vmem>>, vector<1x16xf32>,
    %swap3A_933 = vector.shape_cast %swap3A_932 : vector<1x16xf32> to vector<16xf32>
    %swap3A_934 = vector.shape_cast %broadcast_in_dim3A_928 : vector<16xf32> to vector<1x16xf32>
    tpu.vector_store %arg11[%swap3A_930, %swap3A_931], %swap3A_934 {strides = array<i32>} : memref<16x128xf32, #tpu.memory_space<vmem>>, vector<1x16xf32>,
    %broadcast_in_dim3A_935 = arith.constant 0.000000e+00 : f32
    %broadcast_in_dim3A_936 = vector.broadcast %broadcast_in_dim3A_935 : f32 to vector<16xf32>
    %swap3A_937 = arith.constant 14 : i32
    %swap3A_938 = arith.index_cast %swap3A_937 : i32 to index
    %swap3A_939 = arith.constant 80 : index
    %swap3A_940 = tpu.vector_load %arg11[%swap3A_938, %swap3A_939] {strides = array<i32>} : memref<16x128xf32, #tpu.memory_space<vmem>>, vector<1x16xf32>,
    %swap3A_941 = vector.shape_cast %swap3A_940 : vector<1x16xf32> to vector<16xf32>
    %swap3A_942 = vector.shape_cast %broadcast_in_dim3A_936 : vector<16xf32> to vector<1x16xf32>
    tpu.vector_store %arg11[%swap3A_938, %swap3A_939], %swap3A_942 {strides = array<i32>} : memref<16x128xf32, #tpu.memory_space<vmem>>, vector<1x16xf32>,
    %broadcast_in_dim3A_943 = arith.constant 0.000000e+00 : f32
    %broadcast_in_dim3A_944 = vector.broadcast %broadcast_in_dim3A_943 : f32 to vector<16xf32>
    %swap3A_945 = arith.constant 14 : i32
    %swap3A_946 = arith.index_cast %swap3A_945 : i32 to index
    %swap3A_947 = arith.constant 96 : index
    %swap3A_948 = tpu.vector_load %arg11[%swap3A_946, %swap3A_947] {strides = array<i32>} : memref<16x128xf32, #tpu.memory_space<vmem>>, vector<1x16xf32>,
    %swap3A_949 = vector.shape_cast %swap3A_948 : vector<1x16xf32> to vector<16xf32>
    %swap3A_950 = vector.shape_cast %broadcast_in_dim3A_944 : vector<16xf32> to vector<1x16xf32>
    tpu.vector_store %arg11[%swap3A_946, %swap3A_947], %swap3A_950 {strides = array<i32>} : memref<16x128xf32, #tpu.memory_space<vmem>>, vector<1x16xf32>,
    %broadcast_in_dim3A_951 = arith.constant 0.000000e+00 : f32
    %broadcast_in_dim3A_952 = vector.broadcast %broadcast_in_dim3A_951 : f32 to vector<16xf32>
    %swap3A_953 = arith.constant 14 : i32
    %swap3A_954 = arith.index_cast %swap3A_953 : i32 to index
    %swap3A_955 = arith.constant 112 : index
    %swap3A_956 = tpu.vector_load %arg11[%swap3A_954, %swap3A_955] {strides = array<i32>} : memref<16x128xf32, #tpu.memory_space<vmem>>, vector<1x16xf32>,
    %swap3A_957 = vector.shape_cast %swap3A_956 : vector<1x16xf32> to vector<16xf32>
    %swap3A_958 = vector.shape_cast %broadcast_in_dim3A_952 : vector<16xf32> to vector<1x16xf32>
    tpu.vector_store %arg11[%swap3A_954, %swap3A_955], %swap3A_958 {strides = array<i32>} : memref<16x128xf32, #tpu.memory_space<vmem>>, vector<1x16xf32>,
    %broadcast_in_dim3A_959 = arith.constant 0.000000e+00 : f32
    %broadcast_in_dim3A_960 = vector.broadcast %broadcast_in_dim3A_959 : f32 to vector<16xf32>
    %swap3A_961 = arith.constant 15 : i32
    %swap3A_962 = arith.index_cast %swap3A_961 : i32 to index
    %swap3A_963 = arith.constant 0 : index
    %swap3A_964 = tpu.vector_load %arg11[%swap3A_962, %swap3A_963] {strides = array<i32>} : memref<16x128xf32, #tpu.memory_space<vmem>>, vector<1x16xf32>,
    %swap3A_965 = vector.shape_cast %swap3A_964 : vector<1x16xf32> to vector<16xf32>
    %swap3A_966 = vector.shape_cast %broadcast_in_dim3A_960 : vector<16xf32> to vector<1x16xf32>
    tpu.vector_store %arg11[%swap3A_962, %swap3A_963], %swap3A_966 {strides = array<i32>} : memref<16x128xf32, #tpu.memory_space<vmem>>, vector<1x16xf32>,
    %broadcast_in_dim3A_967 = arith.constant 0.000000e+00 : f32
    %broadcast_in_dim3A_968 = vector.broadcast %broadcast_in_dim3A_967 : f32 to vector<16xf32>
    %swap3A_969 = arith.constant 15 : i32
    %swap3A_970 = arith.index_cast %swap3A_969 : i32 to index
    %swap3A_971 = arith.constant 16 : index
    %swap3A_972 = tpu.vector_load %arg11[%swap3A_970, %swap3A_971] {strides = array<i32>} : memref<16x128xf32, #tpu.memory_space<vmem>>, vector<1x16xf32>,
    %swap3A_973 = vector.shape_cast %swap3A_972 : vector<1x16xf32> to vector<16xf32>
    %swap3A_974 = vector.shape_cast %broadcast_in_dim3A_968 : vector<16xf32> to vector<1x16xf32>
    tpu.vector_store %arg11[%swap3A_970, %swap3A_971], %swap3A_974 {strides = array<i32>} : memref<16x128xf32, #tpu.memory_space<vmem>>, vector<1x16xf32>,
    %broadcast_in_dim3A_975 = arith.constant 0.000000e+00 : f32
    %broadcast_in_dim3A_976 = vector.broadcast %broadcast_in_dim3A_975 : f32 to vector<16xf32>
    %swap3A_977 = arith.constant 15 : i32
    %swap3A_978 = arith.index_cast %swap3A_977 : i32 to index
    %swap3A_979 = arith.constant 32 : index
    %swap3A_980 = tpu.vector_load %arg11[%swap3A_978, %swap3A_979] {strides = array<i32>} : memref<16x128xf32, #tpu.memory_space<vmem>>, vector<1x16xf32>,
    %swap3A_981 = vector.shape_cast %swap3A_980 : vector<1x16xf32> to vector<16xf32>
    %swap3A_982 = vector.shape_cast %broadcast_in_dim3A_976 : vector<16xf32> to vector<1x16xf32>
    tpu.vector_store %arg11[%swap3A_978, %swap3A_979], %swap3A_982 {strides = array<i32>} : memref<16x128xf32, #tpu.memory_space<vmem>>, vector<1x16xf32>,
    %broadcast_in_dim3A_983 = arith.constant 0.000000e+00 : f32
    %broadcast_in_dim3A_984 = vector.broadcast %broadcast_in_dim3A_983 : f32 to vector<16xf32>
    %swap3A_985 = arith.constant 15 : i32
    %swap3A_986 = arith.index_cast %swap3A_985 : i32 to index
    %swap3A_987 = arith.constant 48 : index
    %swap3A_988 = tpu.vector_load %arg11[%swap3A_986, %swap3A_987] {strides = array<i32>} : memref<16x128xf32, #tpu.memory_space<vmem>>, vector<1x16xf32>,
    %swap3A_989 = vector.shape_cast %swap3A_988 : vector<1x16xf32> to vector<16xf32>
    %swap3A_990 = vector.shape_cast %broadcast_in_dim3A_984 : vector<16xf32> to vector<1x16xf32>
    tpu.vector_store %arg11[%swap3A_986, %swap3A_987], %swap3A_990 {strides = array<i32>} : memref<16x128xf32, #tpu.memory_space<vmem>>, vector<1x16xf32>,
    %broadcast_in_dim3A_991 = arith.constant 0.000000e+00 : f32
    %broadcast_in_dim3A_992 = vector.broadcast %broadcast_in_dim3A_991 : f32 to vector<16xf32>
    %swap3A_993 = arith.constant 15 : i32
    %swap3A_994 = arith.index_cast %swap3A_993 : i32 to index
    %swap3A_995 = arith.constant 64 : index
    %swap3A_996 = tpu.vector_load %arg11[%swap3A_994, %swap3A_995] {strides = array<i32>} : memref<16x128xf32, #tpu.memory_space<vmem>>, vector<1x16xf32>,
    %swap3A_997 = vector.shape_cast %swap3A_996 : vector<1x16xf32> to vector<16xf32>
    %swap3A_998 = vector.shape_cast %broadcast_in_dim3A_992 : vector<16xf32> to vector<1x16xf32>
    tpu.vector_store %arg11[%swap3A_994, %swap3A_995], %swap3A_998 {strides = array<i32>} : memref<16x128xf32, #tpu.memory_space<vmem>>, vector<1x16xf32>,
    %broadcast_in_dim3A_999 = arith.constant 0.000000e+00 : f32
    %broadcast_in_dim3A_1000 = vector.broadcast %broadcast_in_dim3A_999 : f32 to vector<16xf32>
    %swap3A_1001 = arith.constant 15 : i32
    %swap3A_1002 = arith.index_cast %swap3A_1001 : i32 to index
    %swap3A_1003 = arith.constant 80 : index
    %swap3A_1004 = tpu.vector_load %arg11[%swap3A_1002, %swap3A_1003] {strides = array<i32>} : memref<16x128xf32, #tpu.memory_space<vmem>>, vector<1x16xf32>,
    %swap3A_1005 = vector.shape_cast %swap3A_1004 : vector<1x16xf32> to vector<16xf32>
    %swap3A_1006 = vector.shape_cast %broadcast_in_dim3A_1000 : vector<16xf32> to vector<1x16xf32>
    tpu.vector_store %arg11[%swap3A_1002, %swap3A_1003], %swap3A_1006 {strides = array<i32>} : memref<16x128xf32, #tpu.memory_space<vmem>>, vector<1x16xf32>,
    %broadcast_in_dim3A_1007 = arith.constant 0.000000e+00 : f32
    %broadcast_in_dim3A_1008 = vector.broadcast %broadcast_in_dim3A_1007 : f32 to vector<16xf32>
    %swap3A_1009 = arith.constant 15 : i32
    %swap3A_1010 = arith.index_cast %swap3A_1009 : i32 to index
    %swap3A_1011 = arith.constant 96 : index
    %swap3A_1012 = tpu.vector_load %arg11[%swap3A_1010, %swap3A_1011] {strides = array<i32>} : memref<16x128xf32, #tpu.memory_space<vmem>>, vector<1x16xf32>,
    %swap3A_1013 = vector.shape_cast %swap3A_1012 : vector<1x16xf32> to vector<16xf32>
    %swap3A_1014 = vector.shape_cast %broadcast_in_dim3A_1008 : vector<16xf32> to vector<1x16xf32>
    tpu.vector_store %arg11[%swap3A_1010, %swap3A_1011], %swap3A_1014 {strides = array<i32>} : memref<16x128xf32, #tpu.memory_space<vmem>>, vector<1x16xf32>,
    %broadcast_in_dim3A_1015 = arith.constant 0.000000e+00 : f32
    %broadcast_in_dim3A_1016 = vector.broadcast %broadcast_in_dim3A_1015 : f32 to vector<16xf32>
    %swap3A_1017 = arith.constant 15 : i32
    %swap3A_1018 = arith.index_cast %swap3A_1017 : i32 to index
    %swap3A_1019 = arith.constant 112 : index
    %swap3A_1020 = tpu.vector_load %arg11[%swap3A_1018, %swap3A_1019] {strides = array<i32>} : memref<16x128xf32, #tpu.memory_space<vmem>>, vector<1x16xf32>,
    %swap3A_1021 = vector.shape_cast %swap3A_1020 : vector<1x16xf32> to vector<16xf32>
    %swap3A_1022 = vector.shape_cast %broadcast_in_dim3A_1016 : vector<16xf32> to vector<1x16xf32>
    tpu.vector_store %arg11[%swap3A_1018, %swap3A_1019], %swap3A_1022 {strides = array<i32>} : memref<16x128xf32, #tpu.memory_space<vmem>>, vector<1x16xf32>,
    %mul3A_1023 = arith.constant 640 : i32
    %mul3A_1024 = arith.muli %arg1, %mul3A_1023 : i32
    %add3A_1025 = arith.constant 0 : i32
    %add3A_1026 = arith.addi %mul3A_1024, %add3A_1025 : i32
    "tpu.region"() ({
      %run_scoped3A_1234 = tpu.sem_alloc : memref<!tpu.dma_semaphore, #tpu.memory_space<semaphore_mem>>
      %dma_start3A_1235 = arith.constant 0 : i32
      %dma_start3A_1236 = tpu.memref_slice %arg12[%add3A_1026, %dma_start3A_1235] : memref<10240x128xf32, #tpu.memory_space<vmem_shared>> -> memref<16x128xf32, #tpu.memory_space<vmem_shared>>
      %dma_start3A_1237 = arith.constant 0 : i32
      %dma_start3A_1238 = tpu.memref_slice %arg12[%add3A_1026, %dma_start3A_1237] : memref<10240x128xf32, #tpu.memory_space<vmem_shared>> -> memref<16x128xf32, #tpu.memory_space<vmem_shared>>
      tpu.enqueue_dma source(%arg11 : memref<16x128xf32, #tpu.memory_space<vmem>>) target(%dma_start3A_1238 : memref<16x128xf32, #tpu.memory_space<vmem_shared>>) target_semaphore(%run_scoped3A_1234 : memref<!tpu.dma_semaphore, #tpu.memory_space<semaphore_mem>>)
      %dma_wait3A_1239 = arith.constant 0 : i32
      %dma_wait3A_1240 = tpu.memref_slice %arg12[%add3A_1026, %dma_wait3A_1239] : memref<10240x128xf32, #tpu.memory_space<vmem_shared>> -> memref<16x128xf32, #tpu.memory_space<vmem_shared>>
      %dma_wait3A_1241 = arith.constant 0 : i32
      %dma_wait3A_1242 = tpu.memref_slice %arg12[%add3A_1026, %dma_wait3A_1241] : memref<10240x128xf32, #tpu.memory_space<vmem_shared>> -> memref<16x128xf32, #tpu.memory_space<vmem_shared>>
      tpu.wait_dma2 semaphore(%run_scoped3A_1234 : memref<!tpu.dma_semaphore, #tpu.memory_space<semaphore_mem>>) src(%arg11 : memref<16x128xf32, #tpu.memory_space<vmem>>) dst(%dma_wait3A_1242 : memref<16x128xf32, #tpu.memory_space<vmem_shared>>)
      tpu.yield
    }) : () -> ()
    %mul3A_1027 = arith.constant 640 : i32
    %mul3A_1028 = arith.muli %arg1, %mul3A_1027 : i32
    %add3A_1029 = arith.constant 16 : i32
    %add3A_1030 = arith.addi %mul3A_1028, %add3A_1029 : i32
    "tpu.region"() ({
      %run_scoped3A_1234 = tpu.sem_alloc : memref<!tpu.dma_semaphore, #tpu.memory_space<semaphore_mem>>
      %dma_start3A_1235 = arith.constant 0 : i32
      %dma_start3A_1236 = tpu.memref_slice %arg12[%add3A_1030, %dma_start3A_1235] : memref<10240x128xf32, #tpu.memory_space<vmem_shared>> -> memref<16x128xf32, #tpu.memory_space<vmem_shared>>
      %dma_start3A_1237 = arith.constant 0 : i32
      %dma_start3A_1238 = tpu.memref_slice %arg12[%add3A_1030, %dma_start3A_1237] : memref<10240x128xf32, #tpu.memory_space<vmem_shared>> -> memref<16x128xf32, #tpu.memory_space<vmem_shared>>
      tpu.enqueue_dma source(%arg11 : memref<16x128xf32, #tpu.memory_space<vmem>>) target(%dma_start3A_1238 : memref<16x128xf32, #tpu.memory_space<vmem_shared>>) target_semaphore(%run_scoped3A_1234 : memref<!tpu.dma_semaphore, #tpu.memory_space<semaphore_mem>>)
      %dma_wait3A_1239 = arith.constant 0 : i32
      %dma_wait3A_1240 = tpu.memref_slice %arg12[%add3A_1030, %dma_wait3A_1239] : memref<10240x128xf32, #tpu.memory_space<vmem_shared>> -> memref<16x128xf32, #tpu.memory_space<vmem_shared>>
      %dma_wait3A_1241 = arith.constant 0 : i32
      %dma_wait3A_1242 = tpu.memref_slice %arg12[%add3A_1030, %dma_wait3A_1241] : memref<10240x128xf32, #tpu.memory_space<vmem_shared>> -> memref<16x128xf32, #tpu.memory_space<vmem_shared>>
      tpu.wait_dma2 semaphore(%run_scoped3A_1234 : memref<!tpu.dma_semaphore, #tpu.memory_space<semaphore_mem>>) src(%arg11 : memref<16x128xf32, #tpu.memory_space<vmem>>) dst(%dma_wait3A_1242 : memref<16x128xf32, #tpu.memory_space<vmem_shared>>)
      tpu.yield
    }) : () -> ()
    %mul3A_1031 = arith.constant 640 : i32
    %mul3A_1032 = arith.muli %arg1, %mul3A_1031 : i32
    %add3A_1033 = arith.constant 32 : i32
    %add3A_1034 = arith.addi %mul3A_1032, %add3A_1033 : i32
    "tpu.region"() ({
      %run_scoped3A_1234 = tpu.sem_alloc : memref<!tpu.dma_semaphore, #tpu.memory_space<semaphore_mem>>
      %dma_start3A_1235 = arith.constant 0 : i32
      %dma_start3A_1236 = tpu.memref_slice %arg12[%add3A_1034, %dma_start3A_1235] : memref<10240x128xf32, #tpu.memory_space<vmem_shared>> -> memref<16x128xf32, #tpu.memory_space<vmem_shared>>
      %dma_start3A_1237 = arith.constant 0 : i32
      %dma_start3A_1238 = tpu.memref_slice %arg12[%add3A_1034, %dma_start3A_1237] : memref<10240x128xf32, #tpu.memory_space<vmem_shared>> -> memref<16x128xf32, #tpu.memory_space<vmem_shared>>
      tpu.enqueue_dma source(%arg11 : memref<16x128xf32, #tpu.memory_space<vmem>>) target(%dma_start3A_1238 : memref<16x128xf32, #tpu.memory_space<vmem_shared>>) target_semaphore(%run_scoped3A_1234 : memref<!tpu.dma_semaphore, #tpu.memory_space<semaphore_mem>>)
      %dma_wait3A_1239 = arith.constant 0 : i32
      %dma_wait3A_1240 = tpu.memref_slice %arg12[%add3A_1034, %dma_wait3A_1239] : memref<10240x128xf32, #tpu.memory_space<vmem_shared>> -> memref<16x128xf32, #tpu.memory_space<vmem_shared>>
      %dma_wait3A_1241 = arith.constant 0 : i32
      %dma_wait3A_1242 = tpu.memref_slice %arg12[%add3A_1034, %dma_wait3A_1241] : memref<10240x128xf32, #tpu.memory_space<vmem_shared>> -> memref<16x128xf32, #tpu.memory_space<vmem_shared>>
      tpu.wait_dma2 semaphore(%run_scoped3A_1234 : memref<!tpu.dma_semaphore, #tpu.memory_space<semaphore_mem>>) src(%arg11 : memref<16x128xf32, #tpu.memory_space<vmem>>) dst(%dma_wait3A_1242 : memref<16x128xf32, #tpu.memory_space<vmem_shared>>)
      tpu.yield
    }) : () -> ()
    %mul3A_1035 = arith.constant 640 : i32
    %mul3A_1036 = arith.muli %arg1, %mul3A_1035 : i32
    %add3A_1037 = arith.constant 48 : i32
    %add3A_1038 = arith.addi %mul3A_1036, %add3A_1037 : i32
    "tpu.region"() ({
      %run_scoped3A_1234 = tpu.sem_alloc : memref<!tpu.dma_semaphore, #tpu.memory_space<semaphore_mem>>
      %dma_start3A_1235 = arith.constant 0 : i32
      %dma_start3A_1236 = tpu.memref_slice %arg12[%add3A_1038, %dma_start3A_1235] : memref<10240x128xf32, #tpu.memory_space<vmem_shared>> -> memref<16x128xf32, #tpu.memory_space<vmem_shared>>
      %dma_start3A_1237 = arith.constant 0 : i32
      %dma_start3A_1238 = tpu.memref_slice %arg12[%add3A_1038, %dma_start3A_1237] : memref<10240x128xf32, #tpu.memory_space<vmem_shared>> -> memref<16x128xf32, #tpu.memory_space<vmem_shared>>
      tpu.enqueue_dma source(%arg11 : memref<16x128xf32, #tpu.memory_space<vmem>>) target(%dma_start3A_1238 : memref<16x128xf32, #tpu.memory_space<vmem_shared>>) target_semaphore(%run_scoped3A_1234 : memref<!tpu.dma_semaphore, #tpu.memory_space<semaphore_mem>>)
      %dma_wait3A_1239 = arith.constant 0 : i32
      %dma_wait3A_1240 = tpu.memref_slice %arg12[%add3A_1038, %dma_wait3A_1239] : memref<10240x128xf32, #tpu.memory_space<vmem_shared>> -> memref<16x128xf32, #tpu.memory_space<vmem_shared>>
      %dma_wait3A_1241 = arith.constant 0 : i32
      %dma_wait3A_1242 = tpu.memref_slice %arg12[%add3A_1038, %dma_wait3A_1241] : memref<10240x128xf32, #tpu.memory_space<vmem_shared>> -> memref<16x128xf32, #tpu.memory_space<vmem_shared>>
      tpu.wait_dma2 semaphore(%run_scoped3A_1234 : memref<!tpu.dma_semaphore, #tpu.memory_space<semaphore_mem>>) src(%arg11 : memref<16x128xf32, #tpu.memory_space<vmem>>) dst(%dma_wait3A_1242 : memref<16x128xf32, #tpu.memory_space<vmem_shared>>)
      tpu.yield
    }) : () -> ()
    %mul3A_1039 = arith.constant 640 : i32
    %mul3A_1040 = arith.muli %arg1, %mul3A_1039 : i32
    %add3A_1041 = arith.constant 64 : i32
    %add3A_1042 = arith.addi %mul3A_1040, %add3A_1041 : i32
    "tpu.region"() ({
      %run_scoped3A_1234 = tpu.sem_alloc : memref<!tpu.dma_semaphore, #tpu.memory_space<semaphore_mem>>
      %dma_start3A_1235 = arith.constant 0 : i32
      %dma_start3A_1236 = tpu.memref_slice %arg12[%add3A_1042, %dma_start3A_1235] : memref<10240x128xf32, #tpu.memory_space<vmem_shared>> -> memref<16x128xf32, #tpu.memory_space<vmem_shared>>
      %dma_start3A_1237 = arith.constant 0 : i32
      %dma_start3A_1238 = tpu.memref_slice %arg12[%add3A_1042, %dma_start3A_1237] : memref<10240x128xf32, #tpu.memory_space<vmem_shared>> -> memref<16x128xf32, #tpu.memory_space<vmem_shared>>
      tpu.enqueue_dma source(%arg11 : memref<16x128xf32, #tpu.memory_space<vmem>>) target(%dma_start3A_1238 : memref<16x128xf32, #tpu.memory_space<vmem_shared>>) target_semaphore(%run_scoped3A_1234 : memref<!tpu.dma_semaphore, #tpu.memory_space<semaphore_mem>>)
      %dma_wait3A_1239 = arith.constant 0 : i32
      %dma_wait3A_1240 = tpu.memref_slice %arg12[%add3A_1042, %dma_wait3A_1239] : memref<10240x128xf32, #tpu.memory_space<vmem_shared>> -> memref<16x128xf32, #tpu.memory_space<vmem_shared>>
      %dma_wait3A_1241 = arith.constant 0 : i32
      %dma_wait3A_1242 = tpu.memref_slice %arg12[%add3A_1042, %dma_wait3A_1241] : memref<10240x128xf32, #tpu.memory_space<vmem_shared>> -> memref<16x128xf32, #tpu.memory_space<vmem_shared>>
      tpu.wait_dma2 semaphore(%run_scoped3A_1234 : memref<!tpu.dma_semaphore, #tpu.memory_space<semaphore_mem>>) src(%arg11 : memref<16x128xf32, #tpu.memory_space<vmem>>) dst(%dma_wait3A_1242 : memref<16x128xf32, #tpu.memory_space<vmem_shared>>)
      tpu.yield
    }) : () -> ()
    %mul3A_1043 = arith.constant 640 : i32
    %mul3A_1044 = arith.muli %arg1, %mul3A_1043 : i32
    %add3A_1045 = arith.constant 80 : i32
    %add3A_1046 = arith.addi %mul3A_1044, %add3A_1045 : i32
    "tpu.region"() ({
      %run_scoped3A_1234 = tpu.sem_alloc : memref<!tpu.dma_semaphore, #tpu.memory_space<semaphore_mem>>
      %dma_start3A_1235 = arith.constant 0 : i32
      %dma_start3A_1236 = tpu.memref_slice %arg12[%add3A_1046, %dma_start3A_1235] : memref<10240x128xf32, #tpu.memory_space<vmem_shared>> -> memref<16x128xf32, #tpu.memory_space<vmem_shared>>
      %dma_start3A_1237 = arith.constant 0 : i32
      %dma_start3A_1238 = tpu.memref_slice %arg12[%add3A_1046, %dma_start3A_1237] : memref<10240x128xf32, #tpu.memory_space<vmem_shared>> -> memref<16x128xf32, #tpu.memory_space<vmem_shared>>
      tpu.enqueue_dma source(%arg11 : memref<16x128xf32, #tpu.memory_space<vmem>>) target(%dma_start3A_1238 : memref<16x128xf32, #tpu.memory_space<vmem_shared>>) target_semaphore(%run_scoped3A_1234 : memref<!tpu.dma_semaphore, #tpu.memory_space<semaphore_mem>>)
      %dma_wait3A_1239 = arith.constant 0 : i32
      %dma_wait3A_1240 = tpu.memref_slice %arg12[%add3A_1046, %dma_wait3A_1239] : memref<10240x128xf32, #tpu.memory_space<vmem_shared>> -> memref<16x128xf32, #tpu.memory_space<vmem_shared>>
      %dma_wait3A_1241 = arith.constant 0 : i32
      %dma_wait3A_1242 = tpu.memref_slice %arg12[%add3A_1046, %dma_wait3A_1241] : memref<10240x128xf32, #tpu.memory_space<vmem_shared>> -> memref<16x128xf32, #tpu.memory_space<vmem_shared>>
      tpu.wait_dma2 semaphore(%run_scoped3A_1234 : memref<!tpu.dma_semaphore, #tpu.memory_space<semaphore_mem>>) src(%arg11 : memref<16x128xf32, #tpu.memory_space<vmem>>) dst(%dma_wait3A_1242 : memref<16x128xf32, #tpu.memory_space<vmem_shared>>)
      tpu.yield
    }) : () -> ()
    %mul3A_1047 = arith.constant 640 : i32
    %mul3A_1048 = arith.muli %arg1, %mul3A_1047 : i32
    %add3A_1049 = arith.constant 96 : i32
    %add3A_1050 = arith.addi %mul3A_1048, %add3A_1049 : i32
    "tpu.region"() ({
      %run_scoped3A_1234 = tpu.sem_alloc : memref<!tpu.dma_semaphore, #tpu.memory_space<semaphore_mem>>
      %dma_start3A_1235 = arith.constant 0 : i32
      %dma_start3A_1236 = tpu.memref_slice %arg12[%add3A_1050, %dma_start3A_1235] : memref<10240x128xf32, #tpu.memory_space<vmem_shared>> -> memref<16x128xf32, #tpu.memory_space<vmem_shared>>
      %dma_start3A_1237 = arith.constant 0 : i32
      %dma_start3A_1238 = tpu.memref_slice %arg12[%add3A_1050, %dma_start3A_1237] : memref<10240x128xf32, #tpu.memory_space<vmem_shared>> -> memref<16x128xf32, #tpu.memory_space<vmem_shared>>
      tpu.enqueue_dma source(%arg11 : memref<16x128xf32, #tpu.memory_space<vmem>>) target(%dma_start3A_1238 : memref<16x128xf32, #tpu.memory_space<vmem_shared>>) target_semaphore(%run_scoped3A_1234 : memref<!tpu.dma_semaphore, #tpu.memory_space<semaphore_mem>>)
      %dma_wait3A_1239 = arith.constant 0 : i32
      %dma_wait3A_1240 = tpu.memref_slice %arg12[%add3A_1050, %dma_wait3A_1239] : memref<10240x128xf32, #tpu.memory_space<vmem_shared>> -> memref<16x128xf32, #tpu.memory_space<vmem_shared>>
      %dma_wait3A_1241 = arith.constant 0 : i32
      %dma_wait3A_1242 = tpu.memref_slice %arg12[%add3A_1050, %dma_wait3A_1241] : memref<10240x128xf32, #tpu.memory_space<vmem_shared>> -> memref<16x128xf32, #tpu.memory_space<vmem_shared>>
      tpu.wait_dma2 semaphore(%run_scoped3A_1234 : memref<!tpu.dma_semaphore, #tpu.memory_space<semaphore_mem>>) src(%arg11 : memref<16x128xf32, #tpu.memory_space<vmem>>) dst(%dma_wait3A_1242 : memref<16x128xf32, #tpu.memory_space<vmem_shared>>)
      tpu.yield
    }) : () -> ()
    %mul3A_1051 = arith.constant 640 : i32
    %mul3A_1052 = arith.muli %arg1, %mul3A_1051 : i32
    %add3A_1053 = arith.constant 112 : i32
    %add3A_1054 = arith.addi %mul3A_1052, %add3A_1053 : i32
    "tpu.region"() ({
      %run_scoped3A_1234 = tpu.sem_alloc : memref<!tpu.dma_semaphore, #tpu.memory_space<semaphore_mem>>
      %dma_start3A_1235 = arith.constant 0 : i32
      %dma_start3A_1236 = tpu.memref_slice %arg12[%add3A_1054, %dma_start3A_1235] : memref<10240x128xf32, #tpu.memory_space<vmem_shared>> -> memref<16x128xf32, #tpu.memory_space<vmem_shared>>
      %dma_start3A_1237 = arith.constant 0 : i32
      %dma_start3A_1238 = tpu.memref_slice %arg12[%add3A_1054, %dma_start3A_1237] : memref<10240x128xf32, #tpu.memory_space<vmem_shared>> -> memref<16x128xf32, #tpu.memory_space<vmem_shared>>
      tpu.enqueue_dma source(%arg11 : memref<16x128xf32, #tpu.memory_space<vmem>>) target(%dma_start3A_1238 : memref<16x128xf32, #tpu.memory_space<vmem_shared>>) target_semaphore(%run_scoped3A_1234 : memref<!tpu.dma_semaphore, #tpu.memory_space<semaphore_mem>>)
      %dma_wait3A_1239 = arith.constant 0 : i32
      %dma_wait3A_1240 = tpu.memref_slice %arg12[%add3A_1054, %dma_wait3A_1239] : memref<10240x128xf32, #tpu.memory_space<vmem_shared>> -> memref<16x128xf32, #tpu.memory_space<vmem_shared>>
      %dma_wait3A_1241 = arith.constant 0 : i32
      %dma_wait3A_1242 = tpu.memref_slice %arg12[%add3A_1054, %dma_wait3A_1241] : memref<10240x128xf32, #tpu.memory_space<vmem_shared>> -> memref<16x128xf32, #tpu.memory_space<vmem_shared>>
      tpu.wait_dma2 semaphore(%run_scoped3A_1234 : memref<!tpu.dma_semaphore, #tpu.memory_space<semaphore_mem>>) src(%arg11 : memref<16x128xf32, #tpu.memory_space<vmem>>) dst(%dma_wait3A_1242 : memref<16x128xf32, #tpu.memory_space<vmem_shared>>)
      tpu.yield
    }) : () -> ()
    %mul3A_1055 = arith.constant 640 : i32
    %mul3A_1056 = arith.muli %arg1, %mul3A_1055 : i32
    %add3A_1057 = arith.constant 128 : i32
    %add3A_1058 = arith.addi %mul3A_1056, %add3A_1057 : i32
    "tpu.region"() ({
      %run_scoped3A_1234 = tpu.sem_alloc : memref<!tpu.dma_semaphore, #tpu.memory_space<semaphore_mem>>
      %dma_start3A_1235 = arith.constant 0 : i32
      %dma_start3A_1236 = tpu.memref_slice %arg12[%add3A_1058, %dma_start3A_1235] : memref<10240x128xf32, #tpu.memory_space<vmem_shared>> -> memref<16x128xf32, #tpu.memory_space<vmem_shared>>
      %dma_start3A_1237 = arith.constant 0 : i32
      %dma_start3A_1238 = tpu.memref_slice %arg12[%add3A_1058, %dma_start3A_1237] : memref<10240x128xf32, #tpu.memory_space<vmem_shared>> -> memref<16x128xf32, #tpu.memory_space<vmem_shared>>
      tpu.enqueue_dma source(%arg11 : memref<16x128xf32, #tpu.memory_space<vmem>>) target(%dma_start3A_1238 : memref<16x128xf32, #tpu.memory_space<vmem_shared>>) target_semaphore(%run_scoped3A_1234 : memref<!tpu.dma_semaphore, #tpu.memory_space<semaphore_mem>>)
      %dma_wait3A_1239 = arith.constant 0 : i32
      %dma_wait3A_1240 = tpu.memref_slice %arg12[%add3A_1058, %dma_wait3A_1239] : memref<10240x128xf32, #tpu.memory_space<vmem_shared>> -> memref<16x128xf32, #tpu.memory_space<vmem_shared>>
      %dma_wait3A_1241 = arith.constant 0 : i32
      %dma_wait3A_1242 = tpu.memref_slice %arg12[%add3A_1058, %dma_wait3A_1241] : memref<10240x128xf32, #tpu.memory_space<vmem_shared>> -> memref<16x128xf32, #tpu.memory_space<vmem_shared>>
      tpu.wait_dma2 semaphore(%run_scoped3A_1234 : memref<!tpu.dma_semaphore, #tpu.memory_space<semaphore_mem>>) src(%arg11 : memref<16x128xf32, #tpu.memory_space<vmem>>) dst(%dma_wait3A_1242 : memref<16x128xf32, #tpu.memory_space<vmem_shared>>)
      tpu.yield
    }) : () -> ()
    %mul3A_1059 = arith.constant 640 : i32
    %mul3A_1060 = arith.muli %arg1, %mul3A_1059 : i32
    %add3A_1061 = arith.constant 144 : i32
    %add3A_1062 = arith.addi %mul3A_1060, %add3A_1061 : i32
    "tpu.region"() ({
      %run_scoped3A_1234 = tpu.sem_alloc : memref<!tpu.dma_semaphore, #tpu.memory_space<semaphore_mem>>
      %dma_start3A_1235 = arith.constant 0 : i32
      %dma_start3A_1236 = tpu.memref_slice %arg12[%add3A_1062, %dma_start3A_1235] : memref<10240x128xf32, #tpu.memory_space<vmem_shared>> -> memref<16x128xf32, #tpu.memory_space<vmem_shared>>
      %dma_start3A_1237 = arith.constant 0 : i32
      %dma_start3A_1238 = tpu.memref_slice %arg12[%add3A_1062, %dma_start3A_1237] : memref<10240x128xf32, #tpu.memory_space<vmem_shared>> -> memref<16x128xf32, #tpu.memory_space<vmem_shared>>
      tpu.enqueue_dma source(%arg11 : memref<16x128xf32, #tpu.memory_space<vmem>>) target(%dma_start3A_1238 : memref<16x128xf32, #tpu.memory_space<vmem_shared>>) target_semaphore(%run_scoped3A_1234 : memref<!tpu.dma_semaphore, #tpu.memory_space<semaphore_mem>>)
      %dma_wait3A_1239 = arith.constant 0 : i32
      %dma_wait3A_1240 = tpu.memref_slice %arg12[%add3A_1062, %dma_wait3A_1239] : memref<10240x128xf32, #tpu.memory_space<vmem_shared>> -> memref<16x128xf32, #tpu.memory_space<vmem_shared>>
      %dma_wait3A_1241 = arith.constant 0 : i32
      %dma_wait3A_1242 = tpu.memref_slice %arg12[%add3A_1062, %dma_wait3A_1241] : memref<10240x128xf32, #tpu.memory_space<vmem_shared>> -> memref<16x128xf32, #tpu.memory_space<vmem_shared>>
      tpu.wait_dma2 semaphore(%run_scoped3A_1234 : memref<!tpu.dma_semaphore, #tpu.memory_space<semaphore_mem>>) src(%arg11 : memref<16x128xf32, #tpu.memory_space<vmem>>) dst(%dma_wait3A_1242 : memref<16x128xf32, #tpu.memory_space<vmem_shared>>)
      tpu.yield
    }) : () -> ()
    %mul3A_1063 = arith.constant 640 : i32
    %mul3A_1064 = arith.muli %arg1, %mul3A_1063 : i32
    %add3A_1065 = arith.constant 160 : i32
    %add3A_1066 = arith.addi %mul3A_1064, %add3A_1065 : i32
    "tpu.region"() ({
      %run_scoped3A_1234 = tpu.sem_alloc : memref<!tpu.dma_semaphore, #tpu.memory_space<semaphore_mem>>
      %dma_start3A_1235 = arith.constant 0 : i32
      %dma_start3A_1236 = tpu.memref_slice %arg12[%add3A_1066, %dma_start3A_1235] : memref<10240x128xf32, #tpu.memory_space<vmem_shared>> -> memref<16x128xf32, #tpu.memory_space<vmem_shared>>
      %dma_start3A_1237 = arith.constant 0 : i32
      %dma_start3A_1238 = tpu.memref_slice %arg12[%add3A_1066, %dma_start3A_1237] : memref<10240x128xf32, #tpu.memory_space<vmem_shared>> -> memref<16x128xf32, #tpu.memory_space<vmem_shared>>
      tpu.enqueue_dma source(%arg11 : memref<16x128xf32, #tpu.memory_space<vmem>>) target(%dma_start3A_1238 : memref<16x128xf32, #tpu.memory_space<vmem_shared>>) target_semaphore(%run_scoped3A_1234 : memref<!tpu.dma_semaphore, #tpu.memory_space<semaphore_mem>>)
      %dma_wait3A_1239 = arith.constant 0 : i32
      %dma_wait3A_1240 = tpu.memref_slice %arg12[%add3A_1066, %dma_wait3A_1239] : memref<10240x128xf32, #tpu.memory_space<vmem_shared>> -> memref<16x128xf32, #tpu.memory_space<vmem_shared>>
      %dma_wait3A_1241 = arith.constant 0 : i32
      %dma_wait3A_1242 = tpu.memref_slice %arg12[%add3A_1066, %dma_wait3A_1241] : memref<10240x128xf32, #tpu.memory_space<vmem_shared>> -> memref<16x128xf32, #tpu.memory_space<vmem_shared>>
      tpu.wait_dma2 semaphore(%run_scoped3A_1234 : memref<!tpu.dma_semaphore, #tpu.memory_space<semaphore_mem>>) src(%arg11 : memref<16x128xf32, #tpu.memory_space<vmem>>) dst(%dma_wait3A_1242 : memref<16x128xf32, #tpu.memory_space<vmem_shared>>)
      tpu.yield
    }) : () -> ()
    %mul3A_1067 = arith.constant 640 : i32
    %mul3A_1068 = arith.muli %arg1, %mul3A_1067 : i32
    %add3A_1069 = arith.constant 176 : i32
    %add3A_1070 = arith.addi %mul3A_1068, %add3A_1069 : i32
    "tpu.region"() ({
      %run_scoped3A_1234 = tpu.sem_alloc : memref<!tpu.dma_semaphore, #tpu.memory_space<semaphore_mem>>
      %dma_start3A_1235 = arith.constant 0 : i32
      %dma_start3A_1236 = tpu.memref_slice %arg12[%add3A_1070, %dma_start3A_1235] : memref<10240x128xf32, #tpu.memory_space<vmem_shared>> -> memref<16x128xf32, #tpu.memory_space<vmem_shared>>
      %dma_start3A_1237 = arith.constant 0 : i32
      %dma_start3A_1238 = tpu.memref_slice %arg12[%add3A_1070, %dma_start3A_1237] : memref<10240x128xf32, #tpu.memory_space<vmem_shared>> -> memref<16x128xf32, #tpu.memory_space<vmem_shared>>
      tpu.enqueue_dma source(%arg11 : memref<16x128xf32, #tpu.memory_space<vmem>>) target(%dma_start3A_1238 : memref<16x128xf32, #tpu.memory_space<vmem_shared>>) target_semaphore(%run_scoped3A_1234 : memref<!tpu.dma_semaphore, #tpu.memory_space<semaphore_mem>>)
      %dma_wait3A_1239 = arith.constant 0 : i32
      %dma_wait3A_1240 = tpu.memref_slice %arg12[%add3A_1070, %dma_wait3A_1239] : memref<10240x128xf32, #tpu.memory_space<vmem_shared>> -> memref<16x128xf32, #tpu.memory_space<vmem_shared>>
      %dma_wait3A_1241 = arith.constant 0 : i32
      %dma_wait3A_1242 = tpu.memref_slice %arg12[%add3A_1070, %dma_wait3A_1241] : memref<10240x128xf32, #tpu.memory_space<vmem_shared>> -> memref<16x128xf32, #tpu.memory_space<vmem_shared>>
      tpu.wait_dma2 semaphore(%run_scoped3A_1234 : memref<!tpu.dma_semaphore, #tpu.memory_space<semaphore_mem>>) src(%arg11 : memref<16x128xf32, #tpu.memory_space<vmem>>) dst(%dma_wait3A_1242 : memref<16x128xf32, #tpu.memory_space<vmem_shared>>)
      tpu.yield
    }) : () -> ()
    %mul3A_1071 = arith.constant 640 : i32
    %mul3A_1072 = arith.muli %arg1, %mul3A_1071 : i32
    %add3A_1073 = arith.constant 192 : i32
    %add3A_1074 = arith.addi %mul3A_1072, %add3A_1073 : i32
    "tpu.region"() ({
      %run_scoped3A_1234 = tpu.sem_alloc : memref<!tpu.dma_semaphore, #tpu.memory_space<semaphore_mem>>
      %dma_start3A_1235 = arith.constant 0 : i32
      %dma_start3A_1236 = tpu.memref_slice %arg12[%add3A_1074, %dma_start3A_1235] : memref<10240x128xf32, #tpu.memory_space<vmem_shared>> -> memref<16x128xf32, #tpu.memory_space<vmem_shared>>
      %dma_start3A_1237 = arith.constant 0 : i32
      %dma_start3A_1238 = tpu.memref_slice %arg12[%add3A_1074, %dma_start3A_1237] : memref<10240x128xf32, #tpu.memory_space<vmem_shared>> -> memref<16x128xf32, #tpu.memory_space<vmem_shared>>
      tpu.enqueue_dma source(%arg11 : memref<16x128xf32, #tpu.memory_space<vmem>>) target(%dma_start3A_1238 : memref<16x128xf32, #tpu.memory_space<vmem_shared>>) target_semaphore(%run_scoped3A_1234 : memref<!tpu.dma_semaphore, #tpu.memory_space<semaphore_mem>>)
      %dma_wait3A_1239 = arith.constant 0 : i32
      %dma_wait3A_1240 = tpu.memref_slice %arg12[%add3A_1074, %dma_wait3A_1239] : memref<10240x128xf32, #tpu.memory_space<vmem_shared>> -> memref<16x128xf32, #tpu.memory_space<vmem_shared>>
      %dma_wait3A_1241 = arith.constant 0 : i32
      %dma_wait3A_1242 = tpu.memref_slice %arg12[%add3A_1074, %dma_wait3A_1241] : memref<10240x128xf32, #tpu.memory_space<vmem_shared>> -> memref<16x128xf32, #tpu.memory_space<vmem_shared>>
      tpu.wait_dma2 semaphore(%run_scoped3A_1234 : memref<!tpu.dma_semaphore, #tpu.memory_space<semaphore_mem>>) src(%arg11 : memref<16x128xf32, #tpu.memory_space<vmem>>) dst(%dma_wait3A_1242 : memref<16x128xf32, #tpu.memory_space<vmem_shared>>)
      tpu.yield
    }) : () -> ()
    %mul3A_1075 = arith.constant 640 : i32
    %mul3A_1076 = arith.muli %arg1, %mul3A_1075 : i32
    %add3A_1077 = arith.constant 208 : i32
    %add3A_1078 = arith.addi %mul3A_1076, %add3A_1077 : i32
    "tpu.region"() ({
      %run_scoped3A_1234 = tpu.sem_alloc : memref<!tpu.dma_semaphore, #tpu.memory_space<semaphore_mem>>
      %dma_start3A_1235 = arith.constant 0 : i32
      %dma_start3A_1236 = tpu.memref_slice %arg12[%add3A_1078, %dma_start3A_1235] : memref<10240x128xf32, #tpu.memory_space<vmem_shared>> -> memref<16x128xf32, #tpu.memory_space<vmem_shared>>
      %dma_start3A_1237 = arith.constant 0 : i32
      %dma_start3A_1238 = tpu.memref_slice %arg12[%add3A_1078, %dma_start3A_1237] : memref<10240x128xf32, #tpu.memory_space<vmem_shared>> -> memref<16x128xf32, #tpu.memory_space<vmem_shared>>
      tpu.enqueue_dma source(%arg11 : memref<16x128xf32, #tpu.memory_space<vmem>>) target(%dma_start3A_1238 : memref<16x128xf32, #tpu.memory_space<vmem_shared>>) target_semaphore(%run_scoped3A_1234 : memref<!tpu.dma_semaphore, #tpu.memory_space<semaphore_mem>>)
      %dma_wait3A_1239 = arith.constant 0 : i32
      %dma_wait3A_1240 = tpu.memref_slice %arg12[%add3A_1078, %dma_wait3A_1239] : memref<10240x128xf32, #tpu.memory_space<vmem_shared>> -> memref<16x128xf32, #tpu.memory_space<vmem_shared>>
      %dma_wait3A_1241 = arith.constant 0 : i32
      %dma_wait3A_1242 = tpu.memref_slice %arg12[%add3A_1078, %dma_wait3A_1241] : memref<10240x128xf32, #tpu.memory_space<vmem_shared>> -> memref<16x128xf32, #tpu.memory_space<vmem_shared>>
      tpu.wait_dma2 semaphore(%run_scoped3A_1234 : memref<!tpu.dma_semaphore, #tpu.memory_space<semaphore_mem>>) src(%arg11 : memref<16x128xf32, #tpu.memory_space<vmem>>) dst(%dma_wait3A_1242 : memref<16x128xf32, #tpu.memory_space<vmem_shared>>)
      tpu.yield
    }) : () -> ()
    %mul3A_1079 = arith.constant 640 : i32
    %mul3A_1080 = arith.muli %arg1, %mul3A_1079 : i32
    %add3A_1081 = arith.constant 224 : i32
    %add3A_1082 = arith.addi %mul3A_1080, %add3A_1081 : i32
    "tpu.region"() ({
      %run_scoped3A_1234 = tpu.sem_alloc : memref<!tpu.dma_semaphore, #tpu.memory_space<semaphore_mem>>
      %dma_start3A_1235 = arith.constant 0 : i32
      %dma_start3A_1236 = tpu.memref_slice %arg12[%add3A_1082, %dma_start3A_1235] : memref<10240x128xf32, #tpu.memory_space<vmem_shared>> -> memref<16x128xf32, #tpu.memory_space<vmem_shared>>
      %dma_start3A_1237 = arith.constant 0 : i32
      %dma_start3A_1238 = tpu.memref_slice %arg12[%add3A_1082, %dma_start3A_1237] : memref<10240x128xf32, #tpu.memory_space<vmem_shared>> -> memref<16x128xf32, #tpu.memory_space<vmem_shared>>
      tpu.enqueue_dma source(%arg11 : memref<16x128xf32, #tpu.memory_space<vmem>>) target(%dma_start3A_1238 : memref<16x128xf32, #tpu.memory_space<vmem_shared>>) target_semaphore(%run_scoped3A_1234 : memref<!tpu.dma_semaphore, #tpu.memory_space<semaphore_mem>>)
      %dma_wait3A_1239 = arith.constant 0 : i32
      %dma_wait3A_1240 = tpu.memref_slice %arg12[%add3A_1082, %dma_wait3A_1239] : memref<10240x128xf32, #tpu.memory_space<vmem_shared>> -> memref<16x128xf32, #tpu.memory_space<vmem_shared>>
      %dma_wait3A_1241 = arith.constant 0 : i32
      %dma_wait3A_1242 = tpu.memref_slice %arg12[%add3A_1082, %dma_wait3A_1241] : memref<10240x128xf32, #tpu.memory_space<vmem_shared>> -> memref<16x128xf32, #tpu.memory_space<vmem_shared>>
      tpu.wait_dma2 semaphore(%run_scoped3A_1234 : memref<!tpu.dma_semaphore, #tpu.memory_space<semaphore_mem>>) src(%arg11 : memref<16x128xf32, #tpu.memory_space<vmem>>) dst(%dma_wait3A_1242 : memref<16x128xf32, #tpu.memory_space<vmem_shared>>)
      tpu.yield
    }) : () -> ()
    %mul3A_1083 = arith.constant 640 : i32
    %mul3A_1084 = arith.muli %arg1, %mul3A_1083 : i32
    %add3A_1085 = arith.constant 240 : i32
    %add3A_1086 = arith.addi %mul3A_1084, %add3A_1085 : i32
    "tpu.region"() ({
      %run_scoped3A_1234 = tpu.sem_alloc : memref<!tpu.dma_semaphore, #tpu.memory_space<semaphore_mem>>
      %dma_start3A_1235 = arith.constant 0 : i32
      %dma_start3A_1236 = tpu.memref_slice %arg12[%add3A_1086, %dma_start3A_1235] : memref<10240x128xf32, #tpu.memory_space<vmem_shared>> -> memref<16x128xf32, #tpu.memory_space<vmem_shared>>
      %dma_start3A_1237 = arith.constant 0 : i32
      %dma_start3A_1238 = tpu.memref_slice %arg12[%add3A_1086, %dma_start3A_1237] : memref<10240x128xf32, #tpu.memory_space<vmem_shared>> -> memref<16x128xf32, #tpu.memory_space<vmem_shared>>
      tpu.enqueue_dma source(%arg11 : memref<16x128xf32, #tpu.memory_space<vmem>>) target(%dma_start3A_1238 : memref<16x128xf32, #tpu.memory_space<vmem_shared>>) target_semaphore(%run_scoped3A_1234 : memref<!tpu.dma_semaphore, #tpu.memory_space<semaphore_mem>>)
      %dma_wait3A_1239 = arith.constant 0 : i32
      %dma_wait3A_1240 = tpu.memref_slice %arg12[%add3A_1086, %dma_wait3A_1239] : memref<10240x128xf32, #tpu.memory_space<vmem_shared>> -> memref<16x128xf32, #tpu.memory_space<vmem_shared>>
      %dma_wait3A_1241 = arith.constant 0 : i32
      %dma_wait3A_1242 = tpu.memref_slice %arg12[%add3A_1086, %dma_wait3A_1241] : memref<10240x128xf32, #tpu.memory_space<vmem_shared>> -> memref<16x128xf32, #tpu.memory_space<vmem_shared>>
      tpu.wait_dma2 semaphore(%run_scoped3A_1234 : memref<!tpu.dma_semaphore, #tpu.memory_space<semaphore_mem>>) src(%arg11 : memref<16x128xf32, #tpu.memory_space<vmem>>) dst(%dma_wait3A_1242 : memref<16x128xf32, #tpu.memory_space<vmem_shared>>)
      tpu.yield
    }) : () -> ()
    %mul3A_1087 = arith.constant 640 : i32
    %mul3A_1088 = arith.muli %arg1, %mul3A_1087 : i32
    %add3A_1089 = arith.constant 256 : i32
    %add3A_1090 = arith.addi %mul3A_1088, %add3A_1089 : i32
    "tpu.region"() ({
      %run_scoped3A_1234 = tpu.sem_alloc : memref<!tpu.dma_semaphore, #tpu.memory_space<semaphore_mem>>
      %dma_start3A_1235 = arith.constant 0 : i32
      %dma_start3A_1236 = tpu.memref_slice %arg12[%add3A_1090, %dma_start3A_1235] : memref<10240x128xf32, #tpu.memory_space<vmem_shared>> -> memref<16x128xf32, #tpu.memory_space<vmem_shared>>
      %dma_start3A_1237 = arith.constant 0 : i32
      %dma_start3A_1238 = tpu.memref_slice %arg12[%add3A_1090, %dma_start3A_1237] : memref<10240x128xf32, #tpu.memory_space<vmem_shared>> -> memref<16x128xf32, #tpu.memory_space<vmem_shared>>
      tpu.enqueue_dma source(%arg11 : memref<16x128xf32, #tpu.memory_space<vmem>>) target(%dma_start3A_1238 : memref<16x128xf32, #tpu.memory_space<vmem_shared>>) target_semaphore(%run_scoped3A_1234 : memref<!tpu.dma_semaphore, #tpu.memory_space<semaphore_mem>>)
      %dma_wait3A_1239 = arith.constant 0 : i32
      %dma_wait3A_1240 = tpu.memref_slice %arg12[%add3A_1090, %dma_wait3A_1239] : memref<10240x128xf32, #tpu.memory_space<vmem_shared>> -> memref<16x128xf32, #tpu.memory_space<vmem_shared>>
      %dma_wait3A_1241 = arith.constant 0 : i32
      %dma_wait3A_1242 = tpu.memref_slice %arg12[%add3A_1090, %dma_wait3A_1241] : memref<10240x128xf32, #tpu.memory_space<vmem_shared>> -> memref<16x128xf32, #tpu.memory_space<vmem_shared>>
      tpu.wait_dma2 semaphore(%run_scoped3A_1234 : memref<!tpu.dma_semaphore, #tpu.memory_space<semaphore_mem>>) src(%arg11 : memref<16x128xf32, #tpu.memory_space<vmem>>) dst(%dma_wait3A_1242 : memref<16x128xf32, #tpu.memory_space<vmem_shared>>)
      tpu.yield
    }) : () -> ()
    %mul3A_1091 = arith.constant 640 : i32
    %mul3A_1092 = arith.muli %arg1, %mul3A_1091 : i32
    %add3A_1093 = arith.constant 272 : i32
    %add3A_1094 = arith.addi %mul3A_1092, %add3A_1093 : i32
    "tpu.region"() ({
      %run_scoped3A_1234 = tpu.sem_alloc : memref<!tpu.dma_semaphore, #tpu.memory_space<semaphore_mem>>
      %dma_start3A_1235 = arith.constant 0 : i32
      %dma_start3A_1236 = tpu.memref_slice %arg12[%add3A_1094, %dma_start3A_1235] : memref<10240x128xf32, #tpu.memory_space<vmem_shared>> -> memref<16x128xf32, #tpu.memory_space<vmem_shared>>
      %dma_start3A_1237 = arith.constant 0 : i32
      %dma_start3A_1238 = tpu.memref_slice %arg12[%add3A_1094, %dma_start3A_1237] : memref<10240x128xf32, #tpu.memory_space<vmem_shared>> -> memref<16x128xf32, #tpu.memory_space<vmem_shared>>
      tpu.enqueue_dma source(%arg11 : memref<16x128xf32, #tpu.memory_space<vmem>>) target(%dma_start3A_1238 : memref<16x128xf32, #tpu.memory_space<vmem_shared>>) target_semaphore(%run_scoped3A_1234 : memref<!tpu.dma_semaphore, #tpu.memory_space<semaphore_mem>>)
      %dma_wait3A_1239 = arith.constant 0 : i32
      %dma_wait3A_1240 = tpu.memref_slice %arg12[%add3A_1094, %dma_wait3A_1239] : memref<10240x128xf32, #tpu.memory_space<vmem_shared>> -> memref<16x128xf32, #tpu.memory_space<vmem_shared>>
      %dma_wait3A_1241 = arith.constant 0 : i32
      %dma_wait3A_1242 = tpu.memref_slice %arg12[%add3A_1094, %dma_wait3A_1241] : memref<10240x128xf32, #tpu.memory_space<vmem_shared>> -> memref<16x128xf32, #tpu.memory_space<vmem_shared>>
      tpu.wait_dma2 semaphore(%run_scoped3A_1234 : memref<!tpu.dma_semaphore, #tpu.memory_space<semaphore_mem>>) src(%arg11 : memref<16x128xf32, #tpu.memory_space<vmem>>) dst(%dma_wait3A_1242 : memref<16x128xf32, #tpu.memory_space<vmem_shared>>)
      tpu.yield
    }) : () -> ()
    %mul3A_1095 = arith.constant 640 : i32
    %mul3A_1096 = arith.muli %arg1, %mul3A_1095 : i32
    %add3A_1097 = arith.constant 288 : i32
    %add3A_1098 = arith.addi %mul3A_1096, %add3A_1097 : i32
    "tpu.region"() ({
      %run_scoped3A_1234 = tpu.sem_alloc : memref<!tpu.dma_semaphore, #tpu.memory_space<semaphore_mem>>
      %dma_start3A_1235 = arith.constant 0 : i32
      %dma_start3A_1236 = tpu.memref_slice %arg12[%add3A_1098, %dma_start3A_1235] : memref<10240x128xf32, #tpu.memory_space<vmem_shared>> -> memref<16x128xf32, #tpu.memory_space<vmem_shared>>
      %dma_start3A_1237 = arith.constant 0 : i32
      %dma_start3A_1238 = tpu.memref_slice %arg12[%add3A_1098, %dma_start3A_1237] : memref<10240x128xf32, #tpu.memory_space<vmem_shared>> -> memref<16x128xf32, #tpu.memory_space<vmem_shared>>
      tpu.enqueue_dma source(%arg11 : memref<16x128xf32, #tpu.memory_space<vmem>>) target(%dma_start3A_1238 : memref<16x128xf32, #tpu.memory_space<vmem_shared>>) target_semaphore(%run_scoped3A_1234 : memref<!tpu.dma_semaphore, #tpu.memory_space<semaphore_mem>>)
      %dma_wait3A_1239 = arith.constant 0 : i32
      %dma_wait3A_1240 = tpu.memref_slice %arg12[%add3A_1098, %dma_wait3A_1239] : memref<10240x128xf32, #tpu.memory_space<vmem_shared>> -> memref<16x128xf32, #tpu.memory_space<vmem_shared>>
      %dma_wait3A_1241 = arith.constant 0 : i32
      %dma_wait3A_1242 = tpu.memref_slice %arg12[%add3A_1098, %dma_wait3A_1241] : memref<10240x128xf32, #tpu.memory_space<vmem_shared>> -> memref<16x128xf32, #tpu.memory_space<vmem_shared>>
      tpu.wait_dma2 semaphore(%run_scoped3A_1234 : memref<!tpu.dma_semaphore, #tpu.memory_space<semaphore_mem>>) src(%arg11 : memref<16x128xf32, #tpu.memory_space<vmem>>) dst(%dma_wait3A_1242 : memref<16x128xf32, #tpu.memory_space<vmem_shared>>)
      tpu.yield
    }) : () -> ()
    %mul3A_1099 = arith.constant 640 : i32
    %mul3A_1100 = arith.muli %arg1, %mul3A_1099 : i32
    %add3A_1101 = arith.constant 304 : i32
    %add3A_1102 = arith.addi %mul3A_1100, %add3A_1101 : i32
    "tpu.region"() ({
      %run_scoped3A_1234 = tpu.sem_alloc : memref<!tpu.dma_semaphore, #tpu.memory_space<semaphore_mem>>
      %dma_start3A_1235 = arith.constant 0 : i32
      %dma_start3A_1236 = tpu.memref_slice %arg12[%add3A_1102, %dma_start3A_1235] : memref<10240x128xf32, #tpu.memory_space<vmem_shared>> -> memref<16x128xf32, #tpu.memory_space<vmem_shared>>
      %dma_start3A_1237 = arith.constant 0 : i32
      %dma_start3A_1238 = tpu.memref_slice %arg12[%add3A_1102, %dma_start3A_1237] : memref<10240x128xf32, #tpu.memory_space<vmem_shared>> -> memref<16x128xf32, #tpu.memory_space<vmem_shared>>
      tpu.enqueue_dma source(%arg11 : memref<16x128xf32, #tpu.memory_space<vmem>>) target(%dma_start3A_1238 : memref<16x128xf32, #tpu.memory_space<vmem_shared>>) target_semaphore(%run_scoped3A_1234 : memref<!tpu.dma_semaphore, #tpu.memory_space<semaphore_mem>>)
      %dma_wait3A_1239 = arith.constant 0 : i32
      %dma_wait3A_1240 = tpu.memref_slice %arg12[%add3A_1102, %dma_wait3A_1239] : memref<10240x128xf32, #tpu.memory_space<vmem_shared>> -> memref<16x128xf32, #tpu.memory_space<vmem_shared>>
      %dma_wait3A_1241 = arith.constant 0 : i32
      %dma_wait3A_1242 = tpu.memref_slice %arg12[%add3A_1102, %dma_wait3A_1241] : memref<10240x128xf32, #tpu.memory_space<vmem_shared>> -> memref<16x128xf32, #tpu.memory_space<vmem_shared>>
      tpu.wait_dma2 semaphore(%run_scoped3A_1234 : memref<!tpu.dma_semaphore, #tpu.memory_space<semaphore_mem>>) src(%arg11 : memref<16x128xf32, #tpu.memory_space<vmem>>) dst(%dma_wait3A_1242 : memref<16x128xf32, #tpu.memory_space<vmem_shared>>)
      tpu.yield
    }) : () -> ()
    %mul3A_1103 = arith.constant 640 : i32
    %mul3A_1104 = arith.muli %arg1, %mul3A_1103 : i32
    %add3A_1105 = arith.constant 320 : i32
    %add3A_1106 = arith.addi %mul3A_1104, %add3A_1105 : i32
    "tpu.region"() ({
      %run_scoped3A_1234 = tpu.sem_alloc : memref<!tpu.dma_semaphore, #tpu.memory_space<semaphore_mem>>
      %dma_start3A_1235 = arith.constant 0 : i32
      %dma_start3A_1236 = tpu.memref_slice %arg12[%add3A_1106, %dma_start3A_1235] : memref<10240x128xf32, #tpu.memory_space<vmem_shared>> -> memref<16x128xf32, #tpu.memory_space<vmem_shared>>
      %dma_start3A_1237 = arith.constant 0 : i32
      %dma_start3A_1238 = tpu.memref_slice %arg12[%add3A_1106, %dma_start3A_1237] : memref<10240x128xf32, #tpu.memory_space<vmem_shared>> -> memref<16x128xf32, #tpu.memory_space<vmem_shared>>
      tpu.enqueue_dma source(%arg11 : memref<16x128xf32, #tpu.memory_space<vmem>>) target(%dma_start3A_1238 : memref<16x128xf32, #tpu.memory_space<vmem_shared>>) target_semaphore(%run_scoped3A_1234 : memref<!tpu.dma_semaphore, #tpu.memory_space<semaphore_mem>>)
      %dma_wait3A_1239 = arith.constant 0 : i32
      %dma_wait3A_1240 = tpu.memref_slice %arg12[%add3A_1106, %dma_wait3A_1239] : memref<10240x128xf32, #tpu.memory_space<vmem_shared>> -> memref<16x128xf32, #tpu.memory_space<vmem_shared>>
      %dma_wait3A_1241 = arith.constant 0 : i32
      %dma_wait3A_1242 = tpu.memref_slice %arg12[%add3A_1106, %dma_wait3A_1241] : memref<10240x128xf32, #tpu.memory_space<vmem_shared>> -> memref<16x128xf32, #tpu.memory_space<vmem_shared>>
      tpu.wait_dma2 semaphore(%run_scoped3A_1234 : memref<!tpu.dma_semaphore, #tpu.memory_space<semaphore_mem>>) src(%arg11 : memref<16x128xf32, #tpu.memory_space<vmem>>) dst(%dma_wait3A_1242 : memref<16x128xf32, #tpu.memory_space<vmem_shared>>)
      tpu.yield
    }) : () -> ()
    %mul3A_1107 = arith.constant 640 : i32
    %mul3A_1108 = arith.muli %arg1, %mul3A_1107 : i32
    %add3A_1109 = arith.constant 336 : i32
    %add3A_1110 = arith.addi %mul3A_1108, %add3A_1109 : i32
    "tpu.region"() ({
      %run_scoped3A_1234 = tpu.sem_alloc : memref<!tpu.dma_semaphore, #tpu.memory_space<semaphore_mem>>
      %dma_start3A_1235 = arith.constant 0 : i32
      %dma_start3A_1236 = tpu.memref_slice %arg12[%add3A_1110, %dma_start3A_1235] : memref<10240x128xf32, #tpu.memory_space<vmem_shared>> -> memref<16x128xf32, #tpu.memory_space<vmem_shared>>
      %dma_start3A_1237 = arith.constant 0 : i32
      %dma_start3A_1238 = tpu.memref_slice %arg12[%add3A_1110, %dma_start3A_1237] : memref<10240x128xf32, #tpu.memory_space<vmem_shared>> -> memref<16x128xf32, #tpu.memory_space<vmem_shared>>
      tpu.enqueue_dma source(%arg11 : memref<16x128xf32, #tpu.memory_space<vmem>>) target(%dma_start3A_1238 : memref<16x128xf32, #tpu.memory_space<vmem_shared>>) target_semaphore(%run_scoped3A_1234 : memref<!tpu.dma_semaphore, #tpu.memory_space<semaphore_mem>>)
      %dma_wait3A_1239 = arith.constant 0 : i32
      %dma_wait3A_1240 = tpu.memref_slice %arg12[%add3A_1110, %dma_wait3A_1239] : memref<10240x128xf32, #tpu.memory_space<vmem_shared>> -> memref<16x128xf32, #tpu.memory_space<vmem_shared>>
      %dma_wait3A_1241 = arith.constant 0 : i32
      %dma_wait3A_1242 = tpu.memref_slice %arg12[%add3A_1110, %dma_wait3A_1241] : memref<10240x128xf32, #tpu.memory_space<vmem_shared>> -> memref<16x128xf32, #tpu.memory_space<vmem_shared>>
      tpu.wait_dma2 semaphore(%run_scoped3A_1234 : memref<!tpu.dma_semaphore, #tpu.memory_space<semaphore_mem>>) src(%arg11 : memref<16x128xf32, #tpu.memory_space<vmem>>) dst(%dma_wait3A_1242 : memref<16x128xf32, #tpu.memory_space<vmem_shared>>)
      tpu.yield
    }) : () -> ()
    %mul3A_1111 = arith.constant 640 : i32
    %mul3A_1112 = arith.muli %arg1, %mul3A_1111 : i32
    %add3A_1113 = arith.constant 352 : i32
    %add3A_1114 = arith.addi %mul3A_1112, %add3A_1113 : i32
    "tpu.region"() ({
      %run_scoped3A_1234 = tpu.sem_alloc : memref<!tpu.dma_semaphore, #tpu.memory_space<semaphore_mem>>
      %dma_start3A_1235 = arith.constant 0 : i32
      %dma_start3A_1236 = tpu.memref_slice %arg12[%add3A_1114, %dma_start3A_1235] : memref<10240x128xf32, #tpu.memory_space<vmem_shared>> -> memref<16x128xf32, #tpu.memory_space<vmem_shared>>
      %dma_start3A_1237 = arith.constant 0 : i32
      %dma_start3A_1238 = tpu.memref_slice %arg12[%add3A_1114, %dma_start3A_1237] : memref<10240x128xf32, #tpu.memory_space<vmem_shared>> -> memref<16x128xf32, #tpu.memory_space<vmem_shared>>
      tpu.enqueue_dma source(%arg11 : memref<16x128xf32, #tpu.memory_space<vmem>>) target(%dma_start3A_1238 : memref<16x128xf32, #tpu.memory_space<vmem_shared>>) target_semaphore(%run_scoped3A_1234 : memref<!tpu.dma_semaphore, #tpu.memory_space<semaphore_mem>>)
      %dma_wait3A_1239 = arith.constant 0 : i32
      %dma_wait3A_1240 = tpu.memref_slice %arg12[%add3A_1114, %dma_wait3A_1239] : memref<10240x128xf32, #tpu.memory_space<vmem_shared>> -> memref<16x128xf32, #tpu.memory_space<vmem_shared>>
      %dma_wait3A_1241 = arith.constant 0 : i32
      %dma_wait3A_1242 = tpu.memref_slice %arg12[%add3A_1114, %dma_wait3A_1241] : memref<10240x128xf32, #tpu.memory_space<vmem_shared>> -> memref<16x128xf32, #tpu.memory_space<vmem_shared>>
      tpu.wait_dma2 semaphore(%run_scoped3A_1234 : memref<!tpu.dma_semaphore, #tpu.memory_space<semaphore_mem>>) src(%arg11 : memref<16x128xf32, #tpu.memory_space<vmem>>) dst(%dma_wait3A_1242 : memref<16x128xf32, #tpu.memory_space<vmem_shared>>)
      tpu.yield
    }) : () -> ()
    %mul3A_1115 = arith.constant 640 : i32
    %mul3A_1116 = arith.muli %arg1, %mul3A_1115 : i32
    %add3A_1117 = arith.constant 368 : i32
    %add3A_1118 = arith.addi %mul3A_1116, %add3A_1117 : i32
    "tpu.region"() ({
      %run_scoped3A_1234 = tpu.sem_alloc : memref<!tpu.dma_semaphore, #tpu.memory_space<semaphore_mem>>
      %dma_start3A_1235 = arith.constant 0 : i32
      %dma_start3A_1236 = tpu.memref_slice %arg12[%add3A_1118, %dma_start3A_1235] : memref<10240x128xf32, #tpu.memory_space<vmem_shared>> -> memref<16x128xf32, #tpu.memory_space<vmem_shared>>
      %dma_start3A_1237 = arith.constant 0 : i32
      %dma_start3A_1238 = tpu.memref_slice %arg12[%add3A_1118, %dma_start3A_1237] : memref<10240x128xf32, #tpu.memory_space<vmem_shared>> -> memref<16x128xf32, #tpu.memory_space<vmem_shared>>
      tpu.enqueue_dma source(%arg11 : memref<16x128xf32, #tpu.memory_space<vmem>>) target(%dma_start3A_1238 : memref<16x128xf32, #tpu.memory_space<vmem_shared>>) target_semaphore(%run_scoped3A_1234 : memref<!tpu.dma_semaphore, #tpu.memory_space<semaphore_mem>>)
      %dma_wait3A_1239 = arith.constant 0 : i32
      %dma_wait3A_1240 = tpu.memref_slice %arg12[%add3A_1118, %dma_wait3A_1239] : memref<10240x128xf32, #tpu.memory_space<vmem_shared>> -> memref<16x128xf32, #tpu.memory_space<vmem_shared>>
      %dma_wait3A_1241 = arith.constant 0 : i32
      %dma_wait3A_1242 = tpu.memref_slice %arg12[%add3A_1118, %dma_wait3A_1241] : memref<10240x128xf32, #tpu.memory_space<vmem_shared>> -> memref<16x128xf32, #tpu.memory_space<vmem_shared>>
      tpu.wait_dma2 semaphore(%run_scoped3A_1234 : memref<!tpu.dma_semaphore, #tpu.memory_space<semaphore_mem>>) src(%arg11 : memref<16x128xf32, #tpu.memory_space<vmem>>) dst(%dma_wait3A_1242 : memref<16x128xf32, #tpu.memory_space<vmem_shared>>)
      tpu.yield
    }) : () -> ()
    %mul3A_1119 = arith.constant 640 : i32
    %mul3A_1120 = arith.muli %arg1, %mul3A_1119 : i32
    %add3A_1121 = arith.constant 384 : i32
    %add3A_1122 = arith.addi %mul3A_1120, %add3A_1121 : i32
    "tpu.region"() ({
      %run_scoped3A_1234 = tpu.sem_alloc : memref<!tpu.dma_semaphore, #tpu.memory_space<semaphore_mem>>
      %dma_start3A_1235 = arith.constant 0 : i32
      %dma_start3A_1236 = tpu.memref_slice %arg12[%add3A_1122, %dma_start3A_1235] : memref<10240x128xf32, #tpu.memory_space<vmem_shared>> -> memref<16x128xf32, #tpu.memory_space<vmem_shared>>
      %dma_start3A_1237 = arith.constant 0 : i32
      %dma_start3A_1238 = tpu.memref_slice %arg12[%add3A_1122, %dma_start3A_1237] : memref<10240x128xf32, #tpu.memory_space<vmem_shared>> -> memref<16x128xf32, #tpu.memory_space<vmem_shared>>
      tpu.enqueue_dma source(%arg11 : memref<16x128xf32, #tpu.memory_space<vmem>>) target(%dma_start3A_1238 : memref<16x128xf32, #tpu.memory_space<vmem_shared>>) target_semaphore(%run_scoped3A_1234 : memref<!tpu.dma_semaphore, #tpu.memory_space<semaphore_mem>>)
      %dma_wait3A_1239 = arith.constant 0 : i32
      %dma_wait3A_1240 = tpu.memref_slice %arg12[%add3A_1122, %dma_wait3A_1239] : memref<10240x128xf32, #tpu.memory_space<vmem_shared>> -> memref<16x128xf32, #tpu.memory_space<vmem_shared>>
      %dma_wait3A_1241 = arith.constant 0 : i32
      %dma_wait3A_1242 = tpu.memref_slice %arg12[%add3A_1122, %dma_wait3A_1241] : memref<10240x128xf32, #tpu.memory_space<vmem_shared>> -> memref<16x128xf32, #tpu.memory_space<vmem_shared>>
      tpu.wait_dma2 semaphore(%run_scoped3A_1234 : memref<!tpu.dma_semaphore, #tpu.memory_space<semaphore_mem>>) src(%arg11 : memref<16x128xf32, #tpu.memory_space<vmem>>) dst(%dma_wait3A_1242 : memref<16x128xf32, #tpu.memory_space<vmem_shared>>)
      tpu.yield
    }) : () -> ()
    %mul3A_1123 = arith.constant 640 : i32
    %mul3A_1124 = arith.muli %arg1, %mul3A_1123 : i32
    %add3A_1125 = arith.constant 400 : i32
    %add3A_1126 = arith.addi %mul3A_1124, %add3A_1125 : i32
    "tpu.region"() ({
      %run_scoped3A_1234 = tpu.sem_alloc : memref<!tpu.dma_semaphore, #tpu.memory_space<semaphore_mem>>
      %dma_start3A_1235 = arith.constant 0 : i32
      %dma_start3A_1236 = tpu.memref_slice %arg12[%add3A_1126, %dma_start3A_1235] : memref<10240x128xf32, #tpu.memory_space<vmem_shared>> -> memref<16x128xf32, #tpu.memory_space<vmem_shared>>
      %dma_start3A_1237 = arith.constant 0 : i32
      %dma_start3A_1238 = tpu.memref_slice %arg12[%add3A_1126, %dma_start3A_1237] : memref<10240x128xf32, #tpu.memory_space<vmem_shared>> -> memref<16x128xf32, #tpu.memory_space<vmem_shared>>
      tpu.enqueue_dma source(%arg11 : memref<16x128xf32, #tpu.memory_space<vmem>>) target(%dma_start3A_1238 : memref<16x128xf32, #tpu.memory_space<vmem_shared>>) target_semaphore(%run_scoped3A_1234 : memref<!tpu.dma_semaphore, #tpu.memory_space<semaphore_mem>>)
      %dma_wait3A_1239 = arith.constant 0 : i32
      %dma_wait3A_1240 = tpu.memref_slice %arg12[%add3A_1126, %dma_wait3A_1239] : memref<10240x128xf32, #tpu.memory_space<vmem_shared>> -> memref<16x128xf32, #tpu.memory_space<vmem_shared>>
      %dma_wait3A_1241 = arith.constant 0 : i32
      %dma_wait3A_1242 = tpu.memref_slice %arg12[%add3A_1126, %dma_wait3A_1241] : memref<10240x128xf32, #tpu.memory_space<vmem_shared>> -> memref<16x128xf32, #tpu.memory_space<vmem_shared>>
      tpu.wait_dma2 semaphore(%run_scoped3A_1234 : memref<!tpu.dma_semaphore, #tpu.memory_space<semaphore_mem>>) src(%arg11 : memref<16x128xf32, #tpu.memory_space<vmem>>) dst(%dma_wait3A_1242 : memref<16x128xf32, #tpu.memory_space<vmem_shared>>)
      tpu.yield
    }) : () -> ()
    %mul3A_1127 = arith.constant 640 : i32
    %mul3A_1128 = arith.muli %arg1, %mul3A_1127 : i32
    %add3A_1129 = arith.constant 416 : i32
    %add3A_1130 = arith.addi %mul3A_1128, %add3A_1129 : i32
    "tpu.region"() ({
      %run_scoped3A_1234 = tpu.sem_alloc : memref<!tpu.dma_semaphore, #tpu.memory_space<semaphore_mem>>
      %dma_start3A_1235 = arith.constant 0 : i32
      %dma_start3A_1236 = tpu.memref_slice %arg12[%add3A_1130, %dma_start3A_1235] : memref<10240x128xf32, #tpu.memory_space<vmem_shared>> -> memref<16x128xf32, #tpu.memory_space<vmem_shared>>
      %dma_start3A_1237 = arith.constant 0 : i32
      %dma_start3A_1238 = tpu.memref_slice %arg12[%add3A_1130, %dma_start3A_1237] : memref<10240x128xf32, #tpu.memory_space<vmem_shared>> -> memref<16x128xf32, #tpu.memory_space<vmem_shared>>
      tpu.enqueue_dma source(%arg11 : memref<16x128xf32, #tpu.memory_space<vmem>>) target(%dma_start3A_1238 : memref<16x128xf32, #tpu.memory_space<vmem_shared>>) target_semaphore(%run_scoped3A_1234 : memref<!tpu.dma_semaphore, #tpu.memory_space<semaphore_mem>>)
      %dma_wait3A_1239 = arith.constant 0 : i32
      %dma_wait3A_1240 = tpu.memref_slice %arg12[%add3A_1130, %dma_wait3A_1239] : memref<10240x128xf32, #tpu.memory_space<vmem_shared>> -> memref<16x128xf32, #tpu.memory_space<vmem_shared>>
      %dma_wait3A_1241 = arith.constant 0 : i32
      %dma_wait3A_1242 = tpu.memref_slice %arg12[%add3A_1130, %dma_wait3A_1241] : memref<10240x128xf32, #tpu.memory_space<vmem_shared>> -> memref<16x128xf32, #tpu.memory_space<vmem_shared>>
      tpu.wait_dma2 semaphore(%run_scoped3A_1234 : memref<!tpu.dma_semaphore, #tpu.memory_space<semaphore_mem>>) src(%arg11 : memref<16x128xf32, #tpu.memory_space<vmem>>) dst(%dma_wait3A_1242 : memref<16x128xf32, #tpu.memory_space<vmem_shared>>)
      tpu.yield
    }) : () -> ()
    %mul3A_1131 = arith.constant 640 : i32
    %mul3A_1132 = arith.muli %arg1, %mul3A_1131 : i32
    %add3A_1133 = arith.constant 432 : i32
    %add3A_1134 = arith.addi %mul3A_1132, %add3A_1133 : i32
    "tpu.region"() ({
      %run_scoped3A_1234 = tpu.sem_alloc : memref<!tpu.dma_semaphore, #tpu.memory_space<semaphore_mem>>
      %dma_start3A_1235 = arith.constant 0 : i32
      %dma_start3A_1236 = tpu.memref_slice %arg12[%add3A_1134, %dma_start3A_1235] : memref<10240x128xf32, #tpu.memory_space<vmem_shared>> -> memref<16x128xf32, #tpu.memory_space<vmem_shared>>
      %dma_start3A_1237 = arith.constant 0 : i32
      %dma_start3A_1238 = tpu.memref_slice %arg12[%add3A_1134, %dma_start3A_1237] : memref<10240x128xf32, #tpu.memory_space<vmem_shared>> -> memref<16x128xf32, #tpu.memory_space<vmem_shared>>
      tpu.enqueue_dma source(%arg11 : memref<16x128xf32, #tpu.memory_space<vmem>>) target(%dma_start3A_1238 : memref<16x128xf32, #tpu.memory_space<vmem_shared>>) target_semaphore(%run_scoped3A_1234 : memref<!tpu.dma_semaphore, #tpu.memory_space<semaphore_mem>>)
      %dma_wait3A_1239 = arith.constant 0 : i32
      %dma_wait3A_1240 = tpu.memref_slice %arg12[%add3A_1134, %dma_wait3A_1239] : memref<10240x128xf32, #tpu.memory_space<vmem_shared>> -> memref<16x128xf32, #tpu.memory_space<vmem_shared>>
      %dma_wait3A_1241 = arith.constant 0 : i32
      %dma_wait3A_1242 = tpu.memref_slice %arg12[%add3A_1134, %dma_wait3A_1241] : memref<10240x128xf32, #tpu.memory_space<vmem_shared>> -> memref<16x128xf32, #tpu.memory_space<vmem_shared>>
      tpu.wait_dma2 semaphore(%run_scoped3A_1234 : memref<!tpu.dma_semaphore, #tpu.memory_space<semaphore_mem>>) src(%arg11 : memref<16x128xf32, #tpu.memory_space<vmem>>) dst(%dma_wait3A_1242 : memref<16x128xf32, #tpu.memory_space<vmem_shared>>)
      tpu.yield
    }) : () -> ()
    %mul3A_1135 = arith.constant 640 : i32
    %mul3A_1136 = arith.muli %arg1, %mul3A_1135 : i32
    %add3A_1137 = arith.constant 448 : i32
    %add3A_1138 = arith.addi %mul3A_1136, %add3A_1137 : i32
    "tpu.region"() ({
      %run_scoped3A_1234 = tpu.sem_alloc : memref<!tpu.dma_semaphore, #tpu.memory_space<semaphore_mem>>
      %dma_start3A_1235 = arith.constant 0 : i32
      %dma_start3A_1236 = tpu.memref_slice %arg12[%add3A_1138, %dma_start3A_1235] : memref<10240x128xf32, #tpu.memory_space<vmem_shared>> -> memref<16x128xf32, #tpu.memory_space<vmem_shared>>
      %dma_start3A_1237 = arith.constant 0 : i32
      %dma_start3A_1238 = tpu.memref_slice %arg12[%add3A_1138, %dma_start3A_1237] : memref<10240x128xf32, #tpu.memory_space<vmem_shared>> -> memref<16x128xf32, #tpu.memory_space<vmem_shared>>
      tpu.enqueue_dma source(%arg11 : memref<16x128xf32, #tpu.memory_space<vmem>>) target(%dma_start3A_1238 : memref<16x128xf32, #tpu.memory_space<vmem_shared>>) target_semaphore(%run_scoped3A_1234 : memref<!tpu.dma_semaphore, #tpu.memory_space<semaphore_mem>>)
      %dma_wait3A_1239 = arith.constant 0 : i32
      %dma_wait3A_1240 = tpu.memref_slice %arg12[%add3A_1138, %dma_wait3A_1239] : memref<10240x128xf32, #tpu.memory_space<vmem_shared>> -> memref<16x128xf32, #tpu.memory_space<vmem_shared>>
      %dma_wait3A_1241 = arith.constant 0 : i32
      %dma_wait3A_1242 = tpu.memref_slice %arg12[%add3A_1138, %dma_wait3A_1241] : memref<10240x128xf32, #tpu.memory_space<vmem_shared>> -> memref<16x128xf32, #tpu.memory_space<vmem_shared>>
      tpu.wait_dma2 semaphore(%run_scoped3A_1234 : memref<!tpu.dma_semaphore, #tpu.memory_space<semaphore_mem>>) src(%arg11 : memref<16x128xf32, #tpu.memory_space<vmem>>) dst(%dma_wait3A_1242 : memref<16x128xf32, #tpu.memory_space<vmem_shared>>)
      tpu.yield
    }) : () -> ()
    %mul3A_1139 = arith.constant 640 : i32
    %mul3A_1140 = arith.muli %arg1, %mul3A_1139 : i32
    %add3A_1141 = arith.constant 464 : i32
    %add3A_1142 = arith.addi %mul3A_1140, %add3A_1141 : i32
    "tpu.region"() ({
      %run_scoped3A_1234 = tpu.sem_alloc : memref<!tpu.dma_semaphore, #tpu.memory_space<semaphore_mem>>
      %dma_start3A_1235 = arith.constant 0 : i32
      %dma_start3A_1236 = tpu.memref_slice %arg12[%add3A_1142, %dma_start3A_1235] : memref<10240x128xf32, #tpu.memory_space<vmem_shared>> -> memref<16x128xf32, #tpu.memory_space<vmem_shared>>
      %dma_start3A_1237 = arith.constant 0 : i32
      %dma_start3A_1238 = tpu.memref_slice %arg12[%add3A_1142, %dma_start3A_1237] : memref<10240x128xf32, #tpu.memory_space<vmem_shared>> -> memref<16x128xf32, #tpu.memory_space<vmem_shared>>
      tpu.enqueue_dma source(%arg11 : memref<16x128xf32, #tpu.memory_space<vmem>>) target(%dma_start3A_1238 : memref<16x128xf32, #tpu.memory_space<vmem_shared>>) target_semaphore(%run_scoped3A_1234 : memref<!tpu.dma_semaphore, #tpu.memory_space<semaphore_mem>>)
      %dma_wait3A_1239 = arith.constant 0 : i32
      %dma_wait3A_1240 = tpu.memref_slice %arg12[%add3A_1142, %dma_wait3A_1239] : memref<10240x128xf32, #tpu.memory_space<vmem_shared>> -> memref<16x128xf32, #tpu.memory_space<vmem_shared>>
      %dma_wait3A_1241 = arith.constant 0 : i32
      %dma_wait3A_1242 = tpu.memref_slice %arg12[%add3A_1142, %dma_wait3A_1241] : memref<10240x128xf32, #tpu.memory_space<vmem_shared>> -> memref<16x128xf32, #tpu.memory_space<vmem_shared>>
      tpu.wait_dma2 semaphore(%run_scoped3A_1234 : memref<!tpu.dma_semaphore, #tpu.memory_space<semaphore_mem>>) src(%arg11 : memref<16x128xf32, #tpu.memory_space<vmem>>) dst(%dma_wait3A_1242 : memref<16x128xf32, #tpu.memory_space<vmem_shared>>)
      tpu.yield
    }) : () -> ()
    %mul3A_1143 = arith.constant 640 : i32
    %mul3A_1144 = arith.muli %arg1, %mul3A_1143 : i32
    %add3A_1145 = arith.constant 480 : i32
    %add3A_1146 = arith.addi %mul3A_1144, %add3A_1145 : i32
    "tpu.region"() ({
      %run_scoped3A_1234 = tpu.sem_alloc : memref<!tpu.dma_semaphore, #tpu.memory_space<semaphore_mem>>
      %dma_start3A_1235 = arith.constant 0 : i32
      %dma_start3A_1236 = tpu.memref_slice %arg12[%add3A_1146, %dma_start3A_1235] : memref<10240x128xf32, #tpu.memory_space<vmem_shared>> -> memref<16x128xf32, #tpu.memory_space<vmem_shared>>
      %dma_start3A_1237 = arith.constant 0 : i32
      %dma_start3A_1238 = tpu.memref_slice %arg12[%add3A_1146, %dma_start3A_1237] : memref<10240x128xf32, #tpu.memory_space<vmem_shared>> -> memref<16x128xf32, #tpu.memory_space<vmem_shared>>
      tpu.enqueue_dma source(%arg11 : memref<16x128xf32, #tpu.memory_space<vmem>>) target(%dma_start3A_1238 : memref<16x128xf32, #tpu.memory_space<vmem_shared>>) target_semaphore(%run_scoped3A_1234 : memref<!tpu.dma_semaphore, #tpu.memory_space<semaphore_mem>>)
      %dma_wait3A_1239 = arith.constant 0 : i32
      %dma_wait3A_1240 = tpu.memref_slice %arg12[%add3A_1146, %dma_wait3A_1239] : memref<10240x128xf32, #tpu.memory_space<vmem_shared>> -> memref<16x128xf32, #tpu.memory_space<vmem_shared>>
      %dma_wait3A_1241 = arith.constant 0 : i32
      %dma_wait3A_1242 = tpu.memref_slice %arg12[%add3A_1146, %dma_wait3A_1241] : memref<10240x128xf32, #tpu.memory_space<vmem_shared>> -> memref<16x128xf32, #tpu.memory_space<vmem_shared>>
      tpu.wait_dma2 semaphore(%run_scoped3A_1234 : memref<!tpu.dma_semaphore, #tpu.memory_space<semaphore_mem>>) src(%arg11 : memref<16x128xf32, #tpu.memory_space<vmem>>) dst(%dma_wait3A_1242 : memref<16x128xf32, #tpu.memory_space<vmem_shared>>)
      tpu.yield
    }) : () -> ()
    %mul3A_1147 = arith.constant 640 : i32
    %mul3A_1148 = arith.muli %arg1, %mul3A_1147 : i32
    %add3A_1149 = arith.constant 496 : i32
    %add3A_1150 = arith.addi %mul3A_1148, %add3A_1149 : i32
    "tpu.region"() ({
      %run_scoped3A_1234 = tpu.sem_alloc : memref<!tpu.dma_semaphore, #tpu.memory_space<semaphore_mem>>
      %dma_start3A_1235 = arith.constant 0 : i32
      %dma_start3A_1236 = tpu.memref_slice %arg12[%add3A_1150, %dma_start3A_1235] : memref<10240x128xf32, #tpu.memory_space<vmem_shared>> -> memref<16x128xf32, #tpu.memory_space<vmem_shared>>
      %dma_start3A_1237 = arith.constant 0 : i32
      %dma_start3A_1238 = tpu.memref_slice %arg12[%add3A_1150, %dma_start3A_1237] : memref<10240x128xf32, #tpu.memory_space<vmem_shared>> -> memref<16x128xf32, #tpu.memory_space<vmem_shared>>
      tpu.enqueue_dma source(%arg11 : memref<16x128xf32, #tpu.memory_space<vmem>>) target(%dma_start3A_1238 : memref<16x128xf32, #tpu.memory_space<vmem_shared>>) target_semaphore(%run_scoped3A_1234 : memref<!tpu.dma_semaphore, #tpu.memory_space<semaphore_mem>>)
      %dma_wait3A_1239 = arith.constant 0 : i32
      %dma_wait3A_1240 = tpu.memref_slice %arg12[%add3A_1150, %dma_wait3A_1239] : memref<10240x128xf32, #tpu.memory_space<vmem_shared>> -> memref<16x128xf32, #tpu.memory_space<vmem_shared>>
      %dma_wait3A_1241 = arith.constant 0 : i32
      %dma_wait3A_1242 = tpu.memref_slice %arg12[%add3A_1150, %dma_wait3A_1241] : memref<10240x128xf32, #tpu.memory_space<vmem_shared>> -> memref<16x128xf32, #tpu.memory_space<vmem_shared>>
      tpu.wait_dma2 semaphore(%run_scoped3A_1234 : memref<!tpu.dma_semaphore, #tpu.memory_space<semaphore_mem>>) src(%arg11 : memref<16x128xf32, #tpu.memory_space<vmem>>) dst(%dma_wait3A_1242 : memref<16x128xf32, #tpu.memory_space<vmem_shared>>)
      tpu.yield
    }) : () -> ()
    %mul3A_1151 = arith.constant 640 : i32
    %mul3A_1152 = arith.muli %arg1, %mul3A_1151 : i32
    %add3A_1153 = arith.constant 512 : i32
    %add3A_1154 = arith.addi %mul3A_1152, %add3A_1153 : i32
    "tpu.region"() ({
      %run_scoped3A_1234 = tpu.sem_alloc : memref<!tpu.dma_semaphore, #tpu.memory_space<semaphore_mem>>
      %dma_start3A_1235 = arith.constant 0 : i32
      %dma_start3A_1236 = tpu.memref_slice %arg12[%add3A_1154, %dma_start3A_1235] : memref<10240x128xf32, #tpu.memory_space<vmem_shared>> -> memref<16x128xf32, #tpu.memory_space<vmem_shared>>
      %dma_start3A_1237 = arith.constant 0 : i32
      %dma_start3A_1238 = tpu.memref_slice %arg12[%add3A_1154, %dma_start3A_1237] : memref<10240x128xf32, #tpu.memory_space<vmem_shared>> -> memref<16x128xf32, #tpu.memory_space<vmem_shared>>
      tpu.enqueue_dma source(%arg11 : memref<16x128xf32, #tpu.memory_space<vmem>>) target(%dma_start3A_1238 : memref<16x128xf32, #tpu.memory_space<vmem_shared>>) target_semaphore(%run_scoped3A_1234 : memref<!tpu.dma_semaphore, #tpu.memory_space<semaphore_mem>>)
      %dma_wait3A_1239 = arith.constant 0 : i32
      %dma_wait3A_1240 = tpu.memref_slice %arg12[%add3A_1154, %dma_wait3A_1239] : memref<10240x128xf32, #tpu.memory_space<vmem_shared>> -> memref<16x128xf32, #tpu.memory_space<vmem_shared>>
      %dma_wait3A_1241 = arith.constant 0 : i32
      %dma_wait3A_1242 = tpu.memref_slice %arg12[%add3A_1154, %dma_wait3A_1241] : memref<10240x128xf32, #tpu.memory_space<vmem_shared>> -> memref<16x128xf32, #tpu.memory_space<vmem_shared>>
      tpu.wait_dma2 semaphore(%run_scoped3A_1234 : memref<!tpu.dma_semaphore, #tpu.memory_space<semaphore_mem>>) src(%arg11 : memref<16x128xf32, #tpu.memory_space<vmem>>) dst(%dma_wait3A_1242 : memref<16x128xf32, #tpu.memory_space<vmem_shared>>)
      tpu.yield
    }) : () -> ()
    %mul3A_1155 = arith.constant 640 : i32
    %mul3A_1156 = arith.muli %arg1, %mul3A_1155 : i32
    %add3A_1157 = arith.constant 528 : i32
    %add3A_1158 = arith.addi %mul3A_1156, %add3A_1157 : i32
    "tpu.region"() ({
      %run_scoped3A_1234 = tpu.sem_alloc : memref<!tpu.dma_semaphore, #tpu.memory_space<semaphore_mem>>
      %dma_start3A_1235 = arith.constant 0 : i32
      %dma_start3A_1236 = tpu.memref_slice %arg12[%add3A_1158, %dma_start3A_1235] : memref<10240x128xf32, #tpu.memory_space<vmem_shared>> -> memref<16x128xf32, #tpu.memory_space<vmem_shared>>
      %dma_start3A_1237 = arith.constant 0 : i32
      %dma_start3A_1238 = tpu.memref_slice %arg12[%add3A_1158, %dma_start3A_1237] : memref<10240x128xf32, #tpu.memory_space<vmem_shared>> -> memref<16x128xf32, #tpu.memory_space<vmem_shared>>
      tpu.enqueue_dma source(%arg11 : memref<16x128xf32, #tpu.memory_space<vmem>>) target(%dma_start3A_1238 : memref<16x128xf32, #tpu.memory_space<vmem_shared>>) target_semaphore(%run_scoped3A_1234 : memref<!tpu.dma_semaphore, #tpu.memory_space<semaphore_mem>>)
      %dma_wait3A_1239 = arith.constant 0 : i32
      %dma_wait3A_1240 = tpu.memref_slice %arg12[%add3A_1158, %dma_wait3A_1239] : memref<10240x128xf32, #tpu.memory_space<vmem_shared>> -> memref<16x128xf32, #tpu.memory_space<vmem_shared>>
      %dma_wait3A_1241 = arith.constant 0 : i32
      %dma_wait3A_1242 = tpu.memref_slice %arg12[%add3A_1158, %dma_wait3A_1241] : memref<10240x128xf32, #tpu.memory_space<vmem_shared>> -> memref<16x128xf32, #tpu.memory_space<vmem_shared>>
      tpu.wait_dma2 semaphore(%run_scoped3A_1234 : memref<!tpu.dma_semaphore, #tpu.memory_space<semaphore_mem>>) src(%arg11 : memref<16x128xf32, #tpu.memory_space<vmem>>) dst(%dma_wait3A_1242 : memref<16x128xf32, #tpu.memory_space<vmem_shared>>)
      tpu.yield
    }) : () -> ()
    %mul3A_1159 = arith.constant 640 : i32
    %mul3A_1160 = arith.muli %arg1, %mul3A_1159 : i32
    %add3A_1161 = arith.constant 544 : i32
    %add3A_1162 = arith.addi %mul3A_1160, %add3A_1161 : i32
    "tpu.region"() ({
      %run_scoped3A_1234 = tpu.sem_alloc : memref<!tpu.dma_semaphore, #tpu.memory_space<semaphore_mem>>
      %dma_start3A_1235 = arith.constant 0 : i32
      %dma_start3A_1236 = tpu.memref_slice %arg12[%add3A_1162, %dma_start3A_1235] : memref<10240x128xf32, #tpu.memory_space<vmem_shared>> -> memref<16x128xf32, #tpu.memory_space<vmem_shared>>
      %dma_start3A_1237 = arith.constant 0 : i32
      %dma_start3A_1238 = tpu.memref_slice %arg12[%add3A_1162, %dma_start3A_1237] : memref<10240x128xf32, #tpu.memory_space<vmem_shared>> -> memref<16x128xf32, #tpu.memory_space<vmem_shared>>
      tpu.enqueue_dma source(%arg11 : memref<16x128xf32, #tpu.memory_space<vmem>>) target(%dma_start3A_1238 : memref<16x128xf32, #tpu.memory_space<vmem_shared>>) target_semaphore(%run_scoped3A_1234 : memref<!tpu.dma_semaphore, #tpu.memory_space<semaphore_mem>>)
      %dma_wait3A_1239 = arith.constant 0 : i32
      %dma_wait3A_1240 = tpu.memref_slice %arg12[%add3A_1162, %dma_wait3A_1239] : memref<10240x128xf32, #tpu.memory_space<vmem_shared>> -> memref<16x128xf32, #tpu.memory_space<vmem_shared>>
      %dma_wait3A_1241 = arith.constant 0 : i32
      %dma_wait3A_1242 = tpu.memref_slice %arg12[%add3A_1162, %dma_wait3A_1241] : memref<10240x128xf32, #tpu.memory_space<vmem_shared>> -> memref<16x128xf32, #tpu.memory_space<vmem_shared>>
      tpu.wait_dma2 semaphore(%run_scoped3A_1234 : memref<!tpu.dma_semaphore, #tpu.memory_space<semaphore_mem>>) src(%arg11 : memref<16x128xf32, #tpu.memory_space<vmem>>) dst(%dma_wait3A_1242 : memref<16x128xf32, #tpu.memory_space<vmem_shared>>)
      tpu.yield
    }) : () -> ()
    %mul3A_1163 = arith.constant 640 : i32
    %mul3A_1164 = arith.muli %arg1, %mul3A_1163 : i32
    %add3A_1165 = arith.constant 560 : i32
    %add3A_1166 = arith.addi %mul3A_1164, %add3A_1165 : i32
    "tpu.region"() ({
      %run_scoped3A_1234 = tpu.sem_alloc : memref<!tpu.dma_semaphore, #tpu.memory_space<semaphore_mem>>
      %dma_start3A_1235 = arith.constant 0 : i32
      %dma_start3A_1236 = tpu.memref_slice %arg12[%add3A_1166, %dma_start3A_1235] : memref<10240x128xf32, #tpu.memory_space<vmem_shared>> -> memref<16x128xf32, #tpu.memory_space<vmem_shared>>
      %dma_start3A_1237 = arith.constant 0 : i32
      %dma_start3A_1238 = tpu.memref_slice %arg12[%add3A_1166, %dma_start3A_1237] : memref<10240x128xf32, #tpu.memory_space<vmem_shared>> -> memref<16x128xf32, #tpu.memory_space<vmem_shared>>
      tpu.enqueue_dma source(%arg11 : memref<16x128xf32, #tpu.memory_space<vmem>>) target(%dma_start3A_1238 : memref<16x128xf32, #tpu.memory_space<vmem_shared>>) target_semaphore(%run_scoped3A_1234 : memref<!tpu.dma_semaphore, #tpu.memory_space<semaphore_mem>>)
      %dma_wait3A_1239 = arith.constant 0 : i32
      %dma_wait3A_1240 = tpu.memref_slice %arg12[%add3A_1166, %dma_wait3A_1239] : memref<10240x128xf32, #tpu.memory_space<vmem_shared>> -> memref<16x128xf32, #tpu.memory_space<vmem_shared>>
      %dma_wait3A_1241 = arith.constant 0 : i32
      %dma_wait3A_1242 = tpu.memref_slice %arg12[%add3A_1166, %dma_wait3A_1241] : memref<10240x128xf32, #tpu.memory_space<vmem_shared>> -> memref<16x128xf32, #tpu.memory_space<vmem_shared>>
      tpu.wait_dma2 semaphore(%run_scoped3A_1234 : memref<!tpu.dma_semaphore, #tpu.memory_space<semaphore_mem>>) src(%arg11 : memref<16x128xf32, #tpu.memory_space<vmem>>) dst(%dma_wait3A_1242 : memref<16x128xf32, #tpu.memory_space<vmem_shared>>)
      tpu.yield
    }) : () -> ()
    %mul3A_1167 = arith.constant 640 : i32
    %mul3A_1168 = arith.muli %arg1, %mul3A_1167 : i32
    %add3A_1169 = arith.constant 576 : i32
    %add3A_1170 = arith.addi %mul3A_1168, %add3A_1169 : i32
    "tpu.region"() ({
      %run_scoped3A_1234 = tpu.sem_alloc : memref<!tpu.dma_semaphore, #tpu.memory_space<semaphore_mem>>
      %dma_start3A_1235 = arith.constant 0 : i32
      %dma_start3A_1236 = tpu.memref_slice %arg12[%add3A_1170, %dma_start3A_1235] : memref<10240x128xf32, #tpu.memory_space<vmem_shared>> -> memref<16x128xf32, #tpu.memory_space<vmem_shared>>
      %dma_start3A_1237 = arith.constant 0 : i32
      %dma_start3A_1238 = tpu.memref_slice %arg12[%add3A_1170, %dma_start3A_1237] : memref<10240x128xf32, #tpu.memory_space<vmem_shared>> -> memref<16x128xf32, #tpu.memory_space<vmem_shared>>
      tpu.enqueue_dma source(%arg11 : memref<16x128xf32, #tpu.memory_space<vmem>>) target(%dma_start3A_1238 : memref<16x128xf32, #tpu.memory_space<vmem_shared>>) target_semaphore(%run_scoped3A_1234 : memref<!tpu.dma_semaphore, #tpu.memory_space<semaphore_mem>>)
      %dma_wait3A_1239 = arith.constant 0 : i32
      %dma_wait3A_1240 = tpu.memref_slice %arg12[%add3A_1170, %dma_wait3A_1239] : memref<10240x128xf32, #tpu.memory_space<vmem_shared>> -> memref<16x128xf32, #tpu.memory_space<vmem_shared>>
      %dma_wait3A_1241 = arith.constant 0 : i32
      %dma_wait3A_1242 = tpu.memref_slice %arg12[%add3A_1170, %dma_wait3A_1241] : memref<10240x128xf32, #tpu.memory_space<vmem_shared>> -> memref<16x128xf32, #tpu.memory_space<vmem_shared>>
      tpu.wait_dma2 semaphore(%run_scoped3A_1234 : memref<!tpu.dma_semaphore, #tpu.memory_space<semaphore_mem>>) src(%arg11 : memref<16x128xf32, #tpu.memory_space<vmem>>) dst(%dma_wait3A_1242 : memref<16x128xf32, #tpu.memory_space<vmem_shared>>)
      tpu.yield
    }) : () -> ()
    %mul3A_1171 = arith.constant 640 : i32
    %mul3A_1172 = arith.muli %arg1, %mul3A_1171 : i32
    %add3A_1173 = arith.constant 592 : i32
    %add3A_1174 = arith.addi %mul3A_1172, %add3A_1173 : i32
    "tpu.region"() ({
      %run_scoped3A_1234 = tpu.sem_alloc : memref<!tpu.dma_semaphore, #tpu.memory_space<semaphore_mem>>
      %dma_start3A_1235 = arith.constant 0 : i32
      %dma_start3A_1236 = tpu.memref_slice %arg12[%add3A_1174, %dma_start3A_1235] : memref<10240x128xf32, #tpu.memory_space<vmem_shared>> -> memref<16x128xf32, #tpu.memory_space<vmem_shared>>
      %dma_start3A_1237 = arith.constant 0 : i32
      %dma_start3A_1238 = tpu.memref_slice %arg12[%add3A_1174, %dma_start3A_1237] : memref<10240x128xf32, #tpu.memory_space<vmem_shared>> -> memref<16x128xf32, #tpu.memory_space<vmem_shared>>
      tpu.enqueue_dma source(%arg11 : memref<16x128xf32, #tpu.memory_space<vmem>>) target(%dma_start3A_1238 : memref<16x128xf32, #tpu.memory_space<vmem_shared>>) target_semaphore(%run_scoped3A_1234 : memref<!tpu.dma_semaphore, #tpu.memory_space<semaphore_mem>>)
      %dma_wait3A_1239 = arith.constant 0 : i32
      %dma_wait3A_1240 = tpu.memref_slice %arg12[%add3A_1174, %dma_wait3A_1239] : memref<10240x128xf32, #tpu.memory_space<vmem_shared>> -> memref<16x128xf32, #tpu.memory_space<vmem_shared>>
      %dma_wait3A_1241 = arith.constant 0 : i32
      %dma_wait3A_1242 = tpu.memref_slice %arg12[%add3A_1174, %dma_wait3A_1241] : memref<10240x128xf32, #tpu.memory_space<vmem_shared>> -> memref<16x128xf32, #tpu.memory_space<vmem_shared>>
      tpu.wait_dma2 semaphore(%run_scoped3A_1234 : memref<!tpu.dma_semaphore, #tpu.memory_space<semaphore_mem>>) src(%arg11 : memref<16x128xf32, #tpu.memory_space<vmem>>) dst(%dma_wait3A_1242 : memref<16x128xf32, #tpu.memory_space<vmem_shared>>)
      tpu.yield
    }) : () -> ()
    %mul3A_1175 = arith.constant 640 : i32
    %mul3A_1176 = arith.muli %arg1, %mul3A_1175 : i32
    %add3A_1177 = arith.constant 608 : i32
    %add3A_1178 = arith.addi %mul3A_1176, %add3A_1177 : i32
    "tpu.region"() ({
      %run_scoped3A_1234 = tpu.sem_alloc : memref<!tpu.dma_semaphore, #tpu.memory_space<semaphore_mem>>
      %dma_start3A_1235 = arith.constant 0 : i32
      %dma_start3A_1236 = tpu.memref_slice %arg12[%add3A_1178, %dma_start3A_1235] : memref<10240x128xf32, #tpu.memory_space<vmem_shared>> -> memref<16x128xf32, #tpu.memory_space<vmem_shared>>
      %dma_start3A_1237 = arith.constant 0 : i32
      %dma_start3A_1238 = tpu.memref_slice %arg12[%add3A_1178, %dma_start3A_1237] : memref<10240x128xf32, #tpu.memory_space<vmem_shared>> -> memref<16x128xf32, #tpu.memory_space<vmem_shared>>
      tpu.enqueue_dma source(%arg11 : memref<16x128xf32, #tpu.memory_space<vmem>>) target(%dma_start3A_1238 : memref<16x128xf32, #tpu.memory_space<vmem_shared>>) target_semaphore(%run_scoped3A_1234 : memref<!tpu.dma_semaphore, #tpu.memory_space<semaphore_mem>>)
      %dma_wait3A_1239 = arith.constant 0 : i32
      %dma_wait3A_1240 = tpu.memref_slice %arg12[%add3A_1178, %dma_wait3A_1239] : memref<10240x128xf32, #tpu.memory_space<vmem_shared>> -> memref<16x128xf32, #tpu.memory_space<vmem_shared>>
      %dma_wait3A_1241 = arith.constant 0 : i32
      %dma_wait3A_1242 = tpu.memref_slice %arg12[%add3A_1178, %dma_wait3A_1241] : memref<10240x128xf32, #tpu.memory_space<vmem_shared>> -> memref<16x128xf32, #tpu.memory_space<vmem_shared>>
      tpu.wait_dma2 semaphore(%run_scoped3A_1234 : memref<!tpu.dma_semaphore, #tpu.memory_space<semaphore_mem>>) src(%arg11 : memref<16x128xf32, #tpu.memory_space<vmem>>) dst(%dma_wait3A_1242 : memref<16x128xf32, #tpu.memory_space<vmem_shared>>)
      tpu.yield
    }) : () -> ()
    %mul3A_1179 = arith.constant 640 : i32
    %mul3A_1180 = arith.muli %arg1, %mul3A_1179 : i32
    %add3A_1181 = arith.constant 624 : i32
    %add3A_1182 = arith.addi %mul3A_1180, %add3A_1181 : i32
    "tpu.region"() ({
      %run_scoped3A_1234 = tpu.sem_alloc : memref<!tpu.dma_semaphore, #tpu.memory_space<semaphore_mem>>
      %dma_start3A_1235 = arith.constant 0 : i32
      %dma_start3A_1236 = tpu.memref_slice %arg12[%add3A_1182, %dma_start3A_1235] : memref<10240x128xf32, #tpu.memory_space<vmem_shared>> -> memref<16x128xf32, #tpu.memory_space<vmem_shared>>
      %dma_start3A_1237 = arith.constant 0 : i32
      %dma_start3A_1238 = tpu.memref_slice %arg12[%add3A_1182, %dma_start3A_1237] : memref<10240x128xf32, #tpu.memory_space<vmem_shared>> -> memref<16x128xf32, #tpu.memory_space<vmem_shared>>
      tpu.enqueue_dma source(%arg11 : memref<16x128xf32, #tpu.memory_space<vmem>>) target(%dma_start3A_1238 : memref<16x128xf32, #tpu.memory_space<vmem_shared>>) target_semaphore(%run_scoped3A_1234 : memref<!tpu.dma_semaphore, #tpu.memory_space<semaphore_mem>>)
      %dma_wait3A_1239 = arith.constant 0 : i32
      %dma_wait3A_1240 = tpu.memref_slice %arg12[%add3A_1182, %dma_wait3A_1239] : memref<10240x128xf32, #tpu.memory_space<vmem_shared>> -> memref<16x128xf32, #tpu.memory_space<vmem_shared>>
      %dma_wait3A_1241 = arith.constant 0 : i32
      %dma_wait3A_1242 = tpu.memref_slice %arg12[%add3A_1182, %dma_wait3A_1241] : memref<10240x128xf32, #tpu.memory_space<vmem_shared>> -> memref<16x128xf32, #tpu.memory_space<vmem_shared>>
      tpu.wait_dma2 semaphore(%run_scoped3A_1234 : memref<!tpu.dma_semaphore, #tpu.memory_space<semaphore_mem>>) src(%arg11 : memref<16x128xf32, #tpu.memory_space<vmem>>) dst(%dma_wait3A_1242 : memref<16x128xf32, #tpu.memory_space<vmem_shared>>)
      tpu.yield
    }) : () -> ()
    "tpu.region"() ({
      %run_scoped3A_1234 = tpu.sem_alloc : memref<!tpu.dma_semaphore, #tpu.memory_space<semaphore_mem>>
      %dma_start3A_1235 = arith.constant 0 : i32
      %dma_start3A_1236 = arith.constant 0 : i32
      %dma_start3A_1237 = tpu.memref_slice %arg3[%add3A, %dma_start3A_1235, %dma_start3A_1236] : memref<32x79x128xi32, #tpu.memory_space<hbm>> -> memref<1x79x128xi32, #tpu.memory_space<hbm>>
      %dma_start3A_1238 = tpu.memref_squeeze %dma_start3A_1237 : memref<1x79x128xi32, #tpu.memory_space<hbm>> -> memref<79x128xi32, #tpu.memory_space<hbm>>
      %dma_start3A_1239 = arith.constant 0 : i32
      %dma_start3A_1240 = arith.constant 0 : i32
      %dma_start3A_1241 = tpu.memref_slice %arg3[%add3A, %dma_start3A_1239, %dma_start3A_1240] : memref<32x79x128xi32, #tpu.memory_space<hbm>> -> memref<1x79x128xi32, #tpu.memory_space<hbm>>
      %dma_start3A_1242 = tpu.memref_squeeze %dma_start3A_1241 : memref<1x79x128xi32, #tpu.memory_space<hbm>> -> memref<79x128xi32, #tpu.memory_space<hbm>>
      tpu.enqueue_dma source(%dma_start3A_1242 : memref<79x128xi32, #tpu.memory_space<hbm>>) target(%arg6 : memref<79x128xi32, #tpu.memory_space<vmem>>) target_semaphore(%run_scoped3A_1234 : memref<!tpu.dma_semaphore, #tpu.memory_space<semaphore_mem>>)
      %dma_wait3A_1243 = arith.constant 0 : i32
      %dma_wait3A_1244 = arith.constant 0 : i32
      %dma_wait3A_1245 = tpu.memref_slice %arg3[%add3A, %dma_wait3A_1243, %dma_wait3A_1244] : memref<32x79x128xi32, #tpu.memory_space<hbm>> -> memref<1x79x128xi32, #tpu.memory_space<hbm>>
      %dma_wait3A_1246 = tpu.memref_squeeze %dma_wait3A_1245 : memref<1x79x128xi32, #tpu.memory_space<hbm>> -> memref<79x128xi32, #tpu.memory_space<hbm>>
      %dma_wait3A_1247 = arith.constant 0 : i32
      %dma_wait3A_1248 = arith.constant 0 : i32
      %dma_wait3A_1249 = tpu.memref_slice %arg3[%add3A, %dma_wait3A_1247, %dma_wait3A_1248] : memref<32x79x128xi32, #tpu.memory_space<hbm>> -> memref<1x79x128xi32, #tpu.memory_space<hbm>>
      %dma_wait3A_1250 = tpu.memref_squeeze %dma_wait3A_1249 : memref<1x79x128xi32, #tpu.memory_space<hbm>> -> memref<79x128xi32, #tpu.memory_space<hbm>>
      tpu.wait_dma2 semaphore(%run_scoped3A_1234 : memref<!tpu.dma_semaphore, #tpu.memory_space<semaphore_mem>>) src(%dma_wait3A_1250 : memref<79x128xi32, #tpu.memory_space<hbm>>) dst(%arg6 : memref<79x128xi32, #tpu.memory_space<vmem>>)
      tpu.yield
    }) : () -> ()
    %barrier3A = arith.constant 0 : index
    tpu.barrier barrier_id(%barrier3A)
    %dma_start3A = arith.constant 0 : i32
    %dma_start3A_1183 = arith.constant 0 : i32
    %dma_start3A_1184 = tpu.memref_slice %arg6[%dma_start3A, %dma_start3A_1183] : memref<79x128xi32, #tpu.memory_space<vmem>> -> memref<1x128xi32, #tpu.memory_space<vmem>>
    %dma_start3A_1185 = tpu.memref_squeeze %dma_start3A_1184 : memref<1x128xi32, #tpu.memory_space<vmem>> -> memref<128xi32, #tpu.memory_space<vmem>>
    %dma_start3A_1186 = arith.constant 0 : i32
    %dma_start3A_1187 = arith.constant 0 : i32
    %dma_start3A_1188 = tpu.memref_slice %arg2[%dma_start3A_1186, %dma_start3A_1187] : memref<10240x128xf32, #tpu.memory_space<hbm>> -> memref<10240x128xf32, #tpu.memory_space<hbm>>
    tpu.enqueue_indirect_dma source(%dma_start3A_1188 : memref<10240x128xf32, #tpu.memory_space<hbm>>) target(%arg9 : memref<128x128xf32, #tpu.memory_space<vmem>>) offsets(%dma_start3A_1185 : memref<128xi32, #tpu.memory_space<vmem>>) semaphore(%arg13 : memref<!tpu.dma_semaphore, #tpu.memory_space<semaphore_mem>>)
    %dma_start3A_1189 = arith.constant 0 : i32
    %dma_start3A_1190 = arith.constant 0 : i32
    %dma_start3A_1191 = arith.constant 0 : i32
    %dma_start3A_1192 = tpu.memref_slice %arg7[%dma_start3A_1190, %dma_start3A_1191] : memref<1x128xi32, #tpu.memory_space<vmem>> -> memref<1x128xi32, #tpu.memory_space<vmem>>
    %dma_start3A_1193 = tpu.memref_squeeze %dma_start3A_1192 : memref<1x128xi32, #tpu.memory_space<vmem>> -> memref<128xi32, #tpu.memory_space<vmem>>
    %dma_start3A_1194 = arith.constant 0 : i32
    %dma_start3A_1195 = tpu.memref_slice %arg4[%add3A, %dma_start3A_1189, %dma_start3A_1194] : memref<32x79x128xi32, #tpu.memory_space<hbm>> -> memref<1x1x128xi32, #tpu.memory_space<hbm>>
    %dma_start3A_1196 = tpu.memref_squeeze %dma_start3A_1195 : memref<1x1x128xi32, #tpu.memory_space<hbm>> -> memref<128xi32, #tpu.memory_space<hbm>>
    %dma_start3A_1197 = arith.constant 0 : i32
    %dma_start3A_1198 = tpu.memref_slice %arg7[%dma_start3A_1190, %dma_start3A_1197] : memref<1x128xi32, #tpu.memory_space<vmem>> -> memref<1x128xi32, #tpu.memory_space<vmem>>
    %dma_start3A_1199 = tpu.memref_squeeze %dma_start3A_1198 : memref<1x128xi32, #tpu.memory_space<vmem>> -> memref<128xi32, #tpu.memory_space<vmem>>
    %dma_start3A_1200 = arith.constant 0 : i32
    %dma_start3A_1201 = tpu.memref_slice %arg4[%add3A, %dma_start3A_1189, %dma_start3A_1200] : memref<32x79x128xi32, #tpu.memory_space<hbm>> -> memref<1x1x128xi32, #tpu.memory_space<hbm>>
    %dma_start3A_1202 = tpu.memref_squeeze %dma_start3A_1201 : memref<1x1x128xi32, #tpu.memory_space<hbm>> -> memref<128xi32, #tpu.memory_space<hbm>>
    tpu.enqueue_dma source(%dma_start3A_1202 : memref<128xi32, #tpu.memory_space<hbm>>) target(%dma_start3A_1199 : memref<128xi32, #tpu.memory_space<vmem>>) target_semaphore(%arg14 : memref<!tpu.dma_semaphore, #tpu.memory_space<semaphore_mem>>)
    %scan3A = arith.constant 0 : i32
    %scan3A_1203 = arith.constant 0 : i32
    %scan3A_1204 = arith.constant 39 : i32
    %scan3A_1205 = arith.addi %scan3A_1203, %scan3A_1204 : i32
    %scan3A_1206 = arith.constant 1 : i32
    scf.for %scan3A_1234 = %scan3A_1203 to %scan3A_1205 step %scan3A_1206  : i32 {
      %mul3A_1235 = arith.constant 2 : i32
      %mul3A_1236 = arith.muli %scan3A_1234, %mul3A_1235 : i32
      %dma_wait3A_1237 = arith.constant 0 : i32
      %dma_wait3A_1238 = tpu.memref_slice %arg6[%mul3A_1236, %dma_wait3A_1237] : memref<79x128xi32, #tpu.memory_space<vmem>> -> memref<1x128xi32, #tpu.memory_space<vmem>>
      %dma_wait3A_1239 = tpu.memref_squeeze %dma_wait3A_1238 : memref<1x128xi32, #tpu.memory_space<vmem>> -> memref<128xi32, #tpu.memory_space<vmem>>
      %dma_wait3A_1240 = arith.constant 0 : i32
      %dma_wait3A_1241 = arith.constant 0 : i32
      %dma_wait3A_1242 = tpu.memref_slice %arg2[%dma_wait3A_1240, %dma_wait3A_1241] : memref<10240x128xf32, #tpu.memory_space<hbm>> -> memref<10240x128xf32, #tpu.memory_space<hbm>>
      tpu.wait_indirect_dma semaphore(%arg13 : memref<!tpu.dma_semaphore, #tpu.memory_space<semaphore_mem>>) src(%dma_wait3A_1242 : memref<10240x128xf32, #tpu.memory_space<hbm>>) dst(%arg9 : memref<128x128xf32, #tpu.memory_space<vmem>>)
      %add3A_1243 = arith.constant 1 : i32
      %add3A_1244 = arith.addi %mul3A_1236, %add3A_1243 : i32
      %dma_start3A_1245 = arith.constant 0 : i32
      %dma_start3A_1246 = tpu.memref_slice %arg6[%add3A_1244, %dma_start3A_1245] : memref<79x128xi32, #tpu.memory_space<vmem>> -> memref<1x128xi32, #tpu.memory_space<vmem>>
      %dma_start3A_1247 = tpu.memref_squeeze %dma_start3A_1246 : memref<1x128xi32, #tpu.memory_space<vmem>> -> memref<128xi32, #tpu.memory_space<vmem>>
      %dma_start3A_1248 = arith.constant 0 : i32
      %dma_start3A_1249 = arith.constant 0 : i32
      %dma_start3A_1250 = tpu.memref_slice %arg2[%dma_start3A_1248, %dma_start3A_1249] : memref<10240x128xf32, #tpu.memory_space<hbm>> -> memref<10240x128xf32, #tpu.memory_space<hbm>>
      tpu.enqueue_indirect_dma source(%dma_start3A_1250 : memref<10240x128xf32, #tpu.memory_space<hbm>>) target(%arg10 : memref<128x128xf32, #tpu.memory_space<vmem>>) offsets(%dma_start3A_1247 : memref<128xi32, #tpu.memory_space<vmem>>) semaphore(%arg13 : memref<!tpu.dma_semaphore, #tpu.memory_space<semaphore_mem>>)
      %dma_wait3A_1251 = arith.constant 0 : i32
      %dma_wait3A_1252 = arith.constant 0 : i32
      %dma_wait3A_1253 = tpu.memref_slice %arg7[%dma_wait3A_1251, %dma_wait3A_1252] : memref<1x128xi32, #tpu.memory_space<vmem>> -> memref<1x128xi32, #tpu.memory_space<vmem>>
      %dma_wait3A_1254 = tpu.memref_squeeze %dma_wait3A_1253 : memref<1x128xi32, #tpu.memory_space<vmem>> -> memref<128xi32, #tpu.memory_space<vmem>>
      %dma_wait3A_1255 = arith.constant 0 : i32
      %dma_wait3A_1256 = tpu.memref_slice %arg4[%add3A, %mul3A_1236, %dma_wait3A_1255] : memref<32x79x128xi32, #tpu.memory_space<hbm>> -> memref<1x1x128xi32, #tpu.memory_space<hbm>>
      %dma_wait3A_1257 = tpu.memref_squeeze %dma_wait3A_1256 : memref<1x1x128xi32, #tpu.memory_space<hbm>> -> memref<128xi32, #tpu.memory_space<hbm>>
      %dma_wait3A_1258 = arith.constant 0 : i32
      %dma_wait3A_1259 = tpu.memref_slice %arg7[%dma_wait3A_1251, %dma_wait3A_1258] : memref<1x128xi32, #tpu.memory_space<vmem>> -> memref<1x128xi32, #tpu.memory_space<vmem>>
      %dma_wait3A_1260 = tpu.memref_squeeze %dma_wait3A_1259 : memref<1x128xi32, #tpu.memory_space<vmem>> -> memref<128xi32, #tpu.memory_space<vmem>>
      %dma_wait3A_1261 = arith.constant 0 : i32
      %dma_wait3A_1262 = tpu.memref_slice %arg4[%add3A, %mul3A_1236, %dma_wait3A_1261] : memref<32x79x128xi32, #tpu.memory_space<hbm>> -> memref<1x1x128xi32, #tpu.memory_space<hbm>>
      %dma_wait3A_1263 = tpu.memref_squeeze %dma_wait3A_1262 : memref<1x1x128xi32, #tpu.memory_space<hbm>> -> memref<128xi32, #tpu.memory_space<hbm>>
      tpu.wait_dma2 semaphore(%arg14 : memref<!tpu.dma_semaphore, #tpu.memory_space<semaphore_mem>>) src(%dma_wait3A_1263 : memref<128xi32, #tpu.memory_space<hbm>>) dst(%dma_wait3A_1260 : memref<128xi32, #tpu.memory_space<vmem>>)
      %add3A_1264 = arith.constant 1 : i32
      %add3A_1265 = arith.addi %mul3A_1236, %add3A_1264 : i32
      %dma_start3A_1266 = arith.constant 0 : i32
      %dma_start3A_1267 = arith.constant 0 : i32
      %dma_start3A_1268 = tpu.memref_slice %arg8[%dma_start3A_1266, %dma_start3A_1267] : memref<1x128xi32, #tpu.memory_space<vmem>> -> memref<1x128xi32, #tpu.memory_space<vmem>>
      %dma_start3A_1269 = tpu.memref_squeeze %dma_start3A_1268 : memref<1x128xi32, #tpu.memory_space<vmem>> -> memref<128xi32, #tpu.memory_space<vmem>>
      %dma_start3A_1270 = arith.constant 0 : i32
      %dma_start3A_1271 = tpu.memref_slice %arg4[%add3A, %add3A_1265, %dma_start3A_1270] : memref<32x79x128xi32, #tpu.memory_space<hbm>> -> memref<1x1x128xi32, #tpu.memory_space<hbm>>
      %dma_start3A_1272 = tpu.memref_squeeze %dma_start3A_1271 : memref<1x1x128xi32, #tpu.memory_space<hbm>> -> memref<128xi32, #tpu.memory_space<hbm>>
      %dma_start3A_1273 = arith.constant 0 : i32
      %dma_start3A_1274 = tpu.memref_slice %arg8[%dma_start3A_1266, %dma_start3A_1273] : memref<1x128xi32, #tpu.memory_space<vmem>> -> memref<1x128xi32, #tpu.memory_space<vmem>>
      %dma_start3A_1275 = tpu.memref_squeeze %dma_start3A_1274 : memref<1x128xi32, #tpu.memory_space<vmem>> -> memref<128xi32, #tpu.memory_space<vmem>>
      %dma_start3A_1276 = arith.constant 0 : i32
      %dma_start3A_1277 = tpu.memref_slice %arg4[%add3A, %add3A_1265, %dma_start3A_1276] : memref<32x79x128xi32, #tpu.memory_space<hbm>> -> memref<1x1x128xi32, #tpu.memory_space<hbm>>
      %dma_start3A_1278 = tpu.memref_squeeze %dma_start3A_1277 : memref<1x1x128xi32, #tpu.memory_space<hbm>> -> memref<128xi32, #tpu.memory_space<hbm>>
      tpu.enqueue_dma source(%dma_start3A_1278 : memref<128xi32, #tpu.memory_space<hbm>>) target(%dma_start3A_1275 : memref<128xi32, #tpu.memory_space<vmem>>) target_semaphore(%arg14 : memref<!tpu.dma_semaphore, #tpu.memory_space<semaphore_mem>>)
      %run_scoped3A_1279 = arith.constant 0 : i32
      "tpu.region"() ({
        %run_scoped3A_1327 = tpu.sem_alloc : memref<!tpu.dma_semaphore, #tpu.memory_space<semaphore_mem>>
        %dma_start3A_1328 = arith.constant 0 : i32
        %dma_start3A_1329 = tpu.memref_slice %arg7[%run_scoped3A_1279, %dma_start3A_1328] : memref<1x128xi32, #tpu.memory_space<vmem>> -> memref<1x128xi32, #tpu.memory_space<vmem>>
        %dma_start3A_1330 = tpu.memref_squeeze %dma_start3A_1329 : memref<1x128xi32, #tpu.memory_space<vmem>> -> memref<128xi32, #tpu.memory_space<vmem>>
        %dma_start3A_1331 = arith.constant 0 : i32
        %dma_start3A_1332 = arith.constant 0 : i32
        %dma_start3A_1333 = tpu.memref_slice %arg12[%dma_start3A_1331, %dma_start3A_1332] : memref<10240x128xf32, #tpu.memory_space<vmem_shared>> -> memref<10240x128xf32, #tpu.memory_space<vmem_shared>>
        tpu.enqueue_indirect_dma source(%arg9 : memref<128x128xf32, #tpu.memory_space<vmem>>) target(%dma_start3A_1333 : memref<10240x128xf32, #tpu.memory_space<vmem_shared>>) offsets(%dma_start3A_1330 : memref<128xi32, #tpu.memory_space<vmem>>) semaphore(%run_scoped3A_1327 : memref<!tpu.dma_semaphore, #tpu.memory_space<semaphore_mem>>) {add = true}
        %dma_wait3A_1334 = arith.constant 0 : i32
        %dma_wait3A_1335 = tpu.memref_slice %arg7[%run_scoped3A_1279, %dma_wait3A_1334] : memref<1x128xi32, #tpu.memory_space<vmem>> -> memref<1x128xi32, #tpu.memory_space<vmem>>
        %dma_wait3A_1336 = tpu.memref_squeeze %dma_wait3A_1335 : memref<1x128xi32, #tpu.memory_space<vmem>> -> memref<128xi32, #tpu.memory_space<vmem>>
        %dma_wait3A_1337 = arith.constant 0 : i32
        %dma_wait3A_1338 = arith.constant 0 : i32
        %dma_wait3A_1339 = tpu.memref_slice %arg12[%dma_wait3A_1337, %dma_wait3A_1338] : memref<10240x128xf32, #tpu.memory_space<vmem_shared>> -> memref<10240x128xf32, #tpu.memory_space<vmem_shared>>
        tpu.wait_indirect_dma semaphore(%run_scoped3A_1327 : memref<!tpu.dma_semaphore, #tpu.memory_space<semaphore_mem>>) src(%arg9 : memref<128x128xf32, #tpu.memory_space<vmem>>) dst(%dma_wait3A_1339 : memref<10240x128xf32, #tpu.memory_space<vmem_shared>>)
        tpu.yield
      }) : () -> ()
      %add3A_1280 = arith.constant 1 : i32
      %add3A_1281 = arith.addi %mul3A_1236, %add3A_1280 : i32
      %dma_wait3A_1282 = arith.constant 0 : i32
      %dma_wait3A_1283 = tpu.memref_slice %arg6[%add3A_1281, %dma_wait3A_1282] : memref<79x128xi32, #tpu.memory_space<vmem>> -> memref<1x128xi32, #tpu.memory_space<vmem>>
      %dma_wait3A_1284 = tpu.memref_squeeze %dma_wait3A_1283 : memref<1x128xi32, #tpu.memory_space<vmem>> -> memref<128xi32, #tpu.memory_space<vmem>>
      %dma_wait3A_1285 = arith.constant 0 : i32
      %dma_wait3A_1286 = arith.constant 0 : i32
      %dma_wait3A_1287 = tpu.memref_slice %arg2[%dma_wait3A_1285, %dma_wait3A_1286] : memref<10240x128xf32, #tpu.memory_space<hbm>> -> memref<10240x128xf32, #tpu.memory_space<hbm>>
      tpu.wait_indirect_dma semaphore(%arg13 : memref<!tpu.dma_semaphore, #tpu.memory_space<semaphore_mem>>) src(%dma_wait3A_1287 : memref<10240x128xf32, #tpu.memory_space<hbm>>) dst(%arg10 : memref<128x128xf32, #tpu.memory_space<vmem>>)
      %add3A_1288 = arith.constant 2 : i32
      %add3A_1289 = arith.addi %mul3A_1236, %add3A_1288 : i32
      %dma_start3A_1290 = arith.constant 0 : i32
      %dma_start3A_1291 = tpu.memref_slice %arg6[%add3A_1289, %dma_start3A_1290] : memref<79x128xi32, #tpu.memory_space<vmem>> -> memref<1x128xi32, #tpu.memory_space<vmem>>
      %dma_start3A_1292 = tpu.memref_squeeze %dma_start3A_1291 : memref<1x128xi32, #tpu.memory_space<vmem>> -> memref<128xi32, #tpu.memory_space<vmem>>
      %dma_start3A_1293 = arith.constant 0 : i32
      %dma_start3A_1294 = arith.constant 0 : i32
      %dma_start3A_1295 = tpu.memref_slice %arg2[%dma_start3A_1293, %dma_start3A_1294] : memref<10240x128xf32, #tpu.memory_space<hbm>> -> memref<10240x128xf32, #tpu.memory_space<hbm>>
      tpu.enqueue_indirect_dma source(%dma_start3A_1295 : memref<10240x128xf32, #tpu.memory_space<hbm>>) target(%arg9 : memref<128x128xf32, #tpu.memory_space<vmem>>) offsets(%dma_start3A_1292 : memref<128xi32, #tpu.memory_space<vmem>>) semaphore(%arg13 : memref<!tpu.dma_semaphore, #tpu.memory_space<semaphore_mem>>)
      %add3A_1296 = arith.constant 1 : i32
      %add3A_1297 = arith.addi %mul3A_1236, %add3A_1296 : i32
      %dma_wait3A_1298 = arith.constant 0 : i32
      %dma_wait3A_1299 = arith.constant 0 : i32
      %dma_wait3A_1300 = tpu.memref_slice %arg8[%dma_wait3A_1298, %dma_wait3A_1299] : memref<1x128xi32, #tpu.memory_space<vmem>> -> memref<1x128xi32, #tpu.memory_space<vmem>>
      %dma_wait3A_1301 = tpu.memref_squeeze %dma_wait3A_1300 : memref<1x128xi32, #tpu.memory_space<vmem>> -> memref<128xi32, #tpu.memory_space<vmem>>
      %dma_wait3A_1302 = arith.constant 0 : i32
      %dma_wait3A_1303 = tpu.memref_slice %arg4[%add3A, %add3A_1297, %dma_wait3A_1302] : memref<32x79x128xi32, #tpu.memory_space<hbm>> -> memref<1x1x128xi32, #tpu.memory_space<hbm>>
      %dma_wait3A_1304 = tpu.memref_squeeze %dma_wait3A_1303 : memref<1x1x128xi32, #tpu.memory_space<hbm>> -> memref<128xi32, #tpu.memory_space<hbm>>
      %dma_wait3A_1305 = arith.constant 0 : i32
      %dma_wait3A_1306 = tpu.memref_slice %arg8[%dma_wait3A_1298, %dma_wait3A_1305] : memref<1x128xi32, #tpu.memory_space<vmem>> -> memref<1x128xi32, #tpu.memory_space<vmem>>
      %dma_wait3A_1307 = tpu.memref_squeeze %dma_wait3A_1306 : memref<1x128xi32, #tpu.memory_space<vmem>> -> memref<128xi32, #tpu.memory_space<vmem>>
      %dma_wait3A_1308 = arith.constant 0 : i32
      %dma_wait3A_1309 = tpu.memref_slice %arg4[%add3A, %add3A_1297, %dma_wait3A_1308] : memref<32x79x128xi32, #tpu.memory_space<hbm>> -> memref<1x1x128xi32, #tpu.memory_space<hbm>>
      %dma_wait3A_1310 = tpu.memref_squeeze %dma_wait3A_1309 : memref<1x1x128xi32, #tpu.memory_space<hbm>> -> memref<128xi32, #tpu.memory_space<hbm>>
      tpu.wait_dma2 semaphore(%arg14 : memref<!tpu.dma_semaphore, #tpu.memory_space<semaphore_mem>>) src(%dma_wait3A_1310 : memref<128xi32, #tpu.memory_space<hbm>>) dst(%dma_wait3A_1307 : memref<128xi32, #tpu.memory_space<vmem>>)
      %add3A_1311 = arith.constant 2 : i32
      %add3A_1312 = arith.addi %mul3A_1236, %add3A_1311 : i32
      %dma_start3A_1313 = arith.constant 0 : i32
      %dma_start3A_1314 = arith.constant 0 : i32
      %dma_start3A_1315 = tpu.memref_slice %arg7[%dma_start3A_1313, %dma_start3A_1314] : memref<1x128xi32, #tpu.memory_space<vmem>> -> memref<1x128xi32, #tpu.memory_space<vmem>>
      %dma_start3A_1316 = tpu.memref_squeeze %dma_start3A_1315 : memref<1x128xi32, #tpu.memory_space<vmem>> -> memref<128xi32, #tpu.memory_space<vmem>>
      %dma_start3A_1317 = arith.constant 0 : i32
      %dma_start3A_1318 = tpu.memref_slice %arg4[%add3A, %add3A_1312, %dma_start3A_1317] : memref<32x79x128xi32, #tpu.memory_space<hbm>> -> memref<1x1x128xi32, #tpu.memory_space<hbm>>
      %dma_start3A_1319 = tpu.memref_squeeze %dma_start3A_1318 : memref<1x1x128xi32, #tpu.memory_space<hbm>> -> memref<128xi32, #tpu.memory_space<hbm>>
      %dma_start3A_1320 = arith.constant 0 : i32
      %dma_start3A_1321 = tpu.memref_slice %arg7[%dma_start3A_1313, %dma_start3A_1320] : memref<1x128xi32, #tpu.memory_space<vmem>> -> memref<1x128xi32, #tpu.memory_space<vmem>>
      %dma_start3A_1322 = tpu.memref_squeeze %dma_start3A_1321 : memref<1x128xi32, #tpu.memory_space<vmem>> -> memref<128xi32, #tpu.memory_space<vmem>>
      %dma_start3A_1323 = arith.constant 0 : i32
      %dma_start3A_1324 = tpu.memref_slice %arg4[%add3A, %add3A_1312, %dma_start3A_1323] : memref<32x79x128xi32, #tpu.memory_space<hbm>> -> memref<1x1x128xi32, #tpu.memory_space<hbm>>
      %dma_start3A_1325 = tpu.memref_squeeze %dma_start3A_1324 : memref<1x1x128xi32, #tpu.memory_space<hbm>> -> memref<128xi32, #tpu.memory_space<hbm>>
      tpu.enqueue_dma source(%dma_start3A_1325 : memref<128xi32, #tpu.memory_space<hbm>>) target(%dma_start3A_1322 : memref<128xi32, #tpu.memory_space<vmem>>) target_semaphore(%arg14 : memref<!tpu.dma_semaphore, #tpu.memory_space<semaphore_mem>>)
      %run_scoped3A_1326 = arith.constant 0 : i32
      "tpu.region"() ({
        %run_scoped3A_1327 = tpu.sem_alloc : memref<!tpu.dma_semaphore, #tpu.memory_space<semaphore_mem>>
        %dma_start3A_1328 = arith.constant 0 : i32
        %dma_start3A_1329 = tpu.memref_slice %arg8[%run_scoped3A_1326, %dma_start3A_1328] : memref<1x128xi32, #tpu.memory_space<vmem>> -> memref<1x128xi32, #tpu.memory_space<vmem>>
        %dma_start3A_1330 = tpu.memref_squeeze %dma_start3A_1329 : memref<1x128xi32, #tpu.memory_space<vmem>> -> memref<128xi32, #tpu.memory_space<vmem>>
        %dma_start3A_1331 = arith.constant 0 : i32
        %dma_start3A_1332 = arith.constant 0 : i32
        %dma_start3A_1333 = tpu.memref_slice %arg12[%dma_start3A_1331, %dma_start3A_1332] : memref<10240x128xf32, #tpu.memory_space<vmem_shared>> -> memref<10240x128xf32, #tpu.memory_space<vmem_shared>>
        tpu.enqueue_indirect_dma source(%arg10 : memref<128x128xf32, #tpu.memory_space<vmem>>) target(%dma_start3A_1333 : memref<10240x128xf32, #tpu.memory_space<vmem_shared>>) offsets(%dma_start3A_1330 : memref<128xi32, #tpu.memory_space<vmem>>) semaphore(%run_scoped3A_1327 : memref<!tpu.dma_semaphore, #tpu.memory_space<semaphore_mem>>) {add = true}
        %dma_wait3A_1334 = arith.constant 0 : i32
        %dma_wait3A_1335 = tpu.memref_slice %arg8[%run_scoped3A_1326, %dma_wait3A_1334] : memref<1x128xi32, #tpu.memory_space<vmem>> -> memref<1x128xi32, #tpu.memory_space<vmem>>
        %dma_wait3A_1336 = tpu.memref_squeeze %dma_wait3A_1335 : memref<1x128xi32, #tpu.memory_space<vmem>> -> memref<128xi32, #tpu.memory_space<vmem>>
        %dma_wait3A_1337 = arith.constant 0 : i32
        %dma_wait3A_1338 = arith.constant 0 : i32
        %dma_wait3A_1339 = tpu.memref_slice %arg12[%dma_wait3A_1337, %dma_wait3A_1338] : memref<10240x128xf32, #tpu.memory_space<vmem_shared>> -> memref<10240x128xf32, #tpu.memory_space<vmem_shared>>
        tpu.wait_indirect_dma semaphore(%run_scoped3A_1327 : memref<!tpu.dma_semaphore, #tpu.memory_space<semaphore_mem>>) src(%arg10 : memref<128x128xf32, #tpu.memory_space<vmem>>) dst(%dma_wait3A_1339 : memref<10240x128xf32, #tpu.memory_space<vmem_shared>>)
        tpu.yield
      }) : () -> ()
    }
    %scan3A_1207 = arith.constant 39 : i32
    %dma_wait3A = arith.constant 78 : i32
    %dma_wait3A_1208 = arith.constant 0 : i32
    %dma_wait3A_1209 = tpu.memref_slice %arg6[%dma_wait3A, %dma_wait3A_1208] : memref<79x128xi32, #tpu.memory_space<vmem>> -> memref<1x128xi32, #tpu.memory_space<vmem>>
    %dma_wait3A_1210 = tpu.memref_squeeze %dma_wait3A_1209 : memref<1x128xi32, #tpu.memory_space<vmem>> -> memref<128xi32, #tpu.memory_space<vmem>>
    %dma_wait3A_1211 = arith.constant 0 : i32
    %dma_wait3A_1212 = arith.constant 0 : i32
    %dma_wait3A_1213 = tpu.memref_slice %arg2[%dma_wait3A_1211, %dma_wait3A_1212] : memref<10240x128xf32, #tpu.memory_space<hbm>> -> memref<10240x128xf32, #tpu.memory_space<hbm>>
    tpu.wait_indirect_dma semaphore(%arg13 : memref<!tpu.dma_semaphore, #tpu.memory_space<semaphore_mem>>) src(%dma_wait3A_1213 : memref<10240x128xf32, #tpu.memory_space<hbm>>) dst(%arg9 : memref<128x128xf32, #tpu.memory_space<vmem>>)
    %dma_wait3A_1214 = arith.constant 78 : i32
    %dma_wait3A_1215 = arith.constant 0 : i32
    %dma_wait3A_1216 = arith.constant 0 : i32
    %dma_wait3A_1217 = tpu.memref_slice %arg7[%dma_wait3A_1215, %dma_wait3A_1216] : memref<1x128xi32, #tpu.memory_space<vmem>> -> memref<1x128xi32, #tpu.memory_space<vmem>>
    %dma_wait3A_1218 = tpu.memref_squeeze %dma_wait3A_1217 : memref<1x128xi32, #tpu.memory_space<vmem>> -> memref<128xi32, #tpu.memory_space<vmem>>
    %dma_wait3A_1219 = arith.constant 0 : i32
    %dma_wait3A_1220 = tpu.memref_slice %arg4[%add3A, %dma_wait3A_1214, %dma_wait3A_1219] : memref<32x79x128xi32, #tpu.memory_space<hbm>> -> memref<1x1x128xi32, #tpu.memory_space<hbm>>
    %dma_wait3A_1221 = tpu.memref_squeeze %dma_wait3A_1220 : memref<1x1x128xi32, #tpu.memory_space<hbm>> -> memref<128xi32, #tpu.memory_space<hbm>>
    %dma_wait3A_1222 = arith.constant 0 : i32
    %dma_wait3A_1223 = tpu.memref_slice %arg7[%dma_wait3A_1215, %dma_wait3A_1222] : memref<1x128xi32, #tpu.memory_space<vmem>> -> memref<1x128xi32, #tpu.memory_space<vmem>>
    %dma_wait3A_1224 = tpu.memref_squeeze %dma_wait3A_1223 : memref<1x128xi32, #tpu.memory_space<vmem>> -> memref<128xi32, #tpu.memory_space<vmem>>
    %dma_wait3A_1225 = arith.constant 0 : i32
    %dma_wait3A_1226 = tpu.memref_slice %arg4[%add3A, %dma_wait3A_1214, %dma_wait3A_1225] : memref<32x79x128xi32, #tpu.memory_space<hbm>> -> memref<1x1x128xi32, #tpu.memory_space<hbm>>
    %dma_wait3A_1227 = tpu.memref_squeeze %dma_wait3A_1226 : memref<1x1x128xi32, #tpu.memory_space<hbm>> -> memref<128xi32, #tpu.memory_space<hbm>>
    tpu.wait_dma2 semaphore(%arg14 : memref<!tpu.dma_semaphore, #tpu.memory_space<semaphore_mem>>) src(%dma_wait3A_1227 : memref<128xi32, #tpu.memory_space<hbm>>) dst(%dma_wait3A_1224 : memref<128xi32, #tpu.memory_space<vmem>>)
    %run_scoped3A = arith.constant 0 : i32
    "tpu.region"() ({
      %run_scoped3A_1234 = tpu.sem_alloc : memref<!tpu.dma_semaphore, #tpu.memory_space<semaphore_mem>>
      %dma_start3A_1235 = arith.constant 0 : i32
      %dma_start3A_1236 = tpu.memref_slice %arg7[%run_scoped3A, %dma_start3A_1235] : memref<1x128xi32, #tpu.memory_space<vmem>> -> memref<1x128xi32, #tpu.memory_space<vmem>>
      %dma_start3A_1237 = tpu.memref_squeeze %dma_start3A_1236 : memref<1x128xi32, #tpu.memory_space<vmem>> -> memref<128xi32, #tpu.memory_space<vmem>>
      %dma_start3A_1238 = arith.constant 0 : i32
      %dma_start3A_1239 = arith.constant 0 : i32
      %dma_start3A_1240 = tpu.memref_slice %arg12[%dma_start3A_1238, %dma_start3A_1239] : memref<10240x128xf32, #tpu.memory_space<vmem_shared>> -> memref<10240x128xf32, #tpu.memory_space<vmem_shared>>
      tpu.enqueue_indirect_dma source(%arg9 : memref<128x128xf32, #tpu.memory_space<vmem>>) target(%dma_start3A_1240 : memref<10240x128xf32, #tpu.memory_space<vmem_shared>>) offsets(%dma_start3A_1237 : memref<128xi32, #tpu.memory_space<vmem>>) semaphore(%run_scoped3A_1234 : memref<!tpu.dma_semaphore, #tpu.memory_space<semaphore_mem>>) {add = true}
      %dma_wait3A_1241 = arith.constant 0 : i32
      %dma_wait3A_1242 = tpu.memref_slice %arg7[%run_scoped3A, %dma_wait3A_1241] : memref<1x128xi32, #tpu.memory_space<vmem>> -> memref<1x128xi32, #tpu.memory_space<vmem>>
      %dma_wait3A_1243 = tpu.memref_squeeze %dma_wait3A_1242 : memref<1x128xi32, #tpu.memory_space<vmem>> -> memref<128xi32, #tpu.memory_space<vmem>>
      %dma_wait3A_1244 = arith.constant 0 : i32
      %dma_wait3A_1245 = arith.constant 0 : i32
      %dma_wait3A_1246 = tpu.memref_slice %arg12[%dma_wait3A_1244, %dma_wait3A_1245] : memref<10240x128xf32, #tpu.memory_space<vmem_shared>> -> memref<10240x128xf32, #tpu.memory_space<vmem_shared>>
      tpu.wait_indirect_dma semaphore(%run_scoped3A_1234 : memref<!tpu.dma_semaphore, #tpu.memory_space<semaphore_mem>>) src(%arg9 : memref<128x128xf32, #tpu.memory_space<vmem>>) dst(%dma_wait3A_1246 : memref<10240x128xf32, #tpu.memory_space<vmem_shared>>)
      tpu.yield
    }) : () -> ()
    %barrier3A_1228 = arith.constant 0 : index
    tpu.barrier barrier_id(%barrier3A_1228)
    %mul3A_1229 = arith.constant 640 : i32
    %mul3A_1230 = arith.muli %arg1, %mul3A_1229 : i32
    %mul3A_1231 = arith.constant 10240 : i32
    %mul3A_1232 = arith.muli %arg0, %mul3A_1231 : i32
    %add3A_1233 = arith.addi %mul3A_1232, %mul3A_1230 : i32
    "tpu.region"() ({
      %run_scoped3A_1234 = tpu.sem_alloc : memref<!tpu.dma_semaphore, #tpu.memory_space<semaphore_mem>>
      %dma_start3A_1235 = arith.constant 0 : i32
      %dma_start3A_1236 = tpu.memref_slice %arg5[%add3A_1233, %dma_start3A_1235] : memref<20480x128xf32, #tpu.memory_space<hbm>> -> memref<640x128xf32, #tpu.memory_space<hbm>>
      %dma_start3A_1237 = arith.constant 0 : i32
      %dma_start3A_1238 = tpu.memref_slice %arg12[%mul3A_1230, %dma_start3A_1237] : memref<10240x128xf32, #tpu.memory_space<vmem_shared>> -> memref<640x128xf32, #tpu.memory_space<vmem_shared>>
      tpu.enqueue_dma source(%dma_start3A_1238 : memref<640x128xf32, #tpu.memory_space<vmem_shared>>) target(%dma_start3A_1236 : memref<640x128xf32, #tpu.memory_space<hbm>>) target_semaphore(%run_scoped3A_1234 : memref<!tpu.dma_semaphore, #tpu.memory_space<semaphore_mem>>)
      %dma_wait3A_1239 = arith.constant 0 : i32
      %dma_wait3A_1240 = tpu.memref_slice %arg5[%add3A_1233, %dma_wait3A_1239] : memref<20480x128xf32, #tpu.memory_space<hbm>> -> memref<640x128xf32, #tpu.memory_space<hbm>>
      %dma_wait3A_1241 = arith.constant 0 : i32
      %dma_wait3A_1242 = tpu.memref_slice %arg12[%mul3A_1230, %dma_wait3A_1241] : memref<10240x128xf32, #tpu.memory_space<vmem_shared>> -> memref<640x128xf32, #tpu.memory_space<vmem_shared>>
      tpu.wait_dma2 semaphore(%run_scoped3A_1234 : memref<!tpu.dma_semaphore, #tpu.memory_space<semaphore_mem>>) src(%dma_wait3A_1242 : memref<640x128xf32, #tpu.memory_space<vmem_shared>>) dst(%dma_wait3A_1240 : memref<640x128xf32, #tpu.memory_space<hbm>>)
      tpu.yield
    }) : () -> ()
    return
  }
}

#map = affine_map<(d0, d1) -> (0, 0)>
#map1 = affine_map<(d0, d1) -> (0, 0, 0)>
module attributes {stable_mosaic.version = 14 : i64} {
  func.func @agg(%arg0: i32, %arg1: i32, %arg2: memref<10240x80xf32, #tpu.memory_space<hbm>>, %arg3: memref<32x79x128xi32, #tpu.memory_space<hbm>>, %arg4: memref<32x79x128xi32, #tpu.memory_space<hbm>>, %arg5: memref<20480x80xf32, #tpu.memory_space<hbm>>, %arg6: memref<79x128xi32, #tpu.memory_space<vmem>>, %arg7: memref<1x128xi32, #tpu.memory_space<vmem>>, %arg8: memref<1x128xi32, #tpu.memory_space<vmem>>, %arg9: memref<128x80xf32, #tpu.memory_space<vmem>>, %arg10: memref<128x80xf32, #tpu.memory_space<vmem>>, %arg11: memref<16x80xf32, #tpu.memory_space<vmem>>, %arg12: memref<10240x80xf32, #tpu.memory_space<vmem_shared>>, %arg13: memref<!tpu.dma_semaphore, #tpu.memory_space<semaphore_mem>>, %arg14: memref<!tpu.dma_semaphore, #tpu.memory_space<semaphore_mem>>) attributes {dimension_semantics = [#tpu.dimension_semantics<core_parallel>, #tpu.dimension_semantics<subcore_parallel>], iteration_bounds = array<i64: 2, 16>, scalar_prefetch = 0 : i64, scratch_operands = 9 : i64, tpu.core_type = #tpu.core_type<sc_vector_subcore>, window_params = [{transform_indices = #map}, {transform_indices = #map1}, {transform_indices = #map1}, {transform_indices = #map}]} {
    %mul3A = arith.constant 2 : i32
    %mul3A_0 = arith.muli %arg1, %mul3A : i32
    %add3A = arith.addi %mul3A_0, %arg0 : i32
    %broadcast_in_dim3A = arith.constant 0.000000e+00 : f32
    %broadcast_in_dim3A_1 = vector.broadcast %broadcast_in_dim3A : f32 to vector<16xf32>
    %swap3A = arith.constant 0 : i32
    %swap3A_2 = arith.index_cast %swap3A : i32 to index
    %swap3A_3 = arith.constant 0 : index
    %swap3A_4 = tpu.vector_load %arg11[%swap3A_2, %swap3A_3] {strides = array<i32>} : memref<16x80xf32, #tpu.memory_space<vmem>>, vector<1x16xf32>,
    %swap3A_5 = vector.shape_cast %swap3A_4 : vector<1x16xf32> to vector<16xf32>
    %swap3A_6 = vector.shape_cast %broadcast_in_dim3A_1 : vector<16xf32> to vector<1x16xf32>
    tpu.vector_store %arg11[%swap3A_2, %swap3A_3], %swap3A_6 {strides = array<i32>} : memref<16x80xf32, #tpu.memory_space<vmem>>, vector<1x16xf32>,
    %broadcast_in_dim3A_7 = arith.constant 0.000000e+00 : f32
    %broadcast_in_dim3A_8 = vector.broadcast %broadcast_in_dim3A_7 : f32 to vector<16xf32>
    %swap3A_9 = arith.constant 0 : i32
    %swap3A_10 = arith.index_cast %swap3A_9 : i32 to index
    %swap3A_11 = arith.constant 16 : index
    %swap3A_12 = tpu.vector_load %arg11[%swap3A_10, %swap3A_11] {strides = array<i32>} : memref<16x80xf32, #tpu.memory_space<vmem>>, vector<1x16xf32>,
    %swap3A_13 = vector.shape_cast %swap3A_12 : vector<1x16xf32> to vector<16xf32>
    %swap3A_14 = vector.shape_cast %broadcast_in_dim3A_8 : vector<16xf32> to vector<1x16xf32>
    tpu.vector_store %arg11[%swap3A_10, %swap3A_11], %swap3A_14 {strides = array<i32>} : memref<16x80xf32, #tpu.memory_space<vmem>>, vector<1x16xf32>,
    %broadcast_in_dim3A_15 = arith.constant 0.000000e+00 : f32
    %broadcast_in_dim3A_16 = vector.broadcast %broadcast_in_dim3A_15 : f32 to vector<16xf32>
    %swap3A_17 = arith.constant 0 : i32
    %swap3A_18 = arith.index_cast %swap3A_17 : i32 to index
    %swap3A_19 = arith.constant 32 : index
    %swap3A_20 = tpu.vector_load %arg11[%swap3A_18, %swap3A_19] {strides = array<i32>} : memref<16x80xf32, #tpu.memory_space<vmem>>, vector<1x16xf32>,
    %swap3A_21 = vector.shape_cast %swap3A_20 : vector<1x16xf32> to vector<16xf32>
    %swap3A_22 = vector.shape_cast %broadcast_in_dim3A_16 : vector<16xf32> to vector<1x16xf32>
    tpu.vector_store %arg11[%swap3A_18, %swap3A_19], %swap3A_22 {strides = array<i32>} : memref<16x80xf32, #tpu.memory_space<vmem>>, vector<1x16xf32>,
    %broadcast_in_dim3A_23 = arith.constant 0.000000e+00 : f32
    %broadcast_in_dim3A_24 = vector.broadcast %broadcast_in_dim3A_23 : f32 to vector<16xf32>
    %swap3A_25 = arith.constant 0 : i32
    %swap3A_26 = arith.index_cast %swap3A_25 : i32 to index
    %swap3A_27 = arith.constant 48 : index
    %swap3A_28 = tpu.vector_load %arg11[%swap3A_26, %swap3A_27] {strides = array<i32>} : memref<16x80xf32, #tpu.memory_space<vmem>>, vector<1x16xf32>,
    %swap3A_29 = vector.shape_cast %swap3A_28 : vector<1x16xf32> to vector<16xf32>
    %swap3A_30 = vector.shape_cast %broadcast_in_dim3A_24 : vector<16xf32> to vector<1x16xf32>
    tpu.vector_store %arg11[%swap3A_26, %swap3A_27], %swap3A_30 {strides = array<i32>} : memref<16x80xf32, #tpu.memory_space<vmem>>, vector<1x16xf32>,
    %broadcast_in_dim3A_31 = arith.constant 0.000000e+00 : f32
    %broadcast_in_dim3A_32 = vector.broadcast %broadcast_in_dim3A_31 : f32 to vector<16xf32>
    %swap3A_33 = arith.constant 0 : i32
    %swap3A_34 = arith.index_cast %swap3A_33 : i32 to index
    %swap3A_35 = arith.constant 64 : index
    %swap3A_36 = tpu.vector_load %arg11[%swap3A_34, %swap3A_35] {strides = array<i32>} : memref<16x80xf32, #tpu.memory_space<vmem>>, vector<1x16xf32>,
    %swap3A_37 = vector.shape_cast %swap3A_36 : vector<1x16xf32> to vector<16xf32>
    %swap3A_38 = vector.shape_cast %broadcast_in_dim3A_32 : vector<16xf32> to vector<1x16xf32>
    tpu.vector_store %arg11[%swap3A_34, %swap3A_35], %swap3A_38 {strides = array<i32>} : memref<16x80xf32, #tpu.memory_space<vmem>>, vector<1x16xf32>,
    %broadcast_in_dim3A_39 = arith.constant 0.000000e+00 : f32
    %broadcast_in_dim3A_40 = vector.broadcast %broadcast_in_dim3A_39 : f32 to vector<16xf32>
    %swap3A_41 = arith.constant 1 : i32
    %swap3A_42 = arith.index_cast %swap3A_41 : i32 to index
    %swap3A_43 = arith.constant 0 : index
    %swap3A_44 = tpu.vector_load %arg11[%swap3A_42, %swap3A_43] {strides = array<i32>} : memref<16x80xf32, #tpu.memory_space<vmem>>, vector<1x16xf32>,
    %swap3A_45 = vector.shape_cast %swap3A_44 : vector<1x16xf32> to vector<16xf32>
    %swap3A_46 = vector.shape_cast %broadcast_in_dim3A_40 : vector<16xf32> to vector<1x16xf32>
    tpu.vector_store %arg11[%swap3A_42, %swap3A_43], %swap3A_46 {strides = array<i32>} : memref<16x80xf32, #tpu.memory_space<vmem>>, vector<1x16xf32>,
    %broadcast_in_dim3A_47 = arith.constant 0.000000e+00 : f32
    %broadcast_in_dim3A_48 = vector.broadcast %broadcast_in_dim3A_47 : f32 to vector<16xf32>
    %swap3A_49 = arith.constant 1 : i32
    %swap3A_50 = arith.index_cast %swap3A_49 : i32 to index
    %swap3A_51 = arith.constant 16 : index
    %swap3A_52 = tpu.vector_load %arg11[%swap3A_50, %swap3A_51] {strides = array<i32>} : memref<16x80xf32, #tpu.memory_space<vmem>>, vector<1x16xf32>,
    %swap3A_53 = vector.shape_cast %swap3A_52 : vector<1x16xf32> to vector<16xf32>
    %swap3A_54 = vector.shape_cast %broadcast_in_dim3A_48 : vector<16xf32> to vector<1x16xf32>
    tpu.vector_store %arg11[%swap3A_50, %swap3A_51], %swap3A_54 {strides = array<i32>} : memref<16x80xf32, #tpu.memory_space<vmem>>, vector<1x16xf32>,
    %broadcast_in_dim3A_55 = arith.constant 0.000000e+00 : f32
    %broadcast_in_dim3A_56 = vector.broadcast %broadcast_in_dim3A_55 : f32 to vector<16xf32>
    %swap3A_57 = arith.constant 1 : i32
    %swap3A_58 = arith.index_cast %swap3A_57 : i32 to index
    %swap3A_59 = arith.constant 32 : index
    %swap3A_60 = tpu.vector_load %arg11[%swap3A_58, %swap3A_59] {strides = array<i32>} : memref<16x80xf32, #tpu.memory_space<vmem>>, vector<1x16xf32>,
    %swap3A_61 = vector.shape_cast %swap3A_60 : vector<1x16xf32> to vector<16xf32>
    %swap3A_62 = vector.shape_cast %broadcast_in_dim3A_56 : vector<16xf32> to vector<1x16xf32>
    tpu.vector_store %arg11[%swap3A_58, %swap3A_59], %swap3A_62 {strides = array<i32>} : memref<16x80xf32, #tpu.memory_space<vmem>>, vector<1x16xf32>,
    %broadcast_in_dim3A_63 = arith.constant 0.000000e+00 : f32
    %broadcast_in_dim3A_64 = vector.broadcast %broadcast_in_dim3A_63 : f32 to vector<16xf32>
    %swap3A_65 = arith.constant 1 : i32
    %swap3A_66 = arith.index_cast %swap3A_65 : i32 to index
    %swap3A_67 = arith.constant 48 : index
    %swap3A_68 = tpu.vector_load %arg11[%swap3A_66, %swap3A_67] {strides = array<i32>} : memref<16x80xf32, #tpu.memory_space<vmem>>, vector<1x16xf32>,
    %swap3A_69 = vector.shape_cast %swap3A_68 : vector<1x16xf32> to vector<16xf32>
    %swap3A_70 = vector.shape_cast %broadcast_in_dim3A_64 : vector<16xf32> to vector<1x16xf32>
    tpu.vector_store %arg11[%swap3A_66, %swap3A_67], %swap3A_70 {strides = array<i32>} : memref<16x80xf32, #tpu.memory_space<vmem>>, vector<1x16xf32>,
    %broadcast_in_dim3A_71 = arith.constant 0.000000e+00 : f32
    %broadcast_in_dim3A_72 = vector.broadcast %broadcast_in_dim3A_71 : f32 to vector<16xf32>
    %swap3A_73 = arith.constant 1 : i32
    %swap3A_74 = arith.index_cast %swap3A_73 : i32 to index
    %swap3A_75 = arith.constant 64 : index
    %swap3A_76 = tpu.vector_load %arg11[%swap3A_74, %swap3A_75] {strides = array<i32>} : memref<16x80xf32, #tpu.memory_space<vmem>>, vector<1x16xf32>,
    %swap3A_77 = vector.shape_cast %swap3A_76 : vector<1x16xf32> to vector<16xf32>
    %swap3A_78 = vector.shape_cast %broadcast_in_dim3A_72 : vector<16xf32> to vector<1x16xf32>
    tpu.vector_store %arg11[%swap3A_74, %swap3A_75], %swap3A_78 {strides = array<i32>} : memref<16x80xf32, #tpu.memory_space<vmem>>, vector<1x16xf32>,
    %broadcast_in_dim3A_79 = arith.constant 0.000000e+00 : f32
    %broadcast_in_dim3A_80 = vector.broadcast %broadcast_in_dim3A_79 : f32 to vector<16xf32>
    %swap3A_81 = arith.constant 2 : i32
    %swap3A_82 = arith.index_cast %swap3A_81 : i32 to index
    %swap3A_83 = arith.constant 0 : index
    %swap3A_84 = tpu.vector_load %arg11[%swap3A_82, %swap3A_83] {strides = array<i32>} : memref<16x80xf32, #tpu.memory_space<vmem>>, vector<1x16xf32>,
    %swap3A_85 = vector.shape_cast %swap3A_84 : vector<1x16xf32> to vector<16xf32>
    %swap3A_86 = vector.shape_cast %broadcast_in_dim3A_80 : vector<16xf32> to vector<1x16xf32>
    tpu.vector_store %arg11[%swap3A_82, %swap3A_83], %swap3A_86 {strides = array<i32>} : memref<16x80xf32, #tpu.memory_space<vmem>>, vector<1x16xf32>,
    %broadcast_in_dim3A_87 = arith.constant 0.000000e+00 : f32
    %broadcast_in_dim3A_88 = vector.broadcast %broadcast_in_dim3A_87 : f32 to vector<16xf32>
    %swap3A_89 = arith.constant 2 : i32
    %swap3A_90 = arith.index_cast %swap3A_89 : i32 to index
    %swap3A_91 = arith.constant 16 : index
    %swap3A_92 = tpu.vector_load %arg11[%swap3A_90, %swap3A_91] {strides = array<i32>} : memref<16x80xf32, #tpu.memory_space<vmem>>, vector<1x16xf32>,
    %swap3A_93 = vector.shape_cast %swap3A_92 : vector<1x16xf32> to vector<16xf32>
    %swap3A_94 = vector.shape_cast %broadcast_in_dim3A_88 : vector<16xf32> to vector<1x16xf32>
    tpu.vector_store %arg11[%swap3A_90, %swap3A_91], %swap3A_94 {strides = array<i32>} : memref<16x80xf32, #tpu.memory_space<vmem>>, vector<1x16xf32>,
    %broadcast_in_dim3A_95 = arith.constant 0.000000e+00 : f32
    %broadcast_in_dim3A_96 = vector.broadcast %broadcast_in_dim3A_95 : f32 to vector<16xf32>
    %swap3A_97 = arith.constant 2 : i32
    %swap3A_98 = arith.index_cast %swap3A_97 : i32 to index
    %swap3A_99 = arith.constant 32 : index
    %swap3A_100 = tpu.vector_load %arg11[%swap3A_98, %swap3A_99] {strides = array<i32>} : memref<16x80xf32, #tpu.memory_space<vmem>>, vector<1x16xf32>,
    %swap3A_101 = vector.shape_cast %swap3A_100 : vector<1x16xf32> to vector<16xf32>
    %swap3A_102 = vector.shape_cast %broadcast_in_dim3A_96 : vector<16xf32> to vector<1x16xf32>
    tpu.vector_store %arg11[%swap3A_98, %swap3A_99], %swap3A_102 {strides = array<i32>} : memref<16x80xf32, #tpu.memory_space<vmem>>, vector<1x16xf32>,
    %broadcast_in_dim3A_103 = arith.constant 0.000000e+00 : f32
    %broadcast_in_dim3A_104 = vector.broadcast %broadcast_in_dim3A_103 : f32 to vector<16xf32>
    %swap3A_105 = arith.constant 2 : i32
    %swap3A_106 = arith.index_cast %swap3A_105 : i32 to index
    %swap3A_107 = arith.constant 48 : index
    %swap3A_108 = tpu.vector_load %arg11[%swap3A_106, %swap3A_107] {strides = array<i32>} : memref<16x80xf32, #tpu.memory_space<vmem>>, vector<1x16xf32>,
    %swap3A_109 = vector.shape_cast %swap3A_108 : vector<1x16xf32> to vector<16xf32>
    %swap3A_110 = vector.shape_cast %broadcast_in_dim3A_104 : vector<16xf32> to vector<1x16xf32>
    tpu.vector_store %arg11[%swap3A_106, %swap3A_107], %swap3A_110 {strides = array<i32>} : memref<16x80xf32, #tpu.memory_space<vmem>>, vector<1x16xf32>,
    %broadcast_in_dim3A_111 = arith.constant 0.000000e+00 : f32
    %broadcast_in_dim3A_112 = vector.broadcast %broadcast_in_dim3A_111 : f32 to vector<16xf32>
    %swap3A_113 = arith.constant 2 : i32
    %swap3A_114 = arith.index_cast %swap3A_113 : i32 to index
    %swap3A_115 = arith.constant 64 : index
    %swap3A_116 = tpu.vector_load %arg11[%swap3A_114, %swap3A_115] {strides = array<i32>} : memref<16x80xf32, #tpu.memory_space<vmem>>, vector<1x16xf32>,
    %swap3A_117 = vector.shape_cast %swap3A_116 : vector<1x16xf32> to vector<16xf32>
    %swap3A_118 = vector.shape_cast %broadcast_in_dim3A_112 : vector<16xf32> to vector<1x16xf32>
    tpu.vector_store %arg11[%swap3A_114, %swap3A_115], %swap3A_118 {strides = array<i32>} : memref<16x80xf32, #tpu.memory_space<vmem>>, vector<1x16xf32>,
    %broadcast_in_dim3A_119 = arith.constant 0.000000e+00 : f32
    %broadcast_in_dim3A_120 = vector.broadcast %broadcast_in_dim3A_119 : f32 to vector<16xf32>
    %swap3A_121 = arith.constant 3 : i32
    %swap3A_122 = arith.index_cast %swap3A_121 : i32 to index
    %swap3A_123 = arith.constant 0 : index
    %swap3A_124 = tpu.vector_load %arg11[%swap3A_122, %swap3A_123] {strides = array<i32>} : memref<16x80xf32, #tpu.memory_space<vmem>>, vector<1x16xf32>,
    %swap3A_125 = vector.shape_cast %swap3A_124 : vector<1x16xf32> to vector<16xf32>
    %swap3A_126 = vector.shape_cast %broadcast_in_dim3A_120 : vector<16xf32> to vector<1x16xf32>
    tpu.vector_store %arg11[%swap3A_122, %swap3A_123], %swap3A_126 {strides = array<i32>} : memref<16x80xf32, #tpu.memory_space<vmem>>, vector<1x16xf32>,
    %broadcast_in_dim3A_127 = arith.constant 0.000000e+00 : f32
    %broadcast_in_dim3A_128 = vector.broadcast %broadcast_in_dim3A_127 : f32 to vector<16xf32>
    %swap3A_129 = arith.constant 3 : i32
    %swap3A_130 = arith.index_cast %swap3A_129 : i32 to index
    %swap3A_131 = arith.constant 16 : index
    %swap3A_132 = tpu.vector_load %arg11[%swap3A_130, %swap3A_131] {strides = array<i32>} : memref<16x80xf32, #tpu.memory_space<vmem>>, vector<1x16xf32>,
    %swap3A_133 = vector.shape_cast %swap3A_132 : vector<1x16xf32> to vector<16xf32>
    %swap3A_134 = vector.shape_cast %broadcast_in_dim3A_128 : vector<16xf32> to vector<1x16xf32>
    tpu.vector_store %arg11[%swap3A_130, %swap3A_131], %swap3A_134 {strides = array<i32>} : memref<16x80xf32, #tpu.memory_space<vmem>>, vector<1x16xf32>,
    %broadcast_in_dim3A_135 = arith.constant 0.000000e+00 : f32
    %broadcast_in_dim3A_136 = vector.broadcast %broadcast_in_dim3A_135 : f32 to vector<16xf32>
    %swap3A_137 = arith.constant 3 : i32
    %swap3A_138 = arith.index_cast %swap3A_137 : i32 to index
    %swap3A_139 = arith.constant 32 : index
    %swap3A_140 = tpu.vector_load %arg11[%swap3A_138, %swap3A_139] {strides = array<i32>} : memref<16x80xf32, #tpu.memory_space<vmem>>, vector<1x16xf32>,
    %swap3A_141 = vector.shape_cast %swap3A_140 : vector<1x16xf32> to vector<16xf32>
    %swap3A_142 = vector.shape_cast %broadcast_in_dim3A_136 : vector<16xf32> to vector<1x16xf32>
    tpu.vector_store %arg11[%swap3A_138, %swap3A_139], %swap3A_142 {strides = array<i32>} : memref<16x80xf32, #tpu.memory_space<vmem>>, vector<1x16xf32>,
    %broadcast_in_dim3A_143 = arith.constant 0.000000e+00 : f32
    %broadcast_in_dim3A_144 = vector.broadcast %broadcast_in_dim3A_143 : f32 to vector<16xf32>
    %swap3A_145 = arith.constant 3 : i32
    %swap3A_146 = arith.index_cast %swap3A_145 : i32 to index
    %swap3A_147 = arith.constant 48 : index
    %swap3A_148 = tpu.vector_load %arg11[%swap3A_146, %swap3A_147] {strides = array<i32>} : memref<16x80xf32, #tpu.memory_space<vmem>>, vector<1x16xf32>,
    %swap3A_149 = vector.shape_cast %swap3A_148 : vector<1x16xf32> to vector<16xf32>
    %swap3A_150 = vector.shape_cast %broadcast_in_dim3A_144 : vector<16xf32> to vector<1x16xf32>
    tpu.vector_store %arg11[%swap3A_146, %swap3A_147], %swap3A_150 {strides = array<i32>} : memref<16x80xf32, #tpu.memory_space<vmem>>, vector<1x16xf32>,
    %broadcast_in_dim3A_151 = arith.constant 0.000000e+00 : f32
    %broadcast_in_dim3A_152 = vector.broadcast %broadcast_in_dim3A_151 : f32 to vector<16xf32>
    %swap3A_153 = arith.constant 3 : i32
    %swap3A_154 = arith.index_cast %swap3A_153 : i32 to index
    %swap3A_155 = arith.constant 64 : index
    %swap3A_156 = tpu.vector_load %arg11[%swap3A_154, %swap3A_155] {strides = array<i32>} : memref<16x80xf32, #tpu.memory_space<vmem>>, vector<1x16xf32>,
    %swap3A_157 = vector.shape_cast %swap3A_156 : vector<1x16xf32> to vector<16xf32>
    %swap3A_158 = vector.shape_cast %broadcast_in_dim3A_152 : vector<16xf32> to vector<1x16xf32>
    tpu.vector_store %arg11[%swap3A_154, %swap3A_155], %swap3A_158 {strides = array<i32>} : memref<16x80xf32, #tpu.memory_space<vmem>>, vector<1x16xf32>,
    %broadcast_in_dim3A_159 = arith.constant 0.000000e+00 : f32
    %broadcast_in_dim3A_160 = vector.broadcast %broadcast_in_dim3A_159 : f32 to vector<16xf32>
    %swap3A_161 = arith.constant 4 : i32
    %swap3A_162 = arith.index_cast %swap3A_161 : i32 to index
    %swap3A_163 = arith.constant 0 : index
    %swap3A_164 = tpu.vector_load %arg11[%swap3A_162, %swap3A_163] {strides = array<i32>} : memref<16x80xf32, #tpu.memory_space<vmem>>, vector<1x16xf32>,
    %swap3A_165 = vector.shape_cast %swap3A_164 : vector<1x16xf32> to vector<16xf32>
    %swap3A_166 = vector.shape_cast %broadcast_in_dim3A_160 : vector<16xf32> to vector<1x16xf32>
    tpu.vector_store %arg11[%swap3A_162, %swap3A_163], %swap3A_166 {strides = array<i32>} : memref<16x80xf32, #tpu.memory_space<vmem>>, vector<1x16xf32>,
    %broadcast_in_dim3A_167 = arith.constant 0.000000e+00 : f32
    %broadcast_in_dim3A_168 = vector.broadcast %broadcast_in_dim3A_167 : f32 to vector<16xf32>
    %swap3A_169 = arith.constant 4 : i32
    %swap3A_170 = arith.index_cast %swap3A_169 : i32 to index
    %swap3A_171 = arith.constant 16 : index
    %swap3A_172 = tpu.vector_load %arg11[%swap3A_170, %swap3A_171] {strides = array<i32>} : memref<16x80xf32, #tpu.memory_space<vmem>>, vector<1x16xf32>,
    %swap3A_173 = vector.shape_cast %swap3A_172 : vector<1x16xf32> to vector<16xf32>
    %swap3A_174 = vector.shape_cast %broadcast_in_dim3A_168 : vector<16xf32> to vector<1x16xf32>
    tpu.vector_store %arg11[%swap3A_170, %swap3A_171], %swap3A_174 {strides = array<i32>} : memref<16x80xf32, #tpu.memory_space<vmem>>, vector<1x16xf32>,
    %broadcast_in_dim3A_175 = arith.constant 0.000000e+00 : f32
    %broadcast_in_dim3A_176 = vector.broadcast %broadcast_in_dim3A_175 : f32 to vector<16xf32>
    %swap3A_177 = arith.constant 4 : i32
    %swap3A_178 = arith.index_cast %swap3A_177 : i32 to index
    %swap3A_179 = arith.constant 32 : index
    %swap3A_180 = tpu.vector_load %arg11[%swap3A_178, %swap3A_179] {strides = array<i32>} : memref<16x80xf32, #tpu.memory_space<vmem>>, vector<1x16xf32>,
    %swap3A_181 = vector.shape_cast %swap3A_180 : vector<1x16xf32> to vector<16xf32>
    %swap3A_182 = vector.shape_cast %broadcast_in_dim3A_176 : vector<16xf32> to vector<1x16xf32>
    tpu.vector_store %arg11[%swap3A_178, %swap3A_179], %swap3A_182 {strides = array<i32>} : memref<16x80xf32, #tpu.memory_space<vmem>>, vector<1x16xf32>,
    %broadcast_in_dim3A_183 = arith.constant 0.000000e+00 : f32
    %broadcast_in_dim3A_184 = vector.broadcast %broadcast_in_dim3A_183 : f32 to vector<16xf32>
    %swap3A_185 = arith.constant 4 : i32
    %swap3A_186 = arith.index_cast %swap3A_185 : i32 to index
    %swap3A_187 = arith.constant 48 : index
    %swap3A_188 = tpu.vector_load %arg11[%swap3A_186, %swap3A_187] {strides = array<i32>} : memref<16x80xf32, #tpu.memory_space<vmem>>, vector<1x16xf32>,
    %swap3A_189 = vector.shape_cast %swap3A_188 : vector<1x16xf32> to vector<16xf32>
    %swap3A_190 = vector.shape_cast %broadcast_in_dim3A_184 : vector<16xf32> to vector<1x16xf32>
    tpu.vector_store %arg11[%swap3A_186, %swap3A_187], %swap3A_190 {strides = array<i32>} : memref<16x80xf32, #tpu.memory_space<vmem>>, vector<1x16xf32>,
    %broadcast_in_dim3A_191 = arith.constant 0.000000e+00 : f32
    %broadcast_in_dim3A_192 = vector.broadcast %broadcast_in_dim3A_191 : f32 to vector<16xf32>
    %swap3A_193 = arith.constant 4 : i32
    %swap3A_194 = arith.index_cast %swap3A_193 : i32 to index
    %swap3A_195 = arith.constant 64 : index
    %swap3A_196 = tpu.vector_load %arg11[%swap3A_194, %swap3A_195] {strides = array<i32>} : memref<16x80xf32, #tpu.memory_space<vmem>>, vector<1x16xf32>,
    %swap3A_197 = vector.shape_cast %swap3A_196 : vector<1x16xf32> to vector<16xf32>
    %swap3A_198 = vector.shape_cast %broadcast_in_dim3A_192 : vector<16xf32> to vector<1x16xf32>
    tpu.vector_store %arg11[%swap3A_194, %swap3A_195], %swap3A_198 {strides = array<i32>} : memref<16x80xf32, #tpu.memory_space<vmem>>, vector<1x16xf32>,
    %broadcast_in_dim3A_199 = arith.constant 0.000000e+00 : f32
    %broadcast_in_dim3A_200 = vector.broadcast %broadcast_in_dim3A_199 : f32 to vector<16xf32>
    %swap3A_201 = arith.constant 5 : i32
    %swap3A_202 = arith.index_cast %swap3A_201 : i32 to index
    %swap3A_203 = arith.constant 0 : index
    %swap3A_204 = tpu.vector_load %arg11[%swap3A_202, %swap3A_203] {strides = array<i32>} : memref<16x80xf32, #tpu.memory_space<vmem>>, vector<1x16xf32>,
    %swap3A_205 = vector.shape_cast %swap3A_204 : vector<1x16xf32> to vector<16xf32>
    %swap3A_206 = vector.shape_cast %broadcast_in_dim3A_200 : vector<16xf32> to vector<1x16xf32>
    tpu.vector_store %arg11[%swap3A_202, %swap3A_203], %swap3A_206 {strides = array<i32>} : memref<16x80xf32, #tpu.memory_space<vmem>>, vector<1x16xf32>,
    %broadcast_in_dim3A_207 = arith.constant 0.000000e+00 : f32
    %broadcast_in_dim3A_208 = vector.broadcast %broadcast_in_dim3A_207 : f32 to vector<16xf32>
    %swap3A_209 = arith.constant 5 : i32
    %swap3A_210 = arith.index_cast %swap3A_209 : i32 to index
    %swap3A_211 = arith.constant 16 : index
    %swap3A_212 = tpu.vector_load %arg11[%swap3A_210, %swap3A_211] {strides = array<i32>} : memref<16x80xf32, #tpu.memory_space<vmem>>, vector<1x16xf32>,
    %swap3A_213 = vector.shape_cast %swap3A_212 : vector<1x16xf32> to vector<16xf32>
    %swap3A_214 = vector.shape_cast %broadcast_in_dim3A_208 : vector<16xf32> to vector<1x16xf32>
    tpu.vector_store %arg11[%swap3A_210, %swap3A_211], %swap3A_214 {strides = array<i32>} : memref<16x80xf32, #tpu.memory_space<vmem>>, vector<1x16xf32>,
    %broadcast_in_dim3A_215 = arith.constant 0.000000e+00 : f32
    %broadcast_in_dim3A_216 = vector.broadcast %broadcast_in_dim3A_215 : f32 to vector<16xf32>
    %swap3A_217 = arith.constant 5 : i32
    %swap3A_218 = arith.index_cast %swap3A_217 : i32 to index
    %swap3A_219 = arith.constant 32 : index
    %swap3A_220 = tpu.vector_load %arg11[%swap3A_218, %swap3A_219] {strides = array<i32>} : memref<16x80xf32, #tpu.memory_space<vmem>>, vector<1x16xf32>,
    %swap3A_221 = vector.shape_cast %swap3A_220 : vector<1x16xf32> to vector<16xf32>
    %swap3A_222 = vector.shape_cast %broadcast_in_dim3A_216 : vector<16xf32> to vector<1x16xf32>
    tpu.vector_store %arg11[%swap3A_218, %swap3A_219], %swap3A_222 {strides = array<i32>} : memref<16x80xf32, #tpu.memory_space<vmem>>, vector<1x16xf32>,
    %broadcast_in_dim3A_223 = arith.constant 0.000000e+00 : f32
    %broadcast_in_dim3A_224 = vector.broadcast %broadcast_in_dim3A_223 : f32 to vector<16xf32>
    %swap3A_225 = arith.constant 5 : i32
    %swap3A_226 = arith.index_cast %swap3A_225 : i32 to index
    %swap3A_227 = arith.constant 48 : index
    %swap3A_228 = tpu.vector_load %arg11[%swap3A_226, %swap3A_227] {strides = array<i32>} : memref<16x80xf32, #tpu.memory_space<vmem>>, vector<1x16xf32>,
    %swap3A_229 = vector.shape_cast %swap3A_228 : vector<1x16xf32> to vector<16xf32>
    %swap3A_230 = vector.shape_cast %broadcast_in_dim3A_224 : vector<16xf32> to vector<1x16xf32>
    tpu.vector_store %arg11[%swap3A_226, %swap3A_227], %swap3A_230 {strides = array<i32>} : memref<16x80xf32, #tpu.memory_space<vmem>>, vector<1x16xf32>,
    %broadcast_in_dim3A_231 = arith.constant 0.000000e+00 : f32
    %broadcast_in_dim3A_232 = vector.broadcast %broadcast_in_dim3A_231 : f32 to vector<16xf32>
    %swap3A_233 = arith.constant 5 : i32
    %swap3A_234 = arith.index_cast %swap3A_233 : i32 to index
    %swap3A_235 = arith.constant 64 : index
    %swap3A_236 = tpu.vector_load %arg11[%swap3A_234, %swap3A_235] {strides = array<i32>} : memref<16x80xf32, #tpu.memory_space<vmem>>, vector<1x16xf32>,
    %swap3A_237 = vector.shape_cast %swap3A_236 : vector<1x16xf32> to vector<16xf32>
    %swap3A_238 = vector.shape_cast %broadcast_in_dim3A_232 : vector<16xf32> to vector<1x16xf32>
    tpu.vector_store %arg11[%swap3A_234, %swap3A_235], %swap3A_238 {strides = array<i32>} : memref<16x80xf32, #tpu.memory_space<vmem>>, vector<1x16xf32>,
    %broadcast_in_dim3A_239 = arith.constant 0.000000e+00 : f32
    %broadcast_in_dim3A_240 = vector.broadcast %broadcast_in_dim3A_239 : f32 to vector<16xf32>
    %swap3A_241 = arith.constant 6 : i32
    %swap3A_242 = arith.index_cast %swap3A_241 : i32 to index
    %swap3A_243 = arith.constant 0 : index
    %swap3A_244 = tpu.vector_load %arg11[%swap3A_242, %swap3A_243] {strides = array<i32>} : memref<16x80xf32, #tpu.memory_space<vmem>>, vector<1x16xf32>,
    %swap3A_245 = vector.shape_cast %swap3A_244 : vector<1x16xf32> to vector<16xf32>
    %swap3A_246 = vector.shape_cast %broadcast_in_dim3A_240 : vector<16xf32> to vector<1x16xf32>
    tpu.vector_store %arg11[%swap3A_242, %swap3A_243], %swap3A_246 {strides = array<i32>} : memref<16x80xf32, #tpu.memory_space<vmem>>, vector<1x16xf32>,
    %broadcast_in_dim3A_247 = arith.constant 0.000000e+00 : f32
    %broadcast_in_dim3A_248 = vector.broadcast %broadcast_in_dim3A_247 : f32 to vector<16xf32>
    %swap3A_249 = arith.constant 6 : i32
    %swap3A_250 = arith.index_cast %swap3A_249 : i32 to index
    %swap3A_251 = arith.constant 16 : index
    %swap3A_252 = tpu.vector_load %arg11[%swap3A_250, %swap3A_251] {strides = array<i32>} : memref<16x80xf32, #tpu.memory_space<vmem>>, vector<1x16xf32>,
    %swap3A_253 = vector.shape_cast %swap3A_252 : vector<1x16xf32> to vector<16xf32>
    %swap3A_254 = vector.shape_cast %broadcast_in_dim3A_248 : vector<16xf32> to vector<1x16xf32>
    tpu.vector_store %arg11[%swap3A_250, %swap3A_251], %swap3A_254 {strides = array<i32>} : memref<16x80xf32, #tpu.memory_space<vmem>>, vector<1x16xf32>,
    %broadcast_in_dim3A_255 = arith.constant 0.000000e+00 : f32
    %broadcast_in_dim3A_256 = vector.broadcast %broadcast_in_dim3A_255 : f32 to vector<16xf32>
    %swap3A_257 = arith.constant 6 : i32
    %swap3A_258 = arith.index_cast %swap3A_257 : i32 to index
    %swap3A_259 = arith.constant 32 : index
    %swap3A_260 = tpu.vector_load %arg11[%swap3A_258, %swap3A_259] {strides = array<i32>} : memref<16x80xf32, #tpu.memory_space<vmem>>, vector<1x16xf32>,
    %swap3A_261 = vector.shape_cast %swap3A_260 : vector<1x16xf32> to vector<16xf32>
    %swap3A_262 = vector.shape_cast %broadcast_in_dim3A_256 : vector<16xf32> to vector<1x16xf32>
    tpu.vector_store %arg11[%swap3A_258, %swap3A_259], %swap3A_262 {strides = array<i32>} : memref<16x80xf32, #tpu.memory_space<vmem>>, vector<1x16xf32>,
    %broadcast_in_dim3A_263 = arith.constant 0.000000e+00 : f32
    %broadcast_in_dim3A_264 = vector.broadcast %broadcast_in_dim3A_263 : f32 to vector<16xf32>
    %swap3A_265 = arith.constant 6 : i32
    %swap3A_266 = arith.index_cast %swap3A_265 : i32 to index
    %swap3A_267 = arith.constant 48 : index
    %swap3A_268 = tpu.vector_load %arg11[%swap3A_266, %swap3A_267] {strides = array<i32>} : memref<16x80xf32, #tpu.memory_space<vmem>>, vector<1x16xf32>,
    %swap3A_269 = vector.shape_cast %swap3A_268 : vector<1x16xf32> to vector<16xf32>
    %swap3A_270 = vector.shape_cast %broadcast_in_dim3A_264 : vector<16xf32> to vector<1x16xf32>
    tpu.vector_store %arg11[%swap3A_266, %swap3A_267], %swap3A_270 {strides = array<i32>} : memref<16x80xf32, #tpu.memory_space<vmem>>, vector<1x16xf32>,
    %broadcast_in_dim3A_271 = arith.constant 0.000000e+00 : f32
    %broadcast_in_dim3A_272 = vector.broadcast %broadcast_in_dim3A_271 : f32 to vector<16xf32>
    %swap3A_273 = arith.constant 6 : i32
    %swap3A_274 = arith.index_cast %swap3A_273 : i32 to index
    %swap3A_275 = arith.constant 64 : index
    %swap3A_276 = tpu.vector_load %arg11[%swap3A_274, %swap3A_275] {strides = array<i32>} : memref<16x80xf32, #tpu.memory_space<vmem>>, vector<1x16xf32>,
    %swap3A_277 = vector.shape_cast %swap3A_276 : vector<1x16xf32> to vector<16xf32>
    %swap3A_278 = vector.shape_cast %broadcast_in_dim3A_272 : vector<16xf32> to vector<1x16xf32>
    tpu.vector_store %arg11[%swap3A_274, %swap3A_275], %swap3A_278 {strides = array<i32>} : memref<16x80xf32, #tpu.memory_space<vmem>>, vector<1x16xf32>,
    %broadcast_in_dim3A_279 = arith.constant 0.000000e+00 : f32
    %broadcast_in_dim3A_280 = vector.broadcast %broadcast_in_dim3A_279 : f32 to vector<16xf32>
    %swap3A_281 = arith.constant 7 : i32
    %swap3A_282 = arith.index_cast %swap3A_281 : i32 to index
    %swap3A_283 = arith.constant 0 : index
    %swap3A_284 = tpu.vector_load %arg11[%swap3A_282, %swap3A_283] {strides = array<i32>} : memref<16x80xf32, #tpu.memory_space<vmem>>, vector<1x16xf32>,
    %swap3A_285 = vector.shape_cast %swap3A_284 : vector<1x16xf32> to vector<16xf32>
    %swap3A_286 = vector.shape_cast %broadcast_in_dim3A_280 : vector<16xf32> to vector<1x16xf32>
    tpu.vector_store %arg11[%swap3A_282, %swap3A_283], %swap3A_286 {strides = array<i32>} : memref<16x80xf32, #tpu.memory_space<vmem>>, vector<1x16xf32>,
    %broadcast_in_dim3A_287 = arith.constant 0.000000e+00 : f32
    %broadcast_in_dim3A_288 = vector.broadcast %broadcast_in_dim3A_287 : f32 to vector<16xf32>
    %swap3A_289 = arith.constant 7 : i32
    %swap3A_290 = arith.index_cast %swap3A_289 : i32 to index
    %swap3A_291 = arith.constant 16 : index
    %swap3A_292 = tpu.vector_load %arg11[%swap3A_290, %swap3A_291] {strides = array<i32>} : memref<16x80xf32, #tpu.memory_space<vmem>>, vector<1x16xf32>,
    %swap3A_293 = vector.shape_cast %swap3A_292 : vector<1x16xf32> to vector<16xf32>
    %swap3A_294 = vector.shape_cast %broadcast_in_dim3A_288 : vector<16xf32> to vector<1x16xf32>
    tpu.vector_store %arg11[%swap3A_290, %swap3A_291], %swap3A_294 {strides = array<i32>} : memref<16x80xf32, #tpu.memory_space<vmem>>, vector<1x16xf32>,
    %broadcast_in_dim3A_295 = arith.constant 0.000000e+00 : f32
    %broadcast_in_dim3A_296 = vector.broadcast %broadcast_in_dim3A_295 : f32 to vector<16xf32>
    %swap3A_297 = arith.constant 7 : i32
    %swap3A_298 = arith.index_cast %swap3A_297 : i32 to index
    %swap3A_299 = arith.constant 32 : index
    %swap3A_300 = tpu.vector_load %arg11[%swap3A_298, %swap3A_299] {strides = array<i32>} : memref<16x80xf32, #tpu.memory_space<vmem>>, vector<1x16xf32>,
    %swap3A_301 = vector.shape_cast %swap3A_300 : vector<1x16xf32> to vector<16xf32>
    %swap3A_302 = vector.shape_cast %broadcast_in_dim3A_296 : vector<16xf32> to vector<1x16xf32>
    tpu.vector_store %arg11[%swap3A_298, %swap3A_299], %swap3A_302 {strides = array<i32>} : memref<16x80xf32, #tpu.memory_space<vmem>>, vector<1x16xf32>,
    %broadcast_in_dim3A_303 = arith.constant 0.000000e+00 : f32
    %broadcast_in_dim3A_304 = vector.broadcast %broadcast_in_dim3A_303 : f32 to vector<16xf32>
    %swap3A_305 = arith.constant 7 : i32
    %swap3A_306 = arith.index_cast %swap3A_305 : i32 to index
    %swap3A_307 = arith.constant 48 : index
    %swap3A_308 = tpu.vector_load %arg11[%swap3A_306, %swap3A_307] {strides = array<i32>} : memref<16x80xf32, #tpu.memory_space<vmem>>, vector<1x16xf32>,
    %swap3A_309 = vector.shape_cast %swap3A_308 : vector<1x16xf32> to vector<16xf32>
    %swap3A_310 = vector.shape_cast %broadcast_in_dim3A_304 : vector<16xf32> to vector<1x16xf32>
    tpu.vector_store %arg11[%swap3A_306, %swap3A_307], %swap3A_310 {strides = array<i32>} : memref<16x80xf32, #tpu.memory_space<vmem>>, vector<1x16xf32>,
    %broadcast_in_dim3A_311 = arith.constant 0.000000e+00 : f32
    %broadcast_in_dim3A_312 = vector.broadcast %broadcast_in_dim3A_311 : f32 to vector<16xf32>
    %swap3A_313 = arith.constant 7 : i32
    %swap3A_314 = arith.index_cast %swap3A_313 : i32 to index
    %swap3A_315 = arith.constant 64 : index
    %swap3A_316 = tpu.vector_load %arg11[%swap3A_314, %swap3A_315] {strides = array<i32>} : memref<16x80xf32, #tpu.memory_space<vmem>>, vector<1x16xf32>,
    %swap3A_317 = vector.shape_cast %swap3A_316 : vector<1x16xf32> to vector<16xf32>
    %swap3A_318 = vector.shape_cast %broadcast_in_dim3A_312 : vector<16xf32> to vector<1x16xf32>
    tpu.vector_store %arg11[%swap3A_314, %swap3A_315], %swap3A_318 {strides = array<i32>} : memref<16x80xf32, #tpu.memory_space<vmem>>, vector<1x16xf32>,
    %broadcast_in_dim3A_319 = arith.constant 0.000000e+00 : f32
    %broadcast_in_dim3A_320 = vector.broadcast %broadcast_in_dim3A_319 : f32 to vector<16xf32>
    %swap3A_321 = arith.constant 8 : i32
    %swap3A_322 = arith.index_cast %swap3A_321 : i32 to index
    %swap3A_323 = arith.constant 0 : index
    %swap3A_324 = tpu.vector_load %arg11[%swap3A_322, %swap3A_323] {strides = array<i32>} : memref<16x80xf32, #tpu.memory_space<vmem>>, vector<1x16xf32>,
    %swap3A_325 = vector.shape_cast %swap3A_324 : vector<1x16xf32> to vector<16xf32>
    %swap3A_326 = vector.shape_cast %broadcast_in_dim3A_320 : vector<16xf32> to vector<1x16xf32>
    tpu.vector_store %arg11[%swap3A_322, %swap3A_323], %swap3A_326 {strides = array<i32>} : memref<16x80xf32, #tpu.memory_space<vmem>>, vector<1x16xf32>,
    %broadcast_in_dim3A_327 = arith.constant 0.000000e+00 : f32
    %broadcast_in_dim3A_328 = vector.broadcast %broadcast_in_dim3A_327 : f32 to vector<16xf32>
    %swap3A_329 = arith.constant 8 : i32
    %swap3A_330 = arith.index_cast %swap3A_329 : i32 to index
    %swap3A_331 = arith.constant 16 : index
    %swap3A_332 = tpu.vector_load %arg11[%swap3A_330, %swap3A_331] {strides = array<i32>} : memref<16x80xf32, #tpu.memory_space<vmem>>, vector<1x16xf32>,
    %swap3A_333 = vector.shape_cast %swap3A_332 : vector<1x16xf32> to vector<16xf32>
    %swap3A_334 = vector.shape_cast %broadcast_in_dim3A_328 : vector<16xf32> to vector<1x16xf32>
    tpu.vector_store %arg11[%swap3A_330, %swap3A_331], %swap3A_334 {strides = array<i32>} : memref<16x80xf32, #tpu.memory_space<vmem>>, vector<1x16xf32>,
    %broadcast_in_dim3A_335 = arith.constant 0.000000e+00 : f32
    %broadcast_in_dim3A_336 = vector.broadcast %broadcast_in_dim3A_335 : f32 to vector<16xf32>
    %swap3A_337 = arith.constant 8 : i32
    %swap3A_338 = arith.index_cast %swap3A_337 : i32 to index
    %swap3A_339 = arith.constant 32 : index
    %swap3A_340 = tpu.vector_load %arg11[%swap3A_338, %swap3A_339] {strides = array<i32>} : memref<16x80xf32, #tpu.memory_space<vmem>>, vector<1x16xf32>,
    %swap3A_341 = vector.shape_cast %swap3A_340 : vector<1x16xf32> to vector<16xf32>
    %swap3A_342 = vector.shape_cast %broadcast_in_dim3A_336 : vector<16xf32> to vector<1x16xf32>
    tpu.vector_store %arg11[%swap3A_338, %swap3A_339], %swap3A_342 {strides = array<i32>} : memref<16x80xf32, #tpu.memory_space<vmem>>, vector<1x16xf32>,
    %broadcast_in_dim3A_343 = arith.constant 0.000000e+00 : f32
    %broadcast_in_dim3A_344 = vector.broadcast %broadcast_in_dim3A_343 : f32 to vector<16xf32>
    %swap3A_345 = arith.constant 8 : i32
    %swap3A_346 = arith.index_cast %swap3A_345 : i32 to index
    %swap3A_347 = arith.constant 48 : index
    %swap3A_348 = tpu.vector_load %arg11[%swap3A_346, %swap3A_347] {strides = array<i32>} : memref<16x80xf32, #tpu.memory_space<vmem>>, vector<1x16xf32>,
    %swap3A_349 = vector.shape_cast %swap3A_348 : vector<1x16xf32> to vector<16xf32>
    %swap3A_350 = vector.shape_cast %broadcast_in_dim3A_344 : vector<16xf32> to vector<1x16xf32>
    tpu.vector_store %arg11[%swap3A_346, %swap3A_347], %swap3A_350 {strides = array<i32>} : memref<16x80xf32, #tpu.memory_space<vmem>>, vector<1x16xf32>,
    %broadcast_in_dim3A_351 = arith.constant 0.000000e+00 : f32
    %broadcast_in_dim3A_352 = vector.broadcast %broadcast_in_dim3A_351 : f32 to vector<16xf32>
    %swap3A_353 = arith.constant 8 : i32
    %swap3A_354 = arith.index_cast %swap3A_353 : i32 to index
    %swap3A_355 = arith.constant 64 : index
    %swap3A_356 = tpu.vector_load %arg11[%swap3A_354, %swap3A_355] {strides = array<i32>} : memref<16x80xf32, #tpu.memory_space<vmem>>, vector<1x16xf32>,
    %swap3A_357 = vector.shape_cast %swap3A_356 : vector<1x16xf32> to vector<16xf32>
    %swap3A_358 = vector.shape_cast %broadcast_in_dim3A_352 : vector<16xf32> to vector<1x16xf32>
    tpu.vector_store %arg11[%swap3A_354, %swap3A_355], %swap3A_358 {strides = array<i32>} : memref<16x80xf32, #tpu.memory_space<vmem>>, vector<1x16xf32>,
    %broadcast_in_dim3A_359 = arith.constant 0.000000e+00 : f32
    %broadcast_in_dim3A_360 = vector.broadcast %broadcast_in_dim3A_359 : f32 to vector<16xf32>
    %swap3A_361 = arith.constant 9 : i32
    %swap3A_362 = arith.index_cast %swap3A_361 : i32 to index
    %swap3A_363 = arith.constant 0 : index
    %swap3A_364 = tpu.vector_load %arg11[%swap3A_362, %swap3A_363] {strides = array<i32>} : memref<16x80xf32, #tpu.memory_space<vmem>>, vector<1x16xf32>,
    %swap3A_365 = vector.shape_cast %swap3A_364 : vector<1x16xf32> to vector<16xf32>
    %swap3A_366 = vector.shape_cast %broadcast_in_dim3A_360 : vector<16xf32> to vector<1x16xf32>
    tpu.vector_store %arg11[%swap3A_362, %swap3A_363], %swap3A_366 {strides = array<i32>} : memref<16x80xf32, #tpu.memory_space<vmem>>, vector<1x16xf32>,
    %broadcast_in_dim3A_367 = arith.constant 0.000000e+00 : f32
    %broadcast_in_dim3A_368 = vector.broadcast %broadcast_in_dim3A_367 : f32 to vector<16xf32>
    %swap3A_369 = arith.constant 9 : i32
    %swap3A_370 = arith.index_cast %swap3A_369 : i32 to index
    %swap3A_371 = arith.constant 16 : index
    %swap3A_372 = tpu.vector_load %arg11[%swap3A_370, %swap3A_371] {strides = array<i32>} : memref<16x80xf32, #tpu.memory_space<vmem>>, vector<1x16xf32>,
    %swap3A_373 = vector.shape_cast %swap3A_372 : vector<1x16xf32> to vector<16xf32>
    %swap3A_374 = vector.shape_cast %broadcast_in_dim3A_368 : vector<16xf32> to vector<1x16xf32>
    tpu.vector_store %arg11[%swap3A_370, %swap3A_371], %swap3A_374 {strides = array<i32>} : memref<16x80xf32, #tpu.memory_space<vmem>>, vector<1x16xf32>,
    %broadcast_in_dim3A_375 = arith.constant 0.000000e+00 : f32
    %broadcast_in_dim3A_376 = vector.broadcast %broadcast_in_dim3A_375 : f32 to vector<16xf32>
    %swap3A_377 = arith.constant 9 : i32
    %swap3A_378 = arith.index_cast %swap3A_377 : i32 to index
    %swap3A_379 = arith.constant 32 : index
    %swap3A_380 = tpu.vector_load %arg11[%swap3A_378, %swap3A_379] {strides = array<i32>} : memref<16x80xf32, #tpu.memory_space<vmem>>, vector<1x16xf32>,
    %swap3A_381 = vector.shape_cast %swap3A_380 : vector<1x16xf32> to vector<16xf32>
    %swap3A_382 = vector.shape_cast %broadcast_in_dim3A_376 : vector<16xf32> to vector<1x16xf32>
    tpu.vector_store %arg11[%swap3A_378, %swap3A_379], %swap3A_382 {strides = array<i32>} : memref<16x80xf32, #tpu.memory_space<vmem>>, vector<1x16xf32>,
    %broadcast_in_dim3A_383 = arith.constant 0.000000e+00 : f32
    %broadcast_in_dim3A_384 = vector.broadcast %broadcast_in_dim3A_383 : f32 to vector<16xf32>
    %swap3A_385 = arith.constant 9 : i32
    %swap3A_386 = arith.index_cast %swap3A_385 : i32 to index
    %swap3A_387 = arith.constant 48 : index
    %swap3A_388 = tpu.vector_load %arg11[%swap3A_386, %swap3A_387] {strides = array<i32>} : memref<16x80xf32, #tpu.memory_space<vmem>>, vector<1x16xf32>,
    %swap3A_389 = vector.shape_cast %swap3A_388 : vector<1x16xf32> to vector<16xf32>
    %swap3A_390 = vector.shape_cast %broadcast_in_dim3A_384 : vector<16xf32> to vector<1x16xf32>
    tpu.vector_store %arg11[%swap3A_386, %swap3A_387], %swap3A_390 {strides = array<i32>} : memref<16x80xf32, #tpu.memory_space<vmem>>, vector<1x16xf32>,
    %broadcast_in_dim3A_391 = arith.constant 0.000000e+00 : f32
    %broadcast_in_dim3A_392 = vector.broadcast %broadcast_in_dim3A_391 : f32 to vector<16xf32>
    %swap3A_393 = arith.constant 9 : i32
    %swap3A_394 = arith.index_cast %swap3A_393 : i32 to index
    %swap3A_395 = arith.constant 64 : index
    %swap3A_396 = tpu.vector_load %arg11[%swap3A_394, %swap3A_395] {strides = array<i32>} : memref<16x80xf32, #tpu.memory_space<vmem>>, vector<1x16xf32>,
    %swap3A_397 = vector.shape_cast %swap3A_396 : vector<1x16xf32> to vector<16xf32>
    %swap3A_398 = vector.shape_cast %broadcast_in_dim3A_392 : vector<16xf32> to vector<1x16xf32>
    tpu.vector_store %arg11[%swap3A_394, %swap3A_395], %swap3A_398 {strides = array<i32>} : memref<16x80xf32, #tpu.memory_space<vmem>>, vector<1x16xf32>,
    %broadcast_in_dim3A_399 = arith.constant 0.000000e+00 : f32
    %broadcast_in_dim3A_400 = vector.broadcast %broadcast_in_dim3A_399 : f32 to vector<16xf32>
    %swap3A_401 = arith.constant 10 : i32
    %swap3A_402 = arith.index_cast %swap3A_401 : i32 to index
    %swap3A_403 = arith.constant 0 : index
    %swap3A_404 = tpu.vector_load %arg11[%swap3A_402, %swap3A_403] {strides = array<i32>} : memref<16x80xf32, #tpu.memory_space<vmem>>, vector<1x16xf32>,
    %swap3A_405 = vector.shape_cast %swap3A_404 : vector<1x16xf32> to vector<16xf32>
    %swap3A_406 = vector.shape_cast %broadcast_in_dim3A_400 : vector<16xf32> to vector<1x16xf32>
    tpu.vector_store %arg11[%swap3A_402, %swap3A_403], %swap3A_406 {strides = array<i32>} : memref<16x80xf32, #tpu.memory_space<vmem>>, vector<1x16xf32>,
    %broadcast_in_dim3A_407 = arith.constant 0.000000e+00 : f32
    %broadcast_in_dim3A_408 = vector.broadcast %broadcast_in_dim3A_407 : f32 to vector<16xf32>
    %swap3A_409 = arith.constant 10 : i32
    %swap3A_410 = arith.index_cast %swap3A_409 : i32 to index
    %swap3A_411 = arith.constant 16 : index
    %swap3A_412 = tpu.vector_load %arg11[%swap3A_410, %swap3A_411] {strides = array<i32>} : memref<16x80xf32, #tpu.memory_space<vmem>>, vector<1x16xf32>,
    %swap3A_413 = vector.shape_cast %swap3A_412 : vector<1x16xf32> to vector<16xf32>
    %swap3A_414 = vector.shape_cast %broadcast_in_dim3A_408 : vector<16xf32> to vector<1x16xf32>
    tpu.vector_store %arg11[%swap3A_410, %swap3A_411], %swap3A_414 {strides = array<i32>} : memref<16x80xf32, #tpu.memory_space<vmem>>, vector<1x16xf32>,
    %broadcast_in_dim3A_415 = arith.constant 0.000000e+00 : f32
    %broadcast_in_dim3A_416 = vector.broadcast %broadcast_in_dim3A_415 : f32 to vector<16xf32>
    %swap3A_417 = arith.constant 10 : i32
    %swap3A_418 = arith.index_cast %swap3A_417 : i32 to index
    %swap3A_419 = arith.constant 32 : index
    %swap3A_420 = tpu.vector_load %arg11[%swap3A_418, %swap3A_419] {strides = array<i32>} : memref<16x80xf32, #tpu.memory_space<vmem>>, vector<1x16xf32>,
    %swap3A_421 = vector.shape_cast %swap3A_420 : vector<1x16xf32> to vector<16xf32>
    %swap3A_422 = vector.shape_cast %broadcast_in_dim3A_416 : vector<16xf32> to vector<1x16xf32>
    tpu.vector_store %arg11[%swap3A_418, %swap3A_419], %swap3A_422 {strides = array<i32>} : memref<16x80xf32, #tpu.memory_space<vmem>>, vector<1x16xf32>,
    %broadcast_in_dim3A_423 = arith.constant 0.000000e+00 : f32
    %broadcast_in_dim3A_424 = vector.broadcast %broadcast_in_dim3A_423 : f32 to vector<16xf32>
    %swap3A_425 = arith.constant 10 : i32
    %swap3A_426 = arith.index_cast %swap3A_425 : i32 to index
    %swap3A_427 = arith.constant 48 : index
    %swap3A_428 = tpu.vector_load %arg11[%swap3A_426, %swap3A_427] {strides = array<i32>} : memref<16x80xf32, #tpu.memory_space<vmem>>, vector<1x16xf32>,
    %swap3A_429 = vector.shape_cast %swap3A_428 : vector<1x16xf32> to vector<16xf32>
    %swap3A_430 = vector.shape_cast %broadcast_in_dim3A_424 : vector<16xf32> to vector<1x16xf32>
    tpu.vector_store %arg11[%swap3A_426, %swap3A_427], %swap3A_430 {strides = array<i32>} : memref<16x80xf32, #tpu.memory_space<vmem>>, vector<1x16xf32>,
    %broadcast_in_dim3A_431 = arith.constant 0.000000e+00 : f32
    %broadcast_in_dim3A_432 = vector.broadcast %broadcast_in_dim3A_431 : f32 to vector<16xf32>
    %swap3A_433 = arith.constant 10 : i32
    %swap3A_434 = arith.index_cast %swap3A_433 : i32 to index
    %swap3A_435 = arith.constant 64 : index
    %swap3A_436 = tpu.vector_load %arg11[%swap3A_434, %swap3A_435] {strides = array<i32>} : memref<16x80xf32, #tpu.memory_space<vmem>>, vector<1x16xf32>,
    %swap3A_437 = vector.shape_cast %swap3A_436 : vector<1x16xf32> to vector<16xf32>
    %swap3A_438 = vector.shape_cast %broadcast_in_dim3A_432 : vector<16xf32> to vector<1x16xf32>
    tpu.vector_store %arg11[%swap3A_434, %swap3A_435], %swap3A_438 {strides = array<i32>} : memref<16x80xf32, #tpu.memory_space<vmem>>, vector<1x16xf32>,
    %broadcast_in_dim3A_439 = arith.constant 0.000000e+00 : f32
    %broadcast_in_dim3A_440 = vector.broadcast %broadcast_in_dim3A_439 : f32 to vector<16xf32>
    %swap3A_441 = arith.constant 11 : i32
    %swap3A_442 = arith.index_cast %swap3A_441 : i32 to index
    %swap3A_443 = arith.constant 0 : index
    %swap3A_444 = tpu.vector_load %arg11[%swap3A_442, %swap3A_443] {strides = array<i32>} : memref<16x80xf32, #tpu.memory_space<vmem>>, vector<1x16xf32>,
    %swap3A_445 = vector.shape_cast %swap3A_444 : vector<1x16xf32> to vector<16xf32>
    %swap3A_446 = vector.shape_cast %broadcast_in_dim3A_440 : vector<16xf32> to vector<1x16xf32>
    tpu.vector_store %arg11[%swap3A_442, %swap3A_443], %swap3A_446 {strides = array<i32>} : memref<16x80xf32, #tpu.memory_space<vmem>>, vector<1x16xf32>,
    %broadcast_in_dim3A_447 = arith.constant 0.000000e+00 : f32
    %broadcast_in_dim3A_448 = vector.broadcast %broadcast_in_dim3A_447 : f32 to vector<16xf32>
    %swap3A_449 = arith.constant 11 : i32
    %swap3A_450 = arith.index_cast %swap3A_449 : i32 to index
    %swap3A_451 = arith.constant 16 : index
    %swap3A_452 = tpu.vector_load %arg11[%swap3A_450, %swap3A_451] {strides = array<i32>} : memref<16x80xf32, #tpu.memory_space<vmem>>, vector<1x16xf32>,
    %swap3A_453 = vector.shape_cast %swap3A_452 : vector<1x16xf32> to vector<16xf32>
    %swap3A_454 = vector.shape_cast %broadcast_in_dim3A_448 : vector<16xf32> to vector<1x16xf32>
    tpu.vector_store %arg11[%swap3A_450, %swap3A_451], %swap3A_454 {strides = array<i32>} : memref<16x80xf32, #tpu.memory_space<vmem>>, vector<1x16xf32>,
    %broadcast_in_dim3A_455 = arith.constant 0.000000e+00 : f32
    %broadcast_in_dim3A_456 = vector.broadcast %broadcast_in_dim3A_455 : f32 to vector<16xf32>
    %swap3A_457 = arith.constant 11 : i32
    %swap3A_458 = arith.index_cast %swap3A_457 : i32 to index
    %swap3A_459 = arith.constant 32 : index
    %swap3A_460 = tpu.vector_load %arg11[%swap3A_458, %swap3A_459] {strides = array<i32>} : memref<16x80xf32, #tpu.memory_space<vmem>>, vector<1x16xf32>,
    %swap3A_461 = vector.shape_cast %swap3A_460 : vector<1x16xf32> to vector<16xf32>
    %swap3A_462 = vector.shape_cast %broadcast_in_dim3A_456 : vector<16xf32> to vector<1x16xf32>
    tpu.vector_store %arg11[%swap3A_458, %swap3A_459], %swap3A_462 {strides = array<i32>} : memref<16x80xf32, #tpu.memory_space<vmem>>, vector<1x16xf32>,
    %broadcast_in_dim3A_463 = arith.constant 0.000000e+00 : f32
    %broadcast_in_dim3A_464 = vector.broadcast %broadcast_in_dim3A_463 : f32 to vector<16xf32>
    %swap3A_465 = arith.constant 11 : i32
    %swap3A_466 = arith.index_cast %swap3A_465 : i32 to index
    %swap3A_467 = arith.constant 48 : index
    %swap3A_468 = tpu.vector_load %arg11[%swap3A_466, %swap3A_467] {strides = array<i32>} : memref<16x80xf32, #tpu.memory_space<vmem>>, vector<1x16xf32>,
    %swap3A_469 = vector.shape_cast %swap3A_468 : vector<1x16xf32> to vector<16xf32>
    %swap3A_470 = vector.shape_cast %broadcast_in_dim3A_464 : vector<16xf32> to vector<1x16xf32>
    tpu.vector_store %arg11[%swap3A_466, %swap3A_467], %swap3A_470 {strides = array<i32>} : memref<16x80xf32, #tpu.memory_space<vmem>>, vector<1x16xf32>,
    %broadcast_in_dim3A_471 = arith.constant 0.000000e+00 : f32
    %broadcast_in_dim3A_472 = vector.broadcast %broadcast_in_dim3A_471 : f32 to vector<16xf32>
    %swap3A_473 = arith.constant 11 : i32
    %swap3A_474 = arith.index_cast %swap3A_473 : i32 to index
    %swap3A_475 = arith.constant 64 : index
    %swap3A_476 = tpu.vector_load %arg11[%swap3A_474, %swap3A_475] {strides = array<i32>} : memref<16x80xf32, #tpu.memory_space<vmem>>, vector<1x16xf32>,
    %swap3A_477 = vector.shape_cast %swap3A_476 : vector<1x16xf32> to vector<16xf32>
    %swap3A_478 = vector.shape_cast %broadcast_in_dim3A_472 : vector<16xf32> to vector<1x16xf32>
    tpu.vector_store %arg11[%swap3A_474, %swap3A_475], %swap3A_478 {strides = array<i32>} : memref<16x80xf32, #tpu.memory_space<vmem>>, vector<1x16xf32>,
    %broadcast_in_dim3A_479 = arith.constant 0.000000e+00 : f32
    %broadcast_in_dim3A_480 = vector.broadcast %broadcast_in_dim3A_479 : f32 to vector<16xf32>
    %swap3A_481 = arith.constant 12 : i32
    %swap3A_482 = arith.index_cast %swap3A_481 : i32 to index
    %swap3A_483 = arith.constant 0 : index
    %swap3A_484 = tpu.vector_load %arg11[%swap3A_482, %swap3A_483] {strides = array<i32>} : memref<16x80xf32, #tpu.memory_space<vmem>>, vector<1x16xf32>,
    %swap3A_485 = vector.shape_cast %swap3A_484 : vector<1x16xf32> to vector<16xf32>
    %swap3A_486 = vector.shape_cast %broadcast_in_dim3A_480 : vector<16xf32> to vector<1x16xf32>
    tpu.vector_store %arg11[%swap3A_482, %swap3A_483], %swap3A_486 {strides = array<i32>} : memref<16x80xf32, #tpu.memory_space<vmem>>, vector<1x16xf32>,
    %broadcast_in_dim3A_487 = arith.constant 0.000000e+00 : f32
    %broadcast_in_dim3A_488 = vector.broadcast %broadcast_in_dim3A_487 : f32 to vector<16xf32>
    %swap3A_489 = arith.constant 12 : i32
    %swap3A_490 = arith.index_cast %swap3A_489 : i32 to index
    %swap3A_491 = arith.constant 16 : index
    %swap3A_492 = tpu.vector_load %arg11[%swap3A_490, %swap3A_491] {strides = array<i32>} : memref<16x80xf32, #tpu.memory_space<vmem>>, vector<1x16xf32>,
    %swap3A_493 = vector.shape_cast %swap3A_492 : vector<1x16xf32> to vector<16xf32>
    %swap3A_494 = vector.shape_cast %broadcast_in_dim3A_488 : vector<16xf32> to vector<1x16xf32>
    tpu.vector_store %arg11[%swap3A_490, %swap3A_491], %swap3A_494 {strides = array<i32>} : memref<16x80xf32, #tpu.memory_space<vmem>>, vector<1x16xf32>,
    %broadcast_in_dim3A_495 = arith.constant 0.000000e+00 : f32
    %broadcast_in_dim3A_496 = vector.broadcast %broadcast_in_dim3A_495 : f32 to vector<16xf32>
    %swap3A_497 = arith.constant 12 : i32
    %swap3A_498 = arith.index_cast %swap3A_497 : i32 to index
    %swap3A_499 = arith.constant 32 : index
    %swap3A_500 = tpu.vector_load %arg11[%swap3A_498, %swap3A_499] {strides = array<i32>} : memref<16x80xf32, #tpu.memory_space<vmem>>, vector<1x16xf32>,
    %swap3A_501 = vector.shape_cast %swap3A_500 : vector<1x16xf32> to vector<16xf32>
    %swap3A_502 = vector.shape_cast %broadcast_in_dim3A_496 : vector<16xf32> to vector<1x16xf32>
    tpu.vector_store %arg11[%swap3A_498, %swap3A_499], %swap3A_502 {strides = array<i32>} : memref<16x80xf32, #tpu.memory_space<vmem>>, vector<1x16xf32>,
    %broadcast_in_dim3A_503 = arith.constant 0.000000e+00 : f32
    %broadcast_in_dim3A_504 = vector.broadcast %broadcast_in_dim3A_503 : f32 to vector<16xf32>
    %swap3A_505 = arith.constant 12 : i32
    %swap3A_506 = arith.index_cast %swap3A_505 : i32 to index
    %swap3A_507 = arith.constant 48 : index
    %swap3A_508 = tpu.vector_load %arg11[%swap3A_506, %swap3A_507] {strides = array<i32>} : memref<16x80xf32, #tpu.memory_space<vmem>>, vector<1x16xf32>,
    %swap3A_509 = vector.shape_cast %swap3A_508 : vector<1x16xf32> to vector<16xf32>
    %swap3A_510 = vector.shape_cast %broadcast_in_dim3A_504 : vector<16xf32> to vector<1x16xf32>
    tpu.vector_store %arg11[%swap3A_506, %swap3A_507], %swap3A_510 {strides = array<i32>} : memref<16x80xf32, #tpu.memory_space<vmem>>, vector<1x16xf32>,
    %broadcast_in_dim3A_511 = arith.constant 0.000000e+00 : f32
    %broadcast_in_dim3A_512 = vector.broadcast %broadcast_in_dim3A_511 : f32 to vector<16xf32>
    %swap3A_513 = arith.constant 12 : i32
    %swap3A_514 = arith.index_cast %swap3A_513 : i32 to index
    %swap3A_515 = arith.constant 64 : index
    %swap3A_516 = tpu.vector_load %arg11[%swap3A_514, %swap3A_515] {strides = array<i32>} : memref<16x80xf32, #tpu.memory_space<vmem>>, vector<1x16xf32>,
    %swap3A_517 = vector.shape_cast %swap3A_516 : vector<1x16xf32> to vector<16xf32>
    %swap3A_518 = vector.shape_cast %broadcast_in_dim3A_512 : vector<16xf32> to vector<1x16xf32>
    tpu.vector_store %arg11[%swap3A_514, %swap3A_515], %swap3A_518 {strides = array<i32>} : memref<16x80xf32, #tpu.memory_space<vmem>>, vector<1x16xf32>,
    %broadcast_in_dim3A_519 = arith.constant 0.000000e+00 : f32
    %broadcast_in_dim3A_520 = vector.broadcast %broadcast_in_dim3A_519 : f32 to vector<16xf32>
    %swap3A_521 = arith.constant 13 : i32
    %swap3A_522 = arith.index_cast %swap3A_521 : i32 to index
    %swap3A_523 = arith.constant 0 : index
    %swap3A_524 = tpu.vector_load %arg11[%swap3A_522, %swap3A_523] {strides = array<i32>} : memref<16x80xf32, #tpu.memory_space<vmem>>, vector<1x16xf32>,
    %swap3A_525 = vector.shape_cast %swap3A_524 : vector<1x16xf32> to vector<16xf32>
    %swap3A_526 = vector.shape_cast %broadcast_in_dim3A_520 : vector<16xf32> to vector<1x16xf32>
    tpu.vector_store %arg11[%swap3A_522, %swap3A_523], %swap3A_526 {strides = array<i32>} : memref<16x80xf32, #tpu.memory_space<vmem>>, vector<1x16xf32>,
    %broadcast_in_dim3A_527 = arith.constant 0.000000e+00 : f32
    %broadcast_in_dim3A_528 = vector.broadcast %broadcast_in_dim3A_527 : f32 to vector<16xf32>
    %swap3A_529 = arith.constant 13 : i32
    %swap3A_530 = arith.index_cast %swap3A_529 : i32 to index
    %swap3A_531 = arith.constant 16 : index
    %swap3A_532 = tpu.vector_load %arg11[%swap3A_530, %swap3A_531] {strides = array<i32>} : memref<16x80xf32, #tpu.memory_space<vmem>>, vector<1x16xf32>,
    %swap3A_533 = vector.shape_cast %swap3A_532 : vector<1x16xf32> to vector<16xf32>
    %swap3A_534 = vector.shape_cast %broadcast_in_dim3A_528 : vector<16xf32> to vector<1x16xf32>
    tpu.vector_store %arg11[%swap3A_530, %swap3A_531], %swap3A_534 {strides = array<i32>} : memref<16x80xf32, #tpu.memory_space<vmem>>, vector<1x16xf32>,
    %broadcast_in_dim3A_535 = arith.constant 0.000000e+00 : f32
    %broadcast_in_dim3A_536 = vector.broadcast %broadcast_in_dim3A_535 : f32 to vector<16xf32>
    %swap3A_537 = arith.constant 13 : i32
    %swap3A_538 = arith.index_cast %swap3A_537 : i32 to index
    %swap3A_539 = arith.constant 32 : index
    %swap3A_540 = tpu.vector_load %arg11[%swap3A_538, %swap3A_539] {strides = array<i32>} : memref<16x80xf32, #tpu.memory_space<vmem>>, vector<1x16xf32>,
    %swap3A_541 = vector.shape_cast %swap3A_540 : vector<1x16xf32> to vector<16xf32>
    %swap3A_542 = vector.shape_cast %broadcast_in_dim3A_536 : vector<16xf32> to vector<1x16xf32>
    tpu.vector_store %arg11[%swap3A_538, %swap3A_539], %swap3A_542 {strides = array<i32>} : memref<16x80xf32, #tpu.memory_space<vmem>>, vector<1x16xf32>,
    %broadcast_in_dim3A_543 = arith.constant 0.000000e+00 : f32
    %broadcast_in_dim3A_544 = vector.broadcast %broadcast_in_dim3A_543 : f32 to vector<16xf32>
    %swap3A_545 = arith.constant 13 : i32
    %swap3A_546 = arith.index_cast %swap3A_545 : i32 to index
    %swap3A_547 = arith.constant 48 : index
    %swap3A_548 = tpu.vector_load %arg11[%swap3A_546, %swap3A_547] {strides = array<i32>} : memref<16x80xf32, #tpu.memory_space<vmem>>, vector<1x16xf32>,
    %swap3A_549 = vector.shape_cast %swap3A_548 : vector<1x16xf32> to vector<16xf32>
    %swap3A_550 = vector.shape_cast %broadcast_in_dim3A_544 : vector<16xf32> to vector<1x16xf32>
    tpu.vector_store %arg11[%swap3A_546, %swap3A_547], %swap3A_550 {strides = array<i32>} : memref<16x80xf32, #tpu.memory_space<vmem>>, vector<1x16xf32>,
    %broadcast_in_dim3A_551 = arith.constant 0.000000e+00 : f32
    %broadcast_in_dim3A_552 = vector.broadcast %broadcast_in_dim3A_551 : f32 to vector<16xf32>
    %swap3A_553 = arith.constant 13 : i32
    %swap3A_554 = arith.index_cast %swap3A_553 : i32 to index
    %swap3A_555 = arith.constant 64 : index
    %swap3A_556 = tpu.vector_load %arg11[%swap3A_554, %swap3A_555] {strides = array<i32>} : memref<16x80xf32, #tpu.memory_space<vmem>>, vector<1x16xf32>,
    %swap3A_557 = vector.shape_cast %swap3A_556 : vector<1x16xf32> to vector<16xf32>
    %swap3A_558 = vector.shape_cast %broadcast_in_dim3A_552 : vector<16xf32> to vector<1x16xf32>
    tpu.vector_store %arg11[%swap3A_554, %swap3A_555], %swap3A_558 {strides = array<i32>} : memref<16x80xf32, #tpu.memory_space<vmem>>, vector<1x16xf32>,
    %broadcast_in_dim3A_559 = arith.constant 0.000000e+00 : f32
    %broadcast_in_dim3A_560 = vector.broadcast %broadcast_in_dim3A_559 : f32 to vector<16xf32>
    %swap3A_561 = arith.constant 14 : i32
    %swap3A_562 = arith.index_cast %swap3A_561 : i32 to index
    %swap3A_563 = arith.constant 0 : index
    %swap3A_564 = tpu.vector_load %arg11[%swap3A_562, %swap3A_563] {strides = array<i32>} : memref<16x80xf32, #tpu.memory_space<vmem>>, vector<1x16xf32>,
    %swap3A_565 = vector.shape_cast %swap3A_564 : vector<1x16xf32> to vector<16xf32>
    %swap3A_566 = vector.shape_cast %broadcast_in_dim3A_560 : vector<16xf32> to vector<1x16xf32>
    tpu.vector_store %arg11[%swap3A_562, %swap3A_563], %swap3A_566 {strides = array<i32>} : memref<16x80xf32, #tpu.memory_space<vmem>>, vector<1x16xf32>,
    %broadcast_in_dim3A_567 = arith.constant 0.000000e+00 : f32
    %broadcast_in_dim3A_568 = vector.broadcast %broadcast_in_dim3A_567 : f32 to vector<16xf32>
    %swap3A_569 = arith.constant 14 : i32
    %swap3A_570 = arith.index_cast %swap3A_569 : i32 to index
    %swap3A_571 = arith.constant 16 : index
    %swap3A_572 = tpu.vector_load %arg11[%swap3A_570, %swap3A_571] {strides = array<i32>} : memref<16x80xf32, #tpu.memory_space<vmem>>, vector<1x16xf32>,
    %swap3A_573 = vector.shape_cast %swap3A_572 : vector<1x16xf32> to vector<16xf32>
    %swap3A_574 = vector.shape_cast %broadcast_in_dim3A_568 : vector<16xf32> to vector<1x16xf32>
    tpu.vector_store %arg11[%swap3A_570, %swap3A_571], %swap3A_574 {strides = array<i32>} : memref<16x80xf32, #tpu.memory_space<vmem>>, vector<1x16xf32>,
    %broadcast_in_dim3A_575 = arith.constant 0.000000e+00 : f32
    %broadcast_in_dim3A_576 = vector.broadcast %broadcast_in_dim3A_575 : f32 to vector<16xf32>
    %swap3A_577 = arith.constant 14 : i32
    %swap3A_578 = arith.index_cast %swap3A_577 : i32 to index
    %swap3A_579 = arith.constant 32 : index
    %swap3A_580 = tpu.vector_load %arg11[%swap3A_578, %swap3A_579] {strides = array<i32>} : memref<16x80xf32, #tpu.memory_space<vmem>>, vector<1x16xf32>,
    %swap3A_581 = vector.shape_cast %swap3A_580 : vector<1x16xf32> to vector<16xf32>
    %swap3A_582 = vector.shape_cast %broadcast_in_dim3A_576 : vector<16xf32> to vector<1x16xf32>
    tpu.vector_store %arg11[%swap3A_578, %swap3A_579], %swap3A_582 {strides = array<i32>} : memref<16x80xf32, #tpu.memory_space<vmem>>, vector<1x16xf32>,
    %broadcast_in_dim3A_583 = arith.constant 0.000000e+00 : f32
    %broadcast_in_dim3A_584 = vector.broadcast %broadcast_in_dim3A_583 : f32 to vector<16xf32>
    %swap3A_585 = arith.constant 14 : i32
    %swap3A_586 = arith.index_cast %swap3A_585 : i32 to index
    %swap3A_587 = arith.constant 48 : index
    %swap3A_588 = tpu.vector_load %arg11[%swap3A_586, %swap3A_587] {strides = array<i32>} : memref<16x80xf32, #tpu.memory_space<vmem>>, vector<1x16xf32>,
    %swap3A_589 = vector.shape_cast %swap3A_588 : vector<1x16xf32> to vector<16xf32>
    %swap3A_590 = vector.shape_cast %broadcast_in_dim3A_584 : vector<16xf32> to vector<1x16xf32>
    tpu.vector_store %arg11[%swap3A_586, %swap3A_587], %swap3A_590 {strides = array<i32>} : memref<16x80xf32, #tpu.memory_space<vmem>>, vector<1x16xf32>,
    %broadcast_in_dim3A_591 = arith.constant 0.000000e+00 : f32
    %broadcast_in_dim3A_592 = vector.broadcast %broadcast_in_dim3A_591 : f32 to vector<16xf32>
    %swap3A_593 = arith.constant 14 : i32
    %swap3A_594 = arith.index_cast %swap3A_593 : i32 to index
    %swap3A_595 = arith.constant 64 : index
    %swap3A_596 = tpu.vector_load %arg11[%swap3A_594, %swap3A_595] {strides = array<i32>} : memref<16x80xf32, #tpu.memory_space<vmem>>, vector<1x16xf32>,
    %swap3A_597 = vector.shape_cast %swap3A_596 : vector<1x16xf32> to vector<16xf32>
    %swap3A_598 = vector.shape_cast %broadcast_in_dim3A_592 : vector<16xf32> to vector<1x16xf32>
    tpu.vector_store %arg11[%swap3A_594, %swap3A_595], %swap3A_598 {strides = array<i32>} : memref<16x80xf32, #tpu.memory_space<vmem>>, vector<1x16xf32>,
    %broadcast_in_dim3A_599 = arith.constant 0.000000e+00 : f32
    %broadcast_in_dim3A_600 = vector.broadcast %broadcast_in_dim3A_599 : f32 to vector<16xf32>
    %swap3A_601 = arith.constant 15 : i32
    %swap3A_602 = arith.index_cast %swap3A_601 : i32 to index
    %swap3A_603 = arith.constant 0 : index
    %swap3A_604 = tpu.vector_load %arg11[%swap3A_602, %swap3A_603] {strides = array<i32>} : memref<16x80xf32, #tpu.memory_space<vmem>>, vector<1x16xf32>,
    %swap3A_605 = vector.shape_cast %swap3A_604 : vector<1x16xf32> to vector<16xf32>
    %swap3A_606 = vector.shape_cast %broadcast_in_dim3A_600 : vector<16xf32> to vector<1x16xf32>
    tpu.vector_store %arg11[%swap3A_602, %swap3A_603], %swap3A_606 {strides = array<i32>} : memref<16x80xf32, #tpu.memory_space<vmem>>, vector<1x16xf32>,
    %broadcast_in_dim3A_607 = arith.constant 0.000000e+00 : f32
    %broadcast_in_dim3A_608 = vector.broadcast %broadcast_in_dim3A_607 : f32 to vector<16xf32>
    %swap3A_609 = arith.constant 15 : i32
    %swap3A_610 = arith.index_cast %swap3A_609 : i32 to index
    %swap3A_611 = arith.constant 16 : index
    %swap3A_612 = tpu.vector_load %arg11[%swap3A_610, %swap3A_611] {strides = array<i32>} : memref<16x80xf32, #tpu.memory_space<vmem>>, vector<1x16xf32>,
    %swap3A_613 = vector.shape_cast %swap3A_612 : vector<1x16xf32> to vector<16xf32>
    %swap3A_614 = vector.shape_cast %broadcast_in_dim3A_608 : vector<16xf32> to vector<1x16xf32>
    tpu.vector_store %arg11[%swap3A_610, %swap3A_611], %swap3A_614 {strides = array<i32>} : memref<16x80xf32, #tpu.memory_space<vmem>>, vector<1x16xf32>,
    %broadcast_in_dim3A_615 = arith.constant 0.000000e+00 : f32
    %broadcast_in_dim3A_616 = vector.broadcast %broadcast_in_dim3A_615 : f32 to vector<16xf32>
    %swap3A_617 = arith.constant 15 : i32
    %swap3A_618 = arith.index_cast %swap3A_617 : i32 to index
    %swap3A_619 = arith.constant 32 : index
    %swap3A_620 = tpu.vector_load %arg11[%swap3A_618, %swap3A_619] {strides = array<i32>} : memref<16x80xf32, #tpu.memory_space<vmem>>, vector<1x16xf32>,
    %swap3A_621 = vector.shape_cast %swap3A_620 : vector<1x16xf32> to vector<16xf32>
    %swap3A_622 = vector.shape_cast %broadcast_in_dim3A_616 : vector<16xf32> to vector<1x16xf32>
    tpu.vector_store %arg11[%swap3A_618, %swap3A_619], %swap3A_622 {strides = array<i32>} : memref<16x80xf32, #tpu.memory_space<vmem>>, vector<1x16xf32>,
    %broadcast_in_dim3A_623 = arith.constant 0.000000e+00 : f32
    %broadcast_in_dim3A_624 = vector.broadcast %broadcast_in_dim3A_623 : f32 to vector<16xf32>
    %swap3A_625 = arith.constant 15 : i32
    %swap3A_626 = arith.index_cast %swap3A_625 : i32 to index
    %swap3A_627 = arith.constant 48 : index
    %swap3A_628 = tpu.vector_load %arg11[%swap3A_626, %swap3A_627] {strides = array<i32>} : memref<16x80xf32, #tpu.memory_space<vmem>>, vector<1x16xf32>,
    %swap3A_629 = vector.shape_cast %swap3A_628 : vector<1x16xf32> to vector<16xf32>
    %swap3A_630 = vector.shape_cast %broadcast_in_dim3A_624 : vector<16xf32> to vector<1x16xf32>
    tpu.vector_store %arg11[%swap3A_626, %swap3A_627], %swap3A_630 {strides = array<i32>} : memref<16x80xf32, #tpu.memory_space<vmem>>, vector<1x16xf32>,
    %broadcast_in_dim3A_631 = arith.constant 0.000000e+00 : f32
    %broadcast_in_dim3A_632 = vector.broadcast %broadcast_in_dim3A_631 : f32 to vector<16xf32>
    %swap3A_633 = arith.constant 15 : i32
    %swap3A_634 = arith.index_cast %swap3A_633 : i32 to index
    %swap3A_635 = arith.constant 64 : index
    %swap3A_636 = tpu.vector_load %arg11[%swap3A_634, %swap3A_635] {strides = array<i32>} : memref<16x80xf32, #tpu.memory_space<vmem>>, vector<1x16xf32>,
    %swap3A_637 = vector.shape_cast %swap3A_636 : vector<1x16xf32> to vector<16xf32>
    %swap3A_638 = vector.shape_cast %broadcast_in_dim3A_632 : vector<16xf32> to vector<1x16xf32>
    tpu.vector_store %arg11[%swap3A_634, %swap3A_635], %swap3A_638 {strides = array<i32>} : memref<16x80xf32, #tpu.memory_space<vmem>>, vector<1x16xf32>,
    %mul3A_639 = arith.constant 640 : i32
    %mul3A_640 = arith.muli %arg1, %mul3A_639 : i32
    %add3A_641 = arith.constant 0 : i32
    %add3A_642 = arith.addi %mul3A_640, %add3A_641 : i32
    "tpu.region"() ({
      %run_scoped3A_850 = tpu.sem_alloc : memref<!tpu.dma_semaphore, #tpu.memory_space<semaphore_mem>>
      %dma_start3A_851 = arith.constant 0 : i32
      %dma_start3A_852 = tpu.memref_slice %arg12[%add3A_642, %dma_start3A_851] : memref<10240x80xf32, #tpu.memory_space<vmem_shared>> -> memref<16x80xf32, #tpu.memory_space<vmem_shared>>
      %dma_start3A_853 = arith.constant 0 : i32
      %dma_start3A_854 = tpu.memref_slice %arg12[%add3A_642, %dma_start3A_853] : memref<10240x80xf32, #tpu.memory_space<vmem_shared>> -> memref<16x80xf32, #tpu.memory_space<vmem_shared>>
      tpu.enqueue_dma source(%arg11 : memref<16x80xf32, #tpu.memory_space<vmem>>) target(%dma_start3A_854 : memref<16x80xf32, #tpu.memory_space<vmem_shared>>) target_semaphore(%run_scoped3A_850 : memref<!tpu.dma_semaphore, #tpu.memory_space<semaphore_mem>>)
      %dma_wait3A_855 = arith.constant 0 : i32
      %dma_wait3A_856 = tpu.memref_slice %arg12[%add3A_642, %dma_wait3A_855] : memref<10240x80xf32, #tpu.memory_space<vmem_shared>> -> memref<16x80xf32, #tpu.memory_space<vmem_shared>>
      %dma_wait3A_857 = arith.constant 0 : i32
      %dma_wait3A_858 = tpu.memref_slice %arg12[%add3A_642, %dma_wait3A_857] : memref<10240x80xf32, #tpu.memory_space<vmem_shared>> -> memref<16x80xf32, #tpu.memory_space<vmem_shared>>
      tpu.wait_dma2 semaphore(%run_scoped3A_850 : memref<!tpu.dma_semaphore, #tpu.memory_space<semaphore_mem>>) src(%arg11 : memref<16x80xf32, #tpu.memory_space<vmem>>) dst(%dma_wait3A_858 : memref<16x80xf32, #tpu.memory_space<vmem_shared>>)
      tpu.yield
    }) : () -> ()
    %mul3A_643 = arith.constant 640 : i32
    %mul3A_644 = arith.muli %arg1, %mul3A_643 : i32
    %add3A_645 = arith.constant 16 : i32
    %add3A_646 = arith.addi %mul3A_644, %add3A_645 : i32
    "tpu.region"() ({
      %run_scoped3A_850 = tpu.sem_alloc : memref<!tpu.dma_semaphore, #tpu.memory_space<semaphore_mem>>
      %dma_start3A_851 = arith.constant 0 : i32
      %dma_start3A_852 = tpu.memref_slice %arg12[%add3A_646, %dma_start3A_851] : memref<10240x80xf32, #tpu.memory_space<vmem_shared>> -> memref<16x80xf32, #tpu.memory_space<vmem_shared>>
      %dma_start3A_853 = arith.constant 0 : i32
      %dma_start3A_854 = tpu.memref_slice %arg12[%add3A_646, %dma_start3A_853] : memref<10240x80xf32, #tpu.memory_space<vmem_shared>> -> memref<16x80xf32, #tpu.memory_space<vmem_shared>>
      tpu.enqueue_dma source(%arg11 : memref<16x80xf32, #tpu.memory_space<vmem>>) target(%dma_start3A_854 : memref<16x80xf32, #tpu.memory_space<vmem_shared>>) target_semaphore(%run_scoped3A_850 : memref<!tpu.dma_semaphore, #tpu.memory_space<semaphore_mem>>)
      %dma_wait3A_855 = arith.constant 0 : i32
      %dma_wait3A_856 = tpu.memref_slice %arg12[%add3A_646, %dma_wait3A_855] : memref<10240x80xf32, #tpu.memory_space<vmem_shared>> -> memref<16x80xf32, #tpu.memory_space<vmem_shared>>
      %dma_wait3A_857 = arith.constant 0 : i32
      %dma_wait3A_858 = tpu.memref_slice %arg12[%add3A_646, %dma_wait3A_857] : memref<10240x80xf32, #tpu.memory_space<vmem_shared>> -> memref<16x80xf32, #tpu.memory_space<vmem_shared>>
      tpu.wait_dma2 semaphore(%run_scoped3A_850 : memref<!tpu.dma_semaphore, #tpu.memory_space<semaphore_mem>>) src(%arg11 : memref<16x80xf32, #tpu.memory_space<vmem>>) dst(%dma_wait3A_858 : memref<16x80xf32, #tpu.memory_space<vmem_shared>>)
      tpu.yield
    }) : () -> ()
    %mul3A_647 = arith.constant 640 : i32
    %mul3A_648 = arith.muli %arg1, %mul3A_647 : i32
    %add3A_649 = arith.constant 32 : i32
    %add3A_650 = arith.addi %mul3A_648, %add3A_649 : i32
    "tpu.region"() ({
      %run_scoped3A_850 = tpu.sem_alloc : memref<!tpu.dma_semaphore, #tpu.memory_space<semaphore_mem>>
      %dma_start3A_851 = arith.constant 0 : i32
      %dma_start3A_852 = tpu.memref_slice %arg12[%add3A_650, %dma_start3A_851] : memref<10240x80xf32, #tpu.memory_space<vmem_shared>> -> memref<16x80xf32, #tpu.memory_space<vmem_shared>>
      %dma_start3A_853 = arith.constant 0 : i32
      %dma_start3A_854 = tpu.memref_slice %arg12[%add3A_650, %dma_start3A_853] : memref<10240x80xf32, #tpu.memory_space<vmem_shared>> -> memref<16x80xf32, #tpu.memory_space<vmem_shared>>
      tpu.enqueue_dma source(%arg11 : memref<16x80xf32, #tpu.memory_space<vmem>>) target(%dma_start3A_854 : memref<16x80xf32, #tpu.memory_space<vmem_shared>>) target_semaphore(%run_scoped3A_850 : memref<!tpu.dma_semaphore, #tpu.memory_space<semaphore_mem>>)
      %dma_wait3A_855 = arith.constant 0 : i32
      %dma_wait3A_856 = tpu.memref_slice %arg12[%add3A_650, %dma_wait3A_855] : memref<10240x80xf32, #tpu.memory_space<vmem_shared>> -> memref<16x80xf32, #tpu.memory_space<vmem_shared>>
      %dma_wait3A_857 = arith.constant 0 : i32
      %dma_wait3A_858 = tpu.memref_slice %arg12[%add3A_650, %dma_wait3A_857] : memref<10240x80xf32, #tpu.memory_space<vmem_shared>> -> memref<16x80xf32, #tpu.memory_space<vmem_shared>>
      tpu.wait_dma2 semaphore(%run_scoped3A_850 : memref<!tpu.dma_semaphore, #tpu.memory_space<semaphore_mem>>) src(%arg11 : memref<16x80xf32, #tpu.memory_space<vmem>>) dst(%dma_wait3A_858 : memref<16x80xf32, #tpu.memory_space<vmem_shared>>)
      tpu.yield
    }) : () -> ()
    %mul3A_651 = arith.constant 640 : i32
    %mul3A_652 = arith.muli %arg1, %mul3A_651 : i32
    %add3A_653 = arith.constant 48 : i32
    %add3A_654 = arith.addi %mul3A_652, %add3A_653 : i32
    "tpu.region"() ({
      %run_scoped3A_850 = tpu.sem_alloc : memref<!tpu.dma_semaphore, #tpu.memory_space<semaphore_mem>>
      %dma_start3A_851 = arith.constant 0 : i32
      %dma_start3A_852 = tpu.memref_slice %arg12[%add3A_654, %dma_start3A_851] : memref<10240x80xf32, #tpu.memory_space<vmem_shared>> -> memref<16x80xf32, #tpu.memory_space<vmem_shared>>
      %dma_start3A_853 = arith.constant 0 : i32
      %dma_start3A_854 = tpu.memref_slice %arg12[%add3A_654, %dma_start3A_853] : memref<10240x80xf32, #tpu.memory_space<vmem_shared>> -> memref<16x80xf32, #tpu.memory_space<vmem_shared>>
      tpu.enqueue_dma source(%arg11 : memref<16x80xf32, #tpu.memory_space<vmem>>) target(%dma_start3A_854 : memref<16x80xf32, #tpu.memory_space<vmem_shared>>) target_semaphore(%run_scoped3A_850 : memref<!tpu.dma_semaphore, #tpu.memory_space<semaphore_mem>>)
      %dma_wait3A_855 = arith.constant 0 : i32
      %dma_wait3A_856 = tpu.memref_slice %arg12[%add3A_654, %dma_wait3A_855] : memref<10240x80xf32, #tpu.memory_space<vmem_shared>> -> memref<16x80xf32, #tpu.memory_space<vmem_shared>>
      %dma_wait3A_857 = arith.constant 0 : i32
      %dma_wait3A_858 = tpu.memref_slice %arg12[%add3A_654, %dma_wait3A_857] : memref<10240x80xf32, #tpu.memory_space<vmem_shared>> -> memref<16x80xf32, #tpu.memory_space<vmem_shared>>
      tpu.wait_dma2 semaphore(%run_scoped3A_850 : memref<!tpu.dma_semaphore, #tpu.memory_space<semaphore_mem>>) src(%arg11 : memref<16x80xf32, #tpu.memory_space<vmem>>) dst(%dma_wait3A_858 : memref<16x80xf32, #tpu.memory_space<vmem_shared>>)
      tpu.yield
    }) : () -> ()
    %mul3A_655 = arith.constant 640 : i32
    %mul3A_656 = arith.muli %arg1, %mul3A_655 : i32
    %add3A_657 = arith.constant 64 : i32
    %add3A_658 = arith.addi %mul3A_656, %add3A_657 : i32
    "tpu.region"() ({
      %run_scoped3A_850 = tpu.sem_alloc : memref<!tpu.dma_semaphore, #tpu.memory_space<semaphore_mem>>
      %dma_start3A_851 = arith.constant 0 : i32
      %dma_start3A_852 = tpu.memref_slice %arg12[%add3A_658, %dma_start3A_851] : memref<10240x80xf32, #tpu.memory_space<vmem_shared>> -> memref<16x80xf32, #tpu.memory_space<vmem_shared>>
      %dma_start3A_853 = arith.constant 0 : i32
      %dma_start3A_854 = tpu.memref_slice %arg12[%add3A_658, %dma_start3A_853] : memref<10240x80xf32, #tpu.memory_space<vmem_shared>> -> memref<16x80xf32, #tpu.memory_space<vmem_shared>>
      tpu.enqueue_dma source(%arg11 : memref<16x80xf32, #tpu.memory_space<vmem>>) target(%dma_start3A_854 : memref<16x80xf32, #tpu.memory_space<vmem_shared>>) target_semaphore(%run_scoped3A_850 : memref<!tpu.dma_semaphore, #tpu.memory_space<semaphore_mem>>)
      %dma_wait3A_855 = arith.constant 0 : i32
      %dma_wait3A_856 = tpu.memref_slice %arg12[%add3A_658, %dma_wait3A_855] : memref<10240x80xf32, #tpu.memory_space<vmem_shared>> -> memref<16x80xf32, #tpu.memory_space<vmem_shared>>
      %dma_wait3A_857 = arith.constant 0 : i32
      %dma_wait3A_858 = tpu.memref_slice %arg12[%add3A_658, %dma_wait3A_857] : memref<10240x80xf32, #tpu.memory_space<vmem_shared>> -> memref<16x80xf32, #tpu.memory_space<vmem_shared>>
      tpu.wait_dma2 semaphore(%run_scoped3A_850 : memref<!tpu.dma_semaphore, #tpu.memory_space<semaphore_mem>>) src(%arg11 : memref<16x80xf32, #tpu.memory_space<vmem>>) dst(%dma_wait3A_858 : memref<16x80xf32, #tpu.memory_space<vmem_shared>>)
      tpu.yield
    }) : () -> ()
    %mul3A_659 = arith.constant 640 : i32
    %mul3A_660 = arith.muli %arg1, %mul3A_659 : i32
    %add3A_661 = arith.constant 80 : i32
    %add3A_662 = arith.addi %mul3A_660, %add3A_661 : i32
    "tpu.region"() ({
      %run_scoped3A_850 = tpu.sem_alloc : memref<!tpu.dma_semaphore, #tpu.memory_space<semaphore_mem>>
      %dma_start3A_851 = arith.constant 0 : i32
      %dma_start3A_852 = tpu.memref_slice %arg12[%add3A_662, %dma_start3A_851] : memref<10240x80xf32, #tpu.memory_space<vmem_shared>> -> memref<16x80xf32, #tpu.memory_space<vmem_shared>>
      %dma_start3A_853 = arith.constant 0 : i32
      %dma_start3A_854 = tpu.memref_slice %arg12[%add3A_662, %dma_start3A_853] : memref<10240x80xf32, #tpu.memory_space<vmem_shared>> -> memref<16x80xf32, #tpu.memory_space<vmem_shared>>
      tpu.enqueue_dma source(%arg11 : memref<16x80xf32, #tpu.memory_space<vmem>>) target(%dma_start3A_854 : memref<16x80xf32, #tpu.memory_space<vmem_shared>>) target_semaphore(%run_scoped3A_850 : memref<!tpu.dma_semaphore, #tpu.memory_space<semaphore_mem>>)
      %dma_wait3A_855 = arith.constant 0 : i32
      %dma_wait3A_856 = tpu.memref_slice %arg12[%add3A_662, %dma_wait3A_855] : memref<10240x80xf32, #tpu.memory_space<vmem_shared>> -> memref<16x80xf32, #tpu.memory_space<vmem_shared>>
      %dma_wait3A_857 = arith.constant 0 : i32
      %dma_wait3A_858 = tpu.memref_slice %arg12[%add3A_662, %dma_wait3A_857] : memref<10240x80xf32, #tpu.memory_space<vmem_shared>> -> memref<16x80xf32, #tpu.memory_space<vmem_shared>>
      tpu.wait_dma2 semaphore(%run_scoped3A_850 : memref<!tpu.dma_semaphore, #tpu.memory_space<semaphore_mem>>) src(%arg11 : memref<16x80xf32, #tpu.memory_space<vmem>>) dst(%dma_wait3A_858 : memref<16x80xf32, #tpu.memory_space<vmem_shared>>)
      tpu.yield
    }) : () -> ()
    %mul3A_663 = arith.constant 640 : i32
    %mul3A_664 = arith.muli %arg1, %mul3A_663 : i32
    %add3A_665 = arith.constant 96 : i32
    %add3A_666 = arith.addi %mul3A_664, %add3A_665 : i32
    "tpu.region"() ({
      %run_scoped3A_850 = tpu.sem_alloc : memref<!tpu.dma_semaphore, #tpu.memory_space<semaphore_mem>>
      %dma_start3A_851 = arith.constant 0 : i32
      %dma_start3A_852 = tpu.memref_slice %arg12[%add3A_666, %dma_start3A_851] : memref<10240x80xf32, #tpu.memory_space<vmem_shared>> -> memref<16x80xf32, #tpu.memory_space<vmem_shared>>
      %dma_start3A_853 = arith.constant 0 : i32
      %dma_start3A_854 = tpu.memref_slice %arg12[%add3A_666, %dma_start3A_853] : memref<10240x80xf32, #tpu.memory_space<vmem_shared>> -> memref<16x80xf32, #tpu.memory_space<vmem_shared>>
      tpu.enqueue_dma source(%arg11 : memref<16x80xf32, #tpu.memory_space<vmem>>) target(%dma_start3A_854 : memref<16x80xf32, #tpu.memory_space<vmem_shared>>) target_semaphore(%run_scoped3A_850 : memref<!tpu.dma_semaphore, #tpu.memory_space<semaphore_mem>>)
      %dma_wait3A_855 = arith.constant 0 : i32
      %dma_wait3A_856 = tpu.memref_slice %arg12[%add3A_666, %dma_wait3A_855] : memref<10240x80xf32, #tpu.memory_space<vmem_shared>> -> memref<16x80xf32, #tpu.memory_space<vmem_shared>>
      %dma_wait3A_857 = arith.constant 0 : i32
      %dma_wait3A_858 = tpu.memref_slice %arg12[%add3A_666, %dma_wait3A_857] : memref<10240x80xf32, #tpu.memory_space<vmem_shared>> -> memref<16x80xf32, #tpu.memory_space<vmem_shared>>
      tpu.wait_dma2 semaphore(%run_scoped3A_850 : memref<!tpu.dma_semaphore, #tpu.memory_space<semaphore_mem>>) src(%arg11 : memref<16x80xf32, #tpu.memory_space<vmem>>) dst(%dma_wait3A_858 : memref<16x80xf32, #tpu.memory_space<vmem_shared>>)
      tpu.yield
    }) : () -> ()
    %mul3A_667 = arith.constant 640 : i32
    %mul3A_668 = arith.muli %arg1, %mul3A_667 : i32
    %add3A_669 = arith.constant 112 : i32
    %add3A_670 = arith.addi %mul3A_668, %add3A_669 : i32
    "tpu.region"() ({
      %run_scoped3A_850 = tpu.sem_alloc : memref<!tpu.dma_semaphore, #tpu.memory_space<semaphore_mem>>
      %dma_start3A_851 = arith.constant 0 : i32
      %dma_start3A_852 = tpu.memref_slice %arg12[%add3A_670, %dma_start3A_851] : memref<10240x80xf32, #tpu.memory_space<vmem_shared>> -> memref<16x80xf32, #tpu.memory_space<vmem_shared>>
      %dma_start3A_853 = arith.constant 0 : i32
      %dma_start3A_854 = tpu.memref_slice %arg12[%add3A_670, %dma_start3A_853] : memref<10240x80xf32, #tpu.memory_space<vmem_shared>> -> memref<16x80xf32, #tpu.memory_space<vmem_shared>>
      tpu.enqueue_dma source(%arg11 : memref<16x80xf32, #tpu.memory_space<vmem>>) target(%dma_start3A_854 : memref<16x80xf32, #tpu.memory_space<vmem_shared>>) target_semaphore(%run_scoped3A_850 : memref<!tpu.dma_semaphore, #tpu.memory_space<semaphore_mem>>)
      %dma_wait3A_855 = arith.constant 0 : i32
      %dma_wait3A_856 = tpu.memref_slice %arg12[%add3A_670, %dma_wait3A_855] : memref<10240x80xf32, #tpu.memory_space<vmem_shared>> -> memref<16x80xf32, #tpu.memory_space<vmem_shared>>
      %dma_wait3A_857 = arith.constant 0 : i32
      %dma_wait3A_858 = tpu.memref_slice %arg12[%add3A_670, %dma_wait3A_857] : memref<10240x80xf32, #tpu.memory_space<vmem_shared>> -> memref<16x80xf32, #tpu.memory_space<vmem_shared>>
      tpu.wait_dma2 semaphore(%run_scoped3A_850 : memref<!tpu.dma_semaphore, #tpu.memory_space<semaphore_mem>>) src(%arg11 : memref<16x80xf32, #tpu.memory_space<vmem>>) dst(%dma_wait3A_858 : memref<16x80xf32, #tpu.memory_space<vmem_shared>>)
      tpu.yield
    }) : () -> ()
    %mul3A_671 = arith.constant 640 : i32
    %mul3A_672 = arith.muli %arg1, %mul3A_671 : i32
    %add3A_673 = arith.constant 128 : i32
    %add3A_674 = arith.addi %mul3A_672, %add3A_673 : i32
    "tpu.region"() ({
      %run_scoped3A_850 = tpu.sem_alloc : memref<!tpu.dma_semaphore, #tpu.memory_space<semaphore_mem>>
      %dma_start3A_851 = arith.constant 0 : i32
      %dma_start3A_852 = tpu.memref_slice %arg12[%add3A_674, %dma_start3A_851] : memref<10240x80xf32, #tpu.memory_space<vmem_shared>> -> memref<16x80xf32, #tpu.memory_space<vmem_shared>>
      %dma_start3A_853 = arith.constant 0 : i32
      %dma_start3A_854 = tpu.memref_slice %arg12[%add3A_674, %dma_start3A_853] : memref<10240x80xf32, #tpu.memory_space<vmem_shared>> -> memref<16x80xf32, #tpu.memory_space<vmem_shared>>
      tpu.enqueue_dma source(%arg11 : memref<16x80xf32, #tpu.memory_space<vmem>>) target(%dma_start3A_854 : memref<16x80xf32, #tpu.memory_space<vmem_shared>>) target_semaphore(%run_scoped3A_850 : memref<!tpu.dma_semaphore, #tpu.memory_space<semaphore_mem>>)
      %dma_wait3A_855 = arith.constant 0 : i32
      %dma_wait3A_856 = tpu.memref_slice %arg12[%add3A_674, %dma_wait3A_855] : memref<10240x80xf32, #tpu.memory_space<vmem_shared>> -> memref<16x80xf32, #tpu.memory_space<vmem_shared>>
      %dma_wait3A_857 = arith.constant 0 : i32
      %dma_wait3A_858 = tpu.memref_slice %arg12[%add3A_674, %dma_wait3A_857] : memref<10240x80xf32, #tpu.memory_space<vmem_shared>> -> memref<16x80xf32, #tpu.memory_space<vmem_shared>>
      tpu.wait_dma2 semaphore(%run_scoped3A_850 : memref<!tpu.dma_semaphore, #tpu.memory_space<semaphore_mem>>) src(%arg11 : memref<16x80xf32, #tpu.memory_space<vmem>>) dst(%dma_wait3A_858 : memref<16x80xf32, #tpu.memory_space<vmem_shared>>)
      tpu.yield
    }) : () -> ()
    %mul3A_675 = arith.constant 640 : i32
    %mul3A_676 = arith.muli %arg1, %mul3A_675 : i32
    %add3A_677 = arith.constant 144 : i32
    %add3A_678 = arith.addi %mul3A_676, %add3A_677 : i32
    "tpu.region"() ({
      %run_scoped3A_850 = tpu.sem_alloc : memref<!tpu.dma_semaphore, #tpu.memory_space<semaphore_mem>>
      %dma_start3A_851 = arith.constant 0 : i32
      %dma_start3A_852 = tpu.memref_slice %arg12[%add3A_678, %dma_start3A_851] : memref<10240x80xf32, #tpu.memory_space<vmem_shared>> -> memref<16x80xf32, #tpu.memory_space<vmem_shared>>
      %dma_start3A_853 = arith.constant 0 : i32
      %dma_start3A_854 = tpu.memref_slice %arg12[%add3A_678, %dma_start3A_853] : memref<10240x80xf32, #tpu.memory_space<vmem_shared>> -> memref<16x80xf32, #tpu.memory_space<vmem_shared>>
      tpu.enqueue_dma source(%arg11 : memref<16x80xf32, #tpu.memory_space<vmem>>) target(%dma_start3A_854 : memref<16x80xf32, #tpu.memory_space<vmem_shared>>) target_semaphore(%run_scoped3A_850 : memref<!tpu.dma_semaphore, #tpu.memory_space<semaphore_mem>>)
      %dma_wait3A_855 = arith.constant 0 : i32
      %dma_wait3A_856 = tpu.memref_slice %arg12[%add3A_678, %dma_wait3A_855] : memref<10240x80xf32, #tpu.memory_space<vmem_shared>> -> memref<16x80xf32, #tpu.memory_space<vmem_shared>>
      %dma_wait3A_857 = arith.constant 0 : i32
      %dma_wait3A_858 = tpu.memref_slice %arg12[%add3A_678, %dma_wait3A_857] : memref<10240x80xf32, #tpu.memory_space<vmem_shared>> -> memref<16x80xf32, #tpu.memory_space<vmem_shared>>
      tpu.wait_dma2 semaphore(%run_scoped3A_850 : memref<!tpu.dma_semaphore, #tpu.memory_space<semaphore_mem>>) src(%arg11 : memref<16x80xf32, #tpu.memory_space<vmem>>) dst(%dma_wait3A_858 : memref<16x80xf32, #tpu.memory_space<vmem_shared>>)
      tpu.yield
    }) : () -> ()
    %mul3A_679 = arith.constant 640 : i32
    %mul3A_680 = arith.muli %arg1, %mul3A_679 : i32
    %add3A_681 = arith.constant 160 : i32
    %add3A_682 = arith.addi %mul3A_680, %add3A_681 : i32
    "tpu.region"() ({
      %run_scoped3A_850 = tpu.sem_alloc : memref<!tpu.dma_semaphore, #tpu.memory_space<semaphore_mem>>
      %dma_start3A_851 = arith.constant 0 : i32
      %dma_start3A_852 = tpu.memref_slice %arg12[%add3A_682, %dma_start3A_851] : memref<10240x80xf32, #tpu.memory_space<vmem_shared>> -> memref<16x80xf32, #tpu.memory_space<vmem_shared>>
      %dma_start3A_853 = arith.constant 0 : i32
      %dma_start3A_854 = tpu.memref_slice %arg12[%add3A_682, %dma_start3A_853] : memref<10240x80xf32, #tpu.memory_space<vmem_shared>> -> memref<16x80xf32, #tpu.memory_space<vmem_shared>>
      tpu.enqueue_dma source(%arg11 : memref<16x80xf32, #tpu.memory_space<vmem>>) target(%dma_start3A_854 : memref<16x80xf32, #tpu.memory_space<vmem_shared>>) target_semaphore(%run_scoped3A_850 : memref<!tpu.dma_semaphore, #tpu.memory_space<semaphore_mem>>)
      %dma_wait3A_855 = arith.constant 0 : i32
      %dma_wait3A_856 = tpu.memref_slice %arg12[%add3A_682, %dma_wait3A_855] : memref<10240x80xf32, #tpu.memory_space<vmem_shared>> -> memref<16x80xf32, #tpu.memory_space<vmem_shared>>
      %dma_wait3A_857 = arith.constant 0 : i32
      %dma_wait3A_858 = tpu.memref_slice %arg12[%add3A_682, %dma_wait3A_857] : memref<10240x80xf32, #tpu.memory_space<vmem_shared>> -> memref<16x80xf32, #tpu.memory_space<vmem_shared>>
      tpu.wait_dma2 semaphore(%run_scoped3A_850 : memref<!tpu.dma_semaphore, #tpu.memory_space<semaphore_mem>>) src(%arg11 : memref<16x80xf32, #tpu.memory_space<vmem>>) dst(%dma_wait3A_858 : memref<16x80xf32, #tpu.memory_space<vmem_shared>>)
      tpu.yield
    }) : () -> ()
    %mul3A_683 = arith.constant 640 : i32
    %mul3A_684 = arith.muli %arg1, %mul3A_683 : i32
    %add3A_685 = arith.constant 176 : i32
    %add3A_686 = arith.addi %mul3A_684, %add3A_685 : i32
    "tpu.region"() ({
      %run_scoped3A_850 = tpu.sem_alloc : memref<!tpu.dma_semaphore, #tpu.memory_space<semaphore_mem>>
      %dma_start3A_851 = arith.constant 0 : i32
      %dma_start3A_852 = tpu.memref_slice %arg12[%add3A_686, %dma_start3A_851] : memref<10240x80xf32, #tpu.memory_space<vmem_shared>> -> memref<16x80xf32, #tpu.memory_space<vmem_shared>>
      %dma_start3A_853 = arith.constant 0 : i32
      %dma_start3A_854 = tpu.memref_slice %arg12[%add3A_686, %dma_start3A_853] : memref<10240x80xf32, #tpu.memory_space<vmem_shared>> -> memref<16x80xf32, #tpu.memory_space<vmem_shared>>
      tpu.enqueue_dma source(%arg11 : memref<16x80xf32, #tpu.memory_space<vmem>>) target(%dma_start3A_854 : memref<16x80xf32, #tpu.memory_space<vmem_shared>>) target_semaphore(%run_scoped3A_850 : memref<!tpu.dma_semaphore, #tpu.memory_space<semaphore_mem>>)
      %dma_wait3A_855 = arith.constant 0 : i32
      %dma_wait3A_856 = tpu.memref_slice %arg12[%add3A_686, %dma_wait3A_855] : memref<10240x80xf32, #tpu.memory_space<vmem_shared>> -> memref<16x80xf32, #tpu.memory_space<vmem_shared>>
      %dma_wait3A_857 = arith.constant 0 : i32
      %dma_wait3A_858 = tpu.memref_slice %arg12[%add3A_686, %dma_wait3A_857] : memref<10240x80xf32, #tpu.memory_space<vmem_shared>> -> memref<16x80xf32, #tpu.memory_space<vmem_shared>>
      tpu.wait_dma2 semaphore(%run_scoped3A_850 : memref<!tpu.dma_semaphore, #tpu.memory_space<semaphore_mem>>) src(%arg11 : memref<16x80xf32, #tpu.memory_space<vmem>>) dst(%dma_wait3A_858 : memref<16x80xf32, #tpu.memory_space<vmem_shared>>)
      tpu.yield
    }) : () -> ()
    %mul3A_687 = arith.constant 640 : i32
    %mul3A_688 = arith.muli %arg1, %mul3A_687 : i32
    %add3A_689 = arith.constant 192 : i32
    %add3A_690 = arith.addi %mul3A_688, %add3A_689 : i32
    "tpu.region"() ({
      %run_scoped3A_850 = tpu.sem_alloc : memref<!tpu.dma_semaphore, #tpu.memory_space<semaphore_mem>>
      %dma_start3A_851 = arith.constant 0 : i32
      %dma_start3A_852 = tpu.memref_slice %arg12[%add3A_690, %dma_start3A_851] : memref<10240x80xf32, #tpu.memory_space<vmem_shared>> -> memref<16x80xf32, #tpu.memory_space<vmem_shared>>
      %dma_start3A_853 = arith.constant 0 : i32
      %dma_start3A_854 = tpu.memref_slice %arg12[%add3A_690, %dma_start3A_853] : memref<10240x80xf32, #tpu.memory_space<vmem_shared>> -> memref<16x80xf32, #tpu.memory_space<vmem_shared>>
      tpu.enqueue_dma source(%arg11 : memref<16x80xf32, #tpu.memory_space<vmem>>) target(%dma_start3A_854 : memref<16x80xf32, #tpu.memory_space<vmem_shared>>) target_semaphore(%run_scoped3A_850 : memref<!tpu.dma_semaphore, #tpu.memory_space<semaphore_mem>>)
      %dma_wait3A_855 = arith.constant 0 : i32
      %dma_wait3A_856 = tpu.memref_slice %arg12[%add3A_690, %dma_wait3A_855] : memref<10240x80xf32, #tpu.memory_space<vmem_shared>> -> memref<16x80xf32, #tpu.memory_space<vmem_shared>>
      %dma_wait3A_857 = arith.constant 0 : i32
      %dma_wait3A_858 = tpu.memref_slice %arg12[%add3A_690, %dma_wait3A_857] : memref<10240x80xf32, #tpu.memory_space<vmem_shared>> -> memref<16x80xf32, #tpu.memory_space<vmem_shared>>
      tpu.wait_dma2 semaphore(%run_scoped3A_850 : memref<!tpu.dma_semaphore, #tpu.memory_space<semaphore_mem>>) src(%arg11 : memref<16x80xf32, #tpu.memory_space<vmem>>) dst(%dma_wait3A_858 : memref<16x80xf32, #tpu.memory_space<vmem_shared>>)
      tpu.yield
    }) : () -> ()
    %mul3A_691 = arith.constant 640 : i32
    %mul3A_692 = arith.muli %arg1, %mul3A_691 : i32
    %add3A_693 = arith.constant 208 : i32
    %add3A_694 = arith.addi %mul3A_692, %add3A_693 : i32
    "tpu.region"() ({
      %run_scoped3A_850 = tpu.sem_alloc : memref<!tpu.dma_semaphore, #tpu.memory_space<semaphore_mem>>
      %dma_start3A_851 = arith.constant 0 : i32
      %dma_start3A_852 = tpu.memref_slice %arg12[%add3A_694, %dma_start3A_851] : memref<10240x80xf32, #tpu.memory_space<vmem_shared>> -> memref<16x80xf32, #tpu.memory_space<vmem_shared>>
      %dma_start3A_853 = arith.constant 0 : i32
      %dma_start3A_854 = tpu.memref_slice %arg12[%add3A_694, %dma_start3A_853] : memref<10240x80xf32, #tpu.memory_space<vmem_shared>> -> memref<16x80xf32, #tpu.memory_space<vmem_shared>>
      tpu.enqueue_dma source(%arg11 : memref<16x80xf32, #tpu.memory_space<vmem>>) target(%dma_start3A_854 : memref<16x80xf32, #tpu.memory_space<vmem_shared>>) target_semaphore(%run_scoped3A_850 : memref<!tpu.dma_semaphore, #tpu.memory_space<semaphore_mem>>)
      %dma_wait3A_855 = arith.constant 0 : i32
      %dma_wait3A_856 = tpu.memref_slice %arg12[%add3A_694, %dma_wait3A_855] : memref<10240x80xf32, #tpu.memory_space<vmem_shared>> -> memref<16x80xf32, #tpu.memory_space<vmem_shared>>
      %dma_wait3A_857 = arith.constant 0 : i32
      %dma_wait3A_858 = tpu.memref_slice %arg12[%add3A_694, %dma_wait3A_857] : memref<10240x80xf32, #tpu.memory_space<vmem_shared>> -> memref<16x80xf32, #tpu.memory_space<vmem_shared>>
      tpu.wait_dma2 semaphore(%run_scoped3A_850 : memref<!tpu.dma_semaphore, #tpu.memory_space<semaphore_mem>>) src(%arg11 : memref<16x80xf32, #tpu.memory_space<vmem>>) dst(%dma_wait3A_858 : memref<16x80xf32, #tpu.memory_space<vmem_shared>>)
      tpu.yield
    }) : () -> ()
    %mul3A_695 = arith.constant 640 : i32
    %mul3A_696 = arith.muli %arg1, %mul3A_695 : i32
    %add3A_697 = arith.constant 224 : i32
    %add3A_698 = arith.addi %mul3A_696, %add3A_697 : i32
    "tpu.region"() ({
      %run_scoped3A_850 = tpu.sem_alloc : memref<!tpu.dma_semaphore, #tpu.memory_space<semaphore_mem>>
      %dma_start3A_851 = arith.constant 0 : i32
      %dma_start3A_852 = tpu.memref_slice %arg12[%add3A_698, %dma_start3A_851] : memref<10240x80xf32, #tpu.memory_space<vmem_shared>> -> memref<16x80xf32, #tpu.memory_space<vmem_shared>>
      %dma_start3A_853 = arith.constant 0 : i32
      %dma_start3A_854 = tpu.memref_slice %arg12[%add3A_698, %dma_start3A_853] : memref<10240x80xf32, #tpu.memory_space<vmem_shared>> -> memref<16x80xf32, #tpu.memory_space<vmem_shared>>
      tpu.enqueue_dma source(%arg11 : memref<16x80xf32, #tpu.memory_space<vmem>>) target(%dma_start3A_854 : memref<16x80xf32, #tpu.memory_space<vmem_shared>>) target_semaphore(%run_scoped3A_850 : memref<!tpu.dma_semaphore, #tpu.memory_space<semaphore_mem>>)
      %dma_wait3A_855 = arith.constant 0 : i32
      %dma_wait3A_856 = tpu.memref_slice %arg12[%add3A_698, %dma_wait3A_855] : memref<10240x80xf32, #tpu.memory_space<vmem_shared>> -> memref<16x80xf32, #tpu.memory_space<vmem_shared>>
      %dma_wait3A_857 = arith.constant 0 : i32
      %dma_wait3A_858 = tpu.memref_slice %arg12[%add3A_698, %dma_wait3A_857] : memref<10240x80xf32, #tpu.memory_space<vmem_shared>> -> memref<16x80xf32, #tpu.memory_space<vmem_shared>>
      tpu.wait_dma2 semaphore(%run_scoped3A_850 : memref<!tpu.dma_semaphore, #tpu.memory_space<semaphore_mem>>) src(%arg11 : memref<16x80xf32, #tpu.memory_space<vmem>>) dst(%dma_wait3A_858 : memref<16x80xf32, #tpu.memory_space<vmem_shared>>)
      tpu.yield
    }) : () -> ()
    %mul3A_699 = arith.constant 640 : i32
    %mul3A_700 = arith.muli %arg1, %mul3A_699 : i32
    %add3A_701 = arith.constant 240 : i32
    %add3A_702 = arith.addi %mul3A_700, %add3A_701 : i32
    "tpu.region"() ({
      %run_scoped3A_850 = tpu.sem_alloc : memref<!tpu.dma_semaphore, #tpu.memory_space<semaphore_mem>>
      %dma_start3A_851 = arith.constant 0 : i32
      %dma_start3A_852 = tpu.memref_slice %arg12[%add3A_702, %dma_start3A_851] : memref<10240x80xf32, #tpu.memory_space<vmem_shared>> -> memref<16x80xf32, #tpu.memory_space<vmem_shared>>
      %dma_start3A_853 = arith.constant 0 : i32
      %dma_start3A_854 = tpu.memref_slice %arg12[%add3A_702, %dma_start3A_853] : memref<10240x80xf32, #tpu.memory_space<vmem_shared>> -> memref<16x80xf32, #tpu.memory_space<vmem_shared>>
      tpu.enqueue_dma source(%arg11 : memref<16x80xf32, #tpu.memory_space<vmem>>) target(%dma_start3A_854 : memref<16x80xf32, #tpu.memory_space<vmem_shared>>) target_semaphore(%run_scoped3A_850 : memref<!tpu.dma_semaphore, #tpu.memory_space<semaphore_mem>>)
      %dma_wait3A_855 = arith.constant 0 : i32
      %dma_wait3A_856 = tpu.memref_slice %arg12[%add3A_702, %dma_wait3A_855] : memref<10240x80xf32, #tpu.memory_space<vmem_shared>> -> memref<16x80xf32, #tpu.memory_space<vmem_shared>>
      %dma_wait3A_857 = arith.constant 0 : i32
      %dma_wait3A_858 = tpu.memref_slice %arg12[%add3A_702, %dma_wait3A_857] : memref<10240x80xf32, #tpu.memory_space<vmem_shared>> -> memref<16x80xf32, #tpu.memory_space<vmem_shared>>
      tpu.wait_dma2 semaphore(%run_scoped3A_850 : memref<!tpu.dma_semaphore, #tpu.memory_space<semaphore_mem>>) src(%arg11 : memref<16x80xf32, #tpu.memory_space<vmem>>) dst(%dma_wait3A_858 : memref<16x80xf32, #tpu.memory_space<vmem_shared>>)
      tpu.yield
    }) : () -> ()
    %mul3A_703 = arith.constant 640 : i32
    %mul3A_704 = arith.muli %arg1, %mul3A_703 : i32
    %add3A_705 = arith.constant 256 : i32
    %add3A_706 = arith.addi %mul3A_704, %add3A_705 : i32
    "tpu.region"() ({
      %run_scoped3A_850 = tpu.sem_alloc : memref<!tpu.dma_semaphore, #tpu.memory_space<semaphore_mem>>
      %dma_start3A_851 = arith.constant 0 : i32
      %dma_start3A_852 = tpu.memref_slice %arg12[%add3A_706, %dma_start3A_851] : memref<10240x80xf32, #tpu.memory_space<vmem_shared>> -> memref<16x80xf32, #tpu.memory_space<vmem_shared>>
      %dma_start3A_853 = arith.constant 0 : i32
      %dma_start3A_854 = tpu.memref_slice %arg12[%add3A_706, %dma_start3A_853] : memref<10240x80xf32, #tpu.memory_space<vmem_shared>> -> memref<16x80xf32, #tpu.memory_space<vmem_shared>>
      tpu.enqueue_dma source(%arg11 : memref<16x80xf32, #tpu.memory_space<vmem>>) target(%dma_start3A_854 : memref<16x80xf32, #tpu.memory_space<vmem_shared>>) target_semaphore(%run_scoped3A_850 : memref<!tpu.dma_semaphore, #tpu.memory_space<semaphore_mem>>)
      %dma_wait3A_855 = arith.constant 0 : i32
      %dma_wait3A_856 = tpu.memref_slice %arg12[%add3A_706, %dma_wait3A_855] : memref<10240x80xf32, #tpu.memory_space<vmem_shared>> -> memref<16x80xf32, #tpu.memory_space<vmem_shared>>
      %dma_wait3A_857 = arith.constant 0 : i32
      %dma_wait3A_858 = tpu.memref_slice %arg12[%add3A_706, %dma_wait3A_857] : memref<10240x80xf32, #tpu.memory_space<vmem_shared>> -> memref<16x80xf32, #tpu.memory_space<vmem_shared>>
      tpu.wait_dma2 semaphore(%run_scoped3A_850 : memref<!tpu.dma_semaphore, #tpu.memory_space<semaphore_mem>>) src(%arg11 : memref<16x80xf32, #tpu.memory_space<vmem>>) dst(%dma_wait3A_858 : memref<16x80xf32, #tpu.memory_space<vmem_shared>>)
      tpu.yield
    }) : () -> ()
    %mul3A_707 = arith.constant 640 : i32
    %mul3A_708 = arith.muli %arg1, %mul3A_707 : i32
    %add3A_709 = arith.constant 272 : i32
    %add3A_710 = arith.addi %mul3A_708, %add3A_709 : i32
    "tpu.region"() ({
      %run_scoped3A_850 = tpu.sem_alloc : memref<!tpu.dma_semaphore, #tpu.memory_space<semaphore_mem>>
      %dma_start3A_851 = arith.constant 0 : i32
      %dma_start3A_852 = tpu.memref_slice %arg12[%add3A_710, %dma_start3A_851] : memref<10240x80xf32, #tpu.memory_space<vmem_shared>> -> memref<16x80xf32, #tpu.memory_space<vmem_shared>>
      %dma_start3A_853 = arith.constant 0 : i32
      %dma_start3A_854 = tpu.memref_slice %arg12[%add3A_710, %dma_start3A_853] : memref<10240x80xf32, #tpu.memory_space<vmem_shared>> -> memref<16x80xf32, #tpu.memory_space<vmem_shared>>
      tpu.enqueue_dma source(%arg11 : memref<16x80xf32, #tpu.memory_space<vmem>>) target(%dma_start3A_854 : memref<16x80xf32, #tpu.memory_space<vmem_shared>>) target_semaphore(%run_scoped3A_850 : memref<!tpu.dma_semaphore, #tpu.memory_space<semaphore_mem>>)
      %dma_wait3A_855 = arith.constant 0 : i32
      %dma_wait3A_856 = tpu.memref_slice %arg12[%add3A_710, %dma_wait3A_855] : memref<10240x80xf32, #tpu.memory_space<vmem_shared>> -> memref<16x80xf32, #tpu.memory_space<vmem_shared>>
      %dma_wait3A_857 = arith.constant 0 : i32
      %dma_wait3A_858 = tpu.memref_slice %arg12[%add3A_710, %dma_wait3A_857] : memref<10240x80xf32, #tpu.memory_space<vmem_shared>> -> memref<16x80xf32, #tpu.memory_space<vmem_shared>>
      tpu.wait_dma2 semaphore(%run_scoped3A_850 : memref<!tpu.dma_semaphore, #tpu.memory_space<semaphore_mem>>) src(%arg11 : memref<16x80xf32, #tpu.memory_space<vmem>>) dst(%dma_wait3A_858 : memref<16x80xf32, #tpu.memory_space<vmem_shared>>)
      tpu.yield
    }) : () -> ()
    %mul3A_711 = arith.constant 640 : i32
    %mul3A_712 = arith.muli %arg1, %mul3A_711 : i32
    %add3A_713 = arith.constant 288 : i32
    %add3A_714 = arith.addi %mul3A_712, %add3A_713 : i32
    "tpu.region"() ({
      %run_scoped3A_850 = tpu.sem_alloc : memref<!tpu.dma_semaphore, #tpu.memory_space<semaphore_mem>>
      %dma_start3A_851 = arith.constant 0 : i32
      %dma_start3A_852 = tpu.memref_slice %arg12[%add3A_714, %dma_start3A_851] : memref<10240x80xf32, #tpu.memory_space<vmem_shared>> -> memref<16x80xf32, #tpu.memory_space<vmem_shared>>
      %dma_start3A_853 = arith.constant 0 : i32
      %dma_start3A_854 = tpu.memref_slice %arg12[%add3A_714, %dma_start3A_853] : memref<10240x80xf32, #tpu.memory_space<vmem_shared>> -> memref<16x80xf32, #tpu.memory_space<vmem_shared>>
      tpu.enqueue_dma source(%arg11 : memref<16x80xf32, #tpu.memory_space<vmem>>) target(%dma_start3A_854 : memref<16x80xf32, #tpu.memory_space<vmem_shared>>) target_semaphore(%run_scoped3A_850 : memref<!tpu.dma_semaphore, #tpu.memory_space<semaphore_mem>>)
      %dma_wait3A_855 = arith.constant 0 : i32
      %dma_wait3A_856 = tpu.memref_slice %arg12[%add3A_714, %dma_wait3A_855] : memref<10240x80xf32, #tpu.memory_space<vmem_shared>> -> memref<16x80xf32, #tpu.memory_space<vmem_shared>>
      %dma_wait3A_857 = arith.constant 0 : i32
      %dma_wait3A_858 = tpu.memref_slice %arg12[%add3A_714, %dma_wait3A_857] : memref<10240x80xf32, #tpu.memory_space<vmem_shared>> -> memref<16x80xf32, #tpu.memory_space<vmem_shared>>
      tpu.wait_dma2 semaphore(%run_scoped3A_850 : memref<!tpu.dma_semaphore, #tpu.memory_space<semaphore_mem>>) src(%arg11 : memref<16x80xf32, #tpu.memory_space<vmem>>) dst(%dma_wait3A_858 : memref<16x80xf32, #tpu.memory_space<vmem_shared>>)
      tpu.yield
    }) : () -> ()
    %mul3A_715 = arith.constant 640 : i32
    %mul3A_716 = arith.muli %arg1, %mul3A_715 : i32
    %add3A_717 = arith.constant 304 : i32
    %add3A_718 = arith.addi %mul3A_716, %add3A_717 : i32
    "tpu.region"() ({
      %run_scoped3A_850 = tpu.sem_alloc : memref<!tpu.dma_semaphore, #tpu.memory_space<semaphore_mem>>
      %dma_start3A_851 = arith.constant 0 : i32
      %dma_start3A_852 = tpu.memref_slice %arg12[%add3A_718, %dma_start3A_851] : memref<10240x80xf32, #tpu.memory_space<vmem_shared>> -> memref<16x80xf32, #tpu.memory_space<vmem_shared>>
      %dma_start3A_853 = arith.constant 0 : i32
      %dma_start3A_854 = tpu.memref_slice %arg12[%add3A_718, %dma_start3A_853] : memref<10240x80xf32, #tpu.memory_space<vmem_shared>> -> memref<16x80xf32, #tpu.memory_space<vmem_shared>>
      tpu.enqueue_dma source(%arg11 : memref<16x80xf32, #tpu.memory_space<vmem>>) target(%dma_start3A_854 : memref<16x80xf32, #tpu.memory_space<vmem_shared>>) target_semaphore(%run_scoped3A_850 : memref<!tpu.dma_semaphore, #tpu.memory_space<semaphore_mem>>)
      %dma_wait3A_855 = arith.constant 0 : i32
      %dma_wait3A_856 = tpu.memref_slice %arg12[%add3A_718, %dma_wait3A_855] : memref<10240x80xf32, #tpu.memory_space<vmem_shared>> -> memref<16x80xf32, #tpu.memory_space<vmem_shared>>
      %dma_wait3A_857 = arith.constant 0 : i32
      %dma_wait3A_858 = tpu.memref_slice %arg12[%add3A_718, %dma_wait3A_857] : memref<10240x80xf32, #tpu.memory_space<vmem_shared>> -> memref<16x80xf32, #tpu.memory_space<vmem_shared>>
      tpu.wait_dma2 semaphore(%run_scoped3A_850 : memref<!tpu.dma_semaphore, #tpu.memory_space<semaphore_mem>>) src(%arg11 : memref<16x80xf32, #tpu.memory_space<vmem>>) dst(%dma_wait3A_858 : memref<16x80xf32, #tpu.memory_space<vmem_shared>>)
      tpu.yield
    }) : () -> ()
    %mul3A_719 = arith.constant 640 : i32
    %mul3A_720 = arith.muli %arg1, %mul3A_719 : i32
    %add3A_721 = arith.constant 320 : i32
    %add3A_722 = arith.addi %mul3A_720, %add3A_721 : i32
    "tpu.region"() ({
      %run_scoped3A_850 = tpu.sem_alloc : memref<!tpu.dma_semaphore, #tpu.memory_space<semaphore_mem>>
      %dma_start3A_851 = arith.constant 0 : i32
      %dma_start3A_852 = tpu.memref_slice %arg12[%add3A_722, %dma_start3A_851] : memref<10240x80xf32, #tpu.memory_space<vmem_shared>> -> memref<16x80xf32, #tpu.memory_space<vmem_shared>>
      %dma_start3A_853 = arith.constant 0 : i32
      %dma_start3A_854 = tpu.memref_slice %arg12[%add3A_722, %dma_start3A_853] : memref<10240x80xf32, #tpu.memory_space<vmem_shared>> -> memref<16x80xf32, #tpu.memory_space<vmem_shared>>
      tpu.enqueue_dma source(%arg11 : memref<16x80xf32, #tpu.memory_space<vmem>>) target(%dma_start3A_854 : memref<16x80xf32, #tpu.memory_space<vmem_shared>>) target_semaphore(%run_scoped3A_850 : memref<!tpu.dma_semaphore, #tpu.memory_space<semaphore_mem>>)
      %dma_wait3A_855 = arith.constant 0 : i32
      %dma_wait3A_856 = tpu.memref_slice %arg12[%add3A_722, %dma_wait3A_855] : memref<10240x80xf32, #tpu.memory_space<vmem_shared>> -> memref<16x80xf32, #tpu.memory_space<vmem_shared>>
      %dma_wait3A_857 = arith.constant 0 : i32
      %dma_wait3A_858 = tpu.memref_slice %arg12[%add3A_722, %dma_wait3A_857] : memref<10240x80xf32, #tpu.memory_space<vmem_shared>> -> memref<16x80xf32, #tpu.memory_space<vmem_shared>>
      tpu.wait_dma2 semaphore(%run_scoped3A_850 : memref<!tpu.dma_semaphore, #tpu.memory_space<semaphore_mem>>) src(%arg11 : memref<16x80xf32, #tpu.memory_space<vmem>>) dst(%dma_wait3A_858 : memref<16x80xf32, #tpu.memory_space<vmem_shared>>)
      tpu.yield
    }) : () -> ()
    %mul3A_723 = arith.constant 640 : i32
    %mul3A_724 = arith.muli %arg1, %mul3A_723 : i32
    %add3A_725 = arith.constant 336 : i32
    %add3A_726 = arith.addi %mul3A_724, %add3A_725 : i32
    "tpu.region"() ({
      %run_scoped3A_850 = tpu.sem_alloc : memref<!tpu.dma_semaphore, #tpu.memory_space<semaphore_mem>>
      %dma_start3A_851 = arith.constant 0 : i32
      %dma_start3A_852 = tpu.memref_slice %arg12[%add3A_726, %dma_start3A_851] : memref<10240x80xf32, #tpu.memory_space<vmem_shared>> -> memref<16x80xf32, #tpu.memory_space<vmem_shared>>
      %dma_start3A_853 = arith.constant 0 : i32
      %dma_start3A_854 = tpu.memref_slice %arg12[%add3A_726, %dma_start3A_853] : memref<10240x80xf32, #tpu.memory_space<vmem_shared>> -> memref<16x80xf32, #tpu.memory_space<vmem_shared>>
      tpu.enqueue_dma source(%arg11 : memref<16x80xf32, #tpu.memory_space<vmem>>) target(%dma_start3A_854 : memref<16x80xf32, #tpu.memory_space<vmem_shared>>) target_semaphore(%run_scoped3A_850 : memref<!tpu.dma_semaphore, #tpu.memory_space<semaphore_mem>>)
      %dma_wait3A_855 = arith.constant 0 : i32
      %dma_wait3A_856 = tpu.memref_slice %arg12[%add3A_726, %dma_wait3A_855] : memref<10240x80xf32, #tpu.memory_space<vmem_shared>> -> memref<16x80xf32, #tpu.memory_space<vmem_shared>>
      %dma_wait3A_857 = arith.constant 0 : i32
      %dma_wait3A_858 = tpu.memref_slice %arg12[%add3A_726, %dma_wait3A_857] : memref<10240x80xf32, #tpu.memory_space<vmem_shared>> -> memref<16x80xf32, #tpu.memory_space<vmem_shared>>
      tpu.wait_dma2 semaphore(%run_scoped3A_850 : memref<!tpu.dma_semaphore, #tpu.memory_space<semaphore_mem>>) src(%arg11 : memref<16x80xf32, #tpu.memory_space<vmem>>) dst(%dma_wait3A_858 : memref<16x80xf32, #tpu.memory_space<vmem_shared>>)
      tpu.yield
    }) : () -> ()
    %mul3A_727 = arith.constant 640 : i32
    %mul3A_728 = arith.muli %arg1, %mul3A_727 : i32
    %add3A_729 = arith.constant 352 : i32
    %add3A_730 = arith.addi %mul3A_728, %add3A_729 : i32
    "tpu.region"() ({
      %run_scoped3A_850 = tpu.sem_alloc : memref<!tpu.dma_semaphore, #tpu.memory_space<semaphore_mem>>
      %dma_start3A_851 = arith.constant 0 : i32
      %dma_start3A_852 = tpu.memref_slice %arg12[%add3A_730, %dma_start3A_851] : memref<10240x80xf32, #tpu.memory_space<vmem_shared>> -> memref<16x80xf32, #tpu.memory_space<vmem_shared>>
      %dma_start3A_853 = arith.constant 0 : i32
      %dma_start3A_854 = tpu.memref_slice %arg12[%add3A_730, %dma_start3A_853] : memref<10240x80xf32, #tpu.memory_space<vmem_shared>> -> memref<16x80xf32, #tpu.memory_space<vmem_shared>>
      tpu.enqueue_dma source(%arg11 : memref<16x80xf32, #tpu.memory_space<vmem>>) target(%dma_start3A_854 : memref<16x80xf32, #tpu.memory_space<vmem_shared>>) target_semaphore(%run_scoped3A_850 : memref<!tpu.dma_semaphore, #tpu.memory_space<semaphore_mem>>)
      %dma_wait3A_855 = arith.constant 0 : i32
      %dma_wait3A_856 = tpu.memref_slice %arg12[%add3A_730, %dma_wait3A_855] : memref<10240x80xf32, #tpu.memory_space<vmem_shared>> -> memref<16x80xf32, #tpu.memory_space<vmem_shared>>
      %dma_wait3A_857 = arith.constant 0 : i32
      %dma_wait3A_858 = tpu.memref_slice %arg12[%add3A_730, %dma_wait3A_857] : memref<10240x80xf32, #tpu.memory_space<vmem_shared>> -> memref<16x80xf32, #tpu.memory_space<vmem_shared>>
      tpu.wait_dma2 semaphore(%run_scoped3A_850 : memref<!tpu.dma_semaphore, #tpu.memory_space<semaphore_mem>>) src(%arg11 : memref<16x80xf32, #tpu.memory_space<vmem>>) dst(%dma_wait3A_858 : memref<16x80xf32, #tpu.memory_space<vmem_shared>>)
      tpu.yield
    }) : () -> ()
    %mul3A_731 = arith.constant 640 : i32
    %mul3A_732 = arith.muli %arg1, %mul3A_731 : i32
    %add3A_733 = arith.constant 368 : i32
    %add3A_734 = arith.addi %mul3A_732, %add3A_733 : i32
    "tpu.region"() ({
      %run_scoped3A_850 = tpu.sem_alloc : memref<!tpu.dma_semaphore, #tpu.memory_space<semaphore_mem>>
      %dma_start3A_851 = arith.constant 0 : i32
      %dma_start3A_852 = tpu.memref_slice %arg12[%add3A_734, %dma_start3A_851] : memref<10240x80xf32, #tpu.memory_space<vmem_shared>> -> memref<16x80xf32, #tpu.memory_space<vmem_shared>>
      %dma_start3A_853 = arith.constant 0 : i32
      %dma_start3A_854 = tpu.memref_slice %arg12[%add3A_734, %dma_start3A_853] : memref<10240x80xf32, #tpu.memory_space<vmem_shared>> -> memref<16x80xf32, #tpu.memory_space<vmem_shared>>
      tpu.enqueue_dma source(%arg11 : memref<16x80xf32, #tpu.memory_space<vmem>>) target(%dma_start3A_854 : memref<16x80xf32, #tpu.memory_space<vmem_shared>>) target_semaphore(%run_scoped3A_850 : memref<!tpu.dma_semaphore, #tpu.memory_space<semaphore_mem>>)
      %dma_wait3A_855 = arith.constant 0 : i32
      %dma_wait3A_856 = tpu.memref_slice %arg12[%add3A_734, %dma_wait3A_855] : memref<10240x80xf32, #tpu.memory_space<vmem_shared>> -> memref<16x80xf32, #tpu.memory_space<vmem_shared>>
      %dma_wait3A_857 = arith.constant 0 : i32
      %dma_wait3A_858 = tpu.memref_slice %arg12[%add3A_734, %dma_wait3A_857] : memref<10240x80xf32, #tpu.memory_space<vmem_shared>> -> memref<16x80xf32, #tpu.memory_space<vmem_shared>>
      tpu.wait_dma2 semaphore(%run_scoped3A_850 : memref<!tpu.dma_semaphore, #tpu.memory_space<semaphore_mem>>) src(%arg11 : memref<16x80xf32, #tpu.memory_space<vmem>>) dst(%dma_wait3A_858 : memref<16x80xf32, #tpu.memory_space<vmem_shared>>)
      tpu.yield
    }) : () -> ()
    %mul3A_735 = arith.constant 640 : i32
    %mul3A_736 = arith.muli %arg1, %mul3A_735 : i32
    %add3A_737 = arith.constant 384 : i32
    %add3A_738 = arith.addi %mul3A_736, %add3A_737 : i32
    "tpu.region"() ({
      %run_scoped3A_850 = tpu.sem_alloc : memref<!tpu.dma_semaphore, #tpu.memory_space<semaphore_mem>>
      %dma_start3A_851 = arith.constant 0 : i32
      %dma_start3A_852 = tpu.memref_slice %arg12[%add3A_738, %dma_start3A_851] : memref<10240x80xf32, #tpu.memory_space<vmem_shared>> -> memref<16x80xf32, #tpu.memory_space<vmem_shared>>
      %dma_start3A_853 = arith.constant 0 : i32
      %dma_start3A_854 = tpu.memref_slice %arg12[%add3A_738, %dma_start3A_853] : memref<10240x80xf32, #tpu.memory_space<vmem_shared>> -> memref<16x80xf32, #tpu.memory_space<vmem_shared>>
      tpu.enqueue_dma source(%arg11 : memref<16x80xf32, #tpu.memory_space<vmem>>) target(%dma_start3A_854 : memref<16x80xf32, #tpu.memory_space<vmem_shared>>) target_semaphore(%run_scoped3A_850 : memref<!tpu.dma_semaphore, #tpu.memory_space<semaphore_mem>>)
      %dma_wait3A_855 = arith.constant 0 : i32
      %dma_wait3A_856 = tpu.memref_slice %arg12[%add3A_738, %dma_wait3A_855] : memref<10240x80xf32, #tpu.memory_space<vmem_shared>> -> memref<16x80xf32, #tpu.memory_space<vmem_shared>>
      %dma_wait3A_857 = arith.constant 0 : i32
      %dma_wait3A_858 = tpu.memref_slice %arg12[%add3A_738, %dma_wait3A_857] : memref<10240x80xf32, #tpu.memory_space<vmem_shared>> -> memref<16x80xf32, #tpu.memory_space<vmem_shared>>
      tpu.wait_dma2 semaphore(%run_scoped3A_850 : memref<!tpu.dma_semaphore, #tpu.memory_space<semaphore_mem>>) src(%arg11 : memref<16x80xf32, #tpu.memory_space<vmem>>) dst(%dma_wait3A_858 : memref<16x80xf32, #tpu.memory_space<vmem_shared>>)
      tpu.yield
    }) : () -> ()
    %mul3A_739 = arith.constant 640 : i32
    %mul3A_740 = arith.muli %arg1, %mul3A_739 : i32
    %add3A_741 = arith.constant 400 : i32
    %add3A_742 = arith.addi %mul3A_740, %add3A_741 : i32
    "tpu.region"() ({
      %run_scoped3A_850 = tpu.sem_alloc : memref<!tpu.dma_semaphore, #tpu.memory_space<semaphore_mem>>
      %dma_start3A_851 = arith.constant 0 : i32
      %dma_start3A_852 = tpu.memref_slice %arg12[%add3A_742, %dma_start3A_851] : memref<10240x80xf32, #tpu.memory_space<vmem_shared>> -> memref<16x80xf32, #tpu.memory_space<vmem_shared>>
      %dma_start3A_853 = arith.constant 0 : i32
      %dma_start3A_854 = tpu.memref_slice %arg12[%add3A_742, %dma_start3A_853] : memref<10240x80xf32, #tpu.memory_space<vmem_shared>> -> memref<16x80xf32, #tpu.memory_space<vmem_shared>>
      tpu.enqueue_dma source(%arg11 : memref<16x80xf32, #tpu.memory_space<vmem>>) target(%dma_start3A_854 : memref<16x80xf32, #tpu.memory_space<vmem_shared>>) target_semaphore(%run_scoped3A_850 : memref<!tpu.dma_semaphore, #tpu.memory_space<semaphore_mem>>)
      %dma_wait3A_855 = arith.constant 0 : i32
      %dma_wait3A_856 = tpu.memref_slice %arg12[%add3A_742, %dma_wait3A_855] : memref<10240x80xf32, #tpu.memory_space<vmem_shared>> -> memref<16x80xf32, #tpu.memory_space<vmem_shared>>
      %dma_wait3A_857 = arith.constant 0 : i32
      %dma_wait3A_858 = tpu.memref_slice %arg12[%add3A_742, %dma_wait3A_857] : memref<10240x80xf32, #tpu.memory_space<vmem_shared>> -> memref<16x80xf32, #tpu.memory_space<vmem_shared>>
      tpu.wait_dma2 semaphore(%run_scoped3A_850 : memref<!tpu.dma_semaphore, #tpu.memory_space<semaphore_mem>>) src(%arg11 : memref<16x80xf32, #tpu.memory_space<vmem>>) dst(%dma_wait3A_858 : memref<16x80xf32, #tpu.memory_space<vmem_shared>>)
      tpu.yield
    }) : () -> ()
    %mul3A_743 = arith.constant 640 : i32
    %mul3A_744 = arith.muli %arg1, %mul3A_743 : i32
    %add3A_745 = arith.constant 416 : i32
    %add3A_746 = arith.addi %mul3A_744, %add3A_745 : i32
    "tpu.region"() ({
      %run_scoped3A_850 = tpu.sem_alloc : memref<!tpu.dma_semaphore, #tpu.memory_space<semaphore_mem>>
      %dma_start3A_851 = arith.constant 0 : i32
      %dma_start3A_852 = tpu.memref_slice %arg12[%add3A_746, %dma_start3A_851] : memref<10240x80xf32, #tpu.memory_space<vmem_shared>> -> memref<16x80xf32, #tpu.memory_space<vmem_shared>>
      %dma_start3A_853 = arith.constant 0 : i32
      %dma_start3A_854 = tpu.memref_slice %arg12[%add3A_746, %dma_start3A_853] : memref<10240x80xf32, #tpu.memory_space<vmem_shared>> -> memref<16x80xf32, #tpu.memory_space<vmem_shared>>
      tpu.enqueue_dma source(%arg11 : memref<16x80xf32, #tpu.memory_space<vmem>>) target(%dma_start3A_854 : memref<16x80xf32, #tpu.memory_space<vmem_shared>>) target_semaphore(%run_scoped3A_850 : memref<!tpu.dma_semaphore, #tpu.memory_space<semaphore_mem>>)
      %dma_wait3A_855 = arith.constant 0 : i32
      %dma_wait3A_856 = tpu.memref_slice %arg12[%add3A_746, %dma_wait3A_855] : memref<10240x80xf32, #tpu.memory_space<vmem_shared>> -> memref<16x80xf32, #tpu.memory_space<vmem_shared>>
      %dma_wait3A_857 = arith.constant 0 : i32
      %dma_wait3A_858 = tpu.memref_slice %arg12[%add3A_746, %dma_wait3A_857] : memref<10240x80xf32, #tpu.memory_space<vmem_shared>> -> memref<16x80xf32, #tpu.memory_space<vmem_shared>>
      tpu.wait_dma2 semaphore(%run_scoped3A_850 : memref<!tpu.dma_semaphore, #tpu.memory_space<semaphore_mem>>) src(%arg11 : memref<16x80xf32, #tpu.memory_space<vmem>>) dst(%dma_wait3A_858 : memref<16x80xf32, #tpu.memory_space<vmem_shared>>)
      tpu.yield
    }) : () -> ()
    %mul3A_747 = arith.constant 640 : i32
    %mul3A_748 = arith.muli %arg1, %mul3A_747 : i32
    %add3A_749 = arith.constant 432 : i32
    %add3A_750 = arith.addi %mul3A_748, %add3A_749 : i32
    "tpu.region"() ({
      %run_scoped3A_850 = tpu.sem_alloc : memref<!tpu.dma_semaphore, #tpu.memory_space<semaphore_mem>>
      %dma_start3A_851 = arith.constant 0 : i32
      %dma_start3A_852 = tpu.memref_slice %arg12[%add3A_750, %dma_start3A_851] : memref<10240x80xf32, #tpu.memory_space<vmem_shared>> -> memref<16x80xf32, #tpu.memory_space<vmem_shared>>
      %dma_start3A_853 = arith.constant 0 : i32
      %dma_start3A_854 = tpu.memref_slice %arg12[%add3A_750, %dma_start3A_853] : memref<10240x80xf32, #tpu.memory_space<vmem_shared>> -> memref<16x80xf32, #tpu.memory_space<vmem_shared>>
      tpu.enqueue_dma source(%arg11 : memref<16x80xf32, #tpu.memory_space<vmem>>) target(%dma_start3A_854 : memref<16x80xf32, #tpu.memory_space<vmem_shared>>) target_semaphore(%run_scoped3A_850 : memref<!tpu.dma_semaphore, #tpu.memory_space<semaphore_mem>>)
      %dma_wait3A_855 = arith.constant 0 : i32
      %dma_wait3A_856 = tpu.memref_slice %arg12[%add3A_750, %dma_wait3A_855] : memref<10240x80xf32, #tpu.memory_space<vmem_shared>> -> memref<16x80xf32, #tpu.memory_space<vmem_shared>>
      %dma_wait3A_857 = arith.constant 0 : i32
      %dma_wait3A_858 = tpu.memref_slice %arg12[%add3A_750, %dma_wait3A_857] : memref<10240x80xf32, #tpu.memory_space<vmem_shared>> -> memref<16x80xf32, #tpu.memory_space<vmem_shared>>
      tpu.wait_dma2 semaphore(%run_scoped3A_850 : memref<!tpu.dma_semaphore, #tpu.memory_space<semaphore_mem>>) src(%arg11 : memref<16x80xf32, #tpu.memory_space<vmem>>) dst(%dma_wait3A_858 : memref<16x80xf32, #tpu.memory_space<vmem_shared>>)
      tpu.yield
    }) : () -> ()
    %mul3A_751 = arith.constant 640 : i32
    %mul3A_752 = arith.muli %arg1, %mul3A_751 : i32
    %add3A_753 = arith.constant 448 : i32
    %add3A_754 = arith.addi %mul3A_752, %add3A_753 : i32
    "tpu.region"() ({
      %run_scoped3A_850 = tpu.sem_alloc : memref<!tpu.dma_semaphore, #tpu.memory_space<semaphore_mem>>
      %dma_start3A_851 = arith.constant 0 : i32
      %dma_start3A_852 = tpu.memref_slice %arg12[%add3A_754, %dma_start3A_851] : memref<10240x80xf32, #tpu.memory_space<vmem_shared>> -> memref<16x80xf32, #tpu.memory_space<vmem_shared>>
      %dma_start3A_853 = arith.constant 0 : i32
      %dma_start3A_854 = tpu.memref_slice %arg12[%add3A_754, %dma_start3A_853] : memref<10240x80xf32, #tpu.memory_space<vmem_shared>> -> memref<16x80xf32, #tpu.memory_space<vmem_shared>>
      tpu.enqueue_dma source(%arg11 : memref<16x80xf32, #tpu.memory_space<vmem>>) target(%dma_start3A_854 : memref<16x80xf32, #tpu.memory_space<vmem_shared>>) target_semaphore(%run_scoped3A_850 : memref<!tpu.dma_semaphore, #tpu.memory_space<semaphore_mem>>)
      %dma_wait3A_855 = arith.constant 0 : i32
      %dma_wait3A_856 = tpu.memref_slice %arg12[%add3A_754, %dma_wait3A_855] : memref<10240x80xf32, #tpu.memory_space<vmem_shared>> -> memref<16x80xf32, #tpu.memory_space<vmem_shared>>
      %dma_wait3A_857 = arith.constant 0 : i32
      %dma_wait3A_858 = tpu.memref_slice %arg12[%add3A_754, %dma_wait3A_857] : memref<10240x80xf32, #tpu.memory_space<vmem_shared>> -> memref<16x80xf32, #tpu.memory_space<vmem_shared>>
      tpu.wait_dma2 semaphore(%run_scoped3A_850 : memref<!tpu.dma_semaphore, #tpu.memory_space<semaphore_mem>>) src(%arg11 : memref<16x80xf32, #tpu.memory_space<vmem>>) dst(%dma_wait3A_858 : memref<16x80xf32, #tpu.memory_space<vmem_shared>>)
      tpu.yield
    }) : () -> ()
    %mul3A_755 = arith.constant 640 : i32
    %mul3A_756 = arith.muli %arg1, %mul3A_755 : i32
    %add3A_757 = arith.constant 464 : i32
    %add3A_758 = arith.addi %mul3A_756, %add3A_757 : i32
    "tpu.region"() ({
      %run_scoped3A_850 = tpu.sem_alloc : memref<!tpu.dma_semaphore, #tpu.memory_space<semaphore_mem>>
      %dma_start3A_851 = arith.constant 0 : i32
      %dma_start3A_852 = tpu.memref_slice %arg12[%add3A_758, %dma_start3A_851] : memref<10240x80xf32, #tpu.memory_space<vmem_shared>> -> memref<16x80xf32, #tpu.memory_space<vmem_shared>>
      %dma_start3A_853 = arith.constant 0 : i32
      %dma_start3A_854 = tpu.memref_slice %arg12[%add3A_758, %dma_start3A_853] : memref<10240x80xf32, #tpu.memory_space<vmem_shared>> -> memref<16x80xf32, #tpu.memory_space<vmem_shared>>
      tpu.enqueue_dma source(%arg11 : memref<16x80xf32, #tpu.memory_space<vmem>>) target(%dma_start3A_854 : memref<16x80xf32, #tpu.memory_space<vmem_shared>>) target_semaphore(%run_scoped3A_850 : memref<!tpu.dma_semaphore, #tpu.memory_space<semaphore_mem>>)
      %dma_wait3A_855 = arith.constant 0 : i32
      %dma_wait3A_856 = tpu.memref_slice %arg12[%add3A_758, %dma_wait3A_855] : memref<10240x80xf32, #tpu.memory_space<vmem_shared>> -> memref<16x80xf32, #tpu.memory_space<vmem_shared>>
      %dma_wait3A_857 = arith.constant 0 : i32
      %dma_wait3A_858 = tpu.memref_slice %arg12[%add3A_758, %dma_wait3A_857] : memref<10240x80xf32, #tpu.memory_space<vmem_shared>> -> memref<16x80xf32, #tpu.memory_space<vmem_shared>>
      tpu.wait_dma2 semaphore(%run_scoped3A_850 : memref<!tpu.dma_semaphore, #tpu.memory_space<semaphore_mem>>) src(%arg11 : memref<16x80xf32, #tpu.memory_space<vmem>>) dst(%dma_wait3A_858 : memref<16x80xf32, #tpu.memory_space<vmem_shared>>)
      tpu.yield
    }) : () -> ()
    %mul3A_759 = arith.constant 640 : i32
    %mul3A_760 = arith.muli %arg1, %mul3A_759 : i32
    %add3A_761 = arith.constant 480 : i32
    %add3A_762 = arith.addi %mul3A_760, %add3A_761 : i32
    "tpu.region"() ({
      %run_scoped3A_850 = tpu.sem_alloc : memref<!tpu.dma_semaphore, #tpu.memory_space<semaphore_mem>>
      %dma_start3A_851 = arith.constant 0 : i32
      %dma_start3A_852 = tpu.memref_slice %arg12[%add3A_762, %dma_start3A_851] : memref<10240x80xf32, #tpu.memory_space<vmem_shared>> -> memref<16x80xf32, #tpu.memory_space<vmem_shared>>
      %dma_start3A_853 = arith.constant 0 : i32
      %dma_start3A_854 = tpu.memref_slice %arg12[%add3A_762, %dma_start3A_853] : memref<10240x80xf32, #tpu.memory_space<vmem_shared>> -> memref<16x80xf32, #tpu.memory_space<vmem_shared>>
      tpu.enqueue_dma source(%arg11 : memref<16x80xf32, #tpu.memory_space<vmem>>) target(%dma_start3A_854 : memref<16x80xf32, #tpu.memory_space<vmem_shared>>) target_semaphore(%run_scoped3A_850 : memref<!tpu.dma_semaphore, #tpu.memory_space<semaphore_mem>>)
      %dma_wait3A_855 = arith.constant 0 : i32
      %dma_wait3A_856 = tpu.memref_slice %arg12[%add3A_762, %dma_wait3A_855] : memref<10240x80xf32, #tpu.memory_space<vmem_shared>> -> memref<16x80xf32, #tpu.memory_space<vmem_shared>>
      %dma_wait3A_857 = arith.constant 0 : i32
      %dma_wait3A_858 = tpu.memref_slice %arg12[%add3A_762, %dma_wait3A_857] : memref<10240x80xf32, #tpu.memory_space<vmem_shared>> -> memref<16x80xf32, #tpu.memory_space<vmem_shared>>
      tpu.wait_dma2 semaphore(%run_scoped3A_850 : memref<!tpu.dma_semaphore, #tpu.memory_space<semaphore_mem>>) src(%arg11 : memref<16x80xf32, #tpu.memory_space<vmem>>) dst(%dma_wait3A_858 : memref<16x80xf32, #tpu.memory_space<vmem_shared>>)
      tpu.yield
    }) : () -> ()
    %mul3A_763 = arith.constant 640 : i32
    %mul3A_764 = arith.muli %arg1, %mul3A_763 : i32
    %add3A_765 = arith.constant 496 : i32
    %add3A_766 = arith.addi %mul3A_764, %add3A_765 : i32
    "tpu.region"() ({
      %run_scoped3A_850 = tpu.sem_alloc : memref<!tpu.dma_semaphore, #tpu.memory_space<semaphore_mem>>
      %dma_start3A_851 = arith.constant 0 : i32
      %dma_start3A_852 = tpu.memref_slice %arg12[%add3A_766, %dma_start3A_851] : memref<10240x80xf32, #tpu.memory_space<vmem_shared>> -> memref<16x80xf32, #tpu.memory_space<vmem_shared>>
      %dma_start3A_853 = arith.constant 0 : i32
      %dma_start3A_854 = tpu.memref_slice %arg12[%add3A_766, %dma_start3A_853] : memref<10240x80xf32, #tpu.memory_space<vmem_shared>> -> memref<16x80xf32, #tpu.memory_space<vmem_shared>>
      tpu.enqueue_dma source(%arg11 : memref<16x80xf32, #tpu.memory_space<vmem>>) target(%dma_start3A_854 : memref<16x80xf32, #tpu.memory_space<vmem_shared>>) target_semaphore(%run_scoped3A_850 : memref<!tpu.dma_semaphore, #tpu.memory_space<semaphore_mem>>)
      %dma_wait3A_855 = arith.constant 0 : i32
      %dma_wait3A_856 = tpu.memref_slice %arg12[%add3A_766, %dma_wait3A_855] : memref<10240x80xf32, #tpu.memory_space<vmem_shared>> -> memref<16x80xf32, #tpu.memory_space<vmem_shared>>
      %dma_wait3A_857 = arith.constant 0 : i32
      %dma_wait3A_858 = tpu.memref_slice %arg12[%add3A_766, %dma_wait3A_857] : memref<10240x80xf32, #tpu.memory_space<vmem_shared>> -> memref<16x80xf32, #tpu.memory_space<vmem_shared>>
      tpu.wait_dma2 semaphore(%run_scoped3A_850 : memref<!tpu.dma_semaphore, #tpu.memory_space<semaphore_mem>>) src(%arg11 : memref<16x80xf32, #tpu.memory_space<vmem>>) dst(%dma_wait3A_858 : memref<16x80xf32, #tpu.memory_space<vmem_shared>>)
      tpu.yield
    }) : () -> ()
    %mul3A_767 = arith.constant 640 : i32
    %mul3A_768 = arith.muli %arg1, %mul3A_767 : i32
    %add3A_769 = arith.constant 512 : i32
    %add3A_770 = arith.addi %mul3A_768, %add3A_769 : i32
    "tpu.region"() ({
      %run_scoped3A_850 = tpu.sem_alloc : memref<!tpu.dma_semaphore, #tpu.memory_space<semaphore_mem>>
      %dma_start3A_851 = arith.constant 0 : i32
      %dma_start3A_852 = tpu.memref_slice %arg12[%add3A_770, %dma_start3A_851] : memref<10240x80xf32, #tpu.memory_space<vmem_shared>> -> memref<16x80xf32, #tpu.memory_space<vmem_shared>>
      %dma_start3A_853 = arith.constant 0 : i32
      %dma_start3A_854 = tpu.memref_slice %arg12[%add3A_770, %dma_start3A_853] : memref<10240x80xf32, #tpu.memory_space<vmem_shared>> -> memref<16x80xf32, #tpu.memory_space<vmem_shared>>
      tpu.enqueue_dma source(%arg11 : memref<16x80xf32, #tpu.memory_space<vmem>>) target(%dma_start3A_854 : memref<16x80xf32, #tpu.memory_space<vmem_shared>>) target_semaphore(%run_scoped3A_850 : memref<!tpu.dma_semaphore, #tpu.memory_space<semaphore_mem>>)
      %dma_wait3A_855 = arith.constant 0 : i32
      %dma_wait3A_856 = tpu.memref_slice %arg12[%add3A_770, %dma_wait3A_855] : memref<10240x80xf32, #tpu.memory_space<vmem_shared>> -> memref<16x80xf32, #tpu.memory_space<vmem_shared>>
      %dma_wait3A_857 = arith.constant 0 : i32
      %dma_wait3A_858 = tpu.memref_slice %arg12[%add3A_770, %dma_wait3A_857] : memref<10240x80xf32, #tpu.memory_space<vmem_shared>> -> memref<16x80xf32, #tpu.memory_space<vmem_shared>>
      tpu.wait_dma2 semaphore(%run_scoped3A_850 : memref<!tpu.dma_semaphore, #tpu.memory_space<semaphore_mem>>) src(%arg11 : memref<16x80xf32, #tpu.memory_space<vmem>>) dst(%dma_wait3A_858 : memref<16x80xf32, #tpu.memory_space<vmem_shared>>)
      tpu.yield
    }) : () -> ()
    %mul3A_771 = arith.constant 640 : i32
    %mul3A_772 = arith.muli %arg1, %mul3A_771 : i32
    %add3A_773 = arith.constant 528 : i32
    %add3A_774 = arith.addi %mul3A_772, %add3A_773 : i32
    "tpu.region"() ({
      %run_scoped3A_850 = tpu.sem_alloc : memref<!tpu.dma_semaphore, #tpu.memory_space<semaphore_mem>>
      %dma_start3A_851 = arith.constant 0 : i32
      %dma_start3A_852 = tpu.memref_slice %arg12[%add3A_774, %dma_start3A_851] : memref<10240x80xf32, #tpu.memory_space<vmem_shared>> -> memref<16x80xf32, #tpu.memory_space<vmem_shared>>
      %dma_start3A_853 = arith.constant 0 : i32
      %dma_start3A_854 = tpu.memref_slice %arg12[%add3A_774, %dma_start3A_853] : memref<10240x80xf32, #tpu.memory_space<vmem_shared>> -> memref<16x80xf32, #tpu.memory_space<vmem_shared>>
      tpu.enqueue_dma source(%arg11 : memref<16x80xf32, #tpu.memory_space<vmem>>) target(%dma_start3A_854 : memref<16x80xf32, #tpu.memory_space<vmem_shared>>) target_semaphore(%run_scoped3A_850 : memref<!tpu.dma_semaphore, #tpu.memory_space<semaphore_mem>>)
      %dma_wait3A_855 = arith.constant 0 : i32
      %dma_wait3A_856 = tpu.memref_slice %arg12[%add3A_774, %dma_wait3A_855] : memref<10240x80xf32, #tpu.memory_space<vmem_shared>> -> memref<16x80xf32, #tpu.memory_space<vmem_shared>>
      %dma_wait3A_857 = arith.constant 0 : i32
      %dma_wait3A_858 = tpu.memref_slice %arg12[%add3A_774, %dma_wait3A_857] : memref<10240x80xf32, #tpu.memory_space<vmem_shared>> -> memref<16x80xf32, #tpu.memory_space<vmem_shared>>
      tpu.wait_dma2 semaphore(%run_scoped3A_850 : memref<!tpu.dma_semaphore, #tpu.memory_space<semaphore_mem>>) src(%arg11 : memref<16x80xf32, #tpu.memory_space<vmem>>) dst(%dma_wait3A_858 : memref<16x80xf32, #tpu.memory_space<vmem_shared>>)
      tpu.yield
    }) : () -> ()
    %mul3A_775 = arith.constant 640 : i32
    %mul3A_776 = arith.muli %arg1, %mul3A_775 : i32
    %add3A_777 = arith.constant 544 : i32
    %add3A_778 = arith.addi %mul3A_776, %add3A_777 : i32
    "tpu.region"() ({
      %run_scoped3A_850 = tpu.sem_alloc : memref<!tpu.dma_semaphore, #tpu.memory_space<semaphore_mem>>
      %dma_start3A_851 = arith.constant 0 : i32
      %dma_start3A_852 = tpu.memref_slice %arg12[%add3A_778, %dma_start3A_851] : memref<10240x80xf32, #tpu.memory_space<vmem_shared>> -> memref<16x80xf32, #tpu.memory_space<vmem_shared>>
      %dma_start3A_853 = arith.constant 0 : i32
      %dma_start3A_854 = tpu.memref_slice %arg12[%add3A_778, %dma_start3A_853] : memref<10240x80xf32, #tpu.memory_space<vmem_shared>> -> memref<16x80xf32, #tpu.memory_space<vmem_shared>>
      tpu.enqueue_dma source(%arg11 : memref<16x80xf32, #tpu.memory_space<vmem>>) target(%dma_start3A_854 : memref<16x80xf32, #tpu.memory_space<vmem_shared>>) target_semaphore(%run_scoped3A_850 : memref<!tpu.dma_semaphore, #tpu.memory_space<semaphore_mem>>)
      %dma_wait3A_855 = arith.constant 0 : i32
      %dma_wait3A_856 = tpu.memref_slice %arg12[%add3A_778, %dma_wait3A_855] : memref<10240x80xf32, #tpu.memory_space<vmem_shared>> -> memref<16x80xf32, #tpu.memory_space<vmem_shared>>
      %dma_wait3A_857 = arith.constant 0 : i32
      %dma_wait3A_858 = tpu.memref_slice %arg12[%add3A_778, %dma_wait3A_857] : memref<10240x80xf32, #tpu.memory_space<vmem_shared>> -> memref<16x80xf32, #tpu.memory_space<vmem_shared>>
      tpu.wait_dma2 semaphore(%run_scoped3A_850 : memref<!tpu.dma_semaphore, #tpu.memory_space<semaphore_mem>>) src(%arg11 : memref<16x80xf32, #tpu.memory_space<vmem>>) dst(%dma_wait3A_858 : memref<16x80xf32, #tpu.memory_space<vmem_shared>>)
      tpu.yield
    }) : () -> ()
    %mul3A_779 = arith.constant 640 : i32
    %mul3A_780 = arith.muli %arg1, %mul3A_779 : i32
    %add3A_781 = arith.constant 560 : i32
    %add3A_782 = arith.addi %mul3A_780, %add3A_781 : i32
    "tpu.region"() ({
      %run_scoped3A_850 = tpu.sem_alloc : memref<!tpu.dma_semaphore, #tpu.memory_space<semaphore_mem>>
      %dma_start3A_851 = arith.constant 0 : i32
      %dma_start3A_852 = tpu.memref_slice %arg12[%add3A_782, %dma_start3A_851] : memref<10240x80xf32, #tpu.memory_space<vmem_shared>> -> memref<16x80xf32, #tpu.memory_space<vmem_shared>>
      %dma_start3A_853 = arith.constant 0 : i32
      %dma_start3A_854 = tpu.memref_slice %arg12[%add3A_782, %dma_start3A_853] : memref<10240x80xf32, #tpu.memory_space<vmem_shared>> -> memref<16x80xf32, #tpu.memory_space<vmem_shared>>
      tpu.enqueue_dma source(%arg11 : memref<16x80xf32, #tpu.memory_space<vmem>>) target(%dma_start3A_854 : memref<16x80xf32, #tpu.memory_space<vmem_shared>>) target_semaphore(%run_scoped3A_850 : memref<!tpu.dma_semaphore, #tpu.memory_space<semaphore_mem>>)
      %dma_wait3A_855 = arith.constant 0 : i32
      %dma_wait3A_856 = tpu.memref_slice %arg12[%add3A_782, %dma_wait3A_855] : memref<10240x80xf32, #tpu.memory_space<vmem_shared>> -> memref<16x80xf32, #tpu.memory_space<vmem_shared>>
      %dma_wait3A_857 = arith.constant 0 : i32
      %dma_wait3A_858 = tpu.memref_slice %arg12[%add3A_782, %dma_wait3A_857] : memref<10240x80xf32, #tpu.memory_space<vmem_shared>> -> memref<16x80xf32, #tpu.memory_space<vmem_shared>>
      tpu.wait_dma2 semaphore(%run_scoped3A_850 : memref<!tpu.dma_semaphore, #tpu.memory_space<semaphore_mem>>) src(%arg11 : memref<16x80xf32, #tpu.memory_space<vmem>>) dst(%dma_wait3A_858 : memref<16x80xf32, #tpu.memory_space<vmem_shared>>)
      tpu.yield
    }) : () -> ()
    %mul3A_783 = arith.constant 640 : i32
    %mul3A_784 = arith.muli %arg1, %mul3A_783 : i32
    %add3A_785 = arith.constant 576 : i32
    %add3A_786 = arith.addi %mul3A_784, %add3A_785 : i32
    "tpu.region"() ({
      %run_scoped3A_850 = tpu.sem_alloc : memref<!tpu.dma_semaphore, #tpu.memory_space<semaphore_mem>>
      %dma_start3A_851 = arith.constant 0 : i32
      %dma_start3A_852 = tpu.memref_slice %arg12[%add3A_786, %dma_start3A_851] : memref<10240x80xf32, #tpu.memory_space<vmem_shared>> -> memref<16x80xf32, #tpu.memory_space<vmem_shared>>
      %dma_start3A_853 = arith.constant 0 : i32
      %dma_start3A_854 = tpu.memref_slice %arg12[%add3A_786, %dma_start3A_853] : memref<10240x80xf32, #tpu.memory_space<vmem_shared>> -> memref<16x80xf32, #tpu.memory_space<vmem_shared>>
      tpu.enqueue_dma source(%arg11 : memref<16x80xf32, #tpu.memory_space<vmem>>) target(%dma_start3A_854 : memref<16x80xf32, #tpu.memory_space<vmem_shared>>) target_semaphore(%run_scoped3A_850 : memref<!tpu.dma_semaphore, #tpu.memory_space<semaphore_mem>>)
      %dma_wait3A_855 = arith.constant 0 : i32
      %dma_wait3A_856 = tpu.memref_slice %arg12[%add3A_786, %dma_wait3A_855] : memref<10240x80xf32, #tpu.memory_space<vmem_shared>> -> memref<16x80xf32, #tpu.memory_space<vmem_shared>>
      %dma_wait3A_857 = arith.constant 0 : i32
      %dma_wait3A_858 = tpu.memref_slice %arg12[%add3A_786, %dma_wait3A_857] : memref<10240x80xf32, #tpu.memory_space<vmem_shared>> -> memref<16x80xf32, #tpu.memory_space<vmem_shared>>
      tpu.wait_dma2 semaphore(%run_scoped3A_850 : memref<!tpu.dma_semaphore, #tpu.memory_space<semaphore_mem>>) src(%arg11 : memref<16x80xf32, #tpu.memory_space<vmem>>) dst(%dma_wait3A_858 : memref<16x80xf32, #tpu.memory_space<vmem_shared>>)
      tpu.yield
    }) : () -> ()
    %mul3A_787 = arith.constant 640 : i32
    %mul3A_788 = arith.muli %arg1, %mul3A_787 : i32
    %add3A_789 = arith.constant 592 : i32
    %add3A_790 = arith.addi %mul3A_788, %add3A_789 : i32
    "tpu.region"() ({
      %run_scoped3A_850 = tpu.sem_alloc : memref<!tpu.dma_semaphore, #tpu.memory_space<semaphore_mem>>
      %dma_start3A_851 = arith.constant 0 : i32
      %dma_start3A_852 = tpu.memref_slice %arg12[%add3A_790, %dma_start3A_851] : memref<10240x80xf32, #tpu.memory_space<vmem_shared>> -> memref<16x80xf32, #tpu.memory_space<vmem_shared>>
      %dma_start3A_853 = arith.constant 0 : i32
      %dma_start3A_854 = tpu.memref_slice %arg12[%add3A_790, %dma_start3A_853] : memref<10240x80xf32, #tpu.memory_space<vmem_shared>> -> memref<16x80xf32, #tpu.memory_space<vmem_shared>>
      tpu.enqueue_dma source(%arg11 : memref<16x80xf32, #tpu.memory_space<vmem>>) target(%dma_start3A_854 : memref<16x80xf32, #tpu.memory_space<vmem_shared>>) target_semaphore(%run_scoped3A_850 : memref<!tpu.dma_semaphore, #tpu.memory_space<semaphore_mem>>)
      %dma_wait3A_855 = arith.constant 0 : i32
      %dma_wait3A_856 = tpu.memref_slice %arg12[%add3A_790, %dma_wait3A_855] : memref<10240x80xf32, #tpu.memory_space<vmem_shared>> -> memref<16x80xf32, #tpu.memory_space<vmem_shared>>
      %dma_wait3A_857 = arith.constant 0 : i32
      %dma_wait3A_858 = tpu.memref_slice %arg12[%add3A_790, %dma_wait3A_857] : memref<10240x80xf32, #tpu.memory_space<vmem_shared>> -> memref<16x80xf32, #tpu.memory_space<vmem_shared>>
      tpu.wait_dma2 semaphore(%run_scoped3A_850 : memref<!tpu.dma_semaphore, #tpu.memory_space<semaphore_mem>>) src(%arg11 : memref<16x80xf32, #tpu.memory_space<vmem>>) dst(%dma_wait3A_858 : memref<16x80xf32, #tpu.memory_space<vmem_shared>>)
      tpu.yield
    }) : () -> ()
    %mul3A_791 = arith.constant 640 : i32
    %mul3A_792 = arith.muli %arg1, %mul3A_791 : i32
    %add3A_793 = arith.constant 608 : i32
    %add3A_794 = arith.addi %mul3A_792, %add3A_793 : i32
    "tpu.region"() ({
      %run_scoped3A_850 = tpu.sem_alloc : memref<!tpu.dma_semaphore, #tpu.memory_space<semaphore_mem>>
      %dma_start3A_851 = arith.constant 0 : i32
      %dma_start3A_852 = tpu.memref_slice %arg12[%add3A_794, %dma_start3A_851] : memref<10240x80xf32, #tpu.memory_space<vmem_shared>> -> memref<16x80xf32, #tpu.memory_space<vmem_shared>>
      %dma_start3A_853 = arith.constant 0 : i32
      %dma_start3A_854 = tpu.memref_slice %arg12[%add3A_794, %dma_start3A_853] : memref<10240x80xf32, #tpu.memory_space<vmem_shared>> -> memref<16x80xf32, #tpu.memory_space<vmem_shared>>
      tpu.enqueue_dma source(%arg11 : memref<16x80xf32, #tpu.memory_space<vmem>>) target(%dma_start3A_854 : memref<16x80xf32, #tpu.memory_space<vmem_shared>>) target_semaphore(%run_scoped3A_850 : memref<!tpu.dma_semaphore, #tpu.memory_space<semaphore_mem>>)
      %dma_wait3A_855 = arith.constant 0 : i32
      %dma_wait3A_856 = tpu.memref_slice %arg12[%add3A_794, %dma_wait3A_855] : memref<10240x80xf32, #tpu.memory_space<vmem_shared>> -> memref<16x80xf32, #tpu.memory_space<vmem_shared>>
      %dma_wait3A_857 = arith.constant 0 : i32
      %dma_wait3A_858 = tpu.memref_slice %arg12[%add3A_794, %dma_wait3A_857] : memref<10240x80xf32, #tpu.memory_space<vmem_shared>> -> memref<16x80xf32, #tpu.memory_space<vmem_shared>>
      tpu.wait_dma2 semaphore(%run_scoped3A_850 : memref<!tpu.dma_semaphore, #tpu.memory_space<semaphore_mem>>) src(%arg11 : memref<16x80xf32, #tpu.memory_space<vmem>>) dst(%dma_wait3A_858 : memref<16x80xf32, #tpu.memory_space<vmem_shared>>)
      tpu.yield
    }) : () -> ()
    %mul3A_795 = arith.constant 640 : i32
    %mul3A_796 = arith.muli %arg1, %mul3A_795 : i32
    %add3A_797 = arith.constant 624 : i32
    %add3A_798 = arith.addi %mul3A_796, %add3A_797 : i32
    "tpu.region"() ({
      %run_scoped3A_850 = tpu.sem_alloc : memref<!tpu.dma_semaphore, #tpu.memory_space<semaphore_mem>>
      %dma_start3A_851 = arith.constant 0 : i32
      %dma_start3A_852 = tpu.memref_slice %arg12[%add3A_798, %dma_start3A_851] : memref<10240x80xf32, #tpu.memory_space<vmem_shared>> -> memref<16x80xf32, #tpu.memory_space<vmem_shared>>
      %dma_start3A_853 = arith.constant 0 : i32
      %dma_start3A_854 = tpu.memref_slice %arg12[%add3A_798, %dma_start3A_853] : memref<10240x80xf32, #tpu.memory_space<vmem_shared>> -> memref<16x80xf32, #tpu.memory_space<vmem_shared>>
      tpu.enqueue_dma source(%arg11 : memref<16x80xf32, #tpu.memory_space<vmem>>) target(%dma_start3A_854 : memref<16x80xf32, #tpu.memory_space<vmem_shared>>) target_semaphore(%run_scoped3A_850 : memref<!tpu.dma_semaphore, #tpu.memory_space<semaphore_mem>>)
      %dma_wait3A_855 = arith.constant 0 : i32
      %dma_wait3A_856 = tpu.memref_slice %arg12[%add3A_798, %dma_wait3A_855] : memref<10240x80xf32, #tpu.memory_space<vmem_shared>> -> memref<16x80xf32, #tpu.memory_space<vmem_shared>>
      %dma_wait3A_857 = arith.constant 0 : i32
      %dma_wait3A_858 = tpu.memref_slice %arg12[%add3A_798, %dma_wait3A_857] : memref<10240x80xf32, #tpu.memory_space<vmem_shared>> -> memref<16x80xf32, #tpu.memory_space<vmem_shared>>
      tpu.wait_dma2 semaphore(%run_scoped3A_850 : memref<!tpu.dma_semaphore, #tpu.memory_space<semaphore_mem>>) src(%arg11 : memref<16x80xf32, #tpu.memory_space<vmem>>) dst(%dma_wait3A_858 : memref<16x80xf32, #tpu.memory_space<vmem_shared>>)
      tpu.yield
    }) : () -> ()
    "tpu.region"() ({
      %run_scoped3A_850 = tpu.sem_alloc : memref<!tpu.dma_semaphore, #tpu.memory_space<semaphore_mem>>
      %dma_start3A_851 = arith.constant 0 : i32
      %dma_start3A_852 = arith.constant 0 : i32
      %dma_start3A_853 = tpu.memref_slice %arg3[%add3A, %dma_start3A_851, %dma_start3A_852] : memref<32x79x128xi32, #tpu.memory_space<hbm>> -> memref<1x79x128xi32, #tpu.memory_space<hbm>>
      %dma_start3A_854 = tpu.memref_squeeze %dma_start3A_853 : memref<1x79x128xi32, #tpu.memory_space<hbm>> -> memref<79x128xi32, #tpu.memory_space<hbm>>
      %dma_start3A_855 = arith.constant 0 : i32
      %dma_start3A_856 = arith.constant 0 : i32
      %dma_start3A_857 = tpu.memref_slice %arg3[%add3A, %dma_start3A_855, %dma_start3A_856] : memref<32x79x128xi32, #tpu.memory_space<hbm>> -> memref<1x79x128xi32, #tpu.memory_space<hbm>>
      %dma_start3A_858 = tpu.memref_squeeze %dma_start3A_857 : memref<1x79x128xi32, #tpu.memory_space<hbm>> -> memref<79x128xi32, #tpu.memory_space<hbm>>
      tpu.enqueue_dma source(%dma_start3A_858 : memref<79x128xi32, #tpu.memory_space<hbm>>) target(%arg6 : memref<79x128xi32, #tpu.memory_space<vmem>>) target_semaphore(%run_scoped3A_850 : memref<!tpu.dma_semaphore, #tpu.memory_space<semaphore_mem>>)
      %dma_wait3A_859 = arith.constant 0 : i32
      %dma_wait3A_860 = arith.constant 0 : i32
      %dma_wait3A_861 = tpu.memref_slice %arg3[%add3A, %dma_wait3A_859, %dma_wait3A_860] : memref<32x79x128xi32, #tpu.memory_space<hbm>> -> memref<1x79x128xi32, #tpu.memory_space<hbm>>
      %dma_wait3A_862 = tpu.memref_squeeze %dma_wait3A_861 : memref<1x79x128xi32, #tpu.memory_space<hbm>> -> memref<79x128xi32, #tpu.memory_space<hbm>>
      %dma_wait3A_863 = arith.constant 0 : i32
      %dma_wait3A_864 = arith.constant 0 : i32
      %dma_wait3A_865 = tpu.memref_slice %arg3[%add3A, %dma_wait3A_863, %dma_wait3A_864] : memref<32x79x128xi32, #tpu.memory_space<hbm>> -> memref<1x79x128xi32, #tpu.memory_space<hbm>>
      %dma_wait3A_866 = tpu.memref_squeeze %dma_wait3A_865 : memref<1x79x128xi32, #tpu.memory_space<hbm>> -> memref<79x128xi32, #tpu.memory_space<hbm>>
      tpu.wait_dma2 semaphore(%run_scoped3A_850 : memref<!tpu.dma_semaphore, #tpu.memory_space<semaphore_mem>>) src(%dma_wait3A_866 : memref<79x128xi32, #tpu.memory_space<hbm>>) dst(%arg6 : memref<79x128xi32, #tpu.memory_space<vmem>>)
      tpu.yield
    }) : () -> ()
    %barrier3A = arith.constant 0 : index
    tpu.barrier barrier_id(%barrier3A)
    %dma_start3A = arith.constant 0 : i32
    %dma_start3A_799 = arith.constant 0 : i32
    %dma_start3A_800 = tpu.memref_slice %arg6[%dma_start3A, %dma_start3A_799] : memref<79x128xi32, #tpu.memory_space<vmem>> -> memref<1x128xi32, #tpu.memory_space<vmem>>
    %dma_start3A_801 = tpu.memref_squeeze %dma_start3A_800 : memref<1x128xi32, #tpu.memory_space<vmem>> -> memref<128xi32, #tpu.memory_space<vmem>>
    %dma_start3A_802 = arith.constant 0 : i32
    %dma_start3A_803 = arith.constant 0 : i32
    %dma_start3A_804 = tpu.memref_slice %arg2[%dma_start3A_802, %dma_start3A_803] : memref<10240x80xf32, #tpu.memory_space<hbm>> -> memref<10240x80xf32, #tpu.memory_space<hbm>>
    tpu.enqueue_indirect_dma source(%dma_start3A_804 : memref<10240x80xf32, #tpu.memory_space<hbm>>) target(%arg9 : memref<128x80xf32, #tpu.memory_space<vmem>>) offsets(%dma_start3A_801 : memref<128xi32, #tpu.memory_space<vmem>>) semaphore(%arg13 : memref<!tpu.dma_semaphore, #tpu.memory_space<semaphore_mem>>)
    %dma_start3A_805 = arith.constant 0 : i32
    %dma_start3A_806 = arith.constant 0 : i32
    %dma_start3A_807 = arith.constant 0 : i32
    %dma_start3A_808 = tpu.memref_slice %arg7[%dma_start3A_806, %dma_start3A_807] : memref<1x128xi32, #tpu.memory_space<vmem>> -> memref<1x128xi32, #tpu.memory_space<vmem>>
    %dma_start3A_809 = tpu.memref_squeeze %dma_start3A_808 : memref<1x128xi32, #tpu.memory_space<vmem>> -> memref<128xi32, #tpu.memory_space<vmem>>
    %dma_start3A_810 = arith.constant 0 : i32
    %dma_start3A_811 = tpu.memref_slice %arg4[%add3A, %dma_start3A_805, %dma_start3A_810] : memref<32x79x128xi32, #tpu.memory_space<hbm>> -> memref<1x1x128xi32, #tpu.memory_space<hbm>>
    %dma_start3A_812 = tpu.memref_squeeze %dma_start3A_811 : memref<1x1x128xi32, #tpu.memory_space<hbm>> -> memref<128xi32, #tpu.memory_space<hbm>>
    %dma_start3A_813 = arith.constant 0 : i32
    %dma_start3A_814 = tpu.memref_slice %arg7[%dma_start3A_806, %dma_start3A_813] : memref<1x128xi32, #tpu.memory_space<vmem>> -> memref<1x128xi32, #tpu.memory_space<vmem>>
    %dma_start3A_815 = tpu.memref_squeeze %dma_start3A_814 : memref<1x128xi32, #tpu.memory_space<vmem>> -> memref<128xi32, #tpu.memory_space<vmem>>
    %dma_start3A_816 = arith.constant 0 : i32
    %dma_start3A_817 = tpu.memref_slice %arg4[%add3A, %dma_start3A_805, %dma_start3A_816] : memref<32x79x128xi32, #tpu.memory_space<hbm>> -> memref<1x1x128xi32, #tpu.memory_space<hbm>>
    %dma_start3A_818 = tpu.memref_squeeze %dma_start3A_817 : memref<1x1x128xi32, #tpu.memory_space<hbm>> -> memref<128xi32, #tpu.memory_space<hbm>>
    tpu.enqueue_dma source(%dma_start3A_818 : memref<128xi32, #tpu.memory_space<hbm>>) target(%dma_start3A_815 : memref<128xi32, #tpu.memory_space<vmem>>) target_semaphore(%arg14 : memref<!tpu.dma_semaphore, #tpu.memory_space<semaphore_mem>>)
    %scan3A = arith.constant 0 : i32
    %scan3A_819 = arith.constant 0 : i32
    %scan3A_820 = arith.constant 39 : i32
    %scan3A_821 = arith.addi %scan3A_819, %scan3A_820 : i32
    %scan3A_822 = arith.constant 1 : i32
    scf.for %scan3A_850 = %scan3A_819 to %scan3A_821 step %scan3A_822  : i32 {
      %mul3A_851 = arith.constant 2 : i32
      %mul3A_852 = arith.muli %scan3A_850, %mul3A_851 : i32
      %dma_wait3A_853 = arith.constant 0 : i32
      %dma_wait3A_854 = tpu.memref_slice %arg6[%mul3A_852, %dma_wait3A_853] : memref<79x128xi32, #tpu.memory_space<vmem>> -> memref<1x128xi32, #tpu.memory_space<vmem>>
      %dma_wait3A_855 = tpu.memref_squeeze %dma_wait3A_854 : memref<1x128xi32, #tpu.memory_space<vmem>> -> memref<128xi32, #tpu.memory_space<vmem>>
      %dma_wait3A_856 = arith.constant 0 : i32
      %dma_wait3A_857 = arith.constant 0 : i32
      %dma_wait3A_858 = tpu.memref_slice %arg2[%dma_wait3A_856, %dma_wait3A_857] : memref<10240x80xf32, #tpu.memory_space<hbm>> -> memref<10240x80xf32, #tpu.memory_space<hbm>>
      tpu.wait_indirect_dma semaphore(%arg13 : memref<!tpu.dma_semaphore, #tpu.memory_space<semaphore_mem>>) src(%dma_wait3A_858 : memref<10240x80xf32, #tpu.memory_space<hbm>>) dst(%arg9 : memref<128x80xf32, #tpu.memory_space<vmem>>)
      %add3A_859 = arith.constant 1 : i32
      %add3A_860 = arith.addi %mul3A_852, %add3A_859 : i32
      %dma_start3A_861 = arith.constant 0 : i32
      %dma_start3A_862 = tpu.memref_slice %arg6[%add3A_860, %dma_start3A_861] : memref<79x128xi32, #tpu.memory_space<vmem>> -> memref<1x128xi32, #tpu.memory_space<vmem>>
      %dma_start3A_863 = tpu.memref_squeeze %dma_start3A_862 : memref<1x128xi32, #tpu.memory_space<vmem>> -> memref<128xi32, #tpu.memory_space<vmem>>
      %dma_start3A_864 = arith.constant 0 : i32
      %dma_start3A_865 = arith.constant 0 : i32
      %dma_start3A_866 = tpu.memref_slice %arg2[%dma_start3A_864, %dma_start3A_865] : memref<10240x80xf32, #tpu.memory_space<hbm>> -> memref<10240x80xf32, #tpu.memory_space<hbm>>
      tpu.enqueue_indirect_dma source(%dma_start3A_866 : memref<10240x80xf32, #tpu.memory_space<hbm>>) target(%arg10 : memref<128x80xf32, #tpu.memory_space<vmem>>) offsets(%dma_start3A_863 : memref<128xi32, #tpu.memory_space<vmem>>) semaphore(%arg13 : memref<!tpu.dma_semaphore, #tpu.memory_space<semaphore_mem>>)
      %dma_wait3A_867 = arith.constant 0 : i32
      %dma_wait3A_868 = arith.constant 0 : i32
      %dma_wait3A_869 = tpu.memref_slice %arg7[%dma_wait3A_867, %dma_wait3A_868] : memref<1x128xi32, #tpu.memory_space<vmem>> -> memref<1x128xi32, #tpu.memory_space<vmem>>
      %dma_wait3A_870 = tpu.memref_squeeze %dma_wait3A_869 : memref<1x128xi32, #tpu.memory_space<vmem>> -> memref<128xi32, #tpu.memory_space<vmem>>
      %dma_wait3A_871 = arith.constant 0 : i32
      %dma_wait3A_872 = tpu.memref_slice %arg4[%add3A, %mul3A_852, %dma_wait3A_871] : memref<32x79x128xi32, #tpu.memory_space<hbm>> -> memref<1x1x128xi32, #tpu.memory_space<hbm>>
      %dma_wait3A_873 = tpu.memref_squeeze %dma_wait3A_872 : memref<1x1x128xi32, #tpu.memory_space<hbm>> -> memref<128xi32, #tpu.memory_space<hbm>>
      %dma_wait3A_874 = arith.constant 0 : i32
      %dma_wait3A_875 = tpu.memref_slice %arg7[%dma_wait3A_867, %dma_wait3A_874] : memref<1x128xi32, #tpu.memory_space<vmem>> -> memref<1x128xi32, #tpu.memory_space<vmem>>
      %dma_wait3A_876 = tpu.memref_squeeze %dma_wait3A_875 : memref<1x128xi32, #tpu.memory_space<vmem>> -> memref<128xi32, #tpu.memory_space<vmem>>
      %dma_wait3A_877 = arith.constant 0 : i32
      %dma_wait3A_878 = tpu.memref_slice %arg4[%add3A, %mul3A_852, %dma_wait3A_877] : memref<32x79x128xi32, #tpu.memory_space<hbm>> -> memref<1x1x128xi32, #tpu.memory_space<hbm>>
      %dma_wait3A_879 = tpu.memref_squeeze %dma_wait3A_878 : memref<1x1x128xi32, #tpu.memory_space<hbm>> -> memref<128xi32, #tpu.memory_space<hbm>>
      tpu.wait_dma2 semaphore(%arg14 : memref<!tpu.dma_semaphore, #tpu.memory_space<semaphore_mem>>) src(%dma_wait3A_879 : memref<128xi32, #tpu.memory_space<hbm>>) dst(%dma_wait3A_876 : memref<128xi32, #tpu.memory_space<vmem>>)
      %add3A_880 = arith.constant 1 : i32
      %add3A_881 = arith.addi %mul3A_852, %add3A_880 : i32
      %dma_start3A_882 = arith.constant 0 : i32
      %dma_start3A_883 = arith.constant 0 : i32
      %dma_start3A_884 = tpu.memref_slice %arg8[%dma_start3A_882, %dma_start3A_883] : memref<1x128xi32, #tpu.memory_space<vmem>> -> memref<1x128xi32, #tpu.memory_space<vmem>>
      %dma_start3A_885 = tpu.memref_squeeze %dma_start3A_884 : memref<1x128xi32, #tpu.memory_space<vmem>> -> memref<128xi32, #tpu.memory_space<vmem>>
      %dma_start3A_886 = arith.constant 0 : i32
      %dma_start3A_887 = tpu.memref_slice %arg4[%add3A, %add3A_881, %dma_start3A_886] : memref<32x79x128xi32, #tpu.memory_space<hbm>> -> memref<1x1x128xi32, #tpu.memory_space<hbm>>
      %dma_start3A_888 = tpu.memref_squeeze %dma_start3A_887 : memref<1x1x128xi32, #tpu.memory_space<hbm>> -> memref<128xi32, #tpu.memory_space<hbm>>
      %dma_start3A_889 = arith.constant 0 : i32
      %dma_start3A_890 = tpu.memref_slice %arg8[%dma_start3A_882, %dma_start3A_889] : memref<1x128xi32, #tpu.memory_space<vmem>> -> memref<1x128xi32, #tpu.memory_space<vmem>>
      %dma_start3A_891 = tpu.memref_squeeze %dma_start3A_890 : memref<1x128xi32, #tpu.memory_space<vmem>> -> memref<128xi32, #tpu.memory_space<vmem>>
      %dma_start3A_892 = arith.constant 0 : i32
      %dma_start3A_893 = tpu.memref_slice %arg4[%add3A, %add3A_881, %dma_start3A_892] : memref<32x79x128xi32, #tpu.memory_space<hbm>> -> memref<1x1x128xi32, #tpu.memory_space<hbm>>
      %dma_start3A_894 = tpu.memref_squeeze %dma_start3A_893 : memref<1x1x128xi32, #tpu.memory_space<hbm>> -> memref<128xi32, #tpu.memory_space<hbm>>
      tpu.enqueue_dma source(%dma_start3A_894 : memref<128xi32, #tpu.memory_space<hbm>>) target(%dma_start3A_891 : memref<128xi32, #tpu.memory_space<vmem>>) target_semaphore(%arg14 : memref<!tpu.dma_semaphore, #tpu.memory_space<semaphore_mem>>)
      %run_scoped3A_895 = arith.constant 0 : i32
      "tpu.region"() ({
        %run_scoped3A_943 = tpu.sem_alloc : memref<!tpu.dma_semaphore, #tpu.memory_space<semaphore_mem>>
        %dma_start3A_944 = arith.constant 0 : i32
        %dma_start3A_945 = tpu.memref_slice %arg7[%run_scoped3A_895, %dma_start3A_944] : memref<1x128xi32, #tpu.memory_space<vmem>> -> memref<1x128xi32, #tpu.memory_space<vmem>>
        %dma_start3A_946 = tpu.memref_squeeze %dma_start3A_945 : memref<1x128xi32, #tpu.memory_space<vmem>> -> memref<128xi32, #tpu.memory_space<vmem>>
        %dma_start3A_947 = arith.constant 0 : i32
        %dma_start3A_948 = arith.constant 0 : i32
        %dma_start3A_949 = tpu.memref_slice %arg12[%dma_start3A_947, %dma_start3A_948] : memref<10240x80xf32, #tpu.memory_space<vmem_shared>> -> memref<10240x80xf32, #tpu.memory_space<vmem_shared>>
        tpu.enqueue_indirect_dma source(%arg9 : memref<128x80xf32, #tpu.memory_space<vmem>>) target(%dma_start3A_949 : memref<10240x80xf32, #tpu.memory_space<vmem_shared>>) offsets(%dma_start3A_946 : memref<128xi32, #tpu.memory_space<vmem>>) semaphore(%run_scoped3A_943 : memref<!tpu.dma_semaphore, #tpu.memory_space<semaphore_mem>>) {add = true}
        %dma_wait3A_950 = arith.constant 0 : i32
        %dma_wait3A_951 = tpu.memref_slice %arg7[%run_scoped3A_895, %dma_wait3A_950] : memref<1x128xi32, #tpu.memory_space<vmem>> -> memref<1x128xi32, #tpu.memory_space<vmem>>
        %dma_wait3A_952 = tpu.memref_squeeze %dma_wait3A_951 : memref<1x128xi32, #tpu.memory_space<vmem>> -> memref<128xi32, #tpu.memory_space<vmem>>
        %dma_wait3A_953 = arith.constant 0 : i32
        %dma_wait3A_954 = arith.constant 0 : i32
        %dma_wait3A_955 = tpu.memref_slice %arg12[%dma_wait3A_953, %dma_wait3A_954] : memref<10240x80xf32, #tpu.memory_space<vmem_shared>> -> memref<10240x80xf32, #tpu.memory_space<vmem_shared>>
        tpu.wait_indirect_dma semaphore(%run_scoped3A_943 : memref<!tpu.dma_semaphore, #tpu.memory_space<semaphore_mem>>) src(%arg9 : memref<128x80xf32, #tpu.memory_space<vmem>>) dst(%dma_wait3A_955 : memref<10240x80xf32, #tpu.memory_space<vmem_shared>>)
        tpu.yield
      }) : () -> ()
      %add3A_896 = arith.constant 1 : i32
      %add3A_897 = arith.addi %mul3A_852, %add3A_896 : i32
      %dma_wait3A_898 = arith.constant 0 : i32
      %dma_wait3A_899 = tpu.memref_slice %arg6[%add3A_897, %dma_wait3A_898] : memref<79x128xi32, #tpu.memory_space<vmem>> -> memref<1x128xi32, #tpu.memory_space<vmem>>
      %dma_wait3A_900 = tpu.memref_squeeze %dma_wait3A_899 : memref<1x128xi32, #tpu.memory_space<vmem>> -> memref<128xi32, #tpu.memory_space<vmem>>
      %dma_wait3A_901 = arith.constant 0 : i32
      %dma_wait3A_902 = arith.constant 0 : i32
      %dma_wait3A_903 = tpu.memref_slice %arg2[%dma_wait3A_901, %dma_wait3A_902] : memref<10240x80xf32, #tpu.memory_space<hbm>> -> memref<10240x80xf32, #tpu.memory_space<hbm>>
      tpu.wait_indirect_dma semaphore(%arg13 : memref<!tpu.dma_semaphore, #tpu.memory_space<semaphore_mem>>) src(%dma_wait3A_903 : memref<10240x80xf32, #tpu.memory_space<hbm>>) dst(%arg10 : memref<128x80xf32, #tpu.memory_space<vmem>>)
      %add3A_904 = arith.constant 2 : i32
      %add3A_905 = arith.addi %mul3A_852, %add3A_904 : i32
      %dma_start3A_906 = arith.constant 0 : i32
      %dma_start3A_907 = tpu.memref_slice %arg6[%add3A_905, %dma_start3A_906] : memref<79x128xi32, #tpu.memory_space<vmem>> -> memref<1x128xi32, #tpu.memory_space<vmem>>
      %dma_start3A_908 = tpu.memref_squeeze %dma_start3A_907 : memref<1x128xi32, #tpu.memory_space<vmem>> -> memref<128xi32, #tpu.memory_space<vmem>>
      %dma_start3A_909 = arith.constant 0 : i32
      %dma_start3A_910 = arith.constant 0 : i32
      %dma_start3A_911 = tpu.memref_slice %arg2[%dma_start3A_909, %dma_start3A_910] : memref<10240x80xf32, #tpu.memory_space<hbm>> -> memref<10240x80xf32, #tpu.memory_space<hbm>>
      tpu.enqueue_indirect_dma source(%dma_start3A_911 : memref<10240x80xf32, #tpu.memory_space<hbm>>) target(%arg9 : memref<128x80xf32, #tpu.memory_space<vmem>>) offsets(%dma_start3A_908 : memref<128xi32, #tpu.memory_space<vmem>>) semaphore(%arg13 : memref<!tpu.dma_semaphore, #tpu.memory_space<semaphore_mem>>)
      %add3A_912 = arith.constant 1 : i32
      %add3A_913 = arith.addi %mul3A_852, %add3A_912 : i32
      %dma_wait3A_914 = arith.constant 0 : i32
      %dma_wait3A_915 = arith.constant 0 : i32
      %dma_wait3A_916 = tpu.memref_slice %arg8[%dma_wait3A_914, %dma_wait3A_915] : memref<1x128xi32, #tpu.memory_space<vmem>> -> memref<1x128xi32, #tpu.memory_space<vmem>>
      %dma_wait3A_917 = tpu.memref_squeeze %dma_wait3A_916 : memref<1x128xi32, #tpu.memory_space<vmem>> -> memref<128xi32, #tpu.memory_space<vmem>>
      %dma_wait3A_918 = arith.constant 0 : i32
      %dma_wait3A_919 = tpu.memref_slice %arg4[%add3A, %add3A_913, %dma_wait3A_918] : memref<32x79x128xi32, #tpu.memory_space<hbm>> -> memref<1x1x128xi32, #tpu.memory_space<hbm>>
      %dma_wait3A_920 = tpu.memref_squeeze %dma_wait3A_919 : memref<1x1x128xi32, #tpu.memory_space<hbm>> -> memref<128xi32, #tpu.memory_space<hbm>>
      %dma_wait3A_921 = arith.constant 0 : i32
      %dma_wait3A_922 = tpu.memref_slice %arg8[%dma_wait3A_914, %dma_wait3A_921] : memref<1x128xi32, #tpu.memory_space<vmem>> -> memref<1x128xi32, #tpu.memory_space<vmem>>
      %dma_wait3A_923 = tpu.memref_squeeze %dma_wait3A_922 : memref<1x128xi32, #tpu.memory_space<vmem>> -> memref<128xi32, #tpu.memory_space<vmem>>
      %dma_wait3A_924 = arith.constant 0 : i32
      %dma_wait3A_925 = tpu.memref_slice %arg4[%add3A, %add3A_913, %dma_wait3A_924] : memref<32x79x128xi32, #tpu.memory_space<hbm>> -> memref<1x1x128xi32, #tpu.memory_space<hbm>>
      %dma_wait3A_926 = tpu.memref_squeeze %dma_wait3A_925 : memref<1x1x128xi32, #tpu.memory_space<hbm>> -> memref<128xi32, #tpu.memory_space<hbm>>
      tpu.wait_dma2 semaphore(%arg14 : memref<!tpu.dma_semaphore, #tpu.memory_space<semaphore_mem>>) src(%dma_wait3A_926 : memref<128xi32, #tpu.memory_space<hbm>>) dst(%dma_wait3A_923 : memref<128xi32, #tpu.memory_space<vmem>>)
      %add3A_927 = arith.constant 2 : i32
      %add3A_928 = arith.addi %mul3A_852, %add3A_927 : i32
      %dma_start3A_929 = arith.constant 0 : i32
      %dma_start3A_930 = arith.constant 0 : i32
      %dma_start3A_931 = tpu.memref_slice %arg7[%dma_start3A_929, %dma_start3A_930] : memref<1x128xi32, #tpu.memory_space<vmem>> -> memref<1x128xi32, #tpu.memory_space<vmem>>
      %dma_start3A_932 = tpu.memref_squeeze %dma_start3A_931 : memref<1x128xi32, #tpu.memory_space<vmem>> -> memref<128xi32, #tpu.memory_space<vmem>>
      %dma_start3A_933 = arith.constant 0 : i32
      %dma_start3A_934 = tpu.memref_slice %arg4[%add3A, %add3A_928, %dma_start3A_933] : memref<32x79x128xi32, #tpu.memory_space<hbm>> -> memref<1x1x128xi32, #tpu.memory_space<hbm>>
      %dma_start3A_935 = tpu.memref_squeeze %dma_start3A_934 : memref<1x1x128xi32, #tpu.memory_space<hbm>> -> memref<128xi32, #tpu.memory_space<hbm>>
      %dma_start3A_936 = arith.constant 0 : i32
      %dma_start3A_937 = tpu.memref_slice %arg7[%dma_start3A_929, %dma_start3A_936] : memref<1x128xi32, #tpu.memory_space<vmem>> -> memref<1x128xi32, #tpu.memory_space<vmem>>
      %dma_start3A_938 = tpu.memref_squeeze %dma_start3A_937 : memref<1x128xi32, #tpu.memory_space<vmem>> -> memref<128xi32, #tpu.memory_space<vmem>>
      %dma_start3A_939 = arith.constant 0 : i32
      %dma_start3A_940 = tpu.memref_slice %arg4[%add3A, %add3A_928, %dma_start3A_939] : memref<32x79x128xi32, #tpu.memory_space<hbm>> -> memref<1x1x128xi32, #tpu.memory_space<hbm>>
      %dma_start3A_941 = tpu.memref_squeeze %dma_start3A_940 : memref<1x1x128xi32, #tpu.memory_space<hbm>> -> memref<128xi32, #tpu.memory_space<hbm>>
      tpu.enqueue_dma source(%dma_start3A_941 : memref<128xi32, #tpu.memory_space<hbm>>) target(%dma_start3A_938 : memref<128xi32, #tpu.memory_space<vmem>>) target_semaphore(%arg14 : memref<!tpu.dma_semaphore, #tpu.memory_space<semaphore_mem>>)
      %run_scoped3A_942 = arith.constant 0 : i32
      "tpu.region"() ({
        %run_scoped3A_943 = tpu.sem_alloc : memref<!tpu.dma_semaphore, #tpu.memory_space<semaphore_mem>>
        %dma_start3A_944 = arith.constant 0 : i32
        %dma_start3A_945 = tpu.memref_slice %arg8[%run_scoped3A_942, %dma_start3A_944] : memref<1x128xi32, #tpu.memory_space<vmem>> -> memref<1x128xi32, #tpu.memory_space<vmem>>
        %dma_start3A_946 = tpu.memref_squeeze %dma_start3A_945 : memref<1x128xi32, #tpu.memory_space<vmem>> -> memref<128xi32, #tpu.memory_space<vmem>>
        %dma_start3A_947 = arith.constant 0 : i32
        %dma_start3A_948 = arith.constant 0 : i32
        %dma_start3A_949 = tpu.memref_slice %arg12[%dma_start3A_947, %dma_start3A_948] : memref<10240x80xf32, #tpu.memory_space<vmem_shared>> -> memref<10240x80xf32, #tpu.memory_space<vmem_shared>>
        tpu.enqueue_indirect_dma source(%arg10 : memref<128x80xf32, #tpu.memory_space<vmem>>) target(%dma_start3A_949 : memref<10240x80xf32, #tpu.memory_space<vmem_shared>>) offsets(%dma_start3A_946 : memref<128xi32, #tpu.memory_space<vmem>>) semaphore(%run_scoped3A_943 : memref<!tpu.dma_semaphore, #tpu.memory_space<semaphore_mem>>) {add = true}
        %dma_wait3A_950 = arith.constant 0 : i32
        %dma_wait3A_951 = tpu.memref_slice %arg8[%run_scoped3A_942, %dma_wait3A_950] : memref<1x128xi32, #tpu.memory_space<vmem>> -> memref<1x128xi32, #tpu.memory_space<vmem>>
        %dma_wait3A_952 = tpu.memref_squeeze %dma_wait3A_951 : memref<1x128xi32, #tpu.memory_space<vmem>> -> memref<128xi32, #tpu.memory_space<vmem>>
        %dma_wait3A_953 = arith.constant 0 : i32
        %dma_wait3A_954 = arith.constant 0 : i32
        %dma_wait3A_955 = tpu.memref_slice %arg12[%dma_wait3A_953, %dma_wait3A_954] : memref<10240x80xf32, #tpu.memory_space<vmem_shared>> -> memref<10240x80xf32, #tpu.memory_space<vmem_shared>>
        tpu.wait_indirect_dma semaphore(%run_scoped3A_943 : memref<!tpu.dma_semaphore, #tpu.memory_space<semaphore_mem>>) src(%arg10 : memref<128x80xf32, #tpu.memory_space<vmem>>) dst(%dma_wait3A_955 : memref<10240x80xf32, #tpu.memory_space<vmem_shared>>)
        tpu.yield
      }) : () -> ()
    }
    %scan3A_823 = arith.constant 39 : i32
    %dma_wait3A = arith.constant 78 : i32
    %dma_wait3A_824 = arith.constant 0 : i32
    %dma_wait3A_825 = tpu.memref_slice %arg6[%dma_wait3A, %dma_wait3A_824] : memref<79x128xi32, #tpu.memory_space<vmem>> -> memref<1x128xi32, #tpu.memory_space<vmem>>
    %dma_wait3A_826 = tpu.memref_squeeze %dma_wait3A_825 : memref<1x128xi32, #tpu.memory_space<vmem>> -> memref<128xi32, #tpu.memory_space<vmem>>
    %dma_wait3A_827 = arith.constant 0 : i32
    %dma_wait3A_828 = arith.constant 0 : i32
    %dma_wait3A_829 = tpu.memref_slice %arg2[%dma_wait3A_827, %dma_wait3A_828] : memref<10240x80xf32, #tpu.memory_space<hbm>> -> memref<10240x80xf32, #tpu.memory_space<hbm>>
    tpu.wait_indirect_dma semaphore(%arg13 : memref<!tpu.dma_semaphore, #tpu.memory_space<semaphore_mem>>) src(%dma_wait3A_829 : memref<10240x80xf32, #tpu.memory_space<hbm>>) dst(%arg9 : memref<128x80xf32, #tpu.memory_space<vmem>>)
    %dma_wait3A_830 = arith.constant 78 : i32
    %dma_wait3A_831 = arith.constant 0 : i32
    %dma_wait3A_832 = arith.constant 0 : i32
    %dma_wait3A_833 = tpu.memref_slice %arg7[%dma_wait3A_831, %dma_wait3A_832] : memref<1x128xi32, #tpu.memory_space<vmem>> -> memref<1x128xi32, #tpu.memory_space<vmem>>
    %dma_wait3A_834 = tpu.memref_squeeze %dma_wait3A_833 : memref<1x128xi32, #tpu.memory_space<vmem>> -> memref<128xi32, #tpu.memory_space<vmem>>
    %dma_wait3A_835 = arith.constant 0 : i32
    %dma_wait3A_836 = tpu.memref_slice %arg4[%add3A, %dma_wait3A_830, %dma_wait3A_835] : memref<32x79x128xi32, #tpu.memory_space<hbm>> -> memref<1x1x128xi32, #tpu.memory_space<hbm>>
    %dma_wait3A_837 = tpu.memref_squeeze %dma_wait3A_836 : memref<1x1x128xi32, #tpu.memory_space<hbm>> -> memref<128xi32, #tpu.memory_space<hbm>>
    %dma_wait3A_838 = arith.constant 0 : i32
    %dma_wait3A_839 = tpu.memref_slice %arg7[%dma_wait3A_831, %dma_wait3A_838] : memref<1x128xi32, #tpu.memory_space<vmem>> -> memref<1x128xi32, #tpu.memory_space<vmem>>
    %dma_wait3A_840 = tpu.memref_squeeze %dma_wait3A_839 : memref<1x128xi32, #tpu.memory_space<vmem>> -> memref<128xi32, #tpu.memory_space<vmem>>
    %dma_wait3A_841 = arith.constant 0 : i32
    %dma_wait3A_842 = tpu.memref_slice %arg4[%add3A, %dma_wait3A_830, %dma_wait3A_841] : memref<32x79x128xi32, #tpu.memory_space<hbm>> -> memref<1x1x128xi32, #tpu.memory_space<hbm>>
    %dma_wait3A_843 = tpu.memref_squeeze %dma_wait3A_842 : memref<1x1x128xi32, #tpu.memory_space<hbm>> -> memref<128xi32, #tpu.memory_space<hbm>>
    tpu.wait_dma2 semaphore(%arg14 : memref<!tpu.dma_semaphore, #tpu.memory_space<semaphore_mem>>) src(%dma_wait3A_843 : memref<128xi32, #tpu.memory_space<hbm>>) dst(%dma_wait3A_840 : memref<128xi32, #tpu.memory_space<vmem>>)
    %run_scoped3A = arith.constant 0 : i32
    "tpu.region"() ({
      %run_scoped3A_850 = tpu.sem_alloc : memref<!tpu.dma_semaphore, #tpu.memory_space<semaphore_mem>>
      %dma_start3A_851 = arith.constant 0 : i32
      %dma_start3A_852 = tpu.memref_slice %arg7[%run_scoped3A, %dma_start3A_851] : memref<1x128xi32, #tpu.memory_space<vmem>> -> memref<1x128xi32, #tpu.memory_space<vmem>>
      %dma_start3A_853 = tpu.memref_squeeze %dma_start3A_852 : memref<1x128xi32, #tpu.memory_space<vmem>> -> memref<128xi32, #tpu.memory_space<vmem>>
      %dma_start3A_854 = arith.constant 0 : i32
      %dma_start3A_855 = arith.constant 0 : i32
      %dma_start3A_856 = tpu.memref_slice %arg12[%dma_start3A_854, %dma_start3A_855] : memref<10240x80xf32, #tpu.memory_space<vmem_shared>> -> memref<10240x80xf32, #tpu.memory_space<vmem_shared>>
      tpu.enqueue_indirect_dma source(%arg9 : memref<128x80xf32, #tpu.memory_space<vmem>>) target(%dma_start3A_856 : memref<10240x80xf32, #tpu.memory_space<vmem_shared>>) offsets(%dma_start3A_853 : memref<128xi32, #tpu.memory_space<vmem>>) semaphore(%run_scoped3A_850 : memref<!tpu.dma_semaphore, #tpu.memory_space<semaphore_mem>>) {add = true}
      %dma_wait3A_857 = arith.constant 0 : i32
      %dma_wait3A_858 = tpu.memref_slice %arg7[%run_scoped3A, %dma_wait3A_857] : memref<1x128xi32, #tpu.memory_space<vmem>> -> memref<1x128xi32, #tpu.memory_space<vmem>>
      %dma_wait3A_859 = tpu.memref_squeeze %dma_wait3A_858 : memref<1x128xi32, #tpu.memory_space<vmem>> -> memref<128xi32, #tpu.memory_space<vmem>>
      %dma_wait3A_860 = arith.constant 0 : i32
      %dma_wait3A_861 = arith.constant 0 : i32
      %dma_wait3A_862 = tpu.memref_slice %arg12[%dma_wait3A_860, %dma_wait3A_861] : memref<10240x80xf32, #tpu.memory_space<vmem_shared>> -> memref<10240x80xf32, #tpu.memory_space<vmem_shared>>
      tpu.wait_indirect_dma semaphore(%run_scoped3A_850 : memref<!tpu.dma_semaphore, #tpu.memory_space<semaphore_mem>>) src(%arg9 : memref<128x80xf32, #tpu.memory_space<vmem>>) dst(%dma_wait3A_862 : memref<10240x80xf32, #tpu.memory_space<vmem_shared>>)
      tpu.yield
    }) : () -> ()
    %barrier3A_844 = arith.constant 0 : index
    tpu.barrier barrier_id(%barrier3A_844)
    %mul3A_845 = arith.constant 640 : i32
    %mul3A_846 = arith.muli %arg1, %mul3A_845 : i32
    %mul3A_847 = arith.constant 10240 : i32
    %mul3A_848 = arith.muli %arg0, %mul3A_847 : i32
    %add3A_849 = arith.addi %mul3A_848, %mul3A_846 : i32
    "tpu.region"() ({
      %run_scoped3A_850 = tpu.sem_alloc : memref<!tpu.dma_semaphore, #tpu.memory_space<semaphore_mem>>
      %dma_start3A_851 = arith.constant 0 : i32
      %dma_start3A_852 = tpu.memref_slice %arg5[%add3A_849, %dma_start3A_851] : memref<20480x80xf32, #tpu.memory_space<hbm>> -> memref<640x80xf32, #tpu.memory_space<hbm>>
      %dma_start3A_853 = arith.constant 0 : i32
      %dma_start3A_854 = tpu.memref_slice %arg12[%mul3A_846, %dma_start3A_853] : memref<10240x80xf32, #tpu.memory_space<vmem_shared>> -> memref<640x80xf32, #tpu.memory_space<vmem_shared>>
      tpu.enqueue_dma source(%dma_start3A_854 : memref<640x80xf32, #tpu.memory_space<vmem_shared>>) target(%dma_start3A_852 : memref<640x80xf32, #tpu.memory_space<hbm>>) target_semaphore(%run_scoped3A_850 : memref<!tpu.dma_semaphore, #tpu.memory_space<semaphore_mem>>)
      %dma_wait3A_855 = arith.constant 0 : i32
      %dma_wait3A_856 = tpu.memref_slice %arg5[%add3A_849, %dma_wait3A_855] : memref<20480x80xf32, #tpu.memory_space<hbm>> -> memref<640x80xf32, #tpu.memory_space<hbm>>
      %dma_wait3A_857 = arith.constant 0 : i32
      %dma_wait3A_858 = tpu.memref_slice %arg12[%mul3A_846, %dma_wait3A_857] : memref<10240x80xf32, #tpu.memory_space<vmem_shared>> -> memref<640x80xf32, #tpu.memory_space<vmem_shared>>
      tpu.wait_dma2 semaphore(%run_scoped3A_850 : memref<!tpu.dma_semaphore, #tpu.memory_space<semaphore_mem>>) src(%dma_wait3A_858 : memref<640x80xf32, #tpu.memory_space<vmem_shared>>) dst(%dma_wait3A_856 : memref<640x80xf32, #tpu.memory_space<hbm>>)
      tpu.yield
    }) : () -> ()
    return
  }
}

module attributes {stable_mosaic.version = 14 : i64} {
  func.func @_tc_lin1_body(%arg0: i32, %arg1: memref<512x128xf32, #tpu.memory_space<vmem>>, %arg2: memref<128x80xf32, #tpu.memory_space<vmem>>, %arg3: memref<512x2xf32, #tpu.memory_space<vmem>>, %arg4: memref<512x80xf32, #tpu.memory_space<vmem>>) attributes {dimension_semantics = [#tpu.dimension_semantics<arbitrary>], iteration_bounds = array<i64: 20>, scalar_prefetch = 0 : i64, scratch_operands = 0 : i64, tpu.core_type = #tpu.core_type<tc>, window_params = [{transform_indices = @transform_0, window_bounds = array<i64: 512, 128>}, {pipeline_mode = #tpu.pipeline_mode<synchronous>, transform_indices = @transform_1, window_bounds = array<i64: 128, 80>}, {transform_indices = @transform_2, window_bounds = array<i64: 512, 2>}, {transform_indices = @transform_3, window_bounds = array<i64: 512, 80>}]} {
    %get3A = arith.constant 0 : index
    %get3A_0 = arith.constant 0 : index
    %get3A_1 = vector.load %arg3[%get3A, %get3A_0] : memref<512x2xf32, #tpu.memory_space<vmem>>, vector<512x1xf32>
    %get3A_2 = vector.shape_cast %get3A_1 : vector<512x1xf32> to vector<512xf32>
    %get3A_3 = arith.constant 0 : index
    %get3A_4 = arith.constant 1 : index
    %get3A_5 = vector.load %arg3[%get3A_3, %get3A_4] : memref<512x2xf32, #tpu.memory_space<vmem>>, vector<512x1xf32>
    %get3A_6 = vector.shape_cast %get3A_5 : vector<512x1xf32> to vector<512xf32>
    %add3A = arith.addf %get3A_2, %get3A_6 : vector<512xf32>
    %add3A_7 = arith.constant 1.000000e+00 : f32
    %add3A_8 = vector.broadcast %add3A_7 : f32 to vector<512xf32>
    %add3A_9 = arith.addf %add3A, %add3A_8 : vector<512xf32>
    %rsqrt3A = math.rsqrt %add3A_9 : vector<512xf32>
    %broadcast_in_dim3A = vector.shape_cast %rsqrt3A : vector<512xf32> to vector<512x1xf32>
    %get3A_10 = arith.constant 0 : index
    %get3A_11 = arith.constant 0 : index
    %get3A_12 = vector.load %arg1[%get3A_10, %get3A_11] : memref<512x128xf32, #tpu.memory_space<vmem>>, vector<512x128xf32>
    %get3A_13 = arith.constant 0 : index
    %get3A_14 = arith.constant 0 : index
    %get3A_15 = vector.load %arg2[%get3A_13, %get3A_14] : memref<128x80xf32, #tpu.memory_space<vmem>>, vector<128x80xf32>
    %dot_general3A = arith.constant dense<0.000000e+00> : vector<512x80xf32>
    %dot_general3A_16 = tpu.matmul %get3A_12, %get3A_15, %dot_general3A {dimension_numbers = #tpu.dot_dimension_numbers<[1], [0], [0], [1], [0, 0, 1, 1], [], []>, transpose_lhs_hint = false} : vector<512x128xf32>, vector<128x80xf32>, vector<512x80xf32> -> vector<512x80xf32>
    %mul3A = vector.broadcast %broadcast_in_dim3A : vector<512x1xf32> to vector<512x80xf32>
    %mul3A_17 = arith.mulf %dot_general3A_16, %mul3A : vector<512x80xf32>
    %swap3A = arith.constant 0 : index
    %swap3A_18 = arith.constant 0 : index
    %swap3A_19 = vector.load %arg4[%swap3A, %swap3A_18] : memref<512x80xf32, #tpu.memory_space<vmem>>, vector<512x80xf32>
    tpu.vector_store %arg4[%swap3A, %swap3A_18], %mul3A_17 {strides = array<i32>} : memref<512x80xf32, #tpu.memory_space<vmem>>, vector<512x80xf32>,
    return
  }
  func.func @transform_0(%arg0: i32) -> (i32, i32) {
    %c0_i32 = arith.constant 0 : i32
    %c0_i32_0 = arith.constant 0 : i32
    return %arg0, %c0_i32 : i32, i32
  }
  func.func @transform_1(%arg0: i32) -> (i32, i32) {
    %c0_i32 = arith.constant 0 : i32
    %c0_i32_0 = arith.constant 0 : i32
    %c0_i32_1 = arith.constant 0 : i32
    return %c0_i32, %c0_i32_0 : i32, i32
  }
  func.func @transform_2(%arg0: i32) -> (i32, i32) {
    %c0_i32 = arith.constant 0 : i32
    %c0_i32_0 = arith.constant 0 : i32
    return %arg0, %c0_i32 : i32, i32
  }
  func.func @transform_3(%arg0: i32) -> (i32, i32) {
    %c0_i32 = arith.constant 0 : i32
    %c0_i32_0 = arith.constant 0 : i32
    return %arg0, %c0_i32 : i32, i32
  }
}

module attributes {stable_mosaic.version = 14 : i64} {
  func.func @_tc_mid_body(%arg0: i32, %arg1: memref<512x80xf32, #tpu.memory_space<vmem>>, %arg2: memref<512x80xf32, #tpu.memory_space<vmem>>, %arg3: memref<512x80xf32, #tpu.memory_space<vmem>>, %arg4: memref<512x2xf32, #tpu.memory_space<vmem>>, %arg5: memref<1x80xf32, #tpu.memory_space<vmem>>, %arg6: memref<80x128xf32, #tpu.memory_space<vmem>>, %arg7: memref<512x128xf32, #tpu.memory_space<vmem>>) attributes {dimension_semantics = [#tpu.dimension_semantics<arbitrary>], iteration_bounds = array<i64: 20>, scalar_prefetch = 0 : i64, scratch_operands = 0 : i64, tpu.core_type = #tpu.core_type<tc>, window_params = [{transform_indices = @transform_0, window_bounds = array<i64: 512, 80>}, {transform_indices = @transform_1, window_bounds = array<i64: 512, 80>}, {transform_indices = @transform_2, window_bounds = array<i64: 512, 80>}, {transform_indices = @transform_3, window_bounds = array<i64: 512, 2>}, {pipeline_mode = #tpu.pipeline_mode<synchronous>, transform_indices = @transform_4, window_bounds = array<i64: 1, 80>}, {pipeline_mode = #tpu.pipeline_mode<synchronous>, transform_indices = @transform_5, window_bounds = array<i64: 80, 128>}, {transform_indices = @transform_6, window_bounds = array<i64: 512, 128>}]} {
    %get3A = arith.constant 0 : index
    %get3A_0 = arith.constant 0 : index
    %get3A_1 = vector.load %arg4[%get3A, %get3A_0] : memref<512x2xf32, #tpu.memory_space<vmem>>, vector<512x1xf32>
    %get3A_2 = vector.shape_cast %get3A_1 : vector<512x1xf32> to vector<512xf32>
    %get3A_3 = arith.constant 0 : index
    %get3A_4 = arith.constant 1 : index
    %get3A_5 = vector.load %arg4[%get3A_3, %get3A_4] : memref<512x2xf32, #tpu.memory_space<vmem>>, vector<512x1xf32>
    %get3A_6 = vector.shape_cast %get3A_5 : vector<512x1xf32> to vector<512xf32>
    %add3A = arith.addf %get3A_2, %get3A_6 : vector<512xf32>
    %add3A_7 = arith.constant 1.000000e+00 : f32
    %add3A_8 = vector.broadcast %add3A_7 : f32 to vector<512xf32>
    %add3A_9 = arith.addf %add3A, %add3A_8 : vector<512xf32>
    %rsqrt3A = math.rsqrt %add3A_9 : vector<512xf32>
    %broadcast_in_dim3A = vector.shape_cast %rsqrt3A : vector<512xf32> to vector<512x1xf32>
    %get3A_10 = arith.constant 0 : index
    %get3A_11 = arith.constant 0 : index
    %get3A_12 = vector.load %arg1[%get3A_10, %get3A_11] : memref<512x80xf32, #tpu.memory_space<vmem>>, vector<512x80xf32>
    %get3A_13 = arith.constant 0 : index
    %get3A_14 = arith.constant 0 : index
    %get3A_15 = vector.load %arg2[%get3A_13, %get3A_14] : memref<512x80xf32, #tpu.memory_space<vmem>>, vector<512x80xf32>
    %add3A_16 = arith.addf %get3A_12, %get3A_15 : vector<512x80xf32>
    %get3A_17 = arith.constant 0 : index
    %get3A_18 = arith.constant 0 : index
    %get3A_19 = vector.load %arg3[%get3A_17, %get3A_18] : memref<512x80xf32, #tpu.memory_space<vmem>>, vector<512x80xf32>
    %add3A_20 = arith.addf %add3A_16, %get3A_19 : vector<512x80xf32>
    %mul3A = vector.broadcast %broadcast_in_dim3A : vector<512x1xf32> to vector<512x80xf32>
    %mul3A_21 = arith.mulf %mul3A, %add3A_20 : vector<512x80xf32>
    %get3A_22 = arith.constant 0 : index
    %get3A_23 = arith.constant 0 : index
    %get3A_24 = vector.load %arg5[%get3A_22, %get3A_23] : memref<1x80xf32, #tpu.memory_space<vmem>>, vector<1x80xf32>
    %add3A_25 = vector.broadcast %get3A_24 : vector<1x80xf32> to vector<512x80xf32>
    %add3A_26 = arith.addf %mul3A_21, %add3A_25 : vector<512x80xf32>
    %max3A = arith.constant 0.000000e+00 : f32
    %max3A_27 = vector.broadcast %max3A : f32 to vector<512x80xf32>
    %max3A_28 = arith.maximumf %add3A_26, %max3A_27 : vector<512x80xf32>
    %get3A_29 = arith.constant 0 : index
    %get3A_30 = arith.constant 0 : index
    %get3A_31 = vector.load %arg6[%get3A_29, %get3A_30] : memref<80x128xf32, #tpu.memory_space<vmem>>, vector<80x128xf32>
    %dot_general3A = arith.constant dense<0.000000e+00> : vector<512x128xf32>
    %dot_general3A_32 = tpu.matmul %max3A_28, %get3A_31, %dot_general3A {dimension_numbers = #tpu.dot_dimension_numbers<[1], [0], [0], [1], [0, 0, 1, 1], [], []>, transpose_lhs_hint = false} : vector<512x80xf32>, vector<80x128xf32>, vector<512x128xf32> -> vector<512x128xf32>
    %mul3A_33 = vector.broadcast %broadcast_in_dim3A : vector<512x1xf32> to vector<512x128xf32>
    %mul3A_34 = arith.mulf %dot_general3A_32, %mul3A_33 : vector<512x128xf32>
    %swap3A = arith.constant 0 : index
    %swap3A_35 = arith.constant 0 : index
    %swap3A_36 = vector.load %arg7[%swap3A, %swap3A_35] : memref<512x128xf32, #tpu.memory_space<vmem>>, vector<512x128xf32>
    tpu.vector_store %arg7[%swap3A, %swap3A_35], %mul3A_34 {strides = array<i32>} : memref<512x128xf32, #tpu.memory_space<vmem>>, vector<512x128xf32>,
    return
  }
  func.func @transform_0(%arg0: i32) -> (i32, i32) {
    %c0_i32 = arith.constant 0 : i32
    %c0_i32_0 = arith.constant 0 : i32
    return %arg0, %c0_i32 : i32, i32
  }
  func.func @transform_1(%arg0: i32) -> (i32, i32) {
    %c0_i32 = arith.constant 0 : i32
    %c0_i32_0 = arith.constant 0 : i32
    return %arg0, %c0_i32 : i32, i32
  }
  func.func @transform_2(%arg0: i32) -> (i32, i32) {
    %c0_i32 = arith.constant 0 : i32
    %c0_i32_0 = arith.constant 0 : i32
    return %arg0, %c0_i32 : i32, i32
  }
  func.func @transform_3(%arg0: i32) -> (i32, i32) {
    %c0_i32 = arith.constant 0 : i32
    %c0_i32_0 = arith.constant 0 : i32
    return %arg0, %c0_i32 : i32, i32
  }
  func.func @transform_4(%arg0: i32) -> (i32, i32) {
    %c0_i32 = arith.constant 0 : i32
    %c0_i32_0 = arith.constant 0 : i32
    %c0_i32_1 = arith.constant 0 : i32
    return %c0_i32, %c0_i32_0 : i32, i32
  }
  func.func @transform_5(%arg0: i32) -> (i32, i32) {
    %c0_i32 = arith.constant 0 : i32
    %c0_i32_0 = arith.constant 0 : i32
    %c0_i32_1 = arith.constant 0 : i32
    return %c0_i32, %c0_i32_0 : i32, i32
  }
  func.func @transform_6(%arg0: i32) -> (i32, i32) {
    %c0_i32 = arith.constant 0 : i32
    %c0_i32_0 = arith.constant 0 : i32
    return %arg0, %c0_i32 : i32, i32
  }
}

module attributes {stable_mosaic.version = 14 : i64} {
  func.func @_tc_out_body(%arg0: i32, %arg1: memref<512x128xf32, #tpu.memory_space<vmem>>, %arg2: memref<512x128xf32, #tpu.memory_space<vmem>>, %arg3: memref<512x128xf32, #tpu.memory_space<vmem>>, %arg4: memref<512x2xf32, #tpu.memory_space<vmem>>, %arg5: memref<1x128xf32, #tpu.memory_space<vmem>>, %arg6: memref<512x128xf32, #tpu.memory_space<vmem>>) attributes {dimension_semantics = [#tpu.dimension_semantics<arbitrary>], iteration_bounds = array<i64: 20>, scalar_prefetch = 0 : i64, scratch_operands = 0 : i64, tpu.core_type = #tpu.core_type<tc>, window_params = [{transform_indices = @transform_0, window_bounds = array<i64: 512, 128>}, {transform_indices = @transform_1, window_bounds = array<i64: 512, 128>}, {transform_indices = @transform_2, window_bounds = array<i64: 512, 128>}, {transform_indices = @transform_3, window_bounds = array<i64: 512, 2>}, {pipeline_mode = #tpu.pipeline_mode<synchronous>, transform_indices = @transform_4, window_bounds = array<i64: 1, 128>}, {transform_indices = @transform_5, window_bounds = array<i64: 512, 128>}]} {
    %get3A = arith.constant 0 : index
    %get3A_0 = arith.constant 0 : index
    %get3A_1 = vector.load %arg4[%get3A, %get3A_0] : memref<512x2xf32, #tpu.memory_space<vmem>>, vector<512x1xf32>
    %get3A_2 = vector.shape_cast %get3A_1 : vector<512x1xf32> to vector<512xf32>
    %get3A_3 = arith.constant 0 : index
    %get3A_4 = arith.constant 1 : index
    %get3A_5 = vector.load %arg4[%get3A_3, %get3A_4] : memref<512x2xf32, #tpu.memory_space<vmem>>, vector<512x1xf32>
    %get3A_6 = vector.shape_cast %get3A_5 : vector<512x1xf32> to vector<512xf32>
    %add3A = arith.addf %get3A_2, %get3A_6 : vector<512xf32>
    %add3A_7 = arith.constant 1.000000e+00 : f32
    %add3A_8 = vector.broadcast %add3A_7 : f32 to vector<512xf32>
    %add3A_9 = arith.addf %add3A, %add3A_8 : vector<512xf32>
    %rsqrt3A = math.rsqrt %add3A_9 : vector<512xf32>
    %broadcast_in_dim3A = vector.shape_cast %rsqrt3A : vector<512xf32> to vector<512x1xf32>
    %get3A_10 = arith.constant 0 : index
    %get3A_11 = arith.constant 0 : index
    %get3A_12 = vector.load %arg1[%get3A_10, %get3A_11] : memref<512x128xf32, #tpu.memory_space<vmem>>, vector<512x128xf32>
    %get3A_13 = arith.constant 0 : index
    %get3A_14 = arith.constant 0 : index
    %get3A_15 = vector.load %arg2[%get3A_13, %get3A_14] : memref<512x128xf32, #tpu.memory_space<vmem>>, vector<512x128xf32>
    %add3A_16 = arith.addf %get3A_12, %get3A_15 : vector<512x128xf32>
    %get3A_17 = arith.constant 0 : index
    %get3A_18 = arith.constant 0 : index
    %get3A_19 = vector.load %arg3[%get3A_17, %get3A_18] : memref<512x128xf32, #tpu.memory_space<vmem>>, vector<512x128xf32>
    %add3A_20 = arith.addf %add3A_16, %get3A_19 : vector<512x128xf32>
    %mul3A = vector.broadcast %broadcast_in_dim3A : vector<512x1xf32> to vector<512x128xf32>
    %mul3A_21 = arith.mulf %mul3A, %add3A_20 : vector<512x128xf32>
    %get3A_22 = arith.constant 0 : index
    %get3A_23 = arith.constant 0 : index
    %get3A_24 = vector.load %arg5[%get3A_22, %get3A_23] : memref<1x128xf32, #tpu.memory_space<vmem>>, vector<1x128xf32>
    %add3A_25 = vector.broadcast %get3A_24 : vector<1x128xf32> to vector<512x128xf32>
    %add3A_26 = arith.addf %mul3A_21, %add3A_25 : vector<512x128xf32>
    %reduce_max3A = arith.constant dense<0xFF800000> : vector<512xf32>
    %reduce_max3A_27 = vector.multi_reduction <maximumf>, %add3A_26, %reduce_max3A [1] : vector<512x128xf32> to vector<512xf32>
    %broadcast_in_dim3A_28 = vector.shape_cast %reduce_max3A_27 : vector<512xf32> to vector<512x1xf32>
    %sub3A = vector.broadcast %broadcast_in_dim3A_28 : vector<512x1xf32> to vector<512x128xf32>
    %sub3A_29 = arith.subf %add3A_26, %sub3A : vector<512x128xf32>
    %exp3A = math.exp %sub3A_29 : vector<512x128xf32>
    %reduce_sum3A = arith.constant dense<0.000000e+00> : vector<512xf32>
    %reduce_sum3A_30 = vector.multi_reduction <add>, %exp3A, %reduce_sum3A [1] : vector<512x128xf32> to vector<512xf32>
    %broadcast_in_dim3A_31 = vector.shape_cast %reduce_sum3A_30 : vector<512xf32> to vector<512x1xf32>
    %log3A = math.log %broadcast_in_dim3A_31 : vector<512x1xf32>
    %add3A_32 = arith.addf %broadcast_in_dim3A_28, %log3A : vector<512x1xf32>
    %sub3A_33 = vector.broadcast %add3A_32 : vector<512x1xf32> to vector<512x128xf32>
    %sub3A_34 = arith.subf %add3A_26, %sub3A_33 : vector<512x128xf32>
    %swap3A = arith.constant 0 : index
    %swap3A_35 = arith.constant 0 : index
    %swap3A_36 = vector.load %arg6[%swap3A, %swap3A_35] : memref<512x128xf32, #tpu.memory_space<vmem>>, vector<512x128xf32>
    tpu.vector_store %arg6[%swap3A, %swap3A_35], %sub3A_34 {strides = array<i32>} : memref<512x128xf32, #tpu.memory_space<vmem>>, vector<512x128xf32>,
    return
  }
  func.func @transform_0(%arg0: i32) -> (i32, i32) {
    %c0_i32 = arith.constant 0 : i32
    %c0_i32_0 = arith.constant 0 : i32
    return %arg0, %c0_i32 : i32, i32
  }
  func.func @transform_1(%arg0: i32) -> (i32, i32) {
    %c0_i32 = arith.constant 0 : i32
    %c0_i32_0 = arith.constant 0 : i32
    return %arg0, %c0_i32 : i32, i32
  }
  func.func @transform_2(%arg0: i32) -> (i32, i32) {
    %c0_i32 = arith.constant 0 : i32
    %c0_i32_0 = arith.constant 0 : i32
    return %arg0, %c0_i32 : i32, i32
  }
  func.func @transform_3(%arg0: i32) -> (i32, i32) {
    %c0_i32 = arith.constant 0 : i32
    %c0_i32_0 = arith.constant 0 : i32
    return %arg0, %c0_i32 : i32, i32
  }
  func.func @transform_4(%arg0: i32) -> (i32, i32) {
    %c0_i32 = arith.constant 0 : i32
    %c0_i32_0 = arith.constant 0 : i32
    %c0_i32_1 = arith.constant 0 : i32
    return %c0_i32, %c0_i32_0 : i32, i32
  }
  func.func @transform_5(%arg0: i32) -> (i32, i32) {
    %c0_i32 = arith.constant 0 : i32
    %c0_i32_0 = arith.constant 0 : i32
    return %arg0, %c0_i32 : i32, i32
  }
}

</mosaic_0001>

<sc_bundles>
// kernel: _run.11.cloned.1.call-start
scs
__scs_entry_jumppad:
0x0: {  	(pc) =	sbr.rel $0x88, $3  }
0x1: {  	(tag) =	ssettag $0x0;
	lr =	simm.s32 $0x1  }
0x2: {  	[smem:$0x3F9B] =	sst lr;
	_ =	strace $0xD0000000  }
0x3: {  	_ = 	snop  }
0x4: {  	_ = 	snop  }
0x5: {  	_ = 	snop  }
0x6: {  	_ = 	snop  }
0x7: {  	_ = 	snop  }
__scs_overlays_trampoline_lowered:
0x8: {  	[smem:$0x3FAA] =	sst s0  }
0x9: {  	[smem:$0x3FAB] =	sst s1  }
0xa: {  	[smem:$0x3FAC] =	sst s2  }
0xb: {  	[smem:$0x3FAD] =	sst s3  }
0xc: {  	[smem:$0x3FAE] =	sst s4  }
0xd: {  	[smem:$0x3FAF] =	sst s5  }
0xe: {  	[smem:$0x3FB0] =	sst s6  }
0xf: {  	[smem:$0x3FB1] =	sst s7  }
0x10: {  	[smem:$0x3FB2] =	sst s8  }
0x11: {  	[smem:$0x3FB3] =	sst s9;
	s0 =	simm.s32 @!p0 $0x0  }
0x12: {  	s1 =	sld [smem:$0x3F99];
	s0 =	simm.s32 @p0 $0x1  }
0x13: {  	[smem:$0x3FB4] =	sst s0;
	s0 =	simm.s32 @!p1 $0x0  }
0x14: {  	s2 =	sld [smem:$0x3F98];
	s0 =	simm.s32 @p1 $0x1  }
0x15: {  	[smem:$0x3FB5] =	sst s0;
	s0 =	simm.s32 @!p2 $0x0  }
0x16: {  	s3 =	sld [smem:$0x3FDB];
	s0 =	simm.s32 @p2 $0x1  }
0x17: {  	s4 =	simm.s32 $0x1BF5;
	[smem:$0x3FB7] =	sst s0  }
0x18: {  	s0 =	sld [smem:$0x3F9A];
	_ =	swait.ge [sflag:s4], $0x0  }
0x19: {  	s7 =	sld [smem:$0x3F9B]  }
0x1a: {  	s8 =	sadd.s32 $0xFFFFE003, lr  }
0x1b: {  	s9 =	sadd.s32 $0xFFFFFEF7, lr;
	s5 =	simm.s32 $0xFFFFFFFF;
	p2 =	slt.u32 s8, $0xFFFFF086  }
0x1c: {  	p1 =	slt.u32 s9, $0xF7A;
	s5 =	simm.s32 @!p2 $0x0  }
0x1d: {  	s5 =	simm.s32 @p1 $0x1;
	p0 =	seq.s32 s7, s2  }
0x1e: {  	s7 =	smul.u32 @!p0 $0xF7A, s2;
	p2 =	seq.s32 @!p0 s5, $0x0  }
0x1f: {  	s9 =	smul.u32 $0xF7A, s1;
	s8 =	simm.s32 @!p0 $0x1BF5;
	p2 =	por !p2, p0  }
0x20: {  	[sflag:s8] =	ssyncset.s32 @!p0 $0xFFFFF086;
	s6 =	sadd.s32 @!p0 s3, s7;
	s7 =	simm.s32 @!p0 $0x108  }
0x21: {  	s3 =	sadd.s32 s3, s9;
	s6 =	sadd.s32 @!p0 $0x88, s6;
	s7 =	simm.s32 @p2 $0x1082  }
0x22: {  	[simem:s7], [sflag:s8] =	dma.local @!p0 [hbm:s6], $0xF7A  }
0x23: {  	s9 =	sor.u32 $0xD0000000, s2;
	s6 =	simm.s32 $0x108;
	_ =	swait.ge @!p0 [sflag:s8], $0x0  }
0x24: {  	s3 =	sadd.s32 $0x88, s3;
	s6 =	simm.s32 @!p1 $0x1082;
	[sflag:s4] =	ssyncset.s32 $0xFFFFF086  }
0x25: {  	[simem:s6], [sflag:s4] =	dma.local [hbm:s3], $0xF7A  }
0x26: {  	[smem:$0x3F9B] =	sst s1;
	(tag) =	ssettag s2;
	_ =	strace s9  }
0x27: {  	s1 =	sld [smem:$0x3FAB]  }
0x28: {  	s2 =	sld [smem:$0x3FAC]  }
0x29: {  	s4 =	sld [smem:$0x3FAE]  }
0x2a: {  	p0 =	seq.s32 s5, $0x0;
	s5 =	sld [smem:$0x3FAF]  }
0x2b: {  	s6 =	sld [smem:$0x3FB0]  }
0x2c: {  	s7 =	sld [smem:$0x3FB1]  }
0x2d: {  	s3 =	simm.s32 $0x108;
	s8 =	sld [smem:$0x3FB2]  }
0x2e: {  	s3 =	simm.s32 @!p0 $0x1082;
	s9 =	sld [smem:$0x3FB3]  }
0x2f: {  	lr =	sadd.s32 s0, s3;
	s0 =	sld [smem:$0x3FAA]  }
0x30: {  	s3 =	sld [smem:$0x3FAD]  }
0x31: {  	[smem:$0x3FB6] =	sst s10  }
0x32: {  	s10 =	sld [smem:$0x3FB4];
	_ =	sdelay $0x3  }
0x33: {  	p0 =	seq.s32 s10, $0x1;
	s10 =	sld [smem:$0x3FB6];
	_ =	sdelay $0x3  }
0x34: {  	[smem:$0x3FB6] =	sst s10  }
0x35: {  	s10 =	sld [smem:$0x3FB5];
	_ =	sdelay $0x3  }
0x36: {  	p1 =	seq.s32 s10, $0x1;
	s10 =	sld [smem:$0x3FB6];
	_ =	sdelay $0x3  }
0x37: {  	[smem:$0x3FB6] =	sst s10  }
0x38: {  	s10 =	sld [smem:$0x3FB7]  }
0x39: {  	_ = 	snop;
	(pc) =	sbr.ind lr, $3  }
0x3a: {  	_ = 	snop  }
0x3b: {  	_ = 	snop  }
0x3c: {  	p2 =	seq.s32 s10, $0x1;
	s10 =	sld [smem:$0x3FB6]  }
0x3d: {  	_ =	shalt  }
0x3e: {  	_ =	shalt  }
0x3f: {  	_ =	shalt  }
0x40: {  	_ =	shalt  }
0x41: {  	_ =	shalt  }
0x42: {  	_ =	shalt  }
0x43: {  	_ =	shalt  }
0x44: {  	_ =	shalt  }
0x45: {  	_ =	shalt  }
0x46: {  	_ =	shalt  }
0x47: {  	_ =	shalt  }
0x48: {  	_ =	shalt  }
0x49: {  	_ =	shalt  }
0x4a: {  	_ =	shalt  }
0x4b: {  	_ =	shalt  }
0x4c: {  	_ =	shalt  }
0x4d: {  	_ =	shalt  }
0x4e: {  	_ =	shalt  }
0x4f: {  	_ =	shalt  }
0x50: {  	_ =	shalt  }
0x51: {  	_ =	shalt  }
0x52: {  	_ =	shalt  }
0x53: {  	_ =	shalt  }
0x54: {  	_ =	shalt  }
0x55: {  	_ =	shalt  }
0x56: {  	_ =	shalt  }
0x57: {  	_ =	shalt  }
0x58: {  	_ =	shalt  }
0x59: {  	_ =	shalt  }
0x5a: {  	_ =	shalt  }
0x5b: {  	_ =	shalt  }
0x5c: {  	_ =	shalt  }
0x5d: {  	_ =	shalt  }
0x5e: {  	_ =	shalt  }
0x5f: {  	_ =	shalt  }
0x60: {  	_ =	shalt  }
0x61: {  	_ =	shalt  }
0x62: {  	_ =	shalt  }
0x63: {  	_ =	shalt  }
0x64: {  	_ =	shalt  }
0x65: {  	_ =	shalt  }
0x66: {  	_ =	shalt  }
0x67: {  	_ =	shalt  }
0x68: {  	_ =	shalt  }
0x69: {  	_ =	shalt  }
0x6a: {  	_ =	shalt  }
0x6b: {  	_ =	shalt  }
0x6c: {  	_ =	shalt  }
0x6d: {  	_ =	shalt  }
0x6e: {  	_ =	shalt  }
0x6f: {  	_ =	shalt  }
0x70: {  	_ =	shalt  }
0x71: {  	_ =	shalt  }
0x72: {  	_ =	shalt  }
0x73: {  	_ =	shalt  }
0x74: {  	_ =	shalt  }
0x75: {  	_ =	shalt  }
0x76: {  	_ =	shalt  }
0x77: {  	_ =	shalt  }
0x78: {  	_ =	shalt  }
0x79: {  	_ =	shalt  }
0x7a: {  	_ =	shalt  }
0x7b: {  	_ =	shalt  }
0x7c: {  	_ =	shalt  }
0x7d: {  	_ =	shalt  }
0x7e: {  	_ =	shalt  }
0x7f: {  	_ =	shalt  }
0x80: {  	_ =	shalt  }
0x81: {  	_ =	shalt  }
0x82: {  	_ =	shalt  }
0x83: {  	_ =	shalt  }
0x84: {  	_ =	shalt  }
0x85: {  	_ =	shalt  }
0x86: {  	_ =	shalt  }
0x87: {  	_ =	shalt  }
.Lfunc_end0:
.L_simem_size_0:
called_computation.1_lowered:
.L_overlay_start_0:
0x88: {  	s2 =	sld [smem:$0x3FD9]  }
0x89: {  	s3 =	sld [smem:$0x3FFE];
	_ =	sdelay $0x1  }
0x8a: {  	s1 =	srdreg.scid  }
0x8b: {  	s0 =	sand.u32 $0x1, s1  }
0x8c: {  	s17 =	sshll.u32 s0, $0xA;
	s2 =	sadd.s32 s3, s2  }
0x8d: {  	s2 =	sadd.s32 s2, s17  }
0x8e: {  	[smem:$0x3FC2] =	sst s2  }
0x8f: {  	_ = 	snop  }
0x90: {  	s2 =	sld [smem:$0x3FD0];
	(tm) =	ssettm $0x1  }
0x91: {  	s18 =	sld [smem:$0x3FFB];
	_ =	sdelay $0x3  }
0x92: {  	_ =	strace s18  }
0x93: {  	s3 =	sld [smem:$0x3FFC];
	_ =	sdelay $0x3  }
0x94: {  	_ =	strace s3  }
0x95: {  	s3 =	sld [smem:$0x3FFD];
	_ =	sdelay $0x3  }
0x96: {  	_ =	strace s3  }
0x97: {  	_ =	strace $0x8FFFFFFF  }
0x98: {  	s19 =	sld [smem:$0x3FDB];
	_ =	sdelay $0x1  }
0x99: {  	s4 =	simm.s32 $_scs_section_size  }
0x9a: {  	s5 =	simm.s32 $_size__tile_overlayer_lowered;
	s6 =	simm.s32 $_tile_overlayer_lowered  }
0x9b: {  	s22 =	simm.s32 $0x1BFF;
	s21 =	sshll.u32 s6, $0x1;
	s3 =	sadd.s32 s4, s19  }
0x9c: {  	s7 =	simm.s32 $0x0;
	s20 =	sshll.u32 s5, $0x1;
	s5 =	sadd.s32 s21, s3  }
0x9d: {  	[timem:s7], [sflag:s22] =	dma.local [hbm:s5], s20  }
0x9e: {  	_ =	swait.ge [sflag:s22], s20  }
0x9f: {  	s4 =	ssub.s32 $0x0, s20;
	[sflag:s22] =	ssyncset.done $0x0  }
0xa0: {  	[sflag:s22] =	ssyncadd.s32 s4;
	_ =	sdelay $0x1  }
0xa1: {  	s23 =	simm.s32 $0x1B8B  }
0xa2: {  	_ =	swait.ge [sflag:s23], $0x1  }
0xa3: {  	[sflag:s23] =	ssyncset.done $0x0  }
0xa4: {  	s25 =	simm.s32 $0x1B8E;
	s24 =	sld [smem:$0x3FFE];
	[sflag:s23] =	ssyncadd.s32 $0xFFFFFFFF  }
0xa5: {  	s26 =	simm.s32 $execute0_lowered;
	[smem:$0x3FD2] =	sst s25  }
0xa6: {  	s5 =	sshll.u32 s26, $0x1;
	_ =	strace $0x80000049;
	[dreg:$0x1] =	wrdreg $0xFFFFFFFF  }
0xa7: {  	s28 =	simm.s32 $_size_execute0_lowered;
	s3 =	sadd.s32 s3, s5;
	[dreg:$0x0] =	wrdreg $0x0  }
0xa8: {  	s5 =	sshll.u32 s28, $0x1;
	[dreg:$0x2] =	wrdreg s3  }
0xa9: {  	[dreg:$0x3] =	wrdreg s5  }
0xaa: {  	[dreg:$0x4] =	wrdreg $0xC0  }
0xab: {  	_ =	task [dreg:s7], $0x5FFFF  }
0xac: {  	[dreg:$0x1] =	wrdreg $0xFFFFFFFF  }
0xad: {  	[dreg:$0x0] =	wrdreg $0x60  }
0xae: {  	[dreg:$0x2] =	wrdreg s2  }
0xaf: {  	[dreg:$0x3] =	wrdreg s24  }
0xb0: {  	[dreg:$0x4] =	wrdreg $0x7D800  }
0xb1: {  	[dreg:$0x5] =	wrdreg $0x9  }
0xb2: {  	_ =	task.clear_ibuf [dreg:s7], $0x6FFFF;
	_ =	strace $0x90000049  }
0xb3: {  	s29 =	simm.s32 $0x9;
	_ =	strace $0x8000004B  }
0xb4: {  	_ =	swait.ge [sflag:s29], $0x1  }
0xb5: {  	[sflag:s29] =	ssyncadd.s32 $0xFFFFFFFF  }
0xb6: {  	_ =	strace $0x9000004B  }
0xb7: {  	_ =	sfence  }
0xb8: {  	s30 =	sld [smem:$0x0];
	_ =	sdelay $0x2  }
0xb9: {  	s31 =	sshll.u32 s1, $0xD;
	s1 =	sshrl.u32 s1, $0x2  }
0xba: {  	s3 =	sand.u32 $0x4000, s31;
	s1 =	sadd.s32 s1, s30  }
0xbb: {  	s0 =	sor.u32 s3, s0;
	s1 =	sshll.u32 s1, $0x11  }
0xbc: {  	s0 =	sor.u32 s1, s0  }
0xbd: {  	s0 =	sadd.s32 $0x8F2B, s0  }
0xbe: {  	[sflag:s0] =	ssyncadd.remote.s32 $0x1  }
0xbf: {  	_ =	sfence.sel $0xFFFF  }
0xc0: {  	[dreg:$0x0] =	wrdreg $0xFFFFFFFF;
	(pc) =	sbr.abs _section_cstart, $3  }
0xc1: {  	[dreg:$0x1] =	wrdreg $0xFFFFFFFF  }
0xc2: {  	_ =	task.clear_ibuf [dreg:s7], $0x2FFFF;
	_ =	strace $0x9FFFFFFF  }
0xc3: {  	(tm) =	ssettm $0x7FFFFFFF  }
tec
execute0_lowered:
.L_overlay_start_1:
0x0: {  	(tag) =	ssettag $0x1  }
0x1: {  	s0 =	srdreg.scid;
	s12 =	stileid.u32  }
0x2: {  	s1 =	rddreg [dreg:$0x0];
	s7 =	smul.u32 $0x1900, s12  }
0x3: {  	s0 =	sand.u32 $0x1, s0;
	s2 =	sshll.u32 s12, $0x1;
	s9 =	smul.u32 $0x32000, s12  }
0x4: {  	s6 =	rddreg [dreg:$0x1];
	s2 =	sor.u32 s0, s2;
	s8 =	smul.u32 $0x19000, s0  }
0x5: {  	s3 =	rddreg [dreg:$0x2];
	s4 =	simm.s32 $0x0;
	s2 =	smul.u32 $0x2780, s2  }
0x6: {  	[smem:$0x7FF] =	sst s4;
	s5 =	sadd.s32 $0x1A00, s6;
	s7 =	sadd.s32 s7, s8  }
0x7: {  	s9 =	sshrl.u32 s9, $0x2;
	s2 =	sshrl.u32 s2, $0x3;
	s7 =	sadd.s32 s7, s6  }
0x8: {  	s10 =	sadd.s32 s2, s6;
	s6 =	sadd.s32 s9, s3;
	s2 =	sadd.s32 s5, s2  }
0x9: {  	_ =	strace $0x8000004A;
	s9 =	sadd.s32 $0x500, s6;
	[dreg:$0x12] =	wrdreg s2  }
0xa: {  	s24 =	sadd.s32 $0xA00, s6;
	[dreg:$0x4] =	wrdreg s9  }
0xb: {  	s11 =	ssub.s32 $0x2, s0;
	s25 =	sadd.s32 $0xF00, s6;
	[dreg:$0x5] =	wrdreg s24  }
0xc: {  	s23 =	sshrl.u32 s11, $0x1;
	s26 =	sadd.s32 $0x1400, s6;
	[dreg:$0x6] =	wrdreg s25  }
0xd: {  	s8 =	ssub.s32 s11, s23;
	s11 =	sadd.s32 $0x1900, s6;
	[dreg:$0x7] =	wrdreg s26  }
0xe: {  	s14 =	sadd.s32 $0x1E00, s6;
	[dreg:$0x8] =	wrdreg s11  }
0xf: {  	s15 =	sadd.s32 $0x2300, s6;
	[dreg:$0x9] =	wrdreg s14  }
0x10: {  	s16 =	sadd.s32 $0x2800, s6;
	[dreg:$0xa] =	wrdreg s15  }
0x11: {  	s17 =	sadd.s32 $0x2D00, s6;
	[dreg:$0xb] =	wrdreg s16  }
0x12: {  	s18 =	sadd.s32 $0x3200, s6;
	[dreg:$0xc] =	wrdreg s17  }
0x13: {  	s19 =	sadd.s32 $0x3700, s6;
	[dreg:$0xd] =	wrdreg s18  }
0x14: {  	s20 =	sadd.s32 $0x3C00, s6;
	[dreg:$0xe] =	wrdreg s19  }
0x15: {  	s21 =	sadd.s32 $0x4100, s6;
	[dreg:$0xf] =	wrdreg s20  }
0x16: {  	s13 =	smul.u32 $0x4F00, s12;
	s22 =	sadd.s32 $0xC400, s10;
	[dreg:$0x10] =	wrdreg s21  }
0x17: {  	s0 =	smul.u32 $0x2780, s0;
	s10 =	sadd.s32 $0x5000, s6;
	[dreg:$0x11] =	wrdreg s22  }
0x18: {  	s12 =	sadd.s32 $0x5A00, s6;
	[dreg:$0x17] =	wrdreg s10  }
0x19: {  	s0 =	sadd.s32 s0, s13;
	s13 =	sadd.s32 $0x5F00, s6;
	[dreg:$0x19] =	wrdreg s12  }
0x1a: {  	s24 =	sadd.s32 $0x3E200, s7;
	[dreg:$0x1a] =	wrdreg s13  }
0x1b: {  	s26 =	smax.u32 s8, $0x1;
	[dreg:$0x13] =	wrdreg s24  }
0x1c: {  	s8 =	sadd.s32 $0x4600, s6;
	[dreg:$0x14] =	wrdreg s26  }
0x1d: {  	s9 =	sadd.s32 $0x4B00, s6;
	[dreg:$0x15] =	wrdreg s8  }
0x1e: {  	s29 =	simm.s32 $0x7880;
	s11 =	sadd.s32 $0x5500, s6;
	[dreg:$0x16] =	wrdreg s9  }
0x1f: {  	s30 =	simm.s32 $0x3;
	s15 =	sadd.s32 $0x6400, s6;
	[dreg:$0x18] =	wrdreg s11  }
0x20: {  	s31 =	simm.s32 $0x80;
	s16 =	sadd.s32 $0x6900, s6;
	[dreg:$0x1b] =	wrdreg s15  }
0x21: {  	s23 =	sadd.s32 $0x80, s0;
	s17 =	sadd.s32 $0x6E00, s6;
	[dreg:$0x1c] =	wrdreg s16  }
0x22: {  	s28 =	sadd.s32 $0xC300, s6;
	s18 =	sadd.s32 $0x7300, s6;
	[dreg:$0x1d] =	wrdreg s17  }
0x23: {  	s2 =	simm.s32 $0x2880;
	s19 =	sadd.s32 $0x7800, s6;
	[dreg:$0x1e] =	wrdreg s18  }
0x24: {  	s25 =	sshrl.u32 s23, $0x3;
	s20 =	sadd.s32 $0x7D00, s6;
	[dreg:$0x1f] =	wrdreg s19  }
0x25: {  	s14 =	sadd.s32 $0x100, s0;
	s21 =	sadd.s32 $0x8200, s6;
	[smem:$0x7F8] =	sst s20  }
0x26: {  	s22 =	sadd.s32 $0x8700, s6;
	s23 =	sadd.s32 $0x8C00, s6;
	[smem:$0x7F9] =	sst s21  }
0x27: {  	s0 =	simm.s32 $0x2780;
	s7 =	simm.s32 $0x1;
	[smem:$0x7FA] =	sst s22  }
0x28: {  	s10 =	simm.s32 $0x2800;
	s25 =	sadd.s32 s25, s5;
	[smem:$0x7FB] =	sst s23  }
0x29: {  	s24 =	sadd.s32 $0x9100, s6;
	s26 =	sadd.s32 $0x9600, s6;
	s17 =	sadd.s32 $0x9B00, s6  }
0x2a: {  	s18 =	sadd.s32 $0xA000, s6;
	s19 =	sadd.s32 $0xA500, s6;
	s20 =	sadd.s32 $0xAA00, s6  }
0x2b: {  	s21 =	sadd.s32 $0xAF00, s6;
	s22 =	sadd.s32 $0xB400, s6;
	s23 =	sadd.s32 $0xB900, s6  }
0x2c: {  	s8 =	simm.s32 $0x5080;
	s9 =	simm.s32 $0x2;
	[smem:$0x7FC] =	sst s24  }
0x2d: {  	v0 =	vimm.f32 $0.0e+00;
	s11 =	simm.s32 $0x0;
	[smem:$0x7FD] =	sst s26;
	s26 =	sadd.s32 $0xBE00, s6  }
.LBB2_1:
0x2e: {  	[tilespmem:$0x7880] =	vst v0  }
0x2f: {  	[tilespmem:$0x7890] =	vst v0  }
0x30: {  	[tilespmem:$0x78A0] =	vst v0  }
0x31: {  	[tilespmem:$0x78B0] =	vst v0  }
0x32: {  	[tilespmem:$0x78C0] =	vst v0  }
0x33: {  	[tilespmem:$0x78D0] =	vst v0  }
0x34: {  	[tilespmem:$0x78E0] =	vst v0  }
0x35: {  	[tilespmem:$0x78F0] =	vst v0  }
0x36: {  	[tilespmem:$0x7900] =	vst v0  }
0x37: {  	[tilespmem:$0x7910] =	vst v0  }
0x38: {  	[tilespmem:$0x7920] =	vst v0  }
0x39: {  	[tilespmem:$0x7930] =	vst v0  }
0x3a: {  	[tilespmem:$0x7940] =	vst v0  }
0x3b: {  	[tilespmem:$0x7950] =	vst v0  }
0x3c: {  	[tilespmem:$0x7960] =	vst v0  }
0x3d: {  	[tilespmem:$0x7970] =	vst v0  }
0x3e: {  	[tilespmem:$0x7980] =	vst v0  }
0x3f: {  	[tilespmem:$0x7990] =	vst v0  }
0x40: {  	[tilespmem:$0x79A0] =	vst v0  }
0x41: {  	[tilespmem:$0x79B0] =	vst v0  }
0x42: {  	[tilespmem:$0x79C0] =	vst v0  }
0x43: {  	[tilespmem:$0x79D0] =	vst v0  }
0x44: {  	[tilespmem:$0x79E0] =	vst v0  }
0x45: {  	[tilespmem:$0x79F0] =	vst v0  }
0x46: {  	[tilespmem:$0x7A00] =	vst v0  }
0x47: {  	[tilespmem:$0x7A10] =	vst v0  }
0x48: {  	[tilespmem:$0x7A20] =	vst v0  }
0x49: {  	[tilespmem:$0x7A30] =	vst v0  }
0x4a: {  	[tilespmem:$0x7A40] =	vst v0  }
0x4b: {  	[tilespmem:$0x7A50] =	vst v0  }
0x4c: {  	[tilespmem:$0x7A60] =	vst v0  }
0x4d: {  	[tilespmem:$0x7A70] =	vst v0  }
0x4e: {  	[tilespmem:$0x7A80] =	vst v0  }
0x4f: {  	[tilespmem:$0x7A90] =	vst v0  }
0x50: {  	[tilespmem:$0x7AA0] =	vst v0  }
0x51: {  	[tilespmem:$0x7AB0] =	vst v0  }
0x52: {  	[tilespmem:$0x7AC0] =	vst v0  }
0x53: {  	[tilespmem:$0x7AD0] =	vst v0  }
0x54: {  	[tilespmem:$0x7AE0] =	vst v0  }
0x55: {  	[tilespmem:$0x7AF0] =	vst v0  }
0x56: {  	[tilespmem:$0x7B00] =	vst v0  }
0x57: {  	[tilespmem:$0x7B10] =	vst v0  }
0x58: {  	[tilespmem:$0x7B20] =	vst v0  }
0x59: {  	[tilespmem:$0x7B30] =	vst v0  }
0x5a: {  	[tilespmem:$0x7B40] =	vst v0  }
0x5b: {  	[tilespmem:$0x7B50] =	vst v0  }
0x5c: {  	[tilespmem:$0x7B60] =	vst v0  }
0x5d: {  	[tilespmem:$0x7B70] =	vst v0  }
0x5e: {  	[tilespmem:$0x7B80] =	vst v0  }
0x5f: {  	[tilespmem:$0x7B90] =	vst v0  }
0x60: {  	[tilespmem:$0x7BA0] =	vst v0  }
0x61: {  	[tilespmem:$0x7BB0] =	vst v0  }
0x62: {  	[tilespmem:$0x7BC0] =	vst v0  }
0x63: {  	[tilespmem:$0x7BD0] =	vst v0  }
0x64: {  	[tilespmem:$0x7BE0] =	vst v0  }
0x65: {  	[tilespmem:$0x7BF0] =	vst v0  }
0x66: {  	[tilespmem:$0x7C00] =	vst v0  }
0x67: {  	[tilespmem:$0x7C10] =	vst v0  }
0x68: {  	[tilespmem:$0x7C20] =	vst v0  }
0x69: {  	[tilespmem:$0x7C30] =	vst v0  }
0x6a: {  	[tilespmem:$0x7C40] =	vst v0  }
0x6b: {  	[tilespmem:$0x7C50] =	vst v0  }
0x6c: {  	[tilespmem:$0x7C60] =	vst v0  }
0x6d: {  	[tilespmem:$0x7C70] =	vst v0  }
0x6e: {  	[tilespmem:$0x7C80] =	vst v0  }
0x6f: {  	[tilespmem:$0x7C90] =	vst v0  }
0x70: {  	[tilespmem:$0x7CA0] =	vst v0  }
0x71: {  	[tilespmem:$0x7CB0] =	vst v0  }
0x72: {  	[tilespmem:$0x7CC0] =	vst v0  }
0x73: {  	[tilespmem:$0x7CD0] =	vst v0  }
0x74: {  	[tilespmem:$0x7CE0] =	vst v0  }
0x75: {  	[tilespmem:$0x7CF0] =	vst v0  }
0x76: {  	[tilespmem:$0x7D00] =	vst v0  }
0x77: {  	[tilespmem:$0x7D10] =	vst v0  }
0x78: {  	[tilespmem:$0x7D20] =	vst v0  }
0x79: {  	[tilespmem:$0x7D30] =	vst v0  }
0x7a: {  	[tilespmem:$0x7D40] =	vst v0  }
0x7b: {  	[tilespmem:$0x7D50] =	vst v0  }
0x7c: {  	[tilespmem:$0x7D60] =	vst v0  }
0x7d: {  	[tilespmem:$0x7D70] =	vst v0  }
0x7e: {  	[spmem:s6] =	stream.linear.scatter [tilespmem:s29], [sflag:$0x3], $0x500, $0x38;
	[tilespmem:$0x14580] =	vst v63  }
0x7f: {  	_ =	swait.ge [sflag:s30], $0x500  }
0x80: {  	[sflag:s30] =	ssyncset.done $0x0  }
0x81: {  	s12 =	rddreg [dreg:$0x4];
	[sflag:s30] =	ssyncadd.s32 $0xFFFFFB00  }
0x82: {  	[spmem:s12] =	stream.linear.scatter [tilespmem:s29], [sflag:$0x3], $0x500, $0x38;
	[tilespmem:$0x14580] =	vst v63  }
0x83: {  	_ =	swait.ge [sflag:s30], $0x500  }
0x84: {  	[sflag:s30] =	ssyncset.done $0x0  }
0x85: {  	s24 =	rddreg [dreg:$0x5];
	[sflag:s30] =	ssyncadd.s32 $0xFFFFFB00  }
0x86: {  	[spmem:s24] =	stream.linear.scatter [tilespmem:s29], [sflag:$0x3], $0x500, $0x38;
	[tilespmem:$0x14580] =	vst v63  }
0x87: {  	_ =	swait.ge [sflag:s30], $0x500  }
0x88: {  	[sflag:s30] =	ssyncset.done $0x0  }
0x89: {  	s13 =	rddreg [dreg:$0x6];
	[sflag:s30] =	ssyncadd.s32 $0xFFFFFB00  }
0x8a: {  	[spmem:s13] =	stream.linear.scatter [tilespmem:s29], [sflag:$0x3], $0x500, $0x38;
	[tilespmem:$0x14580] =	vst v63  }
0x8b: {  	_ =	swait.ge [sflag:s30], $0x500  }
0x8c: {  	[sflag:s30] =	ssyncset.done $0x0  }
0x8d: {  	s15 =	rddreg [dreg:$0x7];
	[sflag:s30] =	ssyncadd.s32 $0xFFFFFB00  }
0x8e: {  	[spmem:s15] =	stream.linear.scatter [tilespmem:s29], [sflag:$0x3], $0x500, $0x38;
	[tilespmem:$0x14580] =	vst v63  }
0x8f: {  	_ =	swait.ge [sflag:s30], $0x500  }
0x90: {  	[sflag:s30] =	ssyncset.done $0x0  }
0x91: {  	s16 =	rddreg [dreg:$0x8];
	[sflag:s30] =	ssyncadd.s32 $0xFFFFFB00  }
0x92: {  	[spmem:s16] =	stream.linear.scatter [tilespmem:s29], [sflag:$0x3], $0x500, $0x38;
	[tilespmem:$0x14580] =	vst v63  }
0x93: {  	_ =	swait.ge [sflag:s30], $0x500  }
0x94: {  	[sflag:s30] =	ssyncset.done $0x0  }
0x95: {  	s24 =	rddreg [dreg:$0x9];
	[sflag:s30] =	ssyncadd.s32 $0xFFFFFB00  }
0x96: {  	[spmem:s24] =	stream.linear.scatter [tilespmem:s29], [sflag:$0x3], $0x500, $0x38;
	[tilespmem:$0x14580] =	vst v63  }
0x97: {  	_ =	swait.ge [sflag:s30], $0x500  }
0x98: {  	[sflag:s30] =	ssyncset.done $0x0  }
0x99: {  	s13 =	rddreg [dreg:$0xa];
	[sflag:s30] =	ssyncadd.s32 $0xFFFFFB00  }
0x9a: {  	[spmem:s13] =	stream.linear.scatter [tilespmem:s29], [sflag:$0x3], $0x500, $0x38;
	[tilespmem:$0x14580] =	vst v63  }
0x9b: {  	_ =	swait.ge [sflag:s30], $0x500  }
0x9c: {  	[sflag:s30] =	ssyncset.done $0x0  }
0x9d: {  	s15 =	rddreg [dreg:$0xb];
	[sflag:s30] =	ssyncadd.s32 $0xFFFFFB00  }
0x9e: {  	[spmem:s15] =	stream.linear.scatter [tilespmem:s29], [sflag:$0x3], $0x500, $0x38;
	[tilespmem:$0x14580] =	vst v63  }
0x9f: {  	_ =	swait.ge [sflag:s30], $0x500  }
0xa0: {  	[sflag:s30] =	ssyncset.done $0x0  }
0xa1: {  	s16 =	rddreg [dreg:$0xc];
	[sflag:s30] =	ssyncadd.s32 $0xFFFFFB00  }
0xa2: {  	[spmem:s16] =	stream.linear.scatter [tilespmem:s29], [sflag:$0x3], $0x500, $0x38;
	[tilespmem:$0x14580] =	vst v63  }
0xa3: {  	_ =	swait.ge [sflag:s30], $0x500  }
0xa4: {  	[sflag:s30] =	ssyncset.done $0x0  }
0xa5: {  	s24 =	rddreg [dreg:$0xd];
	[sflag:s30] =	ssyncadd.s32 $0xFFFFFB00  }
0xa6: {  	[spmem:s24] =	stream.linear.scatter [tilespmem:s29], [sflag:$0x3], $0x500, $0x38;
	[tilespmem:$0x14580] =	vst v63  }
0xa7: {  	_ =	swait.ge [sflag:s30], $0x500  }
0xa8: {  	[sflag:s30] =	ssyncset.done $0x0  }
0xa9: {  	s13 =	rddreg [dreg:$0xe];
	[sflag:s30] =	ssyncadd.s32 $0xFFFFFB00  }
0xaa: {  	[spmem:s13] =	stream.linear.scatter [tilespmem:s29], [sflag:$0x3], $0x500, $0x38;
	[tilespmem:$0x14580] =	vst v63  }
0xab: {  	_ =	swait.ge [sflag:s30], $0x500  }
0xac: {  	[sflag:s30] =	ssyncset.done $0x0  }
0xad: {  	s15 =	rddreg [dreg:$0xf];
	[sflag:s30] =	ssyncadd.s32 $0xFFFFFB00  }
0xae: {  	[spmem:s15] =	stream.linear.scatter [tilespmem:s29], [sflag:$0x3], $0x500, $0x38;
	[tilespmem:$0x14580] =	vst v63  }
0xaf: {  	_ =	swait.ge [sflag:s30], $0x500  }
0xb0: {  	[sflag:s30] =	ssyncset.done $0x0  }
0xb1: {  	s16 =	rddreg [dreg:$0x10];
	[sflag:s30] =	ssyncadd.s32 $0xFFFFFB00  }
0xb2: {  	[spmem:s16] =	stream.linear.scatter [tilespmem:s29], [sflag:$0x3], $0x500, $0x38;
	[tilespmem:$0x14580] =	vst v63  }
0xb3: {  	_ =	swait.ge [sflag:s30], $0x500  }
0xb4: {  	[sflag:s30] =	ssyncset.done $0x0  }
0xb5: {  	s24 =	rddreg [dreg:$0x15];
	[sflag:s30] =	ssyncadd.s32 $0xFFFFFB00  }
0xb6: {  	[spmem:s24] =	stream.linear.scatter [tilespmem:s29], [sflag:$0x3], $0x500, $0x38;
	[tilespmem:$0x14580] =	vst v63  }
0xb7: {  	_ =	swait.ge [sflag:s30], $0x500  }
0xb8: {  	[sflag:s30] =	ssyncset.done $0x0  }
0xb9: {  	s13 =	rddreg [dreg:$0x16];
	[sflag:s30] =	ssyncadd.s32 $0xFFFFFB00  }
0xba: {  	[spmem:s13] =	stream.linear.scatter [tilespmem:s29], [sflag:$0x3], $0x500, $0x38;
	[tilespmem:$0x14580] =	vst v63  }
0xbb: {  	_ =	swait.ge [sflag:s30], $0x500  }
0xbc: {  	[sflag:s30] =	ssyncset.done $0x0  }
0xbd: {  	s15 =	rddreg [dreg:$0x17];
	[sflag:s30] =	ssyncadd.s32 $0xFFFFFB00  }
0xbe: {  	[spmem:s15] =	stream.linear.scatter [tilespmem:s29], [sflag:$0x3], $0x500, $0x38;
	[tilespmem:$0x14580] =	vst v63  }
0xbf: {  	_ =	swait.ge [sflag:s30], $0x500  }
0xc0: {  	[sflag:s30] =	ssyncset.done $0x0  }
0xc1: {  	s16 =	rddreg [dreg:$0x18];
	[sflag:s30] =	ssyncadd.s32 $0xFFFFFB00  }
0xc2: {  	[spmem:s16] =	stream.linear.scatter [tilespmem:s29], [sflag:$0x3], $0x500, $0x38;
	[tilespmem:$0x14580] =	vst v63  }
0xc3: {  	_ =	swait.ge [sflag:s30], $0x500  }
0xc4: {  	[sflag:s30] =	ssyncset.done $0x0  }
0xc5: {  	s24 =	rddreg [dreg:$0x19];
	[sflag:s30] =	ssyncadd.s32 $0xFFFFFB00  }
0xc6: {  	[spmem:s24] =	stream.linear.scatter [tilespmem:s29], [sflag:$0x3], $0x500, $0x38;
	[tilespmem:$0x14580] =	vst v63  }
0xc7: {  	_ =	swait.ge [sflag:s30], $0x500  }
0xc8: {  	[sflag:s30] =	ssyncset.done $0x0  }
0xc9: {  	s13 =	rddreg [dreg:$0x1a];
	[sflag:s30] =	ssyncadd.s32 $0xFFFFFB00  }
0xca: {  	[spmem:s13] =	stream.linear.scatter [tilespmem:s29], [sflag:$0x3], $0x500, $0x38;
	[tilespmem:$0x14580] =	vst v63  }
0xcb: {  	_ =	swait.ge [sflag:s30], $0x500  }
0xcc: {  	[sflag:s30] =	ssyncset.done $0x0  }
0xcd: {  	s15 =	rddreg [dreg:$0x1b];
	[sflag:s30] =	ssyncadd.s32 $0xFFFFFB00  }
0xce: {  	[spmem:s15] =	stream.linear.scatter [tilespmem:s29], [sflag:$0x3], $0x500, $0x38;
	[tilespmem:$0x14580] =	vst v63  }
0xcf: {  	_ =	swait.ge [sflag:s30], $0x500  }
0xd0: {  	[sflag:s30] =	ssyncset.done $0x0  }
0xd1: {  	s16 =	rddreg [dreg:$0x1c];
	[sflag:s30] =	ssyncadd.s32 $0xFFFFFB00  }
0xd2: {  	[spmem:s16] =	stream.linear.scatter [tilespmem:s29], [sflag:$0x3], $0x500, $0x38;
	[tilespmem:$0x14580] =	vst v63  }
0xd3: {  	_ =	swait.ge [sflag:s30], $0x500  }
0xd4: {  	[sflag:s30] =	ssyncset.done $0x0  }
0xd5: {  	s24 =	rddreg [dreg:$0x1d];
	[sflag:s30] =	ssyncadd.s32 $0xFFFFFB00  }
0xd6: {  	[spmem:s24] =	stream.linear.scatter [tilespmem:s29], [sflag:$0x3], $0x500, $0x38;
	[tilespmem:$0x14580] =	vst v63  }
0xd7: {  	_ =	swait.ge [sflag:s30], $0x500  }
0xd8: {  	[sflag:s30] =	ssyncset.done $0x0  }
0xd9: {  	s13 =	rddreg [dreg:$0x1e];
	[sflag:s30] =	ssyncadd.s32 $0xFFFFFB00  }
0xda: {  	[spmem:s13] =	stream.linear.scatter [tilespmem:s29], [sflag:$0x3], $0x500, $0x38;
	[tilespmem:$0x14580] =	vst v63  }
0xdb: {  	_ =	swait.ge [sflag:s30], $0x500  }
0xdc: {  	[sflag:s30] =	ssyncset.done $0x0  }
0xdd: {  	s15 =	rddreg [dreg:$0x1f];
	[sflag:s30] =	ssyncadd.s32 $0xFFFFFB00  }
0xde: {  	[spmem:s15] =	stream.linear.scatter [tilespmem:s29], [sflag:$0x3], $0x500, $0x38;
	[tilespmem:$0x14580] =	vst v63  }
0xdf: {  	_ =	swait.ge [sflag:s30], $0x500  }
0xe0: {  	s16 =	sld [smem:$0x7F8]  }
0xe1: {  	[sflag:s30] =	ssyncset.done $0x0  }
0xe2: {  	[sflag:s30] =	ssyncadd.s32 $0xFFFFFB00  }
0xe3: {  	[spmem:s16] =	stream.linear.scatter [tilespmem:s29], [sflag:$0x3], $0x500, $0x38;
	[tilespmem:$0x14580] =	vst v63  }
0xe4: {  	_ =	swait.ge [sflag:s30], $0x500  }
0xe5: {  	s24 =	sld [smem:$0x7F9]  }
0xe6: {  	[sflag:s30] =	ssyncset.done $0x0  }
0xe7: {  	[sflag:s30] =	ssyncadd.s32 $0xFFFFFB00  }
0xe8: {  	[spmem:s24] =	stream.linear.scatter [tilespmem:s29], [sflag:$0x3], $0x500, $0x38;
	[tilespmem:$0x14580] =	vst v63  }
0xe9: {  	_ =	swait.ge [sflag:s30], $0x500  }
0xea: {  	s13 =	sld [smem:$0x7FA]  }
0xeb: {  	[sflag:s30] =	ssyncset.done $0x0  }
0xec: {  	[sflag:s30] =	ssyncadd.s32 $0xFFFFFB00  }
0xed: {  	[spmem:s13] =	stream.linear.scatter [tilespmem:s29], [sflag:$0x3], $0x500, $0x38;
	[tilespmem:$0x14580] =	vst v63  }
0xee: {  	_ =	swait.ge [sflag:s30], $0x500  }
0xef: {  	s15 =	sld [smem:$0x7FB]  }
0xf0: {  	[sflag:s30] =	ssyncset.done $0x0  }
0xf1: {  	[sflag:s30] =	ssyncadd.s32 $0xFFFFFB00  }
0xf2: {  	[spmem:s15] =	stream.linear.scatter [tilespmem:s29], [sflag:$0x3], $0x500, $0x38;
	[tilespmem:$0x14580] =	vst v63  }
0xf3: {  	_ =	swait.ge [sflag:s30], $0x500  }
0xf4: {  	s16 =	sld [smem:$0x7FC]  }
0xf5: {  	[sflag:s30] =	ssyncset.done $0x0  }
0xf6: {  	[sflag:s30] =	ssyncadd.s32 $0xFFFFFB00  }
0xf7: {  	[spmem:s16] =	stream.linear.scatter [tilespmem:s29], [sflag:$0x3], $0x500, $0x38;
	[tilespmem:$0x14580] =	vst v63  }
0xf8: {  	_ =	swait.ge [sflag:s30], $0x500  }
0xf9: {  	s24 =	sld [smem:$0x7FD]  }
0xfa: {  	[sflag:s30] =	ssyncset.done $0x0  }
0xfb: {  	[sflag:s30] =	ssyncadd.s32 $0xFFFFFB00  }
0xfc: {  	[spmem:s24] =	stream.linear.scatter [tilespmem:s29], [sflag:$0x3], $0x500, $0x38;
	[tilespmem:$0x14580] =	vst v63  }
0xfd: {  	_ =	swait.ge [sflag:s30], $0x500  }
0xfe: {  	[sflag:s30] =	ssyncset.done $0x0  }
0xff: {  	[sflag:s30] =	ssyncadd.s32 $0xFFFFFB00  }
0x100: {  	[spmem:s17] =	stream.linear.scatter [tilespmem:s29], [sflag:$0x3], $0x500, $0x38;
	[tilespmem:$0x14580] =	vst v63  }
0x101: {  	_ =	swait.ge [sflag:s30], $0x500  }
0x102: {  	[sflag:s30] =	ssyncset.done $0x0  }
0x103: {  	[sflag:s30] =	ssyncadd.s32 $0xFFFFFB00  }
0x104: {  	[spmem:s18] =	stream.linear.scatter [tilespmem:s29], [sflag:$0x3], $0x500, $0x38;
	[tilespmem:$0x14580] =	vst v63  }
0x105: {  	_ =	swait.ge [sflag:s30], $0x500  }
0x106: {  	[sflag:s30] =	ssyncset.done $0x0  }
0x107: {  	[sflag:s30] =	ssyncadd.s32 $0xFFFFFB00  }
0x108: {  	[spmem:s19] =	stream.linear.scatter [tilespmem:s29], [sflag:$0x3], $0x500, $0x38;
	[tilespmem:$0x14580] =	vst v63  }
0x109: {  	_ =	swait.ge [sflag:s30], $0x500  }
0x10a: {  	[sflag:s30] =	ssyncset.done $0x0  }
0x10b: {  	[sflag:s30] =	ssyncadd.s32 $0xFFFFFB00  }
0x10c: {  	[spmem:s20] =	stream.linear.scatter [tilespmem:s29], [sflag:$0x3], $0x500, $0x38;
	[tilespmem:$0x14580] =	vst v63  }
0x10d: {  	_ =	swait.ge [sflag:s30], $0x500  }
0x10e: {  	[sflag:s30] =	ssyncset.done $0x0  }
0x10f: {  	[sflag:s30] =	ssyncadd.s32 $0xFFFFFB00  }
0x110: {  	[spmem:s21] =	stream.linear.scatter [tilespmem:s29], [sflag:$0x3], $0x500, $0x38;
	[tilespmem:$0x14580] =	vst v63  }
0x111: {  	_ =	swait.ge [sflag:s30], $0x500  }
0x112: {  	[sflag:s30] =	ssyncset.done $0x0  }
0x113: {  	[sflag:s30] =	ssyncadd.s32 $0xFFFFFB00  }
0x114: {  	[spmem:s22] =	stream.linear.scatter [tilespmem:s29], [sflag:$0x3], $0x500, $0x38;
	[tilespmem:$0x14580] =	vst v63  }
0x115: {  	_ =	swait.ge [sflag:s30], $0x500  }
0x116: {  	[sflag:s30] =	ssyncset.done $0x0  }
0x117: {  	[sflag:s30] =	ssyncadd.s32 $0xFFFFFB00  }
0x118: {  	[spmem:s23] =	stream.linear.scatter [tilespmem:s29], [sflag:$0x3], $0x500, $0x38;
	[tilespmem:$0x14580] =	vst v63  }
0x119: {  	_ =	swait.ge [sflag:s30], $0x500  }
0x11a: {  	[sflag:s30] =	ssyncset.done $0x0  }
0x11b: {  	[sflag:s30] =	ssyncadd.s32 $0xFFFFFB00  }
0x11c: {  	[spmem:s26] =	stream.linear.scatter [tilespmem:s29], [sflag:$0x3], $0x500, $0x38;
	[tilespmem:$0x14580] =	vst v63  }
0x11d: {  	_ =	swait.ge [sflag:s30], $0x500  }
0x11e: {  	[sflag:s30] =	ssyncset.done $0x0  }
0x11f: {  	[sflag:s30] =	ssyncadd.s32 $0xFFFFFB00  }
0x120: {  	[spmem:s28] =	stream.linear.scatter [tilespmem:s29], [sflag:$0x3], $0x500, $0x38;
	[tilespmem:$0x14580] =	vst v63  }
0x121: {  	_ =	swait.ge [sflag:s30], $0x500  }
0x122: {  	[sflag:s30] =	ssyncset.done $0x0  }
0x123: {  	s13 =	rddreg [dreg:$0x11];
	[sflag:s30] =	ssyncadd.s32 $0xFFFFFB00  }
0x124: {  	[tilespmem:s4], [sflag:$0x3] =	stream.linear.gather [hbm4b:s13+s4], $0x2780, $0x38;
	[tilespmem:$0x14580] =	vst v63  }
0x125: {  	_ =	swait.ge [sflag:s30], $0x2780  }
0x126: {  	[sflag:s30] =	ssyncset.done $0x0  }
0x127: {  	[sflag:s30] =	ssyncadd.s32 $0xFFFFD880  }
0x128: {  	[bflag:$0x0] =	sbarrier.arrive $0xFFFF  }
0x129: {  	[tilespmem:s2], [sflag:$0x1] =	stream.indirect.gather [hbm4b:s1+s31], $0x50, s4, s31, $0xb8;
	[tilespmem:$0x14580] =	vst v63  }
0x12a: {  	s15 =	rddreg [dreg:$0x12]  }
0x12b: {  	[tilespmem:s0], [sflag:$0x2] =	stream.linear.gather [hbm4b:s15+s4], $0x80, $0x38;
	[tilespmem:$0x14580] =	vst v63  }
0x12c: {  	_ =	swait.ge [sflag:s7], $0x2800  }
0x12d: {  	[sflag:s7] =	ssyncset.done $0x0  }
0x12e: {  	s16 =	simm.s32 $0x80;
	[sflag:s7] =	ssyncadd.s32 $0xFFFFD800  }
0x12f: {  	[tilespmem:s8], [sflag:$0x1] =	stream.indirect.gather [hbm4b:s1+s31], $0x50, s16, s31, $0xb8;
	[tilespmem:$0x14580] =	vst v63  }
0x130: {  	_ =	swait.ge [sflag:s9], $0x80  }
0x131: {  	[sflag:s9] =	ssyncset.done $0x0  }
0x132: {  	s24 =	sadd.s32 $0x0, s25;
	[sflag:s9] =	ssyncadd.s32 $0xFFFFFF80  }
0x133: {  	[tilespmem:s10], [sflag:$0x2] =	stream.linear.gather [hbm4b:s24+s4], $0x80, $0x38;
	[tilespmem:$0x14580] =	vst v63  }
0x134: {  	_ = 	snop  }
0x135: {  	[spmem:s3] =	stream.indirect.scatter.add.f32 [tilespmem:s2], [sflag:$0x3], $0x50, s0, s31, $0xb8;
	[tilespmem:$0x14580] =	vst v63  }
0x136: {  	_ =	swait.ge [sflag:s30], $0x2800  }
0x137: {  	[sflag:s30] =	ssyncset.done $0x0  }
0x138: {  	[sflag:s30] =	ssyncadd.s32 $0xFFFFD800  }
0x139: {  	_ =	swait.ge [sflag:s7], $0x2800  }
0x13a: {  	[sflag:s7] =	ssyncset.done $0x0  }
0x13b: {  	s12 =	simm.s32 $0x100;
	[sflag:s7] =	ssyncadd.s32 $0xFFFFD800  }
0x13c: {  	[tilespmem:s2], [sflag:$0x1] =	stream.indirect.gather [hbm4b:s1+s31], $0x50, s12, s31, $0xb8;
	[tilespmem:$0x14580] =	vst v63  }
0x13d: {  	_ =	swait.ge [sflag:s9], $0x80  }
0x13e: {  	s13 =	sshrl.u32 s14, $0x3;
	[sflag:s9] =	ssyncset.done $0x0  }
0x13f: {  	s13 =	sadd.s32 s5, s13;
	[sflag:s9] =	ssyncadd.s32 $0xFFFFFF80  }
0x140: {  	[tilespmem:s0], [sflag:$0x2] =	stream.linear.gather [hbm4b:s13+s4], $0x80, $0x38;
	[tilespmem:$0x14580] =	vst v63  }
0x141: {  	_ = 	snop  }
0x142: {  	[spmem:s3] =	stream.indirect.scatter.add.f32 [tilespmem:s8], [sflag:$0x3], $0x50, s10, s31, $0xb8;
	[tilespmem:$0x14580] =	vst v63  }
0x143: {  	_ =	swait.ge [sflag:s30], $0x2800  }
0x144: {  	s24 =	smov.u32 s14;
	s13 =	simm.s32 $0x20;
	[sflag:s30] =	ssyncset.done $0x0  }
.LBB2_2:
0x145: {  	[sflag:s30] =	ssyncadd.s32 $0xFFFFD800;
	s24 =	sadd.s32 $0x100, s24;
	s12 =	sadd.s32 $0x100, s12  }
0x146: {  	p0 =	sne.s32 s13, $0x4C0;
	s15 =	smov.u32 s13;
	s13 =	sadd.s32 $0x20, s13  }
0x147: {  	_ =	swait.ge [sflag:s7], $0x2800  }
0x148: {  	[sflag:s7] =	ssyncset.done $0x0  }
0x149: {  	s16 =	sadd.s32 $0xFFFFFF80, s12;
	[sflag:s7] =	ssyncadd.s32 $0xFFFFD800  }
0x14a: {  	[tilespmem:s8], [sflag:$0x1] =	stream.indirect.gather [hbm4b:s1+s31], $0x50, s16, s31, $0xb8;
	[tilespmem:$0x14580] =	vst v63  }
0x14b: {  	_ =	swait.ge [sflag:s9], $0x80  }
0x14c: {  	[sflag:s9] =	ssyncset.done $0x0  }
0x14d: {  	s15 =	sadd.s32 s15, s25;
	[sflag:s9] =	ssyncadd.s32 $0xFFFFFF80  }
0x14e: {  	[tilespmem:s10], [sflag:$0x2] =	stream.linear.gather [hbm4b:s15+s4], $0x80, $0x38;
	[tilespmem:$0x14580] =	vst v63  }
0x14f: {  	_ = 	snop  }
0x150: {  	[spmem:s3] =	stream.indirect.scatter.add.f32 [tilespmem:s2], [sflag:$0x3], $0x50, s0, s31, $0xb8;
	[tilespmem:$0x14580] =	vst v63  }
0x151: {  	_ =	swait.ge [sflag:s30], $0x2800  }
0x152: {  	[sflag:s30] =	ssyncset.done $0x0  }
0x153: {  	[sflag:s30] =	ssyncadd.s32 $0xFFFFD800  }
0x154: {  	_ =	swait.ge [sflag:s7], $0x2800  }
0x155: {  	[sflag:s7] =	ssyncset.done $0x0  }
0x156: {  	[sflag:s7] =	ssyncadd.s32 $0xFFFFD800  }
0x157: {  	[tilespmem:s2], [sflag:$0x1] =	stream.indirect.gather [hbm4b:s1+s31], $0x50, s12, s31, $0xb8;
	[tilespmem:$0x14580] =	vst v63  }
0x158: {  	_ =	swait.ge [sflag:s9], $0x80  }
0x159: {  	s15 =	sshrl.u32 s24, $0x3;
	[sflag:s9] =	ssyncset.done $0x0  }
0x15a: {  	s15 =	sadd.s32 s5, s15;
	[sflag:s9] =	ssyncadd.s32 $0xFFFFFF80  }
0x15b: {  	[tilespmem:s0], [sflag:$0x2] =	stream.linear.gather [hbm4b:s15+s4], $0x80, $0x38;
	[tilespmem:$0x14580] =	vst v63  }
.Ltmp0:
0x15c: {  	_ = 	snop;
	(pc) =	sbr.rel @p0 .LBB2_2-.Ltmp0, $4  }
0x15d: {  	_ = 	snop  }
0x15e: {  	[spmem:s3] =	stream.indirect.scatter.add.f32 [tilespmem:s8], [sflag:$0x3], $0x50, s10, s31, $0xb8;
	[tilespmem:$0x14580] =	vst v63  }
0x15f: {  	_ =	swait.ge [sflag:s30], $0x2800  }
0x160: {  	[sflag:s30] =	ssyncset.done $0x0  }
0x161: {  	[sflag:s30] =	ssyncadd.s32 $0xFFFFD800  }
0x162: {  	_ =	swait.ge [sflag:s7], $0x2800  }
0x163: {  	[sflag:s7] =	ssyncset.done $0x0  }
0x164: {  	[sflag:s7] =	ssyncadd.s32 $0xFFFFD800  }
0x165: {  	_ =	swait.ge [sflag:s9], $0x80  }
0x166: {  	[sflag:s9] =	ssyncset.done $0x0  }
0x167: {  	[sflag:s9] =	ssyncadd.s32 $0xFFFFFF80  }
0x168: {  	[spmem:s3] =	stream.indirect.scatter.add.f32 [tilespmem:s2], [sflag:$0x3], $0x50, s0, s31, $0xb8;
	[tilespmem:$0x14580] =	vst v63  }
0x169: {  	_ =	swait.ge [sflag:s30], $0x2800  }
0x16a: {  	[sflag:s30] =	ssyncset.done $0x0  }
0x16b: {  	s12 =	stileid.u32;
	[sflag:s30] =	ssyncadd.s32 $0xFFFFD800  }
0x16c: {  	s12 =	sshll.u32 s12, $0x6;
	[bflag:$0x0] =	sbarrier.arrive $0xFFFF  }
0x16d: {  	s13 =	sshrl.u32 s6, $0x3;
	s12 =	sor.u32 $0x1C03, s12;
	s15 =	rddreg [dreg:$0x13]  }
0x16e: {  	[hbm:s15], [sflag:s12] =	dma.local [spmem:s13], $0x1900  }
0x16f: {  	_ =	swait.ge [sflag:s30], $0x1900  }
0x170: {  	s11 =	sadd.s32 $0x1, s11;
	s24 =	rddreg [dreg:$0x14]  }
0x171: {  	p0 =	sne.s32 s11, s24  }
.Ltmp1:
0x172: {  	_ = 	snop;
	(pc) =	sbr.rel @p0 .LBB2_1-.Ltmp1, $3  }
0x173: {  	_ =	sdelay $0x1  }
0x174: {  	[sflag:s30] =	ssyncset.done $0x0  }
0x175: {  	[sflag:s30] =	ssyncadd.s32 $0xFFFFE700  }
0x176: {  	_ =	sfence.sel $0x180000  }
0x177: {  	[bflag:$0x0] =	sbarrier.arrive $0xFFFF  }
0x178: {  	_ =	strace $0x9000004A  }
0x179: {  	s0 =	stileid.u32;
	[bflag:$0x2] =	sbarrier.arrive $0xFFFF  }
0x17a: {  	p0 =	sne.s32 s0, $0x0;
	s0 =	rddreg [dreg:$0x3]  }
0x17b: {  	s0 =	sadd.s32 @!p0 $0x100000, s0  }
0x17c: {  	[sflag:s0] =	ssyncadd.tile.s32 @!p0 $0x1;
	_ =	shalt  }
.Lfunc_end2:
_tile_overlayer_lowered:
.L_overlay_start_2:
0x17d: {  	(tag) =	ssettag $0x2  }
0x17e: {  	s0 =	rddreg [dreg:$0x0];
	s2 =	stileid.u32  }
0x17f: {  	s1 =	rddreg [dreg:$0x1];
	p0 =	sne.s32 s2, $0x0  }
0x180: {  	s3 =	rddreg [dreg:$0x2];
	[bflag:$0x3] =	sbarrier.arrive $0xFFFF;
	s2 =	simm.s32 @!p0 $0x1C03  }
0x181: {  	[timem:s3], [sflag:s2] =	dma.local @!p0 [hbm:s0], s1  }
0x182: {  	s0 =	simm.s32 @!p0 $0x3  }
0x183: {  	_ =	swait.ge @!p0 [sflag:s0], s1  }
0x184: {  	s1 =	ssub.s32 @!p0 $0x0, s1;
	[sflag:s0] =	ssyncset.done @!p0 $0x0  }
0x185: {  	[sflag:s0] =	ssyncadd.s32 @!p0 s1  }
0x186: {  	[bflag:$0x3] =	sbarrier.arrive $0xFFFF  }
0x187: {  	_ =	shalt  }

// kernel: _run.14.cloned.1.call-start
scs
__scs_entry_jumppad:
0x0: {  	(pc) =	sbr.rel $0x88, $3  }
0x1: {  	(tag) =	ssettag $0x0;
	lr =	simm.s32 $0x1  }
0x2: {  	[smem:$0x3F9B] =	sst lr;
	_ =	strace $0xD0000000  }
0x3: {  	_ = 	snop  }
0x4: {  	_ = 	snop  }
0x5: {  	_ = 	snop  }
0x6: {  	_ = 	snop  }
0x7: {  	_ = 	snop  }
__scs_overlays_trampoline_lowered:
0x8: {  	[smem:$0x3FAA] =	sst s0  }
0x9: {  	[smem:$0x3FAB] =	sst s1  }
0xa: {  	[smem:$0x3FAC] =	sst s2  }
0xb: {  	[smem:$0x3FAD] =	sst s3  }
0xc: {  	[smem:$0x3FAE] =	sst s4  }
0xd: {  	[smem:$0x3FAF] =	sst s5  }
0xe: {  	[smem:$0x3FB0] =	sst s6  }
0xf: {  	[smem:$0x3FB1] =	sst s7  }
0x10: {  	[smem:$0x3FB2] =	sst s8  }
0x11: {  	[smem:$0x3FB3] =	sst s9;
	s0 =	simm.s32 @!p0 $0x0  }
0x12: {  	s1 =	sld [smem:$0x3F99];
	s0 =	simm.s32 @p0 $0x1  }
0x13: {  	[smem:$0x3FB4] =	sst s0;
	s0 =	simm.s32 @!p1 $0x0  }
0x14: {  	s2 =	sld [smem:$0x3F98];
	s0 =	simm.s32 @p1 $0x1  }
0x15: {  	[smem:$0x3FB5] =	sst s0;
	s0 =	simm.s32 @!p2 $0x0  }
0x16: {  	s3 =	sld [smem:$0x3FDB];
	s0 =	simm.s32 @p2 $0x1  }
0x17: {  	s4 =	simm.s32 $0x1BF5;
	[smem:$0x3FB7] =	sst s0  }
0x18: {  	s0 =	sld [smem:$0x3F9A];
	_ =	swait.ge [sflag:s4], $0x0  }
0x19: {  	s7 =	sld [smem:$0x3F9B]  }
0x1a: {  	s8 =	sadd.s32 $0xFFFFE003, lr  }
0x1b: {  	s9 =	sadd.s32 $0xFFFFFEF7, lr;
	s5 =	simm.s32 $0xFFFFFFFF;
	p2 =	slt.u32 s8, $0xFFFFF086  }
0x1c: {  	p1 =	slt.u32 s9, $0xF7A;
	s5 =	simm.s32 @!p2 $0x0  }
0x1d: {  	s5 =	simm.s32 @p1 $0x1;
	p0 =	seq.s32 s7, s2  }
0x1e: {  	s7 =	smul.u32 @!p0 $0xF7A, s2;
	p2 =	seq.s32 @!p0 s5, $0x0  }
0x1f: {  	s9 =	smul.u32 $0xF7A, s1;
	s8 =	simm.s32 @!p0 $0x1BF5;
	p2 =	por !p2, p0  }
0x20: {  	[sflag:s8] =	ssyncset.s32 @!p0 $0xFFFFF086;
	s6 =	sadd.s32 @!p0 s3, s7;
	s7 =	simm.s32 @!p0 $0x108  }
0x21: {  	s3 =	sadd.s32 s3, s9;
	s6 =	sadd.s32 @!p0 $0x88, s6;
	s7 =	simm.s32 @p2 $0x1082  }
0x22: {  	[simem:s7], [sflag:s8] =	dma.local @!p0 [hbm:s6], $0xF7A  }
0x23: {  	s9 =	sor.u32 $0xD0000000, s2;
	s6 =	simm.s32 $0x108;
	_ =	swait.ge @!p0 [sflag:s8], $0x0  }
0x24: {  	s3 =	sadd.s32 $0x88, s3;
	s6 =	simm.s32 @!p1 $0x1082;
	[sflag:s4] =	ssyncset.s32 $0xFFFFF086  }
0x25: {  	[simem:s6], [sflag:s4] =	dma.local [hbm:s3], $0xF7A  }
0x26: {  	[smem:$0x3F9B] =	sst s1;
	(tag) =	ssettag s2;
	_ =	strace s9  }
0x27: {  	s1 =	sld [smem:$0x3FAB]  }
0x28: {  	s2 =	sld [smem:$0x3FAC]  }
0x29: {  	s4 =	sld [smem:$0x3FAE]  }
0x2a: {  	p0 =	seq.s32 s5, $0x0;
	s5 =	sld [smem:$0x3FAF]  }
0x2b: {  	s6 =	sld [smem:$0x3FB0]  }
0x2c: {  	s7 =	sld [smem:$0x3FB1]  }
0x2d: {  	s3 =	simm.s32 $0x108;
	s8 =	sld [smem:$0x3FB2]  }
0x2e: {  	s3 =	simm.s32 @!p0 $0x1082;
	s9 =	sld [smem:$0x3FB3]  }
0x2f: {  	lr =	sadd.s32 s0, s3;
	s0 =	sld [smem:$0x3FAA]  }
0x30: {  	s3 =	sld [smem:$0x3FAD]  }
0x31: {  	[smem:$0x3FB6] =	sst s10  }
0x32: {  	s10 =	sld [smem:$0x3FB4];
	_ =	sdelay $0x3  }
0x33: {  	p0 =	seq.s32 s10, $0x1;
	s10 =	sld [smem:$0x3FB6];
	_ =	sdelay $0x3  }
0x34: {  	[smem:$0x3FB6] =	sst s10  }
0x35: {  	s10 =	sld [smem:$0x3FB5];
	_ =	sdelay $0x3  }
0x36: {  	p1 =	seq.s32 s10, $0x1;
	s10 =	sld [smem:$0x3FB6];
	_ =	sdelay $0x3  }
0x37: {  	[smem:$0x3FB6] =	sst s10  }
0x38: {  	s10 =	sld [smem:$0x3FB7]  }
0x39: {  	_ = 	snop;
	(pc) =	sbr.ind lr, $3  }
0x3a: {  	_ = 	snop  }
0x3b: {  	_ = 	snop  }
0x3c: {  	p2 =	seq.s32 s10, $0x1;
	s10 =	sld [smem:$0x3FB6]  }
0x3d: {  	_ =	shalt  }
0x3e: {  	_ =	shalt  }
0x3f: {  	_ =	shalt  }
0x40: {  	_ =	shalt  }
0x41: {  	_ =	shalt  }
0x42: {  	_ =	shalt  }
0x43: {  	_ =	shalt  }
0x44: {  	_ =	shalt  }
0x45: {  	_ =	shalt  }
0x46: {  	_ =	shalt  }
0x47: {  	_ =	shalt  }
0x48: {  	_ =	shalt  }
0x49: {  	_ =	shalt  }
0x4a: {  	_ =	shalt  }
0x4b: {  	_ =	shalt  }
0x4c: {  	_ =	shalt  }
0x4d: {  	_ =	shalt  }
0x4e: {  	_ =	shalt  }
0x4f: {  	_ =	shalt  }
0x50: {  	_ =	shalt  }
0x51: {  	_ =	shalt  }
0x52: {  	_ =	shalt  }
0x53: {  	_ =	shalt  }
0x54: {  	_ =	shalt  }
0x55: {  	_ =	shalt  }
0x56: {  	_ =	shalt  }
0x57: {  	_ =	shalt  }
0x58: {  	_ =	shalt  }
0x59: {  	_ =	shalt  }
0x5a: {  	_ =	shalt  }
0x5b: {  	_ =	shalt  }
0x5c: {  	_ =	shalt  }
0x5d: {  	_ =	shalt  }
0x5e: {  	_ =	shalt  }
0x5f: {  	_ =	shalt  }
0x60: {  	_ =	shalt  }
0x61: {  	_ =	shalt  }
0x62: {  	_ =	shalt  }
0x63: {  	_ =	shalt  }
0x64: {  	_ =	shalt  }
0x65: {  	_ =	shalt  }
0x66: {  	_ =	shalt  }
0x67: {  	_ =	shalt  }
0x68: {  	_ =	shalt  }
0x69: {  	_ =	shalt  }
0x6a: {  	_ =	shalt  }
0x6b: {  	_ =	shalt  }
0x6c: {  	_ =	shalt  }
0x6d: {  	_ =	shalt  }
0x6e: {  	_ =	shalt  }
0x6f: {  	_ =	shalt  }
0x70: {  	_ =	shalt  }
0x71: {  	_ =	shalt  }
0x72: {  	_ =	shalt  }
0x73: {  	_ =	shalt  }
0x74: {  	_ =	shalt  }
0x75: {  	_ =	shalt  }
0x76: {  	_ =	shalt  }
0x77: {  	_ =	shalt  }
0x78: {  	_ =	shalt  }
0x79: {  	_ =	shalt  }
0x7a: {  	_ =	shalt  }
0x7b: {  	_ =	shalt  }
0x7c: {  	_ =	shalt  }
0x7d: {  	_ =	shalt  }
0x7e: {  	_ =	shalt  }
0x7f: {  	_ =	shalt  }
0x80: {  	_ =	shalt  }
0x81: {  	_ =	shalt  }
0x82: {  	_ =	shalt  }
0x83: {  	_ =	shalt  }
0x84: {  	_ =	shalt  }
0x85: {  	_ =	shalt  }
0x86: {  	_ =	shalt  }
0x87: {  	_ =	shalt  }
.Lfunc_end0:
.L_simem_size_0:
called_computation.2_lowered:
.L_overlay_start_0:
0x88: {  	s2 =	sld [smem:$0x3FD9]  }
0x89: {  	s3 =	sld [smem:$0x3FFE];
	_ =	sdelay $0x1  }
0x8a: {  	s1 =	srdreg.scid  }
0x8b: {  	s0 =	sand.u32 $0x1, s1  }
0x8c: {  	s16 =	sshll.u32 s0, $0xA;
	s2 =	sadd.s32 s3, s2  }
0x8d: {  	s2 =	sadd.s32 s2, s16  }
0x8e: {  	[smem:$0x3FC2] =	sst s2  }
0x8f: {  	_ = 	snop  }
0x90: {  	(tm) =	ssettm $0x1  }
0x91: {  	s17 =	sld [smem:$0x3FFB];
	_ =	sdelay $0x3  }
0x92: {  	_ =	strace s17  }
0x93: {  	s2 =	sld [smem:$0x3FFC];
	_ =	sdelay $0x3  }
0x94: {  	_ =	strace s2  }
0x95: {  	s2 =	sld [smem:$0x3FFD];
	_ =	sdelay $0x3  }
0x96: {  	_ =	strace s2  }
0x97: {  	_ =	strace $0x8FFFFFFF  }
0x98: {  	s18 =	sld [smem:$0x3FDB];
	_ =	sdelay $0x1  }
0x99: {  	s19 =	simm.s32 $_scs_section_size  }
0x9a: {  	s4 =	simm.s32 $_size__tile_overlayer_lowered;
	s5 =	simm.s32 $_tile_overlayer_lowered  }
0x9b: {  	s22 =	simm.s32 $0x1BFF;
	s21 =	sshll.u32 s5, $0x1;
	s2 =	sadd.s32 s19, s18  }
0x9c: {  	s6 =	simm.s32 $0x0;
	s20 =	sshll.u32 s4, $0x1;
	s4 =	sadd.s32 s21, s2  }
0x9d: {  	[timem:s6], [sflag:s22] =	dma.local [hbm:s4], s20  }
0x9e: {  	_ =	swait.ge [sflag:s22], s20  }
0x9f: {  	s3 =	ssub.s32 $0x0, s20;
	[sflag:s22] =	ssyncset.done $0x0  }
0xa0: {  	[sflag:s22] =	ssyncadd.s32 s3;
	_ =	sdelay $0x1  }
0xa1: {  	s23 =	simm.s32 $0x1B8B  }
0xa2: {  	_ =	swait.ge [sflag:s23], $0x1  }
0xa3: {  	[sflag:s23] =	ssyncset.done $0x0  }
0xa4: {  	s25 =	simm.s32 $0x1B8E;
	s24 =	sld [smem:$0x3FFE];
	[sflag:s23] =	ssyncadd.s32 $0xFFFFFFFF  }
0xa5: {  	s26 =	simm.s32 $execute0_lowered;
	[smem:$0x3FD2] =	sst s25  }
0xa6: {  	s4 =	sshll.u32 s26, $0x1;
	_ =	strace $0x8000004C;
	[dreg:$0x1] =	wrdreg $0xFFFFFFFF  }
0xa7: {  	s28 =	simm.s32 $_size_execute0_lowered;
	s2 =	sadd.s32 s2, s4;
	[dreg:$0x0] =	wrdreg $0x0  }
0xa8: {  	s4 =	sshll.u32 s28, $0x1;
	[dreg:$0x2] =	wrdreg s2  }
0xa9: {  	[dreg:$0x3] =	wrdreg s4  }
0xaa: {  	[dreg:$0x4] =	wrdreg $0xC0  }
0xab: {  	_ =	task [dreg:s6], $0x5FFFF  }
0xac: {  	[dreg:$0x1] =	wrdreg $0xFFFFFFFF  }
0xad: {  	[dreg:$0x0] =	wrdreg $0x60  }
0xae: {  	[dreg:$0x2] =	wrdreg s24  }
0xaf: {  	[dreg:$0x3] =	wrdreg $0xB0800  }
0xb0: {  	[dreg:$0x4] =	wrdreg $0x9  }
0xb1: {  	_ =	task.clear_ibuf [dreg:s6], $0x5FFFF;
	_ =	strace $0x9000004C  }
0xb2: {  	s29 =	simm.s32 $0x9;
	_ =	strace $0x8000004E  }
0xb3: {  	_ =	swait.ge [sflag:s29], $0x1  }
0xb4: {  	[sflag:s29] =	ssyncadd.s32 $0xFFFFFFFF  }
0xb5: {  	_ =	strace $0x9000004E  }
0xb6: {  	_ =	sfence  }
0xb7: {  	s30 =	sld [smem:$0x0];
	_ =	sdelay $0x2  }
0xb8: {  	s31 =	sshll.u32 s1, $0xD;
	s1 =	sshrl.u32 s1, $0x2  }
0xb9: {  	s3 =	sand.u32 $0x4000, s31;
	s1 =	sadd.s32 s1, s30  }
0xba: {  	s0 =	sor.u32 s3, s0;
	s1 =	sshll.u32 s1, $0x11  }
0xbb: {  	s0 =	sor.u32 s1, s0  }
0xbc: {  	s0 =	sadd.s32 $0x8F2B, s0  }
0xbd: {  	[sflag:s0] =	ssyncadd.remote.s32 $0x1  }
0xbe: {  	_ =	sfence.sel $0xFFFF  }
0xbf: {  	[dreg:$0x0] =	wrdreg $0xFFFFFFFF;
	(pc) =	sbr.abs _section_cstart, $3  }
0xc0: {  	[dreg:$0x1] =	wrdreg $0xFFFFFFFF  }
0xc1: {  	_ =	task.clear_ibuf [dreg:s6], $0x2FFFF;
	_ =	strace $0x9FFFFFFF  }
0xc2: {  	(tm) =	ssettm $0x7FFFFFFF  }
0xc3: {  	_ =	shalt  }
tec
execute0_lowered:
.L_overlay_start_1:
0x0: {  	(tag) =	ssettag $0x1  }
0x1: {  	s0 =	srdreg.scid;
	s12 =	stileid.u32  }
0x2: {  	s1 =	rddreg [dreg:$0x0];
	s6 =	smul.u32 $0x2800, s12  }
0x3: {  	s0 =	sand.u32 $0x1, s0;
	s3 =	sshll.u32 s12, $0x1;
	s9 =	smul.u32 $0x50000, s12  }
0x4: {  	s2 =	rddreg [dreg:$0x1];
	s4 =	sor.u32 s0, s3;
	s7 =	smul.u32 $0x28000, s0  }
0x5: {  	s3 =	simm.s32 $0x0;
	s11 =	ssub.s32 $0x2, s0;
	s5 =	smul.u32 $0x2780, s4  }
0x6: {  	[smem:$0x7FF] =	sst s3;
	s4 =	sadd.s32 $0x3E200, s1;
	s25 =	sshrl.u32 s11, $0x1  }
0x7: {  	s9 =	sshrl.u32 s9, $0x2;
	_ =	strace $0x8000004D;
	s6 =	sadd.s32 s6, s7  }
0x8: {  	s7 =	ssub.s32 s11, s25;
	s8 =	sshrl.u32 s5, $0x3;
	s5 =	sadd.s32 $0x1A00, s1  }
0x9: {  	s7 =	smax.u32 s7, $0x1;
	s10 =	sadd.s32 s8, s1;
	s1 =	sadd.s32 s6, s1  }
0xa: {  	s6 =	sadd.s32 s9, s2;
	s8 =	sadd.s32 s5, s8;
	[dreg:$0x13] =	wrdreg s7  }
0xb: {  	s9 =	sadd.s32 $0x800, s6;
	[dreg:$0x11] =	wrdreg s8  }
0xc: {  	s26 =	sadd.s32 $0x1000, s6;
	[dreg:$0x3] =	wrdreg s9  }
0xd: {  	s11 =	sadd.s32 $0x1800, s6;
	[dreg:$0x4] =	wrdreg s26  }
0xe: {  	s13 =	sadd.s32 $0x2000, s6;
	[dreg:$0x5] =	wrdreg s11  }
0xf: {  	s14 =	sadd.s32 $0x2800, s6;
	[dreg:$0x6] =	wrdreg s13  }
0x10: {  	s16 =	sadd.s32 $0x3000, s6;
	[dreg:$0x7] =	wrdreg s14  }
0x11: {  	s17 =	sadd.s32 $0x3800, s6;
	[dreg:$0x8] =	wrdreg s16  }
0x12: {  	s18 =	sadd.s32 $0x4000, s6;
	[dreg:$0x9] =	wrdreg s17  }
0x13: {  	s19 =	sadd.s32 $0x4800, s6;
	[dreg:$0xa] =	wrdreg s18  }
0x14: {  	s20 =	sadd.s32 $0x5000, s6;
	[dreg:$0xb] =	wrdreg s19  }
0x15: {  	s21 =	sadd.s32 $0x5800, s6;
	[dreg:$0xc] =	wrdreg s20  }
0x16: {  	s22 =	sadd.s32 $0x6000, s6;
	[dreg:$0xd] =	wrdreg s21  }
0x17: {  	s23 =	sadd.s32 $0x6800, s6;
	[dreg:$0xe] =	wrdreg s22  }
0x18: {  	s24 =	sadd.s32 $0xC400, s10;
	[dreg:$0xf] =	wrdreg s23  }
0x19: {  	s1 =	sadd.s32 $0x66200, s1;
	[dreg:$0x10] =	wrdreg s24  }
0x1a: {  	s15 =	smul.u32 $0x4F00, s12;
	s8 =	sadd.s32 $0x7000, s6;
	[dreg:$0x12] =	wrdreg s1  }
0x1b: {  	s0 =	smul.u32 $0x2780, s0;
	s10 =	sadd.s32 $0x8000, s6;
	[dreg:$0x14] =	wrdreg s8  }
0x1c: {  	s12 =	sadd.s32 $0x9000, s6;
	[dreg:$0x16] =	wrdreg s10  }
0x1d: {  	s0 =	sadd.s32 s0, s15;
	s15 =	sadd.s32 $0xA000, s6;
	[dreg:$0x18] =	wrdreg s12  }
0x1e: {  	s9 =	sadd.s32 $0x7800, s6;
	[dreg:$0x1a] =	wrdreg s15  }
0x1f: {  	s29 =	simm.s32 $0xA880;
	s11 =	sadd.s32 $0x8800, s6;
	[dreg:$0x15] =	wrdreg s9  }
0x20: {  	s30 =	simm.s32 $0x3;
	s13 =	sadd.s32 $0x9800, s6;
	[dreg:$0x17] =	wrdreg s11  }
0x21: {  	s31 =	simm.s32 $0x80;
	s16 =	sadd.s32 $0xA800, s6;
	[dreg:$0x19] =	wrdreg s13  }
0x22: {  	s25 =	sadd.s32 $0x80, s0;
	s17 =	sadd.s32 $0xB000, s6;
	[dreg:$0x1b] =	wrdreg s16  }
0x23: {  	s7 =	simm.s32 $0x1;
	s18 =	sadd.s32 $0xB800, s6;
	[dreg:$0x1c] =	wrdreg s17  }
0x24: {  	s28 =	sadd.s32 $0x13800, s6;
	s19 =	sadd.s32 $0xC000, s6;
	[dreg:$0x1d] =	wrdreg s18  }
0x25: {  	s26 =	sshrl.u32 s25, $0x3;
	s20 =	sadd.s32 $0xC800, s6;
	[dreg:$0x1e] =	wrdreg s19  }
0x26: {  	s14 =	sadd.s32 $0x100, s0;
	s21 =	sadd.s32 $0xD000, s6;
	[dreg:$0x1f] =	wrdreg s20  }
0x27: {  	s22 =	sadd.s32 $0xD800, s6;
	s23 =	sadd.s32 $0xE000, s6;
	[smem:$0x7F9] =	sst s21  }
0x28: {  	s24 =	sadd.s32 $0xE800, s6;
	s1 =	simm.s32 $0x2880;
	[smem:$0x7FA] =	sst s22  }
0x29: {  	s0 =	simm.s32 $0x2780;
	s8 =	simm.s32 $0x6880;
	[smem:$0x7FB] =	sst s23  }
0x2a: {  	s10 =	simm.s32 $0x2800;
	s25 =	sadd.s32 s26, s5;
	[smem:$0x7FC] =	sst s24  }
0x2b: {  	s26 =	sadd.s32 $0xF000, s6;
	s17 =	sadd.s32 $0xF800, s6;
	s18 =	sadd.s32 $0x10000, s6  }
0x2c: {  	s19 =	sadd.s32 $0x10800, s6;
	s20 =	sadd.s32 $0x11000, s6;
	s21 =	sadd.s32 $0x11800, s6  }
0x2d: {  	s22 =	sadd.s32 $0x12000, s6;
	s23 =	sadd.s32 $0x12800, s6;
	s9 =	simm.s32 $0x2  }
0x2e: {  	v0 =	vimm.f32 $0.0e+00;
	s11 =	simm.s32 $0x0;
	[smem:$0x7FD] =	sst s26;
	s26 =	sadd.s32 $0x13000, s6  }
.LBB2_1:
0x2f: {  	[tilespmem:$0xA880] =	vst v0  }
0x30: {  	[tilespmem:$0xA890] =	vst v0  }
0x31: {  	[tilespmem:$0xA8A0] =	vst v0  }
0x32: {  	[tilespmem:$0xA8B0] =	vst v0  }
0x33: {  	[tilespmem:$0xA8C0] =	vst v0  }
0x34: {  	[tilespmem:$0xA8D0] =	vst v0  }
0x35: {  	[tilespmem:$0xA8E0] =	vst v0  }
0x36: {  	[tilespmem:$0xA8F0] =	vst v0  }
0x37: {  	[tilespmem:$0xA900] =	vst v0  }
0x38: {  	[tilespmem:$0xA910] =	vst v0  }
0x39: {  	[tilespmem:$0xA920] =	vst v0  }
0x3a: {  	[tilespmem:$0xA930] =	vst v0  }
0x3b: {  	[tilespmem:$0xA940] =	vst v0  }
0x3c: {  	[tilespmem:$0xA950] =	vst v0  }
0x3d: {  	[tilespmem:$0xA960] =	vst v0  }
0x3e: {  	[tilespmem:$0xA970] =	vst v0  }
0x3f: {  	[tilespmem:$0xA980] =	vst v0  }
0x40: {  	[tilespmem:$0xA990] =	vst v0  }
0x41: {  	[tilespmem:$0xA9A0] =	vst v0  }
0x42: {  	[tilespmem:$0xA9B0] =	vst v0  }
0x43: {  	[tilespmem:$0xA9C0] =	vst v0  }
0x44: {  	[tilespmem:$0xA9D0] =	vst v0  }
0x45: {  	[tilespmem:$0xA9E0] =	vst v0  }
0x46: {  	[tilespmem:$0xA9F0] =	vst v0  }
0x47: {  	[tilespmem:$0xAA00] =	vst v0  }
0x48: {  	[tilespmem:$0xAA10] =	vst v0  }
0x49: {  	[tilespmem:$0xAA20] =	vst v0  }
0x4a: {  	[tilespmem:$0xAA30] =	vst v0  }
0x4b: {  	[tilespmem:$0xAA40] =	vst v0  }
0x4c: {  	[tilespmem:$0xAA50] =	vst v0  }
0x4d: {  	[tilespmem:$0xAA60] =	vst v0  }
0x4e: {  	[tilespmem:$0xAA70] =	vst v0  }
0x4f: {  	[tilespmem:$0xAA80] =	vst v0  }
0x50: {  	[tilespmem:$0xAA90] =	vst v0  }
0x51: {  	[tilespmem:$0xAAA0] =	vst v0  }
0x52: {  	[tilespmem:$0xAAB0] =	vst v0  }
0x53: {  	[tilespmem:$0xAAC0] =	vst v0  }
0x54: {  	[tilespmem:$0xAAD0] =	vst v0  }
0x55: {  	[tilespmem:$0xAAE0] =	vst v0  }
0x56: {  	[tilespmem:$0xAAF0] =	vst v0  }
0x57: {  	[tilespmem:$0xAB00] =	vst v0  }
0x58: {  	[tilespmem:$0xAB10] =	vst v0  }
0x59: {  	[tilespmem:$0xAB20] =	vst v0  }
0x5a: {  	[tilespmem:$0xAB30] =	vst v0  }
0x5b: {  	[tilespmem:$0xAB40] =	vst v0  }
0x5c: {  	[tilespmem:$0xAB50] =	vst v0  }
0x5d: {  	[tilespmem:$0xAB60] =	vst v0  }
0x5e: {  	[tilespmem:$0xAB70] =	vst v0  }
0x5f: {  	[tilespmem:$0xAB80] =	vst v0  }
0x60: {  	[tilespmem:$0xAB90] =	vst v0  }
0x61: {  	[tilespmem:$0xABA0] =	vst v0  }
0x62: {  	[tilespmem:$0xABB0] =	vst v0  }
0x63: {  	[tilespmem:$0xABC0] =	vst v0  }
0x64: {  	[tilespmem:$0xABD0] =	vst v0  }
0x65: {  	[tilespmem:$0xABE0] =	vst v0  }
0x66: {  	[tilespmem:$0xABF0] =	vst v0  }
0x67: {  	[tilespmem:$0xAC00] =	vst v0  }
0x68: {  	[tilespmem:$0xAC10] =	vst v0  }
0x69: {  	[tilespmem:$0xAC20] =	vst v0  }
0x6a: {  	[tilespmem:$0xAC30] =	vst v0  }
0x6b: {  	[tilespmem:$0xAC40] =	vst v0  }
0x6c: {  	[tilespmem:$0xAC50] =	vst v0  }
0x6d: {  	[tilespmem:$0xAC60] =	vst v0  }
0x6e: {  	[tilespmem:$0xAC70] =	vst v0  }
0x6f: {  	[tilespmem:$0xAC80] =	vst v0  }
0x70: {  	[tilespmem:$0xAC90] =	vst v0  }
0x71: {  	[tilespmem:$0xACA0] =	vst v0  }
0x72: {  	[tilespmem:$0xACB0] =	vst v0  }
0x73: {  	[tilespmem:$0xACC0] =	vst v0  }
0x74: {  	[tilespmem:$0xACD0] =	vst v0  }
0x75: {  	[tilespmem:$0xACE0] =	vst v0  }
0x76: {  	[tilespmem:$0xACF0] =	vst v0  }
0x77: {  	[tilespmem:$0xAD00] =	vst v0  }
0x78: {  	[tilespmem:$0xAD10] =	vst v0  }
0x79: {  	[tilespmem:$0xAD20] =	vst v0  }
0x7a: {  	[tilespmem:$0xAD30] =	vst v0  }
0x7b: {  	[tilespmem:$0xAD40] =	vst v0  }
0x7c: {  	[tilespmem:$0xAD50] =	vst v0  }
0x7d: {  	[tilespmem:$0xAD60] =	vst v0  }
0x7e: {  	[tilespmem:$0xAD70] =	vst v0  }
0x7f: {  	[tilespmem:$0xAD80] =	vst v0  }
0x80: {  	[tilespmem:$0xAD90] =	vst v0  }
0x81: {  	[tilespmem:$0xADA0] =	vst v0  }
0x82: {  	[tilespmem:$0xADB0] =	vst v0  }
0x83: {  	[tilespmem:$0xADC0] =	vst v0  }
0x84: {  	[tilespmem:$0xADD0] =	vst v0  }
0x85: {  	[tilespmem:$0xADE0] =	vst v0  }
0x86: {  	[tilespmem:$0xADF0] =	vst v0  }
0x87: {  	[tilespmem:$0xAE00] =	vst v0  }
0x88: {  	[tilespmem:$0xAE10] =	vst v0  }
0x89: {  	[tilespmem:$0xAE20] =	vst v0  }
0x8a: {  	[tilespmem:$0xAE30] =	vst v0  }
0x8b: {  	[tilespmem:$0xAE40] =	vst v0  }
0x8c: {  	[tilespmem:$0xAE50] =	vst v0  }
0x8d: {  	[tilespmem:$0xAE60] =	vst v0  }
0x8e: {  	[tilespmem:$0xAE70] =	vst v0  }
0x8f: {  	[tilespmem:$0xAE80] =	vst v0  }
0x90: {  	[tilespmem:$0xAE90] =	vst v0  }
0x91: {  	[tilespmem:$0xAEA0] =	vst v0  }
0x92: {  	[tilespmem:$0xAEB0] =	vst v0  }
0x93: {  	[tilespmem:$0xAEC0] =	vst v0  }
0x94: {  	[tilespmem:$0xAED0] =	vst v0  }
0x95: {  	[tilespmem:$0xAEE0] =	vst v0  }
0x96: {  	[tilespmem:$0xAEF0] =	vst v0  }
0x97: {  	[tilespmem:$0xAF00] =	vst v0  }
0x98: {  	[tilespmem:$0xAF10] =	vst v0  }
0x99: {  	[tilespmem:$0xAF20] =	vst v0  }
0x9a: {  	[tilespmem:$0xAF30] =	vst v0  }
0x9b: {  	[tilespmem:$0xAF40] =	vst v0  }
0x9c: {  	[tilespmem:$0xAF50] =	vst v0  }
0x9d: {  	[tilespmem:$0xAF60] =	vst v0  }
0x9e: {  	[tilespmem:$0xAF70] =	vst v0  }
0x9f: {  	[tilespmem:$0xAF80] =	vst v0  }
0xa0: {  	[tilespmem:$0xAF90] =	vst v0  }
0xa1: {  	[tilespmem:$0xAFA0] =	vst v0  }
0xa2: {  	[tilespmem:$0xAFB0] =	vst v0  }
0xa3: {  	[tilespmem:$0xAFC0] =	vst v0  }
0xa4: {  	[tilespmem:$0xAFD0] =	vst v0  }
0xa5: {  	[tilespmem:$0xAFE0] =	vst v0  }
0xa6: {  	[tilespmem:$0xAFF0] =	vst v0  }
0xa7: {  	[tilespmem:$0xB000] =	vst v0  }
0xa8: {  	[tilespmem:$0xB010] =	vst v0  }
0xa9: {  	[tilespmem:$0xB020] =	vst v0  }
0xaa: {  	[tilespmem:$0xB030] =	vst v0  }
0xab: {  	[tilespmem:$0xB040] =	vst v0  }
0xac: {  	[tilespmem:$0xB050] =	vst v0  }
0xad: {  	[tilespmem:$0xB060] =	vst v0  }
0xae: {  	[tilespmem:$0xB070] =	vst v0  }
0xaf: {  	[spmem:s6] =	stream.linear.scatter [tilespmem:s29], [sflag:$0x3], $0x800, $0x38;
	[tilespmem:$0x1F080] =	vst v63  }
0xb0: {  	_ =	swait.ge [sflag:s30], $0x800  }
0xb1: {  	[sflag:s30] =	ssyncset.done $0x0  }
0xb2: {  	s12 =	rddreg [dreg:$0x3];
	[sflag:s30] =	ssyncadd.s32 $0xFFFFF800  }
0xb3: {  	[spmem:s12] =	stream.linear.scatter [tilespmem:s29], [sflag:$0x3], $0x800, $0x38;
	[tilespmem:$0x1F080] =	vst v63  }
0xb4: {  	_ =	swait.ge [sflag:s30], $0x800  }
0xb5: {  	[sflag:s30] =	ssyncset.done $0x0  }
0xb6: {  	s24 =	rddreg [dreg:$0x4];
	[sflag:s30] =	ssyncadd.s32 $0xFFFFF800  }
0xb7: {  	[spmem:s24] =	stream.linear.scatter [tilespmem:s29], [sflag:$0x3], $0x800, $0x38;
	[tilespmem:$0x1F080] =	vst v63  }
0xb8: {  	_ =	swait.ge [sflag:s30], $0x800  }
0xb9: {  	[sflag:s30] =	ssyncset.done $0x0  }
0xba: {  	s13 =	rddreg [dreg:$0x5];
	[sflag:s30] =	ssyncadd.s32 $0xFFFFF800  }
0xbb: {  	[spmem:s13] =	stream.linear.scatter [tilespmem:s29], [sflag:$0x3], $0x800, $0x38;
	[tilespmem:$0x1F080] =	vst v63  }
0xbc: {  	_ =	swait.ge [sflag:s30], $0x800  }
0xbd: {  	[sflag:s30] =	ssyncset.done $0x0  }
0xbe: {  	s15 =	rddreg [dreg:$0x6];
	[sflag:s30] =	ssyncadd.s32 $0xFFFFF800  }
0xbf: {  	[spmem:s15] =	stream.linear.scatter [tilespmem:s29], [sflag:$0x3], $0x800, $0x38;
	[tilespmem:$0x1F080] =	vst v63  }
0xc0: {  	_ =	swait.ge [sflag:s30], $0x800  }
0xc1: {  	[sflag:s30] =	ssyncset.done $0x0  }
0xc2: {  	s16 =	rddreg [dreg:$0x7];
	[sflag:s30] =	ssyncadd.s32 $0xFFFFF800  }
0xc3: {  	[spmem:s16] =	stream.linear.scatter [tilespmem:s29], [sflag:$0x3], $0x800, $0x38;
	[tilespmem:$0x1F080] =	vst v63  }
0xc4: {  	_ =	swait.ge [sflag:s30], $0x800  }
0xc5: {  	[sflag:s30] =	ssyncset.done $0x0  }
0xc6: {  	s24 =	rddreg [dreg:$0x8];
	[sflag:s30] =	ssyncadd.s32 $0xFFFFF800  }
0xc7: {  	[spmem:s24] =	stream.linear.scatter [tilespmem:s29], [sflag:$0x3], $0x800, $0x38;
	[tilespmem:$0x1F080] =	vst v63  }
0xc8: {  	_ =	swait.ge [sflag:s30], $0x800  }
0xc9: {  	[sflag:s30] =	ssyncset.done $0x0  }
0xca: {  	s13 =	rddreg [dreg:$0x9];
	[sflag:s30] =	ssyncadd.s32 $0xFFFFF800  }
0xcb: {  	[spmem:s13] =	stream.linear.scatter [tilespmem:s29], [sflag:$0x3], $0x800, $0x38;
	[tilespmem:$0x1F080] =	vst v63  }
0xcc: {  	_ =	swait.ge [sflag:s30], $0x800  }
0xcd: {  	[sflag:s30] =	ssyncset.done $0x0  }
0xce: {  	s15 =	rddreg [dreg:$0xa];
	[sflag:s30] =	ssyncadd.s32 $0xFFFFF800  }
0xcf: {  	[spmem:s15] =	stream.linear.scatter [tilespmem:s29], [sflag:$0x3], $0x800, $0x38;
	[tilespmem:$0x1F080] =	vst v63  }
0xd0: {  	_ =	swait.ge [sflag:s30], $0x800  }
0xd1: {  	[sflag:s30] =	ssyncset.done $0x0  }
0xd2: {  	s16 =	rddreg [dreg:$0xb];
	[sflag:s30] =	ssyncadd.s32 $0xFFFFF800  }
0xd3: {  	[spmem:s16] =	stream.linear.scatter [tilespmem:s29], [sflag:$0x3], $0x800, $0x38;
	[tilespmem:$0x1F080] =	vst v63  }
0xd4: {  	_ =	swait.ge [sflag:s30], $0x800  }
0xd5: {  	[sflag:s30] =	ssyncset.done $0x0  }
0xd6: {  	s24 =	rddreg [dreg:$0xc];
	[sflag:s30] =	ssyncadd.s32 $0xFFFFF800  }
0xd7: {  	[spmem:s24] =	stream.linear.scatter [tilespmem:s29], [sflag:$0x3], $0x800, $0x38;
	[tilespmem:$0x1F080] =	vst v63  }
0xd8: {  	_ =	swait.ge [sflag:s30], $0x800  }
0xd9: {  	[sflag:s30] =	ssyncset.done $0x0  }
0xda: {  	s13 =	rddreg [dreg:$0xd];
	[sflag:s30] =	ssyncadd.s32 $0xFFFFF800  }
0xdb: {  	[spmem:s13] =	stream.linear.scatter [tilespmem:s29], [sflag:$0x3], $0x800, $0x38;
	[tilespmem:$0x1F080] =	vst v63  }
0xdc: {  	_ =	swait.ge [sflag:s30], $0x800  }
0xdd: {  	[sflag:s30] =	ssyncset.done $0x0  }
0xde: {  	s15 =	rddreg [dreg:$0xe];
	[sflag:s30] =	ssyncadd.s32 $0xFFFFF800  }
0xdf: {  	[spmem:s15] =	stream.linear.scatter [tilespmem:s29], [sflag:$0x3], $0x800, $0x38;
	[tilespmem:$0x1F080] =	vst v63  }
0xe0: {  	_ =	swait.ge [sflag:s30], $0x800  }
0xe1: {  	[sflag:s30] =	ssyncset.done $0x0  }
0xe2: {  	s16 =	rddreg [dreg:$0xf];
	[sflag:s30] =	ssyncadd.s32 $0xFFFFF800  }
0xe3: {  	[spmem:s16] =	stream.linear.scatter [tilespmem:s29], [sflag:$0x3], $0x800, $0x38;
	[tilespmem:$0x1F080] =	vst v63  }
0xe4: {  	_ =	swait.ge [sflag:s30], $0x800  }
0xe5: {  	[sflag:s30] =	ssyncset.done $0x0  }
0xe6: {  	s24 =	rddreg [dreg:$0x14];
	[sflag:s30] =	ssyncadd.s32 $0xFFFFF800  }
0xe7: {  	[spmem:s24] =	stream.linear.scatter [tilespmem:s29], [sflag:$0x3], $0x800, $0x38;
	[tilespmem:$0x1F080] =	vst v63  }
0xe8: {  	_ =	swait.ge [sflag:s30], $0x800  }
0xe9: {  	[sflag:s30] =	ssyncset.done $0x0  }
0xea: {  	s13 =	rddreg [dreg:$0x15];
	[sflag:s30] =	ssyncadd.s32 $0xFFFFF800  }
0xeb: {  	[spmem:s13] =	stream.linear.scatter [tilespmem:s29], [sflag:$0x3], $0x800, $0x38;
	[tilespmem:$0x1F080] =	vst v63  }
0xec: {  	_ =	swait.ge [sflag:s30], $0x800  }
0xed: {  	[sflag:s30] =	ssyncset.done $0x0  }
0xee: {  	s15 =	rddreg [dreg:$0x16];
	[sflag:s30] =	ssyncadd.s32 $0xFFFFF800  }
0xef: {  	[spmem:s15] =	stream.linear.scatter [tilespmem:s29], [sflag:$0x3], $0x800, $0x38;
	[tilespmem:$0x1F080] =	vst v63  }
0xf0: {  	_ =	swait.ge [sflag:s30], $0x800  }
0xf1: {  	[sflag:s30] =	ssyncset.done $0x0  }
0xf2: {  	s16 =	rddreg [dreg:$0x17];
	[sflag:s30] =	ssyncadd.s32 $0xFFFFF800  }
0xf3: {  	[spmem:s16] =	stream.linear.scatter [tilespmem:s29], [sflag:$0x3], $0x800, $0x38;
	[tilespmem:$0x1F080] =	vst v63  }
0xf4: {  	_ =	swait.ge [sflag:s30], $0x800  }
0xf5: {  	[sflag:s30] =	ssyncset.done $0x0  }
0xf6: {  	s24 =	rddreg [dreg:$0x18];
	[sflag:s30] =	ssyncadd.s32 $0xFFFFF800  }
0xf7: {  	[spmem:s24] =	stream.linear.scatter [tilespmem:s29], [sflag:$0x3], $0x800, $0x38;
	[tilespmem:$0x1F080] =	vst v63  }
0xf8: {  	_ =	swait.ge [sflag:s30], $0x800  }
0xf9: {  	[sflag:s30] =	ssyncset.done $0x0  }
0xfa: {  	s13 =	rddreg [dreg:$0x19];
	[sflag:s30] =	ssyncadd.s32 $0xFFFFF800  }
0xfb: {  	[spmem:s13] =	stream.linear.scatter [tilespmem:s29], [sflag:$0x3], $0x800, $0x38;
	[tilespmem:$0x1F080] =	vst v63  }
0xfc: {  	_ =	swait.ge [sflag:s30], $0x800  }
0xfd: {  	[sflag:s30] =	ssyncset.done $0x0  }
0xfe: {  	s15 =	rddreg [dreg:$0x1a];
	[sflag:s30] =	ssyncadd.s32 $0xFFFFF800  }
0xff: {  	[spmem:s15] =	stream.linear.scatter [tilespmem:s29], [sflag:$0x3], $0x800, $0x38;
	[tilespmem:$0x1F080] =	vst v63  }
0x100: {  	_ =	swait.ge [sflag:s30], $0x800  }
0x101: {  	[sflag:s30] =	ssyncset.done $0x0  }
0x102: {  	s16 =	rddreg [dreg:$0x1b];
	[sflag:s30] =	ssyncadd.s32 $0xFFFFF800  }
0x103: {  	[spmem:s16] =	stream.linear.scatter [tilespmem:s29], [sflag:$0x3], $0x800, $0x38;
	[tilespmem:$0x1F080] =	vst v63  }
0x104: {  	_ =	swait.ge [sflag:s30], $0x800  }
0x105: {  	[sflag:s30] =	ssyncset.done $0x0  }
0x106: {  	s24 =	rddreg [dreg:$0x1c];
	[sflag:s30] =	ssyncadd.s32 $0xFFFFF800  }
0x107: {  	[spmem:s24] =	stream.linear.scatter [tilespmem:s29], [sflag:$0x3], $0x800, $0x38;
	[tilespmem:$0x1F080] =	vst v63  }
0x108: {  	_ =	swait.ge [sflag:s30], $0x800  }
0x109: {  	[sflag:s30] =	ssyncset.done $0x0  }
0x10a: {  	s13 =	rddreg [dreg:$0x1d];
	[sflag:s30] =	ssyncadd.s32 $0xFFFFF800  }
0x10b: {  	[spmem:s13] =	stream.linear.scatter [tilespmem:s29], [sflag:$0x3], $0x800, $0x38;
	[tilespmem:$0x1F080] =	vst v63  }
0x10c: {  	_ =	swait.ge [sflag:s30], $0x800  }
0x10d: {  	[sflag:s30] =	ssyncset.done $0x0  }
0x10e: {  	s15 =	rddreg [dreg:$0x1e];
	[sflag:s30] =	ssyncadd.s32 $0xFFFFF800  }
0x10f: {  	[spmem:s15] =	stream.linear.scatter [tilespmem:s29], [sflag:$0x3], $0x800, $0x38;
	[tilespmem:$0x1F080] =	vst v63  }
0x110: {  	_ =	swait.ge [sflag:s30], $0x800  }
0x111: {  	[sflag:s30] =	ssyncset.done $0x0  }
0x112: {  	s16 =	rddreg [dreg:$0x1f];
	[sflag:s30] =	ssyncadd.s32 $0xFFFFF800  }
0x113: {  	[spmem:s16] =	stream.linear.scatter [tilespmem:s29], [sflag:$0x3], $0x800, $0x38;
	[tilespmem:$0x1F080] =	vst v63  }
0x114: {  	_ =	swait.ge [sflag:s30], $0x800  }
0x115: {  	s24 =	sld [smem:$0x7F9]  }
0x116: {  	[sflag:s30] =	ssyncset.done $0x0  }
0x117: {  	[sflag:s30] =	ssyncadd.s32 $0xFFFFF800  }
0x118: {  	[spmem:s24] =	stream.linear.scatter [tilespmem:s29], [sflag:$0x3], $0x800, $0x38;
	[tilespmem:$0x1F080] =	vst v63  }
0x119: {  	_ =	swait.ge [sflag:s30], $0x800  }
0x11a: {  	s13 =	sld [smem:$0x7FA]  }
0x11b: {  	[sflag:s30] =	ssyncset.done $0x0  }
0x11c: {  	[sflag:s30] =	ssyncadd.s32 $0xFFFFF800  }
0x11d: {  	[spmem:s13] =	stream.linear.scatter [tilespmem:s29], [sflag:$0x3], $0x800, $0x38;
	[tilespmem:$0x1F080] =	vst v63  }
0x11e: {  	_ =	swait.ge [sflag:s30], $0x800  }
0x11f: {  	s15 =	sld [smem:$0x7FB]  }
0x120: {  	[sflag:s30] =	ssyncset.done $0x0  }
0x121: {  	[sflag:s30] =	ssyncadd.s32 $0xFFFFF800  }
0x122: {  	[spmem:s15] =	stream.linear.scatter [tilespmem:s29], [sflag:$0x3], $0x800, $0x38;
	[tilespmem:$0x1F080] =	vst v63  }
0x123: {  	_ =	swait.ge [sflag:s30], $0x800  }
0x124: {  	s16 =	sld [smem:$0x7FC]  }
0x125: {  	[sflag:s30] =	ssyncset.done $0x0  }
0x126: {  	[sflag:s30] =	ssyncadd.s32 $0xFFFFF800  }
0x127: {  	[spmem:s16] =	stream.linear.scatter [tilespmem:s29], [sflag:$0x3], $0x800, $0x38;
	[tilespmem:$0x1F080] =	vst v63  }
0x128: {  	_ =	swait.ge [sflag:s30], $0x800  }
0x129: {  	s24 =	sld [smem:$0x7FD]  }
0x12a: {  	[sflag:s30] =	ssyncset.done $0x0  }
0x12b: {  	[sflag:s30] =	ssyncadd.s32 $0xFFFFF800  }
0x12c: {  	[spmem:s24] =	stream.linear.scatter [tilespmem:s29], [sflag:$0x3], $0x800, $0x38;
	[tilespmem:$0x1F080] =	vst v63  }
0x12d: {  	_ =	swait.ge [sflag:s30], $0x800  }
0x12e: {  	[sflag:s30] =	ssyncset.done $0x0  }
0x12f: {  	[sflag:s30] =	ssyncadd.s32 $0xFFFFF800  }
0x130: {  	[spmem:s17] =	stream.linear.scatter [tilespmem:s29], [sflag:$0x3], $0x800, $0x38;
	[tilespmem:$0x1F080] =	vst v63  }
0x131: {  	_ =	swait.ge [sflag:s30], $0x800  }
0x132: {  	[sflag:s30] =	ssyncset.done $0x0  }
0x133: {  	[sflag:s30] =	ssyncadd.s32 $0xFFFFF800  }
0x134: {  	[spmem:s18] =	stream.linear.scatter [tilespmem:s29], [sflag:$0x3], $0x800, $0x38;
	[tilespmem:$0x1F080] =	vst v63  }
0x135: {  	_ =	swait.ge [sflag:s30], $0x800  }
0x136: {  	[sflag:s30] =	ssyncset.done $0x0  }
0x137: {  	[sflag:s30] =	ssyncadd.s32 $0xFFFFF800  }
0x138: {  	[spmem:s19] =	stream.linear.scatter [tilespmem:s29], [sflag:$0x3], $0x800, $0x38;
	[tilespmem:$0x1F080] =	vst v63  }
0x139: {  	_ =	swait.ge [sflag:s30], $0x800  }
0x13a: {  	[sflag:s30] =	ssyncset.done $0x0  }
0x13b: {  	[sflag:s30] =	ssyncadd.s32 $0xFFFFF800  }
0x13c: {  	[spmem:s20] =	stream.linear.scatter [tilespmem:s29], [sflag:$0x3], $0x800, $0x38;
	[tilespmem:$0x1F080] =	vst v63  }
0x13d: {  	_ =	swait.ge [sflag:s30], $0x800  }
0x13e: {  	[sflag:s30] =	ssyncset.done $0x0  }
0x13f: {  	[sflag:s30] =	ssyncadd.s32 $0xFFFFF800  }
0x140: {  	[spmem:s21] =	stream.linear.scatter [tilespmem:s29], [sflag:$0x3], $0x800, $0x38;
	[tilespmem:$0x1F080] =	vst v63  }
0x141: {  	_ =	swait.ge [sflag:s30], $0x800  }
0x142: {  	[sflag:s30] =	ssyncset.done $0x0  }
0x143: {  	[sflag:s30] =	ssyncadd.s32 $0xFFFFF800  }
0x144: {  	[spmem:s22] =	stream.linear.scatter [tilespmem:s29], [sflag:$0x3], $0x800, $0x38;
	[tilespmem:$0x1F080] =	vst v63  }
0x145: {  	_ =	swait.ge [sflag:s30], $0x800  }
0x146: {  	[sflag:s30] =	ssyncset.done $0x0  }
0x147: {  	[sflag:s30] =	ssyncadd.s32 $0xFFFFF800  }
0x148: {  	[spmem:s23] =	stream.linear.scatter [tilespmem:s29], [sflag:$0x3], $0x800, $0x38;
	[tilespmem:$0x1F080] =	vst v63  }
0x149: {  	_ =	swait.ge [sflag:s30], $0x800  }
0x14a: {  	[sflag:s30] =	ssyncset.done $0x0  }
0x14b: {  	[sflag:s30] =	ssyncadd.s32 $0xFFFFF800  }
0x14c: {  	[spmem:s26] =	stream.linear.scatter [tilespmem:s29], [sflag:$0x3], $0x800, $0x38;
	[tilespmem:$0x1F080] =	vst v63  }
0x14d: {  	_ =	swait.ge [sflag:s30], $0x800  }
0x14e: {  	[sflag:s30] =	ssyncset.done $0x0  }
0x14f: {  	[sflag:s30] =	ssyncadd.s32 $0xFFFFF800  }
0x150: {  	[spmem:s28] =	stream.linear.scatter [tilespmem:s29], [sflag:$0x3], $0x800, $0x38;
	[tilespmem:$0x1F080] =	vst v63  }
0x151: {  	_ =	swait.ge [sflag:s30], $0x800  }
0x152: {  	[sflag:s30] =	ssyncset.done $0x0  }
0x153: {  	s13 =	rddreg [dreg:$0x10];
	[sflag:s30] =	ssyncadd.s32 $0xFFFFF800  }
0x154: {  	[tilespmem:s3], [sflag:$0x3] =	stream.linear.gather [hbm4b:s13+s3], $0x2780, $0x38;
	[tilespmem:$0x1F080] =	vst v63  }
0x155: {  	_ =	swait.ge [sflag:s30], $0x2780  }
0x156: {  	[sflag:s30] =	ssyncset.done $0x0  }
0x157: {  	[sflag:s30] =	ssyncadd.s32 $0xFFFFD880  }
0x158: {  	[bflag:$0x0] =	sbarrier.arrive $0xFFFF  }
0x159: {  	[tilespmem:s1], [sflag:$0x1] =	stream.indirect.gather [hbm4b:s4+s31], $0x80, s3, s31, $0xb8;
	[tilespmem:$0x1F080] =	vst v63  }
0x15a: {  	s15 =	rddreg [dreg:$0x11]  }
0x15b: {  	[tilespmem:s0], [sflag:$0x2] =	stream.linear.gather [hbm4b:s15+s3], $0x80, $0x38;
	[tilespmem:$0x1F080] =	vst v63  }
0x15c: {  	_ =	swait.ge [sflag:s7], $0x4000  }
0x15d: {  	[sflag:s7] =	ssyncset.done $0x0  }
0x15e: {  	s16 =	simm.s32 $0x80;
	[sflag:s7] =	ssyncadd.s32 $0xFFFFC000  }
0x15f: {  	[tilespmem:s8], [sflag:$0x1] =	stream.indirect.gather [hbm4b:s4+s31], $0x80, s16, s31, $0xb8;
	[tilespmem:$0x1F080] =	vst v63  }
0x160: {  	_ =	swait.ge [sflag:s9], $0x80  }
0x161: {  	[sflag:s9] =	ssyncset.done $0x0  }
0x162: {  	s24 =	sadd.s32 $0x0, s25;
	[sflag:s9] =	ssyncadd.s32 $0xFFFFFF80  }
0x163: {  	[tilespmem:s10], [sflag:$0x2] =	stream.linear.gather [hbm4b:s24+s3], $0x80, $0x38;
	[tilespmem:$0x1F080] =	vst v63  }
0x164: {  	_ = 	snop  }
0x165: {  	[spmem:s2] =	stream.indirect.scatter.add.f32 [tilespmem:s1], [sflag:$0x3], $0x80, s0, s31, $0xb8;
	[tilespmem:$0x1F080] =	vst v63  }
0x166: {  	_ =	swait.ge [sflag:s30], $0x4000  }
0x167: {  	[sflag:s30] =	ssyncset.done $0x0  }
0x168: {  	[sflag:s30] =	ssyncadd.s32 $0xFFFFC000  }
0x169: {  	_ =	swait.ge [sflag:s7], $0x4000  }
0x16a: {  	[sflag:s7] =	ssyncset.done $0x0  }
0x16b: {  	s12 =	simm.s32 $0x100;
	[sflag:s7] =	ssyncadd.s32 $0xFFFFC000  }
0x16c: {  	[tilespmem:s1], [sflag:$0x1] =	stream.indirect.gather [hbm4b:s4+s31], $0x80, s12, s31, $0xb8;
	[tilespmem:$0x1F080] =	vst v63  }
0x16d: {  	_ =	swait.ge [sflag:s9], $0x80  }
0x16e: {  	s13 =	sshrl.u32 s14, $0x3;
	[sflag:s9] =	ssyncset.done $0x0  }
0x16f: {  	s13 =	sadd.s32 s5, s13;
	[sflag:s9] =	ssyncadd.s32 $0xFFFFFF80  }
0x170: {  	[tilespmem:s0], [sflag:$0x2] =	stream.linear.gather [hbm4b:s13+s3], $0x80, $0x38;
	[tilespmem:$0x1F080] =	vst v63  }
0x171: {  	_ = 	snop  }
0x172: {  	[spmem:s2] =	stream.indirect.scatter.add.f32 [tilespmem:s8], [sflag:$0x3], $0x80, s10, s31, $0xb8;
	[tilespmem:$0x1F080] =	vst v63  }
0x173: {  	_ =	swait.ge [sflag:s30], $0x4000  }
0x174: {  	s24 =	smov.u32 s14;
	s13 =	simm.s32 $0x20;
	[sflag:s30] =	ssyncset.done $0x0  }
.LBB2_2:
0x175: {  	[sflag:s30] =	ssyncadd.s32 $0xFFFFC000;
	s24 =	sadd.s32 $0x100, s24;
	s12 =	sadd.s32 $0x100, s12  }
0x176: {  	p0 =	sne.s32 s13, $0x4C0;
	s15 =	smov.u32 s13;
	s13 =	sadd.s32 $0x20, s13  }
0x177: {  	_ =	swait.ge [sflag:s7], $0x4000  }
0x178: {  	[sflag:s7] =	ssyncset.done $0x0  }
0x179: {  	s16 =	sadd.s32 $0xFFFFFF80, s12;
	[sflag:s7] =	ssyncadd.s32 $0xFFFFC000  }
0x17a: {  	[tilespmem:s8], [sflag:$0x1] =	stream.indirect.gather [hbm4b:s4+s31], $0x80, s16, s31, $0xb8;
	[tilespmem:$0x1F080] =	vst v63  }
0x17b: {  	_ =	swait.ge [sflag:s9], $0x80  }
0x17c: {  	[sflag:s9] =	ssyncset.done $0x0  }
0x17d: {  	s15 =	sadd.s32 s15, s25;
	[sflag:s9] =	ssyncadd.s32 $0xFFFFFF80  }
0x17e: {  	[tilespmem:s10], [sflag:$0x2] =	stream.linear.gather [hbm4b:s15+s3], $0x80, $0x38;
	[tilespmem:$0x1F080] =	vst v63  }
0x17f: {  	_ = 	snop  }
0x180: {  	[spmem:s2] =	stream.indirect.scatter.add.f32 [tilespmem:s1], [sflag:$0x3], $0x80, s0, s31, $0xb8;
	[tilespmem:$0x1F080] =	vst v63  }
0x181: {  	_ =	swait.ge [sflag:s30], $0x4000  }
0x182: {  	[sflag:s30] =	ssyncset.done $0x0  }
0x183: {  	[sflag:s30] =	ssyncadd.s32 $0xFFFFC000  }
0x184: {  	_ =	swait.ge [sflag:s7], $0x4000  }
0x185: {  	[sflag:s7] =	ssyncset.done $0x0  }
0x186: {  	[sflag:s7] =	ssyncadd.s32 $0xFFFFC000  }
0x187: {  	[tilespmem:s1], [sflag:$0x1] =	stream.indirect.gather [hbm4b:s4+s31], $0x80, s12, s31, $0xb8;
	[tilespmem:$0x1F080] =	vst v63  }
0x188: {  	_ =	swait.ge [sflag:s9], $0x80  }
0x189: {  	s15 =	sshrl.u32 s24, $0x3;
	[sflag:s9] =	ssyncset.done $0x0  }
0x18a: {  	s15 =	sadd.s32 s5, s15;
	[sflag:s9] =	ssyncadd.s32 $0xFFFFFF80  }
0x18b: {  	[tilespmem:s0], [sflag:$0x2] =	stream.linear.gather [hbm4b:s15+s3], $0x80, $0x38;
	[tilespmem:$0x1F080] =	vst v63  }
.Ltmp0:
0x18c: {  	_ = 	snop;
	(pc) =	sbr.rel @p0 .LBB2_2-.Ltmp0, $4  }
0x18d: {  	_ = 	snop  }
0x18e: {  	[spmem:s2] =	stream.indirect.scatter.add.f32 [tilespmem:s8], [sflag:$0x3], $0x80, s10, s31, $0xb8;
	[tilespmem:$0x1F080] =	vst v63  }
0x18f: {  	_ =	swait.ge [sflag:s30], $0x4000  }
0x190: {  	[sflag:s30] =	ssyncset.done $0x0  }
0x191: {  	[sflag:s30] =	ssyncadd.s32 $0xFFFFC000  }
0x192: {  	_ =	swait.ge [sflag:s7], $0x4000  }
0x193: {  	[sflag:s7] =	ssyncset.done $0x0  }
0x194: {  	[sflag:s7] =	ssyncadd.s32 $0xFFFFC000  }
0x195: {  	_ =	swait.ge [sflag:s9], $0x80  }
0x196: {  	[sflag:s9] =	ssyncset.done $0x0  }
0x197: {  	[sflag:s9] =	ssyncadd.s32 $0xFFFFFF80  }
0x198: {  	[spmem:s2] =	stream.indirect.scatter.add.f32 [tilespmem:s1], [sflag:$0x3], $0x80, s0, s31, $0xb8;
	[tilespmem:$0x1F080] =	vst v63  }
0x199: {  	_ =	swait.ge [sflag:s30], $0x4000  }
0x19a: {  	[sflag:s30] =	ssyncset.done $0x0  }
0x19b: {  	s12 =	stileid.u32;
	[sflag:s30] =	ssyncadd.s32 $0xFFFFC000  }
0x19c: {  	s12 =	sshll.u32 s12, $0x6;
	[bflag:$0x0] =	sbarrier.arrive $0xFFFF  }
0x19d: {  	s13 =	sshrl.u32 s6, $0x3;
	s12 =	sor.u32 $0x1C03, s12;
	s15 =	rddreg [dreg:$0x12]  }
0x19e: {  	[hbm:s15], [sflag:s12] =	dma.local [spmem:s13], $0x2800  }
0x19f: {  	_ =	swait.ge [sflag:s30], $0x2800  }
0x1a0: {  	s11 =	sadd.s32 $0x1, s11;
	s24 =	rddreg [dreg:$0x13]  }
0x1a1: {  	p0 =	sne.s32 s11, s24  }
.Ltmp1:
0x1a2: {  	_ = 	snop;
	(pc) =	sbr.rel @p0 .LBB2_1-.Ltmp1, $3  }
0x1a3: {  	_ =	sdelay $0x1  }
0x1a4: {  	[sflag:s30] =	ssyncset.done $0x0  }
0x1a5: {  	[sflag:s30] =	ssyncadd.s32 $0xFFFFD800  }
0x1a6: {  	_ =	sfence.sel $0x180000  }
0x1a7: {  	[bflag:$0x0] =	sbarrier.arrive $0xFFFF  }
0x1a8: {  	_ =	strace $0x9000004D  }
0x1a9: {  	s0 =	stileid.u32;
	[bflag:$0x2] =	sbarrier.arrive $0xFFFF  }
0x1aa: {  	p0 =	sne.s32 s0, $0x0;
	s0 =	rddreg [dreg:$0x2]  }
0x1ab: {  	s0 =	sadd.s32 @!p0 $0x100000, s0  }
0x1ac: {  	[sflag:s0] =	ssyncadd.tile.s32 @!p0 $0x1;
	_ =	shalt  }
.Lfunc_end2:
_tile_overlayer_lowered:
.L_overlay_start_2:
0x1ad: {  	(tag) =	ssettag $0x2  }
0x1ae: {  	s0 =	rddreg [dreg:$0x0];
	s2 =	stileid.u32  }
0x1af: {  	s1 =	rddreg [dreg:$0x1];
	p0 =	sne.s32 s2, $0x0  }
0x1b0: {  	s3 =	rddreg [dreg:$0x2];
	[bflag:$0x3] =	sbarrier.arrive $0xFFFF;
	s2 =	simm.s32 @!p0 $0x1C03  }
0x1b1: {  	[timem:s3], [sflag:s2] =	dma.local @!p0 [hbm:s0], s1  }
0x1b2: {  	s0 =	simm.s32 @!p0 $0x3  }
0x1b3: {  	_ =	swait.ge @!p0 [sflag:s0], s1  }
0x1b4: {  	s1 =	ssub.s32 @!p0 $0x0, s1;
	[sflag:s0] =	ssyncset.done @!p0 $0x0  }
0x1b5: {  	[sflag:s0] =	ssyncadd.s32 @!p0 s1  }
0x1b6: {  	[bflag:$0x3] =	sbarrier.arrive $0xFFFF  }
0x1b7: {  	_ =	shalt  }

// kernel: _run.8.cloned.1.call-start
scs
__scs_entry_jumppad:
0x0: {  	(pc) =	sbr.rel $0x88, $3  }
0x1: {  	(tag) =	ssettag $0x0;
	lr =	simm.s32 $0x1  }
0x2: {  	[smem:$0x3F9B] =	sst lr;
	_ =	strace $0xD0000000  }
0x3: {  	_ = 	snop  }
0x4: {  	_ = 	snop  }
0x5: {  	_ = 	snop  }
0x6: {  	_ = 	snop  }
0x7: {  	_ = 	snop  }
__scs_overlays_trampoline_lowered:
0x8: {  	[smem:$0x3FAA] =	sst s0  }
0x9: {  	[smem:$0x3FAB] =	sst s1  }
0xa: {  	[smem:$0x3FAC] =	sst s2  }
0xb: {  	[smem:$0x3FAD] =	sst s3  }
0xc: {  	[smem:$0x3FAE] =	sst s4  }
0xd: {  	[smem:$0x3FAF] =	sst s5  }
0xe: {  	[smem:$0x3FB0] =	sst s6  }
0xf: {  	[smem:$0x3FB1] =	sst s7  }
0x10: {  	[smem:$0x3FB2] =	sst s8  }
0x11: {  	[smem:$0x3FB3] =	sst s9;
	s0 =	simm.s32 @!p0 $0x0  }
0x12: {  	s1 =	sld [smem:$0x3F99];
	s0 =	simm.s32 @p0 $0x1  }
0x13: {  	[smem:$0x3FB4] =	sst s0;
	s0 =	simm.s32 @!p1 $0x0  }
0x14: {  	s2 =	sld [smem:$0x3F98];
	s0 =	simm.s32 @p1 $0x1  }
0x15: {  	[smem:$0x3FB5] =	sst s0;
	s0 =	simm.s32 @!p2 $0x0  }
0x16: {  	s3 =	sld [smem:$0x3FDB];
	s0 =	simm.s32 @p2 $0x1  }
0x17: {  	s4 =	simm.s32 $0x1BF5;
	[smem:$0x3FB7] =	sst s0  }
0x18: {  	s0 =	sld [smem:$0x3F9A];
	_ =	swait.ge [sflag:s4], $0x0  }
0x19: {  	s7 =	sld [smem:$0x3F9B]  }
0x1a: {  	s8 =	sadd.s32 $0xFFFFE003, lr  }
0x1b: {  	s9 =	sadd.s32 $0xFFFFFEF7, lr;
	s5 =	simm.s32 $0xFFFFFFFF;
	p2 =	slt.u32 s8, $0xFFFFF086  }
0x1c: {  	p1 =	slt.u32 s9, $0xF7A;
	s5 =	simm.s32 @!p2 $0x0  }
0x1d: {  	s5 =	simm.s32 @p1 $0x1;
	p0 =	seq.s32 s7, s2  }
0x1e: {  	s7 =	smul.u32 @!p0 $0xF7A, s2;
	p2 =	seq.s32 @!p0 s5, $0x0  }
0x1f: {  	s9 =	smul.u32 $0xF7A, s1;
	s8 =	simm.s32 @!p0 $0x1BF5;
	p2 =	por !p2, p0  }
0x20: {  	[sflag:s8] =	ssyncset.s32 @!p0 $0xFFFFF086;
	s6 =	sadd.s32 @!p0 s3, s7;
	s7 =	simm.s32 @!p0 $0x108  }
0x21: {  	s3 =	sadd.s32 s3, s9;
	s6 =	sadd.s32 @!p0 $0x88, s6;
	s7 =	simm.s32 @p2 $0x1082  }
0x22: {  	[simem:s7], [sflag:s8] =	dma.local @!p0 [hbm:s6], $0xF7A  }
0x23: {  	s9 =	sor.u32 $0xD0000000, s2;
	s6 =	simm.s32 $0x108;
	_ =	swait.ge @!p0 [sflag:s8], $0x0  }
0x24: {  	s3 =	sadd.s32 $0x88, s3;
	s6 =	simm.s32 @!p1 $0x1082;
	[sflag:s4] =	ssyncset.s32 $0xFFFFF086  }
0x25: {  	[simem:s6], [sflag:s4] =	dma.local [hbm:s3], $0xF7A  }
0x26: {  	[smem:$0x3F9B] =	sst s1;
	(tag) =	ssettag s2;
	_ =	strace s9  }
0x27: {  	s1 =	sld [smem:$0x3FAB]  }
0x28: {  	s2 =	sld [smem:$0x3FAC]  }
0x29: {  	s4 =	sld [smem:$0x3FAE]  }
0x2a: {  	p0 =	seq.s32 s5, $0x0;
	s5 =	sld [smem:$0x3FAF]  }
0x2b: {  	s6 =	sld [smem:$0x3FB0]  }
0x2c: {  	s7 =	sld [smem:$0x3FB1]  }
0x2d: {  	s3 =	simm.s32 $0x108;
	s8 =	sld [smem:$0x3FB2]  }
0x2e: {  	s3 =	simm.s32 @!p0 $0x1082;
	s9 =	sld [smem:$0x3FB3]  }
0x2f: {  	lr =	sadd.s32 s0, s3;
	s0 =	sld [smem:$0x3FAA]  }
0x30: {  	s3 =	sld [smem:$0x3FAD]  }
0x31: {  	[smem:$0x3FB6] =	sst s10  }
0x32: {  	s10 =	sld [smem:$0x3FB4];
	_ =	sdelay $0x3  }
0x33: {  	p0 =	seq.s32 s10, $0x1;
	s10 =	sld [smem:$0x3FB6];
	_ =	sdelay $0x3  }
0x34: {  	[smem:$0x3FB6] =	sst s10  }
0x35: {  	s10 =	sld [smem:$0x3FB5];
	_ =	sdelay $0x3  }
0x36: {  	p1 =	seq.s32 s10, $0x1;
	s10 =	sld [smem:$0x3FB6];
	_ =	sdelay $0x3  }
0x37: {  	[smem:$0x3FB6] =	sst s10  }
0x38: {  	s10 =	sld [smem:$0x3FB7]  }
0x39: {  	_ = 	snop;
	(pc) =	sbr.ind lr, $3  }
0x3a: {  	_ = 	snop  }
0x3b: {  	_ = 	snop  }
0x3c: {  	p2 =	seq.s32 s10, $0x1;
	s10 =	sld [smem:$0x3FB6]  }
0x3d: {  	_ =	shalt  }
0x3e: {  	_ =	shalt  }
0x3f: {  	_ =	shalt  }
0x40: {  	_ =	shalt  }
0x41: {  	_ =	shalt  }
0x42: {  	_ =	shalt  }
0x43: {  	_ =	shalt  }
0x44: {  	_ =	shalt  }
0x45: {  	_ =	shalt  }
0x46: {  	_ =	shalt  }
0x47: {  	_ =	shalt  }
0x48: {  	_ =	shalt  }
0x49: {  	_ =	shalt  }
0x4a: {  	_ =	shalt  }
0x4b: {  	_ =	shalt  }
0x4c: {  	_ =	shalt  }
0x4d: {  	_ =	shalt  }
0x4e: {  	_ =	shalt  }
0x4f: {  	_ =	shalt  }
0x50: {  	_ =	shalt  }
0x51: {  	_ =	shalt  }
0x52: {  	_ =	shalt  }
0x53: {  	_ =	shalt  }
0x54: {  	_ =	shalt  }
0x55: {  	_ =	shalt  }
0x56: {  	_ =	shalt  }
0x57: {  	_ =	shalt  }
0x58: {  	_ =	shalt  }
0x59: {  	_ =	shalt  }
0x5a: {  	_ =	shalt  }
0x5b: {  	_ =	shalt  }
0x5c: {  	_ =	shalt  }
0x5d: {  	_ =	shalt  }
0x5e: {  	_ =	shalt  }
0x5f: {  	_ =	shalt  }
0x60: {  	_ =	shalt  }
0x61: {  	_ =	shalt  }
0x62: {  	_ =	shalt  }
0x63: {  	_ =	shalt  }
0x64: {  	_ =	shalt  }
0x65: {  	_ =	shalt  }
0x66: {  	_ =	shalt  }
0x67: {  	_ =	shalt  }
0x68: {  	_ =	shalt  }
0x69: {  	_ =	shalt  }
0x6a: {  	_ =	shalt  }
0x6b: {  	_ =	shalt  }
0x6c: {  	_ =	shalt  }
0x6d: {  	_ =	shalt  }
0x6e: {  	_ =	shalt  }
0x6f: {  	_ =	shalt  }
0x70: {  	_ =	shalt  }
0x71: {  	_ =	shalt  }
0x72: {  	_ =	shalt  }
0x73: {  	_ =	shalt  }
0x74: {  	_ =	shalt  }
0x75: {  	_ =	shalt  }
0x76: {  	_ =	shalt  }
0x77: {  	_ =	shalt  }
0x78: {  	_ =	shalt  }
0x79: {  	_ =	shalt  }
0x7a: {  	_ =	shalt  }
0x7b: {  	_ =	shalt  }
0x7c: {  	_ =	shalt  }
0x7d: {  	_ =	shalt  }
0x7e: {  	_ =	shalt  }
0x7f: {  	_ =	shalt  }
0x80: {  	_ =	shalt  }
0x81: {  	_ =	shalt  }
0x82: {  	_ =	shalt  }
0x83: {  	_ =	shalt  }
0x84: {  	_ =	shalt  }
0x85: {  	_ =	shalt  }
0x86: {  	_ =	shalt  }
0x87: {  	_ =	shalt  }
.Lfunc_end0:
.L_simem_size_0:
called_computation_lowered:
.L_overlay_start_0:
0x88: {  	s2 =	sld [smem:$0x3FD9]  }
0x89: {  	s3 =	sld [smem:$0x3FFE];
	_ =	sdelay $0x1  }
0x8a: {  	s1 =	srdreg.scid  }
0x8b: {  	s0 =	sand.u32 $0x1, s1  }
0x8c: {  	s17 =	sshll.u32 s0, $0xA;
	s2 =	sadd.s32 s3, s2  }
0x8d: {  	s2 =	sadd.s32 s2, s17  }
0x8e: {  	[smem:$0x3FC2] =	sst s2  }
0x8f: {  	_ = 	snop  }
0x90: {  	s2 =	sld [smem:$0x3FD0];
	(tm) =	ssettm $0x1  }
0x91: {  	s18 =	sld [smem:$0x3FFB];
	_ =	sdelay $0x3  }
0x92: {  	_ =	strace s18  }
0x93: {  	s3 =	sld [smem:$0x3FFC];
	_ =	sdelay $0x3  }
0x94: {  	_ =	strace s3  }
0x95: {  	s3 =	sld [smem:$0x3FFD];
	_ =	sdelay $0x3  }
0x96: {  	_ =	strace s3  }
0x97: {  	_ =	strace $0x8FFFFFFF  }
0x98: {  	s19 =	sld [smem:$0x3FDB];
	_ =	sdelay $0x1  }
0x99: {  	s4 =	simm.s32 $_scs_section_size  }
0x9a: {  	s5 =	simm.s32 $_size__tile_overlayer_lowered;
	s6 =	simm.s32 $_tile_overlayer_lowered  }
0x9b: {  	s22 =	simm.s32 $0x1BFF;
	s21 =	sshll.u32 s6, $0x1;
	s3 =	sadd.s32 s4, s19  }
0x9c: {  	s7 =	simm.s32 $0x0;
	s20 =	sshll.u32 s5, $0x1;
	s5 =	sadd.s32 s21, s3  }
0x9d: {  	[timem:s7], [sflag:s22] =	dma.local [hbm:s5], s20  }
0x9e: {  	_ =	swait.ge [sflag:s22], s20  }
0x9f: {  	s4 =	ssub.s32 $0x0, s20;
	[sflag:s22] =	ssyncset.done $0x0  }
0xa0: {  	[sflag:s22] =	ssyncadd.s32 s4;
	_ =	sdelay $0x1  }
0xa1: {  	s23 =	simm.s32 $0x1B8B  }
0xa2: {  	_ =	swait.ge [sflag:s23], $0x1  }
0xa3: {  	[sflag:s23] =	ssyncset.done $0x0  }
0xa4: {  	s25 =	simm.s32 $0x1B8E;
	s24 =	sld [smem:$0x3FFE];
	[sflag:s23] =	ssyncadd.s32 $0xFFFFFFFF  }
0xa5: {  	s26 =	simm.s32 $execute0_lowered;
	[smem:$0x3FD2] =	sst s25  }
0xa6: {  	s5 =	sshll.u32 s26, $0x1;
	_ =	strace $0x80000046;
	[dreg:$0x1] =	wrdreg $0xFFFFFFFF  }
0xa7: {  	s28 =	simm.s32 $_size_execute0_lowered;
	s3 =	sadd.s32 s3, s5;
	[dreg:$0x0] =	wrdreg $0x0  }
0xa8: {  	s5 =	sshll.u32 s28, $0x1;
	[dreg:$0x2] =	wrdreg s3  }
0xa9: {  	[dreg:$0x3] =	wrdreg s5  }
0xaa: {  	[dreg:$0x4] =	wrdreg $0xC0  }
0xab: {  	_ =	task [dreg:s7], $0x5FFFF  }
0xac: {  	[dreg:$0x1] =	wrdreg $0xFFFFFFFF  }
0xad: {  	[dreg:$0x0] =	wrdreg $0x60  }
0xae: {  	[dreg:$0x2] =	wrdreg s2  }
0xaf: {  	[dreg:$0x3] =	wrdreg s24  }
0xb0: {  	[dreg:$0x4] =	wrdreg $0x2B000  }
0xb1: {  	[dreg:$0x5] =	wrdreg $0x9  }
0xb2: {  	_ =	task.clear_ibuf [dreg:s7], $0x6FFFF;
	_ =	strace $0x90000046  }
0xb3: {  	s29 =	simm.s32 $0x9;
	_ =	strace $0x80000048  }
0xb4: {  	_ =	swait.ge [sflag:s29], $0x1  }
0xb5: {  	[sflag:s29] =	ssyncadd.s32 $0xFFFFFFFF  }
0xb6: {  	_ =	strace $0x90000048  }
0xb7: {  	_ =	sfence  }
0xb8: {  	s30 =	sld [smem:$0x0];
	_ =	sdelay $0x2  }
0xb9: {  	s31 =	sshll.u32 s1, $0xD;
	s1 =	sshrl.u32 s1, $0x2  }
0xba: {  	s3 =	sand.u32 $0x4000, s31;
	s1 =	sadd.s32 s1, s30  }
0xbb: {  	s0 =	sor.u32 s3, s0;
	s1 =	sshll.u32 s1, $0x11  }
0xbc: {  	s0 =	sor.u32 s1, s0  }
0xbd: {  	s0 =	sadd.s32 $0x8F2B, s0  }
0xbe: {  	[sflag:s0] =	ssyncadd.remote.s32 $0x1  }
0xbf: {  	_ =	sfence.sel $0xFFFF  }
0xc0: {  	[dreg:$0x0] =	wrdreg $0xFFFFFFFF;
	(pc) =	sbr.abs _section_cstart, $3  }
0xc1: {  	[dreg:$0x1] =	wrdreg $0xFFFFFFFF  }
0xc2: {  	_ =	task.clear_ibuf [dreg:s7], $0x2FFFF;
	_ =	strace $0x9FFFFFFF  }
0xc3: {  	(tm) =	ssettm $0x7FFFFFFF  }
tec
execute0_lowered:
.L_overlay_start_1:
0x0: {  	(tag) =	ssettag $0x1  }
0x1: {  	s5 =	rddreg [dreg:$0x0]  }
0x2: {  	s4 =	rddreg [dreg:$0x1];
	s1 =	srdreg.scid  }
0x3: {  	s0 =	stileid.u32;
	s2 =	rddreg [dreg:$0x2];
	s3 =	simm.s32 $0x0  }
0x4: {  	s11 =	simm.s32 $0x2800;
	s6 =	sand.u32 $0x1, s1;
	s1 =	rddreg [dreg:$0x3]  }
0x5: {  	s14 =	simm.s32 $0x0;
	s7 =	smul.u32 $0x280, s0;
	[smem:$0x7FF] =	sst s3  }
0x6: {  	s9 =	sshll.u32 s0, $0x1;
	s12 =	sshll.u32 s0, $0x6;
	s8 =	smul.u32 $0x2800, s6  }
0x7: {  	s10 =	ssub.s32 $0x2, s6;
	s6 =	sor.u32 s6, s9;
	_ =	strace $0x80000047  }
0x8: {  	s31 =	sshrl.u32 s10, $0x1;
	s6 =	smul.u32 $0x500, s6;
	s8 =	sadd.s32 s7, s8  }
0x9: {  	s12 =	sor.u32 $0x1C01, s12;
	s9 =	ssub.s32 s10, s31;
	s8 =	sshrl.u32 s8, $0x3  }
0xa: {  	s10 =	simm.s32 $0x80;
	s5 =	sadd.s32 s5, s6;
	s8 =	sadd.s32 s8, s4  }
0xb: {  	s4 =	sadd.s32 s7, s2;
	s7 =	smax.u32 s9, $0x1;
	s9 =	simm.s32 $0x1  }
0xc: {  	v0 =	vimm.f32 $1.000000000e+00;
	v1 =	vimm.f32 $0.0e+00;
	s6 =	sadd.s32 $0xB800, s8;
	s8 =	simm.s32 $0x2880;
	s13 =	sshrl.u32 s4, $0x3  }
.LBB2_1:
0xd: {  	[tilespmem:$0x2800] =	vst v0  }
0xe: {  	[tilespmem:$0x2810] =	vst v0  }
0xf: {  	[tilespmem:$0x2820] =	vst v0  }
0x10: {  	[tilespmem:$0x2830] =	vst v0  }
0x11: {  	[tilespmem:$0x2840] =	vst v0  }
0x12: {  	[tilespmem:$0x2850] =	vst v0  }
0x13: {  	[tilespmem:$0x2860] =	vst v0  }
0x14: {  	[tilespmem:$0x2870] =	vst v0  }
0x15: {  	[tilespmem:$0x2880] =	vst v1  }
0x16: {  	[tilespmem:$0x2890] =	vst v1  }
0x17: {  	[tilespmem:$0x28A0] =	vst v1  }
0x18: {  	[tilespmem:$0x28B0] =	vst v1  }
0x19: {  	[tilespmem:$0x28C0] =	vst v1  }
0x1a: {  	[tilespmem:$0x28D0] =	vst v1  }
0x1b: {  	[tilespmem:$0x28E0] =	vst v1  }
0x1c: {  	[tilespmem:$0x28F0] =	vst v1  }
0x1d: {  	[tilespmem:$0x2900] =	vst v1  }
0x1e: {  	[tilespmem:$0x2910] =	vst v1  }
0x1f: {  	[tilespmem:$0x2920] =	vst v1  }
0x20: {  	[tilespmem:$0x2930] =	vst v1  }
0x21: {  	[tilespmem:$0x2940] =	vst v1  }
0x22: {  	[tilespmem:$0x2950] =	vst v1  }
0x23: {  	[tilespmem:$0x2960] =	vst v1  }
0x24: {  	[tilespmem:$0x2970] =	vst v1  }
0x25: {  	[tilespmem:$0x2980] =	vst v1  }
0x26: {  	[tilespmem:$0x2990] =	vst v1  }
0x27: {  	[tilespmem:$0x29A0] =	vst v1  }
0x28: {  	[tilespmem:$0x29B0] =	vst v1  }
0x29: {  	[tilespmem:$0x29C0] =	vst v1  }
0x2a: {  	[tilespmem:$0x29D0] =	vst v1  }
0x2b: {  	[tilespmem:$0x29E0] =	vst v1  }
0x2c: {  	[tilespmem:$0x29F0] =	vst v1  }
0x2d: {  	[tilespmem:$0x2A00] =	vst v1  }
0x2e: {  	[tilespmem:$0x2A10] =	vst v1  }
0x2f: {  	[tilespmem:$0x2A20] =	vst v1  }
0x30: {  	[tilespmem:$0x2A30] =	vst v1  }
0x31: {  	[tilespmem:$0x2A40] =	vst v1  }
0x32: {  	[tilespmem:$0x2A50] =	vst v1  }
0x33: {  	[tilespmem:$0x2A60] =	vst v1  }
0x34: {  	[tilespmem:$0x2A70] =	vst v1  }
0x35: {  	[tilespmem:$0x2A80] =	vst v1  }
0x36: {  	[tilespmem:$0x2A90] =	vst v1  }
0x37: {  	[tilespmem:$0x2AA0] =	vst v1  }
0x38: {  	[tilespmem:$0x2AB0] =	vst v1  }
0x39: {  	[tilespmem:$0x2AC0] =	vst v1  }
0x3a: {  	[tilespmem:$0x2AD0] =	vst v1  }
0x3b: {  	[tilespmem:$0x2AE0] =	vst v1  }
0x3c: {  	[tilespmem:$0x2AF0] =	vst v1  }
0x3d: {  	[spmem:s4] =	stream.linear.scatter [tilespmem:s8], [sflag:$0x1], $0x280, $0x38;
	[tilespmem:$0x2D80] =	vst v63  }
0x3e: {  	_ =	swait.ge [sflag:s9], $0x280  }
0x3f: {  	[sflag:s9] =	ssyncset.done $0x0  }
0x40: {  	[sflag:s9] =	ssyncadd.s32 $0xFFFFFD80  }
0x41: {  	[tilespmem:s3], [sflag:$0x1] =	stream.linear.gather [hbm4b:s5+s3], $0x2780, $0x38;
	[tilespmem:$0x2D80] =	vst v63  }
0x42: {  	_ =	swait.ge [sflag:s9], $0x2780  }
0x43: {  	[sflag:s9] =	ssyncset.done $0x0  }
0x44: {  	[sflag:s9] =	ssyncadd.s32 $0xFFFFD880  }
0x45: {  	s15 =	simm.s32 $0x0;
	[bflag:$0x0] =	sbarrier.arrive $0xFFFF  }
0x46: {  	[spmem:s2] =	stream.indirect.scatter.add.f32 [tilespmem:s11], [sflag:$0x1], $0x1, s15, s10, $0xb8;
	[tilespmem:$0x2D80] =	vst v63  }
0x47: {  	_ =	swait.ge [sflag:s9], $0x80  }
0x48: {  	s15 =	simm.s32 $0x200;
	[sflag:s9] =	ssyncset.done $0x0  }
.LBB2_2:
0x49: {  	s16 =	sshra.s32 s15, $0x2;
	[sflag:s9] =	ssyncadd.s32 $0xFFFFFF80;
	p0 =	sne.s32 s15, $0x9C00  }
0x4a: {  	[spmem:s2] =	stream.indirect.scatter.add.f32 [tilespmem:s11], [sflag:$0x1], $0x1, s16, s10, $0xb8;
	[tilespmem:$0x2D80] =	vst v63  }
.Ltmp0:
0x4b: {  	_ = 	snop;
	(pc) =	sbr.rel @p0 .LBB2_2-.Ltmp0, $4  }
0x4c: {  	_ = 	snop  }
0x4d: {  	s15 =	sadd.s32 $0x200, s15  }
0x4e: {  	_ =	swait.ge [sflag:s9], $0x80  }
0x4f: {  	[sflag:s9] =	ssyncset.done $0x0  }
0x50: {  	s14 =	sadd.s32 $0x1, s14  }
0x51: {  	[sflag:s9] =	ssyncadd.s32 $0xFFFFFF80;
	p0 =	sne.s32 s14, s7  }
.Ltmp1:
0x52: {  	[bflag:$0x0] =	sbarrier.arrive $0xFFFF;
	(pc) =	sbr.rel @p0 .LBB2_1-.Ltmp1, $4  }
0x53: {  	[hbm:s6], [sflag:s12] =	dma.local [spmem:s13], $0x50  }
0x54: {  	_ =	swait.ge [sflag:s9], $0x50  }
0x55: {  	[sflag:s9] =	ssyncset.done $0x0  }
0x56: {  	[sflag:s9] =	ssyncadd.s32 $0xFFFFFFB0  }
0x57: {  	_ =	sfence.sel $0x180000  }
0x58: {  	[bflag:$0x0] =	sbarrier.arrive $0xFFFF  }
0x59: {  	p0 =	sne.s32 s0, $0x0;
	_ =	strace $0x90000047  }
0x5a: {  	s0 =	sadd.s32 @!p0 $0x100000, s1;
	[bflag:$0x2] =	sbarrier.arrive $0xFFFF  }
0x5b: {  	[sflag:s0] =	ssyncadd.tile.s32 @!p0 $0x1;
	_ =	shalt  }
.Lfunc_end2:
_tile_overlayer_lowered:
.L_overlay_start_2:
0x5c: {  	(tag) =	ssettag $0x2  }
0x5d: {  	s0 =	rddreg [dreg:$0x0];
	s2 =	stileid.u32  }
0x5e: {  	s1 =	rddreg [dreg:$0x1];
	p0 =	sne.s32 s2, $0x0  }
0x5f: {  	s3 =	rddreg [dreg:$0x2];
	[bflag:$0x3] =	sbarrier.arrive $0xFFFF;
	s2 =	simm.s32 @!p0 $0x1C01  }
0x60: {  	[timem:s3], [sflag:s2] =	dma.local @!p0 [hbm:s0], s1  }
0x61: {  	s0 =	simm.s32 @!p0 $0x1  }
0x62: {  	_ =	swait.ge @!p0 [sflag:s0], s1  }
0x63: {  	s1 =	ssub.s32 @!p0 $0x0, s1;
	[sflag:s0] =	ssyncset.done @!p0 $0x0  }
0x64: {  	[sflag:s0] =	ssyncadd.s32 @!p0 s1  }
0x65: {  	[bflag:$0x3] =	sbarrier.arrive $0xFFFF  }
0x66: {  	_ =	shalt  }

</sc_bundles>
